<compile_context>
chip_gen: v7x
topology: tpu7x:2x2x1
jax: 0.10.2.dev20260603
libtpu: 0.0.44.dev20260713+nightly
codegen_flags: <defaults>
</compile_context>

<pallas_src>
import functools

import jax
import jax.numpy as jnp
from jax import lax
from jax.experimental import pallas as pl
from jax.experimental.pallas import tpu as pltpu
from jax.experimental.pallas import tpu_sc as plsc

N = 4096
E = 16384
F_IN = 11
DIM = 64
EDGE_DIM = 6
B = 256
OUT_CLASSES = 12

NW = 32
EPW = E // NW
CHUNK = 128
NCH = EPW // CHUNK
PADW = 128
RPW = N // 16


def _sigmoid(v):
    return 1.0 / (1.0 + jnp.exp(-v))



def _prologue_body(x_ref, eat_ref, w0_ref, b0_ref, we1t_ref, be1_ref,
                   out_ref, eht_ref):
    out_ref[:, 0:DIM] = jax.nn.relu(
        jnp.dot(x_ref[...], w0_ref[...], preferred_element_type=jnp.float32)
        + b0_ref[...])
    out_ref[:, DIM:PADW] = jnp.zeros((N, PADW - DIM), jnp.float32)
    eht = jax.nn.relu(
        jnp.dot(we1t_ref[...], eat_ref[...], preferred_element_type=jnp.float32)
        + be1_ref[...])
    eht_ref[...] = eht.astype(jnp.bfloat16)


MBLK = 1024
NCK = 8
ICK = DIM // NCK


def _msg_body(eht_ref, sf_ref, we2t_ref, be2_ref, out_ref, *c_refs):
    sf = sf_ref[:, 0:DIM]
    sft = sf.T.astype(jnp.bfloat16)
    eht = eht_ref[...]
    acct = jnp.zeros((DIM, MBLK), jnp.float32)
    for c in range(NCK):
        cr = c_refs[c]
        for k in range(ICK):
            i = c * ICK + k
            cr[k * 128:(k + 1) * 128, :] = eht * sft[i:i + 1, :]
        acct = acct + jnp.dot(
            we2t_ref[:, c * ICK * 128:(c + 1) * ICK * 128], cr[...],
            preferred_element_type=jnp.float32)
    acc = acct.T + jnp.dot(sf, be2_ref[...], preferred_element_type=jnp.float32)
    out_ref[:, 0:DIM] = acc
    out_ref[:, DIM:PADW] = jnp.ones((MBLK, PADW - DIM), jnp.float32)


def _gru_body(out_ref, ag_ref, wroot_ref, bconv_ref, wi_ref, wh_ref,
              bi_ref, bh_ref, new_ref):
    h = out_ref[:, 0:DIM]
    ag = ag_ref[0] + ag_ref[1]
    deg = jnp.maximum(ag[:, DIM:DIM + 1], 1.0)
    aggr = ag[:, 0:DIM] / deg
    m = jax.nn.relu(
        jnp.dot(h, wroot_ref[...], preferred_element_type=jnp.float32)
        + aggr + bconv_ref[...])
    gi = jnp.dot(m, wi_ref[...], preferred_element_type=jnp.float32) + bi_ref[...]
    gh = jnp.dot(h, wh_ref[...], preferred_element_type=jnp.float32) + bh_ref[...]
    r = _sigmoid(gi[:, 0:DIM] + gh[:, 0:DIM])
    z = _sigmoid(gi[:, DIM:2 * DIM] + gh[:, DIM:2 * DIM])
    n = jnp.tanh(gi[:, 2 * DIM:3 * DIM] + r * gh[:, 2 * DIM:3 * DIM])
    new_ref[:, 0:DIM] = (1.0 - z) * n + z * h
    new_ref[:, DIM:PADW] = jnp.zeros((N, PADW - DIM), jnp.float32)


def _s2s_body(out_ref, bcol_ref, brow_ref, wi_ref, wh_ref, bi_ref, bh_ref,
              w1_ref, b1_ref, w2_ref, b2_ref, o_ref):
    xo = out_ref[:, 0:DIM]
    bcol = bcol_ref[...]
    gid = lax.broadcasted_iota(jnp.int32, (N, B), 1)
    ohb = (gid == bcol).astype(jnp.float32)
    gid_t = lax.broadcasted_iota(jnp.int32, (B, N), 0)
    brow = brow_ref[0:1, :]
    ohb_t = (gid_t == brow).astype(jnp.float32)

    q_star = jnp.zeros((B, 2 * DIM), jnp.float32)
    hs = jnp.zeros((B, DIM), jnp.float32)
    cs = jnp.zeros((B, DIM), jnp.float32)
    for _ in range(3):
        gates = (jnp.dot(q_star, wi_ref[...], preferred_element_type=jnp.float32)
                 + bi_ref[...]
                 + jnp.dot(hs, wh_ref[...], preferred_element_type=jnp.float32)
                 + bh_ref[...])
        ig = _sigmoid(gates[:, 0:DIM])
        fg = _sigmoid(gates[:, DIM:2 * DIM])
        gg = jnp.tanh(gates[:, 2 * DIM:3 * DIM])
        og = _sigmoid(gates[:, 3 * DIM:4 * DIM])
        cs = fg * cs + ig * gg
        hs = og * jnp.tanh(cs)
        q_per = jnp.dot(ohb, hs, preferred_element_type=jnp.float32)
        e = jnp.sum(xo * q_per, axis=1, keepdims=True)
        masked = jnp.where(ohb > 0.5, e, -1e38)
        seg_max = jnp.max(masked, axis=0, keepdims=True)
        seg_max = jnp.where(seg_max < -1e30, 0.0, seg_max)
        gmax = jnp.sum(ohb * seg_max, axis=1, keepdims=True)
        exp_e = jnp.exp(e - gmax)
        denom = jnp.sum(ohb * exp_e, axis=0, keepdims=True)
        gden = jnp.sum(ohb * denom, axis=1, keepdims=True)
        a = exp_e / gden
        r_read = jnp.dot(ohb_t, a * xo, preferred_element_type=jnp.float32)
        q_star = jnp.concatenate([hs, r_read], axis=1)
    hid = jax.nn.relu(
        jnp.dot(q_star, w1_ref[...], preferred_element_type=jnp.float32)
        + b1_ref[...])
    o_ref[...] = (jnp.dot(hid, w2_ref[...], preferred_element_type=jnp.float32)
                  + b2_ref[...])



@functools.lru_cache(maxsize=None)
def _sc_kernels(ne):
    mesh = plsc.VectorSubcoreMesh(core_axis_name="c", subcore_axis_name="s")
    epw = ne // NW
    nch = epw // CHUNK

    @functools.partial(
        pl.kernel, mesh=mesh,
        out_type=jax.ShapeDtypeStruct((ne, PADW), jnp.float32),
        scratch_types=[
            pltpu.VMEM((nch, CHUNK), jnp.int32),
            pltpu.VMEM((epw, PADW), jnp.float32),
            pltpu.SemaphoreType.DMA,
        ])
    def sc_gather(table_hbm, idx_hbm, out_hbm, idx_v, rows_v, sem):
        wid = lax.axis_index("s") * 2 + lax.axis_index("c")
        base = wid * epw
        pltpu.sync_copy(idx_hbm.at[wid], idx_v)
        cps = [pltpu.async_copy(table_hbm.at[idx_v.at[j]],
                                rows_v.at[pl.ds(j * CHUNK, CHUNK)], sem)
               for j in range(nch)]
        for cp in cps:
            cp.wait()
        pltpu.sync_copy(rows_v, out_hbm.at[pl.ds(base, epw)])

    @functools.partial(
        pl.kernel, mesh=mesh,
        out_type=jax.ShapeDtypeStruct((2, N, PADW), jnp.float32),
        scratch_types=[
            pltpu.VMEM((nch, CHUNK), jnp.int32),
            pltpu.VMEM((epw, PADW), jnp.float32),
            pltpu.VMEM_SHARED((N, PADW), jnp.float32),
            pltpu.SemaphoreType.DMA,
        ])
    def sc_scatter(msg_hbm, idx_hbm, zeros_hbm, out_hbm,
                   idx_v, rows_v, shared, sem):
        cid = lax.axis_index("c")
        sid = lax.axis_index("s")
        wid = sid * 2 + cid
        base = wid * epw
        pltpu.sync_copy(zeros_hbm.at[pl.ds(sid * RPW, RPW)],
                        shared.at[pl.ds(sid * RPW, RPW)])
        pltpu.sync_copy(idx_hbm.at[wid], idx_v)
        pltpu.sync_copy(msg_hbm.at[pl.ds(base, epw)], rows_v)
        plsc.subcore_barrier()
        for j in range(nch):
            pltpu.sync_copy(rows_v.at[pl.ds(j * CHUNK, CHUNK)],
                            shared.at[idx_v.at[j]], add=True)
        plsc.subcore_barrier()
        pltpu.sync_copy(shared.at[pl.ds(sid * RPW, RPW)],
                        out_hbm.at[cid, pl.ds(sid * RPW, RPW)])

    return sc_gather, sc_scatter



_prologue = pl.pallas_call(
    _prologue_body,
    out_shape=(jax.ShapeDtypeStruct((N, PADW), jnp.float32),
               jax.ShapeDtypeStruct((2 * DIM, E), jnp.bfloat16)))

@functools.lru_cache(maxsize=None)
def _msg_call(ne, off):
    ob = off // MBLK
    return pl.pallas_call(
        _msg_body,
        grid=(ne // MBLK,),
        in_specs=[
            pl.BlockSpec((2 * DIM, MBLK), lambda i: (0, i + ob)),
            pl.BlockSpec((MBLK, PADW), lambda i: (i, 0)),
            pl.BlockSpec((DIM, DIM * 2 * DIM), lambda i: (0, 0)),
            pl.BlockSpec((DIM, DIM), lambda i: (0, 0)),
        ],
        out_specs=pl.BlockSpec((MBLK, PADW), lambda i: (i, 0)),
        out_shape=jax.ShapeDtypeStruct((ne, PADW), jnp.float32),
        scratch_shapes=[pltpu.VMEM((ICK * 2 * DIM, MBLK), jnp.bfloat16)
                        for _ in range(NCK)])

_gru = pl.pallas_call(
    _gru_body,
    out_shape=jax.ShapeDtypeStruct((N, PADW), jnp.float32))

_s2s = pl.pallas_call(
    _s2s_body,
    out_shape=jax.ShapeDtypeStruct((B, OUT_CLASSES), jnp.float32))


def kernel(x, edge_index, edge_attr, batch, W0, b0, We1, be1, We2, be2,
           Wroot, bconv, gru_Wi, gru_Wh, gru_bi, gru_bh,
           lstm_Wi, lstm_Wh, lstm_bi, lstm_bh, W1, b1, W2, b2):
    src = edge_index[0].reshape(NW, NCH, CHUNK)
    dst = edge_index[1].reshape(NW, NCH, CHUNK)
    zeros = jnp.zeros((N, PADW), jnp.float32)
    we2b = (We2.reshape(2 * DIM, DIM, DIM).transpose(2, 1, 0)
            .reshape(DIM, DIM * 2 * DIM).astype(jnp.bfloat16))
    be2r = be2.reshape(DIM, DIM)

    sc_gather, sc_scatter = _sc_kernels(E)
    msg = _msg_call(E, 0)
    out, eht = _prologue(x, edge_attr.T, W0, b0.reshape(1, DIM),
                         We1.T, be1.reshape(2 * DIM, 1))
    for _ in range(3):
        sf = sc_gather(out, src)
        msgv = msg(eht, sf, we2b, be2r)
        agp = sc_scatter(msgv, dst, zeros)
        out = _gru(out, agp, Wroot, bconv.reshape(1, DIM),
                   gru_Wi, gru_Wh, gru_bi.reshape(1, 3 * DIM),
                   gru_bh.reshape(1, 3 * DIM))
    bcol = batch.reshape(N, 1)
    brow = jnp.broadcast_to(batch[None, :], (8, N))
    return _s2s(out, bcol, brow, lstm_Wi, lstm_Wh,
                lstm_bi.reshape(1, 4 * DIM), lstm_bh.reshape(1, 4 * DIM),
                W1, b1.reshape(1, DIM), W2, b2.reshape(1, OUT_CLASSES))

# --- scband reference (transcript-rebuilt; emitter-appended) ---
"""Pipeline reference for scband-net-15418932593453 (READ-ONLY COPY).

The authoritative reference and input builder live on the scoring server;
editing this copy changes nothing except your own understanding.
"""

import jax, jax.numpy as jnp
import numpy as np

N = 4096
E = 16384
F_IN = 11
DIM = 64
EDGE_DIM = 6
B = 256
OUT_CLASSES = 12


def _glorot(key, shape):
    fan_in = shape[0]
    return jax.random.normal(key, shape, dtype=jnp.float32) / np.sqrt(fan_in)


def setup_inputs(seed: int = 0):
    key = jax.random.key(seed)
    ks = jax.random.split(key, 16)
    inp = {}
    inp["x"] = jax.random.normal(ks[0], (N, F_IN), dtype=jnp.float32)
    inp["edge_index"] = jax.random.randint(ks[1], (2, E), 0, N, dtype=jnp.int32)
    inp["edge_attr"] = jax.random.uniform(ks[2], (E, EDGE_DIM), dtype=jnp.float32)
    inp["batch"] = jnp.sort(jax.random.randint(ks[3], (N,), 0, B, dtype=jnp.int32))
    inp["W0"] = _glorot(ks[4], (F_IN, DIM))
    inp["b0"] = jnp.zeros((DIM,), jnp.float32)
    inp["We1"] = _glorot(ks[5], (EDGE_DIM, 128))
    inp["be1"] = jnp.zeros((128,), jnp.float32)
    inp["We2"] = _glorot(ks[6], (128, DIM * DIM))
    inp["be2"] = jnp.zeros((DIM * DIM,), jnp.float32)
    inp["Wroot"] = _glorot(ks[7], (DIM, DIM))
    inp["bconv"] = jnp.zeros((DIM,), jnp.float32)
    inp["gru_Wi"] = _glorot(ks[8], (DIM, 3 * DIM))
    inp["gru_Wh"] = _glorot(ks[9], (DIM, 3 * DIM))
    inp["gru_bi"] = jnp.zeros((3 * DIM,), jnp.float32)
    inp["gru_bh"] = jnp.zeros((3 * DIM,), jnp.float32)
    inp["lstm_Wi"] = _glorot(ks[10], (2 * DIM, 4 * DIM))
    inp["lstm_Wh"] = _glorot(ks[11], (DIM, 4 * DIM))
    inp["lstm_bi"] = jnp.zeros((4 * DIM,), jnp.float32)
    inp["lstm_bh"] = jnp.zeros((4 * DIM,), jnp.float32)
    inp["W1"] = _glorot(ks[12], (2 * DIM, DIM))
    inp["b1"] = jnp.zeros((DIM,), jnp.float32)
    inp["W2"] = _glorot(ks[13], (DIM, OUT_CLASSES))
    inp["b2"] = jnp.zeros((OUT_CLASSES,), jnp.float32)
    return inp


def _forward(x, edge_attr, W0, b0, We1, be1, We2, be2, Wroot, bconv,
             gru_Wi, gru_Wh, gru_bi, gru_bh, lstm_Wi, lstm_Wh, lstm_bi, lstm_bh,
             W1, b1, W2, b2, edge_index, batch):
    src = edge_index[0]
    dst = edge_index[1]
    # lin0 + relu
    out = jax.nn.relu(x @ W0 + b0)
    h = out  # GRU hidden state (layer dim squeezed)
    # NNConv edge network: Linear(6,128) -> ReLU -> Linear(128, 64*64)
    edge_hidden = jax.nn.relu(edge_attr @ We1 + be1)
    Wedge = (edge_hidden @ We2 + be2).reshape(E, DIM, DIM)
    deg = jax.ops.segment_sum(jnp.ones((E,), jnp.float32), dst, num_segments=N)
    deg = jnp.maximum(deg, 1.0)
    for _ in range(3):
        # NNConv message: x_src @ W_e, mean-aggregated at dst, plus root weight + bias
        msg = jnp.einsum('ei,eio->eo', out[src], Wedge)
        aggr = jax.ops.segment_sum(msg, dst, num_segments=N) / deg[:, None]
        m = jax.nn.relu(out @ Wroot + aggr + bconv)
        # single-step GRU (PyTorch gate order r, z, n)
        gi = m @ gru_Wi + gru_bi
        gh = h @ gru_Wh + gru_bh
        i_r, i_z, i_n = jnp.split(gi, 3, axis=1)
        h_r, h_z, h_n = jnp.split(gh, 3, axis=1)
        r = jax.nn.sigmoid(i_r + h_r)
        z = jax.nn.sigmoid(i_z + h_z)
        n = jnp.tanh(i_n + r * h_n)
        h = (1.0 - z) * n + z * h
        out = h
    # Set2Set with processing_steps=3 (LSTM input 2*DIM, hidden DIM; PyTorch gate order i,f,g,o)
    q_star = jnp.zeros((B, 2 * DIM), jnp.float32)
    hs = jnp.zeros((B, DIM), jnp.float32)
    cs = jnp.zeros((B, DIM), jnp.float32)
    for _ in range(3):
        gates = q_star @ lstm_Wi + lstm_bi + hs @ lstm_Wh + lstm_bh
        g_i, g_f, g_g, g_o = jnp.split(gates, 4, axis=1)
        ig = jax.nn.sigmoid(g_i)
        fg = jax.nn.sigmoid(g_f)
        gg = jnp.tanh(g_g)
        og = jax.nn.sigmoid(g_o)
        cs = fg * cs + ig * gg
        hs = og * jnp.tanh(cs)
        q = hs
        e = jnp.sum(out * q[batch], axis=-1)
        seg_max = jax.ops.segment_max(e, batch, num_segments=B)
        seg_max = jnp.where(jnp.isfinite(seg_max), seg_max, 0.0)
        exp_e = jnp.exp(e - jax.lax.stop_gradient(seg_max)[batch])
        denom = jax.ops.segment_sum(exp_e, batch, num_segments=B)
        a = exp_e / denom[batch]
        r_read = jax.ops.segment_sum(a[:, None] * out, batch, num_segments=B)
        q_star = jnp.concatenate([q, r_read], axis=1)
    hidden = jax.nn.relu(q_star @ W1 + b1)
    return hidden @ W2 + b2


def reference(x, edge_index, edge_attr, batch, W0, b0, We1, be1, We2, be2, Wroot, bconv,
              gru_Wi, gru_Wh, gru_bi, gru_bh, lstm_Wi, lstm_Wh, lstm_bi, lstm_bh,
              W1, b1, W2, b2):
    return _forward(x, edge_attr, W0, b0, We1, be1, We2, be2, Wroot, bconv,
                    gru_Wi, gru_Wh, gru_bi, gru_bh, lstm_Wi, lstm_Wh, lstm_bi, lstm_bh,
                    W1, b1, W2, b2, edge_index, batch)

if __name__ == "__main__":
    import jax
    _d = setup_inputs()
    print(jax.jit(kernel)(*tuple(_d.values())))

</pallas_src>

<mosaic_0001>
#map = affine_map<(d0, d1) -> (0, 0)>
#map1 = affine_map<(d0, d1) -> (0, 0, 0)>
module attributes {stable_mosaic.version = 14 : i64} {
  func.func @sc_gather(%arg0: i32, %arg1: i32, %arg2: memref<4096x128xf32, #tpu.memory_space<hbm>>, %arg3: memref<32x4x128xi32, #tpu.memory_space<hbm>>, %arg4: memref<16384x128xf32, #tpu.memory_space<hbm>>, %arg5: memref<4x128xi32, #tpu.memory_space<vmem>>, %arg6: memref<512x128xf32, #tpu.memory_space<vmem>>, %arg7: memref<!tpu.dma_semaphore, #tpu.memory_space<semaphore_mem>>) attributes {dimension_semantics = [#tpu.dimension_semantics<core_parallel>, #tpu.dimension_semantics<subcore_parallel>], iteration_bounds = array<i64: 2, 16>, scalar_prefetch = 0 : i64, scratch_operands = 3 : i64, tpu.core_type = #tpu.core_type<sc_vector_subcore>, window_params = [{transform_indices = #map}, {transform_indices = #map1}, {transform_indices = #map}]} {
    %mul3A = arith.constant 2 : i32
    %mul3A_0 = arith.muli %arg1, %mul3A : i32
    %add3A = arith.addi %mul3A_0, %arg0 : i32
    %mul3A_1 = arith.constant 512 : i32
    %mul3A_2 = arith.muli %add3A, %mul3A_1 : i32
    "tpu.region"() ({
      %run_scoped3A = tpu.sem_alloc : memref<!tpu.dma_semaphore, #tpu.memory_space<semaphore_mem>>
      %dma_start3A_81 = arith.constant 0 : i32
      %dma_start3A_82 = arith.constant 0 : i32
      %dma_start3A_83 = tpu.memref_slice %arg3[%add3A, %dma_start3A_81, %dma_start3A_82] : memref<32x4x128xi32, #tpu.memory_space<hbm>> -> memref<1x4x128xi32, #tpu.memory_space<hbm>>
      %dma_start3A_84 = tpu.memref_squeeze %dma_start3A_83 : memref<1x4x128xi32, #tpu.memory_space<hbm>> -> memref<4x128xi32, #tpu.memory_space<hbm>>
      %dma_start3A_85 = arith.constant 0 : i32
      %dma_start3A_86 = arith.constant 0 : i32
      %dma_start3A_87 = tpu.memref_slice %arg3[%add3A, %dma_start3A_85, %dma_start3A_86] : memref<32x4x128xi32, #tpu.memory_space<hbm>> -> memref<1x4x128xi32, #tpu.memory_space<hbm>>
      %dma_start3A_88 = tpu.memref_squeeze %dma_start3A_87 : memref<1x4x128xi32, #tpu.memory_space<hbm>> -> memref<4x128xi32, #tpu.memory_space<hbm>>
      tpu.enqueue_dma source(%dma_start3A_88 : memref<4x128xi32, #tpu.memory_space<hbm>>) target(%arg5 : memref<4x128xi32, #tpu.memory_space<vmem>>) target_semaphore(%run_scoped3A : memref<!tpu.dma_semaphore, #tpu.memory_space<semaphore_mem>>)
      %dma_wait3A_89 = arith.constant 0 : i32
      %dma_wait3A_90 = arith.constant 0 : i32
      %dma_wait3A_91 = tpu.memref_slice %arg3[%add3A, %dma_wait3A_89, %dma_wait3A_90] : memref<32x4x128xi32, #tpu.memory_space<hbm>> -> memref<1x4x128xi32, #tpu.memory_space<hbm>>
      %dma_wait3A_92 = tpu.memref_squeeze %dma_wait3A_91 : memref<1x4x128xi32, #tpu.memory_space<hbm>> -> memref<4x128xi32, #tpu.memory_space<hbm>>
      %dma_wait3A_93 = arith.constant 0 : i32
      %dma_wait3A_94 = arith.constant 0 : i32
      %dma_wait3A_95 = tpu.memref_slice %arg3[%add3A, %dma_wait3A_93, %dma_wait3A_94] : memref<32x4x128xi32, #tpu.memory_space<hbm>> -> memref<1x4x128xi32, #tpu.memory_space<hbm>>
      %dma_wait3A_96 = tpu.memref_squeeze %dma_wait3A_95 : memref<1x4x128xi32, #tpu.memory_space<hbm>> -> memref<4x128xi32, #tpu.memory_space<hbm>>
      tpu.wait_dma2 semaphore(%run_scoped3A : memref<!tpu.dma_semaphore, #tpu.memory_space<semaphore_mem>>) src(%dma_wait3A_96 : memref<4x128xi32, #tpu.memory_space<hbm>>) dst(%arg5 : memref<4x128xi32, #tpu.memory_space<vmem>>)
      tpu.yield
    }) : () -> ()
    %dma_start3A = arith.constant 0 : i32
    %dma_start3A_3 = arith.constant 0 : i32
    %dma_start3A_4 = arith.constant 0 : i32
    %dma_start3A_5 = tpu.memref_slice %arg6[%dma_start3A_3, %dma_start3A_4] : memref<512x128xf32, #tpu.memory_space<vmem>> -> memref<128x128xf32, #tpu.memory_space<vmem>>
    %dma_start3A_6 = arith.constant 0 : i32
    %dma_start3A_7 = tpu.memref_slice %arg5[%dma_start3A, %dma_start3A_6] : memref<4x128xi32, #tpu.memory_space<vmem>> -> memref<1x128xi32, #tpu.memory_space<vmem>>
    %dma_start3A_8 = tpu.memref_squeeze %dma_start3A_7 : memref<1x128xi32, #tpu.memory_space<vmem>> -> memref<128xi32, #tpu.memory_space<vmem>>
    %dma_start3A_9 = arith.constant 0 : i32
    %dma_start3A_10 = arith.constant 0 : i32
    %dma_start3A_11 = tpu.memref_slice %arg2[%dma_start3A_9, %dma_start3A_10] : memref<4096x128xf32, #tpu.memory_space<hbm>> -> memref<4096x128xf32, #tpu.memory_space<hbm>>
    tpu.enqueue_indirect_dma source(%dma_start3A_11 : memref<4096x128xf32, #tpu.memory_space<hbm>>) target(%dma_start3A_5 : memref<128x128xf32, #tpu.memory_space<vmem>>) offsets(%dma_start3A_8 : memref<128xi32, #tpu.memory_space<vmem>>) semaphore(%arg7 : memref<!tpu.dma_semaphore, #tpu.memory_space<semaphore_mem>>)
    %dma_start3A_12 = arith.constant 1 : i32
    %dma_start3A_13 = arith.constant 128 : i32
    %dma_start3A_14 = arith.constant 0 : i32
    %dma_start3A_15 = tpu.memref_slice %arg6[%dma_start3A_13, %dma_start3A_14] : memref<512x128xf32, #tpu.memory_space<vmem>> -> memref<128x128xf32, #tpu.memory_space<vmem>>
    %dma_start3A_16 = arith.constant 0 : i32
    %dma_start3A_17 = tpu.memref_slice %arg5[%dma_start3A_12, %dma_start3A_16] : memref<4x128xi32, #tpu.memory_space<vmem>> -> memref<1x128xi32, #tpu.memory_space<vmem>>
    %dma_start3A_18 = tpu.memref_squeeze %dma_start3A_17 : memref<1x128xi32, #tpu.memory_space<vmem>> -> memref<128xi32, #tpu.memory_space<vmem>>
    %dma_start3A_19 = arith.constant 0 : i32
    %dma_start3A_20 = arith.constant 0 : i32
    %dma_start3A_21 = tpu.memref_slice %arg2[%dma_start3A_19, %dma_start3A_20] : memref<4096x128xf32, #tpu.memory_space<hbm>> -> memref<4096x128xf32, #tpu.memory_space<hbm>>
    tpu.enqueue_indirect_dma source(%dma_start3A_21 : memref<4096x128xf32, #tpu.memory_space<hbm>>) target(%dma_start3A_15 : memref<128x128xf32, #tpu.memory_space<vmem>>) offsets(%dma_start3A_18 : memref<128xi32, #tpu.memory_space<vmem>>) semaphore(%arg7 : memref<!tpu.dma_semaphore, #tpu.memory_space<semaphore_mem>>)
    %dma_start3A_22 = arith.constant 2 : i32
    %dma_start3A_23 = arith.constant 256 : i32
    %dma_start3A_24 = arith.constant 0 : i32
    %dma_start3A_25 = tpu.memref_slice %arg6[%dma_start3A_23, %dma_start3A_24] : memref<512x128xf32, #tpu.memory_space<vmem>> -> memref<128x128xf32, #tpu.memory_space<vmem>>
    %dma_start3A_26 = arith.constant 0 : i32
    %dma_start3A_27 = tpu.memref_slice %arg5[%dma_start3A_22, %dma_start3A_26] : memref<4x128xi32, #tpu.memory_space<vmem>> -> memref<1x128xi32, #tpu.memory_space<vmem>>
    %dma_start3A_28 = tpu.memref_squeeze %dma_start3A_27 : memref<1x128xi32, #tpu.memory_space<vmem>> -> memref<128xi32, #tpu.memory_space<vmem>>
    %dma_start3A_29 = arith.constant 0 : i32
    %dma_start3A_30 = arith.constant 0 : i32
    %dma_start3A_31 = tpu.memref_slice %arg2[%dma_start3A_29, %dma_start3A_30] : memref<4096x128xf32, #tpu.memory_space<hbm>> -> memref<4096x128xf32, #tpu.memory_space<hbm>>
    tpu.enqueue_indirect_dma source(%dma_start3A_31 : memref<4096x128xf32, #tpu.memory_space<hbm>>) target(%dma_start3A_25 : memref<128x128xf32, #tpu.memory_space<vmem>>) offsets(%dma_start3A_28 : memref<128xi32, #tpu.memory_space<vmem>>) semaphore(%arg7 : memref<!tpu.dma_semaphore, #tpu.memory_space<semaphore_mem>>)
    %dma_start3A_32 = arith.constant 3 : i32
    %dma_start3A_33 = arith.constant 384 : i32
    %dma_start3A_34 = arith.constant 0 : i32
    %dma_start3A_35 = tpu.memref_slice %arg6[%dma_start3A_33, %dma_start3A_34] : memref<512x128xf32, #tpu.memory_space<vmem>> -> memref<128x128xf32, #tpu.memory_space<vmem>>
    %dma_start3A_36 = arith.constant 0 : i32
    %dma_start3A_37 = tpu.memref_slice %arg5[%dma_start3A_32, %dma_start3A_36] : memref<4x128xi32, #tpu.memory_space<vmem>> -> memref<1x128xi32, #tpu.memory_space<vmem>>
    %dma_start3A_38 = tpu.memref_squeeze %dma_start3A_37 : memref<1x128xi32, #tpu.memory_space<vmem>> -> memref<128xi32, #tpu.memory_space<vmem>>
    %dma_start3A_39 = arith.constant 0 : i32
    %dma_start3A_40 = arith.constant 0 : i32
    %dma_start3A_41 = tpu.memref_slice %arg2[%dma_start3A_39, %dma_start3A_40] : memref<4096x128xf32, #tpu.memory_space<hbm>> -> memref<4096x128xf32, #tpu.memory_space<hbm>>
    tpu.enqueue_indirect_dma source(%dma_start3A_41 : memref<4096x128xf32, #tpu.memory_space<hbm>>) target(%dma_start3A_35 : memref<128x128xf32, #tpu.memory_space<vmem>>) offsets(%dma_start3A_38 : memref<128xi32, #tpu.memory_space<vmem>>) semaphore(%arg7 : memref<!tpu.dma_semaphore, #tpu.memory_space<semaphore_mem>>)
    %dma_wait3A = arith.constant 0 : i32
    %dma_wait3A_42 = arith.constant 0 : i32
    %dma_wait3A_43 = arith.constant 0 : i32
    %dma_wait3A_44 = tpu.memref_slice %arg6[%dma_wait3A_42, %dma_wait3A_43] : memref<512x128xf32, #tpu.memory_space<vmem>> -> memref<128x128xf32, #tpu.memory_space<vmem>>
    %dma_wait3A_45 = arith.constant 0 : i32
    %dma_wait3A_46 = tpu.memref_slice %arg5[%dma_wait3A, %dma_wait3A_45] : memref<4x128xi32, #tpu.memory_space<vmem>> -> memref<1x128xi32, #tpu.memory_space<vmem>>
    %dma_wait3A_47 = tpu.memref_squeeze %dma_wait3A_46 : memref<1x128xi32, #tpu.memory_space<vmem>> -> memref<128xi32, #tpu.memory_space<vmem>>
    %dma_wait3A_48 = arith.constant 0 : i32
    %dma_wait3A_49 = arith.constant 0 : i32
    %dma_wait3A_50 = tpu.memref_slice %arg2[%dma_wait3A_48, %dma_wait3A_49] : memref<4096x128xf32, #tpu.memory_space<hbm>> -> memref<4096x128xf32, #tpu.memory_space<hbm>>
    tpu.wait_indirect_dma semaphore(%arg7 : memref<!tpu.dma_semaphore, #tpu.memory_space<semaphore_mem>>) src(%dma_wait3A_50 : memref<4096x128xf32, #tpu.memory_space<hbm>>) dst(%dma_wait3A_44 : memref<128x128xf32, #tpu.memory_space<vmem>>)
    %dma_wait3A_51 = arith.constant 1 : i32
    %dma_wait3A_52 = arith.constant 128 : i32
    %dma_wait3A_53 = arith.constant 0 : i32
    %dma_wait3A_54 = tpu.memref_slice %arg6[%dma_wait3A_52, %dma_wait3A_53] : memref<512x128xf32, #tpu.memory_space<vmem>> -> memref<128x128xf32, #tpu.memory_space<vmem>>
    %dma_wait3A_55 = arith.constant 0 : i32
    %dma_wait3A_56 = tpu.memref_slice %arg5[%dma_wait3A_51, %dma_wait3A_55] : memref<4x128xi32, #tpu.memory_space<vmem>> -> memref<1x128xi32, #tpu.memory_space<vmem>>
    %dma_wait3A_57 = tpu.memref_squeeze %dma_wait3A_56 : memref<1x128xi32, #tpu.memory_space<vmem>> -> memref<128xi32, #tpu.memory_space<vmem>>
    %dma_wait3A_58 = arith.constant 0 : i32
    %dma_wait3A_59 = arith.constant 0 : i32
    %dma_wait3A_60 = tpu.memref_slice %arg2[%dma_wait3A_58, %dma_wait3A_59] : memref<4096x128xf32, #tpu.memory_space<hbm>> -> memref<4096x128xf32, #tpu.memory_space<hbm>>
    tpu.wait_indirect_dma semaphore(%arg7 : memref<!tpu.dma_semaphore, #tpu.memory_space<semaphore_mem>>) src(%dma_wait3A_60 : memref<4096x128xf32, #tpu.memory_space<hbm>>) dst(%dma_wait3A_54 : memref<128x128xf32, #tpu.memory_space<vmem>>)
    %dma_wait3A_61 = arith.constant 2 : i32
    %dma_wait3A_62 = arith.constant 256 : i32
    %dma_wait3A_63 = arith.constant 0 : i32
    %dma_wait3A_64 = tpu.memref_slice %arg6[%dma_wait3A_62, %dma_wait3A_63] : memref<512x128xf32, #tpu.memory_space<vmem>> -> memref<128x128xf32, #tpu.memory_space<vmem>>
    %dma_wait3A_65 = arith.constant 0 : i32
    %dma_wait3A_66 = tpu.memref_slice %arg5[%dma_wait3A_61, %dma_wait3A_65] : memref<4x128xi32, #tpu.memory_space<vmem>> -> memref<1x128xi32, #tpu.memory_space<vmem>>
    %dma_wait3A_67 = tpu.memref_squeeze %dma_wait3A_66 : memref<1x128xi32, #tpu.memory_space<vmem>> -> memref<128xi32, #tpu.memory_space<vmem>>
    %dma_wait3A_68 = arith.constant 0 : i32
    %dma_wait3A_69 = arith.constant 0 : i32
    %dma_wait3A_70 = tpu.memref_slice %arg2[%dma_wait3A_68, %dma_wait3A_69] : memref<4096x128xf32, #tpu.memory_space<hbm>> -> memref<4096x128xf32, #tpu.memory_space<hbm>>
    tpu.wait_indirect_dma semaphore(%arg7 : memref<!tpu.dma_semaphore, #tpu.memory_space<semaphore_mem>>) src(%dma_wait3A_70 : memref<4096x128xf32, #tpu.memory_space<hbm>>) dst(%dma_wait3A_64 : memref<128x128xf32, #tpu.memory_space<vmem>>)
    %dma_wait3A_71 = arith.constant 3 : i32
    %dma_wait3A_72 = arith.constant 384 : i32
    %dma_wait3A_73 = arith.constant 0 : i32
    %dma_wait3A_74 = tpu.memref_slice %arg6[%dma_wait3A_72, %dma_wait3A_73] : memref<512x128xf32, #tpu.memory_space<vmem>> -> memref<128x128xf32, #tpu.memory_space<vmem>>
    %dma_wait3A_75 = arith.constant 0 : i32
    %dma_wait3A_76 = tpu.memref_slice %arg5[%dma_wait3A_71, %dma_wait3A_75] : memref<4x128xi32, #tpu.memory_space<vmem>> -> memref<1x128xi32, #tpu.memory_space<vmem>>
    %dma_wait3A_77 = tpu.memref_squeeze %dma_wait3A_76 : memref<1x128xi32, #tpu.memory_space<vmem>> -> memref<128xi32, #tpu.memory_space<vmem>>
    %dma_wait3A_78 = arith.constant 0 : i32
    %dma_wait3A_79 = arith.constant 0 : i32
    %dma_wait3A_80 = tpu.memref_slice %arg2[%dma_wait3A_78, %dma_wait3A_79] : memref<4096x128xf32, #tpu.memory_space<hbm>> -> memref<4096x128xf32, #tpu.memory_space<hbm>>
    tpu.wait_indirect_dma semaphore(%arg7 : memref<!tpu.dma_semaphore, #tpu.memory_space<semaphore_mem>>) src(%dma_wait3A_80 : memref<4096x128xf32, #tpu.memory_space<hbm>>) dst(%dma_wait3A_74 : memref<128x128xf32, #tpu.memory_space<vmem>>)
    "tpu.region"() ({
      %run_scoped3A = tpu.sem_alloc : memref<!tpu.dma_semaphore, #tpu.memory_space<semaphore_mem>>
      %dma_start3A_81 = arith.constant 0 : i32
      %dma_start3A_82 = tpu.memref_slice %arg4[%mul3A_2, %dma_start3A_81] : memref<16384x128xf32, #tpu.memory_space<hbm>> -> memref<512x128xf32, #tpu.memory_space<hbm>>
      %dma_start3A_83 = arith.constant 0 : i32
      %dma_start3A_84 = tpu.memref_slice %arg4[%mul3A_2, %dma_start3A_83] : memref<16384x128xf32, #tpu.memory_space<hbm>> -> memref<512x128xf32, #tpu.memory_space<hbm>>
      tpu.enqueue_dma source(%arg6 : memref<512x128xf32, #tpu.memory_space<vmem>>) target(%dma_start3A_84 : memref<512x128xf32, #tpu.memory_space<hbm>>) target_semaphore(%run_scoped3A : memref<!tpu.dma_semaphore, #tpu.memory_space<semaphore_mem>>)
      %dma_wait3A_85 = arith.constant 0 : i32
      %dma_wait3A_86 = tpu.memref_slice %arg4[%mul3A_2, %dma_wait3A_85] : memref<16384x128xf32, #tpu.memory_space<hbm>> -> memref<512x128xf32, #tpu.memory_space<hbm>>
      %dma_wait3A_87 = arith.constant 0 : i32
      %dma_wait3A_88 = tpu.memref_slice %arg4[%mul3A_2, %dma_wait3A_87] : memref<16384x128xf32, #tpu.memory_space<hbm>> -> memref<512x128xf32, #tpu.memory_space<hbm>>
      tpu.wait_dma2 semaphore(%run_scoped3A : memref<!tpu.dma_semaphore, #tpu.memory_space<semaphore_mem>>) src(%arg6 : memref<512x128xf32, #tpu.memory_space<vmem>>) dst(%dma_wait3A_88 : memref<512x128xf32, #tpu.memory_space<hbm>>)
      tpu.yield
    }) : () -> ()
    return
  }
}

#map = affine_map<(d0, d1) -> (0, 0)>
#map1 = affine_map<(d0, d1) -> (0, 0, 0)>
module attributes {stable_mosaic.version = 14 : i64} {
  func.func @sc_gather(%arg0: i32, %arg1: i32, %arg2: memref<4096x128xf32, #tpu.memory_space<hbm>>, %arg3: memref<32x4x128xi32, #tpu.memory_space<hbm>>, %arg4: memref<16384x128xf32, #tpu.memory_space<hbm>>, %arg5: memref<4x128xi32, #tpu.memory_space<vmem>>, %arg6: memref<512x128xf32, #tpu.memory_space<vmem>>, %arg7: memref<!tpu.dma_semaphore, #tpu.memory_space<semaphore_mem>>) attributes {dimension_semantics = [#tpu.dimension_semantics<core_parallel>, #tpu.dimension_semantics<subcore_parallel>], iteration_bounds = array<i64: 2, 16>, scalar_prefetch = 0 : i64, scratch_operands = 3 : i64, tpu.core_type = #tpu.core_type<sc_vector_subcore>, window_params = [{transform_indices = #map}, {transform_indices = #map1}, {transform_indices = #map}]} {
    %mul3A = arith.constant 2 : i32
    %mul3A_0 = arith.muli %arg1, %mul3A : i32
    %add3A = arith.addi %mul3A_0, %arg0 : i32
    %mul3A_1 = arith.constant 512 : i32
    %mul3A_2 = arith.muli %add3A, %mul3A_1 : i32
    "tpu.region"() ({
      %run_scoped3A = tpu.sem_alloc : memref<!tpu.dma_semaphore, #tpu.memory_space<semaphore_mem>>
      %dma_start3A_81 = arith.constant 0 : i32
      %dma_start3A_82 = arith.constant 0 : i32
      %dma_start3A_83 = tpu.memref_slice %arg3[%add3A, %dma_start3A_81, %dma_start3A_82] : memref<32x4x128xi32, #tpu.memory_space<hbm>> -> memref<1x4x128xi32, #tpu.memory_space<hbm>>
      %dma_start3A_84 = tpu.memref_squeeze %dma_start3A_83 : memref<1x4x128xi32, #tpu.memory_space<hbm>> -> memref<4x128xi32, #tpu.memory_space<hbm>>
      %dma_start3A_85 = arith.constant 0 : i32
      %dma_start3A_86 = arith.constant 0 : i32
      %dma_start3A_87 = tpu.memref_slice %arg3[%add3A, %dma_start3A_85, %dma_start3A_86] : memref<32x4x128xi32, #tpu.memory_space<hbm>> -> memref<1x4x128xi32, #tpu.memory_space<hbm>>
      %dma_start3A_88 = tpu.memref_squeeze %dma_start3A_87 : memref<1x4x128xi32, #tpu.memory_space<hbm>> -> memref<4x128xi32, #tpu.memory_space<hbm>>
      tpu.enqueue_dma source(%dma_start3A_88 : memref<4x128xi32, #tpu.memory_space<hbm>>) target(%arg5 : memref<4x128xi32, #tpu.memory_space<vmem>>) target_semaphore(%run_scoped3A : memref<!tpu.dma_semaphore, #tpu.memory_space<semaphore_mem>>)
      %dma_wait3A_89 = arith.constant 0 : i32
      %dma_wait3A_90 = arith.constant 0 : i32
      %dma_wait3A_91 = tpu.memref_slice %arg3[%add3A, %dma_wait3A_89, %dma_wait3A_90] : memref<32x4x128xi32, #tpu.memory_space<hbm>> -> memref<1x4x128xi32, #tpu.memory_space<hbm>>
      %dma_wait3A_92 = tpu.memref_squeeze %dma_wait3A_91 : memref<1x4x128xi32, #tpu.memory_space<hbm>> -> memref<4x128xi32, #tpu.memory_space<hbm>>
      %dma_wait3A_93 = arith.constant 0 : i32
      %dma_wait3A_94 = arith.constant 0 : i32
      %dma_wait3A_95 = tpu.memref_slice %arg3[%add3A, %dma_wait3A_93, %dma_wait3A_94] : memref<32x4x128xi32, #tpu.memory_space<hbm>> -> memref<1x4x128xi32, #tpu.memory_space<hbm>>
      %dma_wait3A_96 = tpu.memref_squeeze %dma_wait3A_95 : memref<1x4x128xi32, #tpu.memory_space<hbm>> -> memref<4x128xi32, #tpu.memory_space<hbm>>
      tpu.wait_dma2 semaphore(%run_scoped3A : memref<!tpu.dma_semaphore, #tpu.memory_space<semaphore_mem>>) src(%dma_wait3A_96 : memref<4x128xi32, #tpu.memory_space<hbm>>) dst(%arg5 : memref<4x128xi32, #tpu.memory_space<vmem>>)
      tpu.yield
    }) : () -> ()
    %dma_start3A = arith.constant 0 : i32
    %dma_start3A_3 = arith.constant 0 : i32
    %dma_start3A_4 = arith.constant 0 : i32
    %dma_start3A_5 = tpu.memref_slice %arg6[%dma_start3A_3, %dma_start3A_4] : memref<512x128xf32, #tpu.memory_space<vmem>> -> memref<128x128xf32, #tpu.memory_space<vmem>>
    %dma_start3A_6 = arith.constant 0 : i32
    %dma_start3A_7 = tpu.memref_slice %arg5[%dma_start3A, %dma_start3A_6] : memref<4x128xi32, #tpu.memory_space<vmem>> -> memref<1x128xi32, #tpu.memory_space<vmem>>
    %dma_start3A_8 = tpu.memref_squeeze %dma_start3A_7 : memref<1x128xi32, #tpu.memory_space<vmem>> -> memref<128xi32, #tpu.memory_space<vmem>>
    %dma_start3A_9 = arith.constant 0 : i32
    %dma_start3A_10 = arith.constant 0 : i32
    %dma_start3A_11 = tpu.memref_slice %arg2[%dma_start3A_9, %dma_start3A_10] : memref<4096x128xf32, #tpu.memory_space<hbm>> -> memref<4096x128xf32, #tpu.memory_space<hbm>>
    tpu.enqueue_indirect_dma source(%dma_start3A_11 : memref<4096x128xf32, #tpu.memory_space<hbm>>) target(%dma_start3A_5 : memref<128x128xf32, #tpu.memory_space<vmem>>) offsets(%dma_start3A_8 : memref<128xi32, #tpu.memory_space<vmem>>) semaphore(%arg7 : memref<!tpu.dma_semaphore, #tpu.memory_space<semaphore_mem>>)
    %dma_start3A_12 = arith.constant 1 : i32
    %dma_start3A_13 = arith.constant 128 : i32
    %dma_start3A_14 = arith.constant 0 : i32
    %dma_start3A_15 = tpu.memref_slice %arg6[%dma_start3A_13, %dma_start3A_14] : memref<512x128xf32, #tpu.memory_space<vmem>> -> memref<128x128xf32, #tpu.memory_space<vmem>>
    %dma_start3A_16 = arith.constant 0 : i32
    %dma_start3A_17 = tpu.memref_slice %arg5[%dma_start3A_12, %dma_start3A_16] : memref<4x128xi32, #tpu.memory_space<vmem>> -> memref<1x128xi32, #tpu.memory_space<vmem>>
    %dma_start3A_18 = tpu.memref_squeeze %dma_start3A_17 : memref<1x128xi32, #tpu.memory_space<vmem>> -> memref<128xi32, #tpu.memory_space<vmem>>
    %dma_start3A_19 = arith.constant 0 : i32
    %dma_start3A_20 = arith.constant 0 : i32
    %dma_start3A_21 = tpu.memref_slice %arg2[%dma_start3A_19, %dma_start3A_20] : memref<4096x128xf32, #tpu.memory_space<hbm>> -> memref<4096x128xf32, #tpu.memory_space<hbm>>
    tpu.enqueue_indirect_dma source(%dma_start3A_21 : memref<4096x128xf32, #tpu.memory_space<hbm>>) target(%dma_start3A_15 : memref<128x128xf32, #tpu.memory_space<vmem>>) offsets(%dma_start3A_18 : memref<128xi32, #tpu.memory_space<vmem>>) semaphore(%arg7 : memref<!tpu.dma_semaphore, #tpu.memory_space<semaphore_mem>>)
    %dma_start3A_22 = arith.constant 2 : i32
    %dma_start3A_23 = arith.constant 256 : i32
    %dma_start3A_24 = arith.constant 0 : i32
    %dma_start3A_25 = tpu.memref_slice %arg6[%dma_start3A_23, %dma_start3A_24] : memref<512x128xf32, #tpu.memory_space<vmem>> -> memref<128x128xf32, #tpu.memory_space<vmem>>
    %dma_start3A_26 = arith.constant 0 : i32
    %dma_start3A_27 = tpu.memref_slice %arg5[%dma_start3A_22, %dma_start3A_26] : memref<4x128xi32, #tpu.memory_space<vmem>> -> memref<1x128xi32, #tpu.memory_space<vmem>>
    %dma_start3A_28 = tpu.memref_squeeze %dma_start3A_27 : memref<1x128xi32, #tpu.memory_space<vmem>> -> memref<128xi32, #tpu.memory_space<vmem>>
    %dma_start3A_29 = arith.constant 0 : i32
    %dma_start3A_30 = arith.constant 0 : i32
    %dma_start3A_31 = tpu.memref_slice %arg2[%dma_start3A_29, %dma_start3A_30] : memref<4096x128xf32, #tpu.memory_space<hbm>> -> memref<4096x128xf32, #tpu.memory_space<hbm>>
    tpu.enqueue_indirect_dma source(%dma_start3A_31 : memref<4096x128xf32, #tpu.memory_space<hbm>>) target(%dma_start3A_25 : memref<128x128xf32, #tpu.memory_space<vmem>>) offsets(%dma_start3A_28 : memref<128xi32, #tpu.memory_space<vmem>>) semaphore(%arg7 : memref<!tpu.dma_semaphore, #tpu.memory_space<semaphore_mem>>)
    %dma_start3A_32 = arith.constant 3 : i32
    %dma_start3A_33 = arith.constant 384 : i32
    %dma_start3A_34 = arith.constant 0 : i32
    %dma_start3A_35 = tpu.memref_slice %arg6[%dma_start3A_33, %dma_start3A_34] : memref<512x128xf32, #tpu.memory_space<vmem>> -> memref<128x128xf32, #tpu.memory_space<vmem>>
    %dma_start3A_36 = arith.constant 0 : i32
    %dma_start3A_37 = tpu.memref_slice %arg5[%dma_start3A_32, %dma_start3A_36] : memref<4x128xi32, #tpu.memory_space<vmem>> -> memref<1x128xi32, #tpu.memory_space<vmem>>
    %dma_start3A_38 = tpu.memref_squeeze %dma_start3A_37 : memref<1x128xi32, #tpu.memory_space<vmem>> -> memref<128xi32, #tpu.memory_space<vmem>>
    %dma_start3A_39 = arith.constant 0 : i32
    %dma_start3A_40 = arith.constant 0 : i32
    %dma_start3A_41 = tpu.memref_slice %arg2[%dma_start3A_39, %dma_start3A_40] : memref<4096x128xf32, #tpu.memory_space<hbm>> -> memref<4096x128xf32, #tpu.memory_space<hbm>>
    tpu.enqueue_indirect_dma source(%dma_start3A_41 : memref<4096x128xf32, #tpu.memory_space<hbm>>) target(%dma_start3A_35 : memref<128x128xf32, #tpu.memory_space<vmem>>) offsets(%dma_start3A_38 : memref<128xi32, #tpu.memory_space<vmem>>) semaphore(%arg7 : memref<!tpu.dma_semaphore, #tpu.memory_space<semaphore_mem>>)
    %dma_wait3A = arith.constant 0 : i32
    %dma_wait3A_42 = arith.constant 0 : i32
    %dma_wait3A_43 = arith.constant 0 : i32
    %dma_wait3A_44 = tpu.memref_slice %arg6[%dma_wait3A_42, %dma_wait3A_43] : memref<512x128xf32, #tpu.memory_space<vmem>> -> memref<128x128xf32, #tpu.memory_space<vmem>>
    %dma_wait3A_45 = arith.constant 0 : i32
    %dma_wait3A_46 = tpu.memref_slice %arg5[%dma_wait3A, %dma_wait3A_45] : memref<4x128xi32, #tpu.memory_space<vmem>> -> memref<1x128xi32, #tpu.memory_space<vmem>>
    %dma_wait3A_47 = tpu.memref_squeeze %dma_wait3A_46 : memref<1x128xi32, #tpu.memory_space<vmem>> -> memref<128xi32, #tpu.memory_space<vmem>>
    %dma_wait3A_48 = arith.constant 0 : i32
    %dma_wait3A_49 = arith.constant 0 : i32
    %dma_wait3A_50 = tpu.memref_slice %arg2[%dma_wait3A_48, %dma_wait3A_49] : memref<4096x128xf32, #tpu.memory_space<hbm>> -> memref<4096x128xf32, #tpu.memory_space<hbm>>
    tpu.wait_indirect_dma semaphore(%arg7 : memref<!tpu.dma_semaphore, #tpu.memory_space<semaphore_mem>>) src(%dma_wait3A_50 : memref<4096x128xf32, #tpu.memory_space<hbm>>) dst(%dma_wait3A_44 : memref<128x128xf32, #tpu.memory_space<vmem>>)
    %dma_wait3A_51 = arith.constant 1 : i32
    %dma_wait3A_52 = arith.constant 128 : i32
    %dma_wait3A_53 = arith.constant 0 : i32
    %dma_wait3A_54 = tpu.memref_slice %arg6[%dma_wait3A_52, %dma_wait3A_53] : memref<512x128xf32, #tpu.memory_space<vmem>> -> memref<128x128xf32, #tpu.memory_space<vmem>>
    %dma_wait3A_55 = arith.constant 0 : i32
    %dma_wait3A_56 = tpu.memref_slice %arg5[%dma_wait3A_51, %dma_wait3A_55] : memref<4x128xi32, #tpu.memory_space<vmem>> -> memref<1x128xi32, #tpu.memory_space<vmem>>
    %dma_wait3A_57 = tpu.memref_squeeze %dma_wait3A_56 : memref<1x128xi32, #tpu.memory_space<vmem>> -> memref<128xi32, #tpu.memory_space<vmem>>
    %dma_wait3A_58 = arith.constant 0 : i32
    %dma_wait3A_59 = arith.constant 0 : i32
    %dma_wait3A_60 = tpu.memref_slice %arg2[%dma_wait3A_58, %dma_wait3A_59] : memref<4096x128xf32, #tpu.memory_space<hbm>> -> memref<4096x128xf32, #tpu.memory_space<hbm>>
    tpu.wait_indirect_dma semaphore(%arg7 : memref<!tpu.dma_semaphore, #tpu.memory_space<semaphore_mem>>) src(%dma_wait3A_60 : memref<4096x128xf32, #tpu.memory_space<hbm>>) dst(%dma_wait3A_54 : memref<128x128xf32, #tpu.memory_space<vmem>>)
    %dma_wait3A_61 = arith.constant 2 : i32
    %dma_wait3A_62 = arith.constant 256 : i32
    %dma_wait3A_63 = arith.constant 0 : i32
    %dma_wait3A_64 = tpu.memref_slice %arg6[%dma_wait3A_62, %dma_wait3A_63] : memref<512x128xf32, #tpu.memory_space<vmem>> -> memref<128x128xf32, #tpu.memory_space<vmem>>
    %dma_wait3A_65 = arith.constant 0 : i32
    %dma_wait3A_66 = tpu.memref_slice %arg5[%dma_wait3A_61, %dma_wait3A_65] : memref<4x128xi32, #tpu.memory_space<vmem>> -> memref<1x128xi32, #tpu.memory_space<vmem>>
    %dma_wait3A_67 = tpu.memref_squeeze %dma_wait3A_66 : memref<1x128xi32, #tpu.memory_space<vmem>> -> memref<128xi32, #tpu.memory_space<vmem>>
    %dma_wait3A_68 = arith.constant 0 : i32
    %dma_wait3A_69 = arith.constant 0 : i32
    %dma_wait3A_70 = tpu.memref_slice %arg2[%dma_wait3A_68, %dma_wait3A_69] : memref<4096x128xf32, #tpu.memory_space<hbm>> -> memref<4096x128xf32, #tpu.memory_space<hbm>>
    tpu.wait_indirect_dma semaphore(%arg7 : memref<!tpu.dma_semaphore, #tpu.memory_space<semaphore_mem>>) src(%dma_wait3A_70 : memref<4096x128xf32, #tpu.memory_space<hbm>>) dst(%dma_wait3A_64 : memref<128x128xf32, #tpu.memory_space<vmem>>)
    %dma_wait3A_71 = arith.constant 3 : i32
    %dma_wait3A_72 = arith.constant 384 : i32
    %dma_wait3A_73 = arith.constant 0 : i32
    %dma_wait3A_74 = tpu.memref_slice %arg6[%dma_wait3A_72, %dma_wait3A_73] : memref<512x128xf32, #tpu.memory_space<vmem>> -> memref<128x128xf32, #tpu.memory_space<vmem>>
    %dma_wait3A_75 = arith.constant 0 : i32
    %dma_wait3A_76 = tpu.memref_slice %arg5[%dma_wait3A_71, %dma_wait3A_75] : memref<4x128xi32, #tpu.memory_space<vmem>> -> memref<1x128xi32, #tpu.memory_space<vmem>>
    %dma_wait3A_77 = tpu.memref_squeeze %dma_wait3A_76 : memref<1x128xi32, #tpu.memory_space<vmem>> -> memref<128xi32, #tpu.memory_space<vmem>>
    %dma_wait3A_78 = arith.constant 0 : i32
    %dma_wait3A_79 = arith.constant 0 : i32
    %dma_wait3A_80 = tpu.memref_slice %arg2[%dma_wait3A_78, %dma_wait3A_79] : memref<4096x128xf32, #tpu.memory_space<hbm>> -> memref<4096x128xf32, #tpu.memory_space<hbm>>
    tpu.wait_indirect_dma semaphore(%arg7 : memref<!tpu.dma_semaphore, #tpu.memory_space<semaphore_mem>>) src(%dma_wait3A_80 : memref<4096x128xf32, #tpu.memory_space<hbm>>) dst(%dma_wait3A_74 : memref<128x128xf32, #tpu.memory_space<vmem>>)
    "tpu.region"() ({
      %run_scoped3A = tpu.sem_alloc : memref<!tpu.dma_semaphore, #tpu.memory_space<semaphore_mem>>
      %dma_start3A_81 = arith.constant 0 : i32
      %dma_start3A_82 = tpu.memref_slice %arg4[%mul3A_2, %dma_start3A_81] : memref<16384x128xf32, #tpu.memory_space<hbm>> -> memref<512x128xf32, #tpu.memory_space<hbm>>
      %dma_start3A_83 = arith.constant 0 : i32
      %dma_start3A_84 = tpu.memref_slice %arg4[%mul3A_2, %dma_start3A_83] : memref<16384x128xf32, #tpu.memory_space<hbm>> -> memref<512x128xf32, #tpu.memory_space<hbm>>
      tpu.enqueue_dma source(%arg6 : memref<512x128xf32, #tpu.memory_space<vmem>>) target(%dma_start3A_84 : memref<512x128xf32, #tpu.memory_space<hbm>>) target_semaphore(%run_scoped3A : memref<!tpu.dma_semaphore, #tpu.memory_space<semaphore_mem>>)
      %dma_wait3A_85 = arith.constant 0 : i32
      %dma_wait3A_86 = tpu.memref_slice %arg4[%mul3A_2, %dma_wait3A_85] : memref<16384x128xf32, #tpu.memory_space<hbm>> -> memref<512x128xf32, #tpu.memory_space<hbm>>
      %dma_wait3A_87 = arith.constant 0 : i32
      %dma_wait3A_88 = tpu.memref_slice %arg4[%mul3A_2, %dma_wait3A_87] : memref<16384x128xf32, #tpu.memory_space<hbm>> -> memref<512x128xf32, #tpu.memory_space<hbm>>
      tpu.wait_dma2 semaphore(%run_scoped3A : memref<!tpu.dma_semaphore, #tpu.memory_space<semaphore_mem>>) src(%arg6 : memref<512x128xf32, #tpu.memory_space<vmem>>) dst(%dma_wait3A_88 : memref<512x128xf32, #tpu.memory_space<hbm>>)
      tpu.yield
    }) : () -> ()
    return
  }
}

#map = affine_map<(d0, d1) -> (0, 0)>
#map1 = affine_map<(d0, d1) -> (0, 0, 0)>
module attributes {stable_mosaic.version = 14 : i64} {
  func.func @sc_scatter(%arg0: i32, %arg1: i32, %arg2: memref<16384x128xf32, #tpu.memory_space<hbm>>, %arg3: memref<32x4x128xi32, #tpu.memory_space<hbm>>, %arg4: memref<4096x128xf32, #tpu.memory_space<hbm>>, %arg5: memref<2x4096x128xf32, #tpu.memory_space<hbm>>, %arg6: memref<4x128xi32, #tpu.memory_space<vmem>>, %arg7: memref<512x128xf32, #tpu.memory_space<vmem>>, %arg8: memref<4096x128xf32, #tpu.memory_space<vmem_shared>>, %arg9: memref<!tpu.dma_semaphore, #tpu.memory_space<semaphore_mem>>) attributes {dimension_semantics = [#tpu.dimension_semantics<core_parallel>, #tpu.dimension_semantics<subcore_parallel>], iteration_bounds = array<i64: 2, 16>, scalar_prefetch = 0 : i64, scratch_operands = 4 : i64, tpu.core_type = #tpu.core_type<sc_vector_subcore>, window_params = [{transform_indices = #map}, {transform_indices = #map1}, {transform_indices = #map}, {transform_indices = #map1}]} {
    %mul3A = arith.constant 2 : i32
    %mul3A_0 = arith.muli %arg1, %mul3A : i32
    %add3A = arith.addi %mul3A_0, %arg0 : i32
    %mul3A_1 = arith.constant 512 : i32
    %mul3A_2 = arith.muli %add3A, %mul3A_1 : i32
    %mul3A_3 = arith.constant 256 : i32
    %mul3A_4 = arith.muli %arg1, %mul3A_3 : i32
    %mul3A_5 = arith.constant 256 : i32
    %mul3A_6 = arith.muli %arg1, %mul3A_5 : i32
    "tpu.region"() ({
      %run_scoped3A_15 = tpu.sem_alloc : memref<!tpu.dma_semaphore, #tpu.memory_space<semaphore_mem>>
      %dma_start3A = arith.constant 0 : i32
      %dma_start3A_16 = tpu.memref_slice %arg8[%mul3A_6, %dma_start3A] : memref<4096x128xf32, #tpu.memory_space<vmem_shared>> -> memref<256x128xf32, #tpu.memory_space<vmem_shared>>
      %dma_start3A_17 = arith.constant 0 : i32
      %dma_start3A_18 = tpu.memref_slice %arg4[%mul3A_4, %dma_start3A_17] : memref<4096x128xf32, #tpu.memory_space<hbm>> -> memref<256x128xf32, #tpu.memory_space<hbm>>
      tpu.enqueue_dma source(%dma_start3A_18 : memref<256x128xf32, #tpu.memory_space<hbm>>) target(%dma_start3A_16 : memref<256x128xf32, #tpu.memory_space<vmem_shared>>) target_semaphore(%run_scoped3A_15 : memref<!tpu.dma_semaphore, #tpu.memory_space<semaphore_mem>>)
      %dma_wait3A = arith.constant 0 : i32
      %dma_wait3A_19 = tpu.memref_slice %arg8[%mul3A_6, %dma_wait3A] : memref<4096x128xf32, #tpu.memory_space<vmem_shared>> -> memref<256x128xf32, #tpu.memory_space<vmem_shared>>
      %dma_wait3A_20 = arith.constant 0 : i32
      %dma_wait3A_21 = tpu.memref_slice %arg4[%mul3A_4, %dma_wait3A_20] : memref<4096x128xf32, #tpu.memory_space<hbm>> -> memref<256x128xf32, #tpu.memory_space<hbm>>
      tpu.wait_dma2 semaphore(%run_scoped3A_15 : memref<!tpu.dma_semaphore, #tpu.memory_space<semaphore_mem>>) src(%dma_wait3A_21 : memref<256x128xf32, #tpu.memory_space<hbm>>) dst(%dma_wait3A_19 : memref<256x128xf32, #tpu.memory_space<vmem_shared>>)
      tpu.yield
    }) : () -> ()
    "tpu.region"() ({
      %run_scoped3A_15 = tpu.sem_alloc : memref<!tpu.dma_semaphore, #tpu.memory_space<semaphore_mem>>
      %dma_start3A = arith.constant 0 : i32
      %dma_start3A_16 = arith.constant 0 : i32
      %dma_start3A_17 = tpu.memref_slice %arg3[%add3A, %dma_start3A, %dma_start3A_16] : memref<32x4x128xi32, #tpu.memory_space<hbm>> -> memref<1x4x128xi32, #tpu.memory_space<hbm>>
      %dma_start3A_18 = tpu.memref_squeeze %dma_start3A_17 : memref<1x4x128xi32, #tpu.memory_space<hbm>> -> memref<4x128xi32, #tpu.memory_space<hbm>>
      %dma_start3A_19 = arith.constant 0 : i32
      %dma_start3A_20 = arith.constant 0 : i32
      %dma_start3A_21 = tpu.memref_slice %arg3[%add3A, %dma_start3A_19, %dma_start3A_20] : memref<32x4x128xi32, #tpu.memory_space<hbm>> -> memref<1x4x128xi32, #tpu.memory_space<hbm>>
      %dma_start3A_22 = tpu.memref_squeeze %dma_start3A_21 : memref<1x4x128xi32, #tpu.memory_space<hbm>> -> memref<4x128xi32, #tpu.memory_space<hbm>>
      tpu.enqueue_dma source(%dma_start3A_22 : memref<4x128xi32, #tpu.memory_space<hbm>>) target(%arg6 : memref<4x128xi32, #tpu.memory_space<vmem>>) target_semaphore(%run_scoped3A_15 : memref<!tpu.dma_semaphore, #tpu.memory_space<semaphore_mem>>)
      %dma_wait3A = arith.constant 0 : i32
      %dma_wait3A_23 = arith.constant 0 : i32
      %dma_wait3A_24 = tpu.memref_slice %arg3[%add3A, %dma_wait3A, %dma_wait3A_23] : memref<32x4x128xi32, #tpu.memory_space<hbm>> -> memref<1x4x128xi32, #tpu.memory_space<hbm>>
      %dma_wait3A_25 = tpu.memref_squeeze %dma_wait3A_24 : memref<1x4x128xi32, #tpu.memory_space<hbm>> -> memref<4x128xi32, #tpu.memory_space<hbm>>
      %dma_wait3A_26 = arith.constant 0 : i32
      %dma_wait3A_27 = arith.constant 0 : i32
      %dma_wait3A_28 = tpu.memref_slice %arg3[%add3A, %dma_wait3A_26, %dma_wait3A_27] : memref<32x4x128xi32, #tpu.memory_space<hbm>> -> memref<1x4x128xi32, #tpu.memory_space<hbm>>
      %dma_wait3A_29 = tpu.memref_squeeze %dma_wait3A_28 : memref<1x4x128xi32, #tpu.memory_space<hbm>> -> memref<4x128xi32, #tpu.memory_space<hbm>>
      tpu.wait_dma2 semaphore(%run_scoped3A_15 : memref<!tpu.dma_semaphore, #tpu.memory_space<semaphore_mem>>) src(%dma_wait3A_29 : memref<4x128xi32, #tpu.memory_space<hbm>>) dst(%arg6 : memref<4x128xi32, #tpu.memory_space<vmem>>)
      tpu.yield
    }) : () -> ()
    "tpu.region"() ({
      %run_scoped3A_15 = tpu.sem_alloc : memref<!tpu.dma_semaphore, #tpu.memory_space<semaphore_mem>>
      %dma_start3A = arith.constant 0 : i32
      %dma_start3A_16 = tpu.memref_slice %arg2[%mul3A_2, %dma_start3A] : memref<16384x128xf32, #tpu.memory_space<hbm>> -> memref<512x128xf32, #tpu.memory_space<hbm>>
      %dma_start3A_17 = arith.constant 0 : i32
      %dma_start3A_18 = tpu.memref_slice %arg2[%mul3A_2, %dma_start3A_17] : memref<16384x128xf32, #tpu.memory_space<hbm>> -> memref<512x128xf32, #tpu.memory_space<hbm>>
      tpu.enqueue_dma source(%dma_start3A_18 : memref<512x128xf32, #tpu.memory_space<hbm>>) target(%arg7 : memref<512x128xf32, #tpu.memory_space<vmem>>) target_semaphore(%run_scoped3A_15 : memref<!tpu.dma_semaphore, #tpu.memory_space<semaphore_mem>>)
      %dma_wait3A = arith.constant 0 : i32
      %dma_wait3A_19 = tpu.memref_slice %arg2[%mul3A_2, %dma_wait3A] : memref<16384x128xf32, #tpu.memory_space<hbm>> -> memref<512x128xf32, #tpu.memory_space<hbm>>
      %dma_wait3A_20 = arith.constant 0 : i32
      %dma_wait3A_21 = tpu.memref_slice %arg2[%mul3A_2, %dma_wait3A_20] : memref<16384x128xf32, #tpu.memory_space<hbm>> -> memref<512x128xf32, #tpu.memory_space<hbm>>
      tpu.wait_dma2 semaphore(%run_scoped3A_15 : memref<!tpu.dma_semaphore, #tpu.memory_space<semaphore_mem>>) src(%dma_wait3A_21 : memref<512x128xf32, #tpu.memory_space<hbm>>) dst(%arg7 : memref<512x128xf32, #tpu.memory_space<vmem>>)
      tpu.yield
    }) : () -> ()
    %barrier3A = arith.constant 0 : index
    tpu.barrier barrier_id(%barrier3A)
    %run_scoped3A = arith.constant 0 : i32
    "tpu.region"() ({
      %run_scoped3A_15 = tpu.sem_alloc : memref<!tpu.dma_semaphore, #tpu.memory_space<semaphore_mem>>
      %dma_start3A = arith.constant 0 : i32
      %dma_start3A_16 = arith.constant 0 : i32
      %dma_start3A_17 = tpu.memref_slice %arg7[%dma_start3A, %dma_start3A_16] : memref<512x128xf32, #tpu.memory_space<vmem>> -> memref<128x128xf32, #tpu.memory_space<vmem>>
      %dma_start3A_18 = arith.constant 0 : i32
      %dma_start3A_19 = tpu.memref_slice %arg6[%run_scoped3A, %dma_start3A_18] : memref<4x128xi32, #tpu.memory_space<vmem>> -> memref<1x128xi32, #tpu.memory_space<vmem>>
      %dma_start3A_20 = tpu.memref_squeeze %dma_start3A_19 : memref<1x128xi32, #tpu.memory_space<vmem>> -> memref<128xi32, #tpu.memory_space<vmem>>
      %dma_start3A_21 = arith.constant 0 : i32
      %dma_start3A_22 = arith.constant 0 : i32
      %dma_start3A_23 = tpu.memref_slice %arg8[%dma_start3A_21, %dma_start3A_22] : memref<4096x128xf32, #tpu.memory_space<vmem_shared>> -> memref<4096x128xf32, #tpu.memory_space<vmem_shared>>
      tpu.enqueue_indirect_dma source(%dma_start3A_17 : memref<128x128xf32, #tpu.memory_space<vmem>>) target(%dma_start3A_23 : memref<4096x128xf32, #tpu.memory_space<vmem_shared>>) offsets(%dma_start3A_20 : memref<128xi32, #tpu.memory_space<vmem>>) semaphore(%run_scoped3A_15 : memref<!tpu.dma_semaphore, #tpu.memory_space<semaphore_mem>>) {add = true}
      %dma_wait3A = arith.constant 0 : i32
      %dma_wait3A_24 = arith.constant 0 : i32
      %dma_wait3A_25 = tpu.memref_slice %arg7[%dma_wait3A, %dma_wait3A_24] : memref<512x128xf32, #tpu.memory_space<vmem>> -> memref<128x128xf32, #tpu.memory_space<vmem>>
      %dma_wait3A_26 = arith.constant 0 : i32
      %dma_wait3A_27 = tpu.memref_slice %arg6[%run_scoped3A, %dma_wait3A_26] : memref<4x128xi32, #tpu.memory_space<vmem>> -> memref<1x128xi32, #tpu.memory_space<vmem>>
      %dma_wait3A_28 = tpu.memref_squeeze %dma_wait3A_27 : memref<1x128xi32, #tpu.memory_space<vmem>> -> memref<128xi32, #tpu.memory_space<vmem>>
      %dma_wait3A_29 = arith.constant 0 : i32
      %dma_wait3A_30 = arith.constant 0 : i32
      %dma_wait3A_31 = tpu.memref_slice %arg8[%dma_wait3A_29, %dma_wait3A_30] : memref<4096x128xf32, #tpu.memory_space<vmem_shared>> -> memref<4096x128xf32, #tpu.memory_space<vmem_shared>>
      tpu.wait_indirect_dma semaphore(%run_scoped3A_15 : memref<!tpu.dma_semaphore, #tpu.memory_space<semaphore_mem>>) src(%dma_wait3A_25 : memref<128x128xf32, #tpu.memory_space<vmem>>) dst(%dma_wait3A_31 : memref<4096x128xf32, #tpu.memory_space<vmem_shared>>)
      tpu.yield
    }) : () -> ()
    %run_scoped3A_7 = arith.constant 1 : i32
    "tpu.region"() ({
      %run_scoped3A_15 = tpu.sem_alloc : memref<!tpu.dma_semaphore, #tpu.memory_space<semaphore_mem>>
      %dma_start3A = arith.constant 128 : i32
      %dma_start3A_16 = arith.constant 0 : i32
      %dma_start3A_17 = tpu.memref_slice %arg7[%dma_start3A, %dma_start3A_16] : memref<512x128xf32, #tpu.memory_space<vmem>> -> memref<128x128xf32, #tpu.memory_space<vmem>>
      %dma_start3A_18 = arith.constant 0 : i32
      %dma_start3A_19 = tpu.memref_slice %arg6[%run_scoped3A_7, %dma_start3A_18] : memref<4x128xi32, #tpu.memory_space<vmem>> -> memref<1x128xi32, #tpu.memory_space<vmem>>
      %dma_start3A_20 = tpu.memref_squeeze %dma_start3A_19 : memref<1x128xi32, #tpu.memory_space<vmem>> -> memref<128xi32, #tpu.memory_space<vmem>>
      %dma_start3A_21 = arith.constant 0 : i32
      %dma_start3A_22 = arith.constant 0 : i32
      %dma_start3A_23 = tpu.memref_slice %arg8[%dma_start3A_21, %dma_start3A_22] : memref<4096x128xf32, #tpu.memory_space<vmem_shared>> -> memref<4096x128xf32, #tpu.memory_space<vmem_shared>>
      tpu.enqueue_indirect_dma source(%dma_start3A_17 : memref<128x128xf32, #tpu.memory_space<vmem>>) target(%dma_start3A_23 : memref<4096x128xf32, #tpu.memory_space<vmem_shared>>) offsets(%dma_start3A_20 : memref<128xi32, #tpu.memory_space<vmem>>) semaphore(%run_scoped3A_15 : memref<!tpu.dma_semaphore, #tpu.memory_space<semaphore_mem>>) {add = true}
      %dma_wait3A = arith.constant 128 : i32
      %dma_wait3A_24 = arith.constant 0 : i32
      %dma_wait3A_25 = tpu.memref_slice %arg7[%dma_wait3A, %dma_wait3A_24] : memref<512x128xf32, #tpu.memory_space<vmem>> -> memref<128x128xf32, #tpu.memory_space<vmem>>
      %dma_wait3A_26 = arith.constant 0 : i32
      %dma_wait3A_27 = tpu.memref_slice %arg6[%run_scoped3A_7, %dma_wait3A_26] : memref<4x128xi32, #tpu.memory_space<vmem>> -> memref<1x128xi32, #tpu.memory_space<vmem>>
      %dma_wait3A_28 = tpu.memref_squeeze %dma_wait3A_27 : memref<1x128xi32, #tpu.memory_space<vmem>> -> memref<128xi32, #tpu.memory_space<vmem>>
      %dma_wait3A_29 = arith.constant 0 : i32
      %dma_wait3A_30 = arith.constant 0 : i32
      %dma_wait3A_31 = tpu.memref_slice %arg8[%dma_wait3A_29, %dma_wait3A_30] : memref<4096x128xf32, #tpu.memory_space<vmem_shared>> -> memref<4096x128xf32, #tpu.memory_space<vmem_shared>>
      tpu.wait_indirect_dma semaphore(%run_scoped3A_15 : memref<!tpu.dma_semaphore, #tpu.memory_space<semaphore_mem>>) src(%dma_wait3A_25 : memref<128x128xf32, #tpu.memory_space<vmem>>) dst(%dma_wait3A_31 : memref<4096x128xf32, #tpu.memory_space<vmem_shared>>)
      tpu.yield
    }) : () -> ()
    %run_scoped3A_8 = arith.constant 2 : i32
    "tpu.region"() ({
      %run_scoped3A_15 = tpu.sem_alloc : memref<!tpu.dma_semaphore, #tpu.memory_space<semaphore_mem>>
      %dma_start3A = arith.constant 256 : i32
      %dma_start3A_16 = arith.constant 0 : i32
      %dma_start3A_17 = tpu.memref_slice %arg7[%dma_start3A, %dma_start3A_16] : memref<512x128xf32, #tpu.memory_space<vmem>> -> memref<128x128xf32, #tpu.memory_space<vmem>>
      %dma_start3A_18 = arith.constant 0 : i32
      %dma_start3A_19 = tpu.memref_slice %arg6[%run_scoped3A_8, %dma_start3A_18] : memref<4x128xi32, #tpu.memory_space<vmem>> -> memref<1x128xi32, #tpu.memory_space<vmem>>
      %dma_start3A_20 = tpu.memref_squeeze %dma_start3A_19 : memref<1x128xi32, #tpu.memory_space<vmem>> -> memref<128xi32, #tpu.memory_space<vmem>>
      %dma_start3A_21 = arith.constant 0 : i32
      %dma_start3A_22 = arith.constant 0 : i32
      %dma_start3A_23 = tpu.memref_slice %arg8[%dma_start3A_21, %dma_start3A_22] : memref<4096x128xf32, #tpu.memory_space<vmem_shared>> -> memref<4096x128xf32, #tpu.memory_space<vmem_shared>>
      tpu.enqueue_indirect_dma source(%dma_start3A_17 : memref<128x128xf32, #tpu.memory_space<vmem>>) target(%dma_start3A_23 : memref<4096x128xf32, #tpu.memory_space<vmem_shared>>) offsets(%dma_start3A_20 : memref<128xi32, #tpu.memory_space<vmem>>) semaphore(%run_scoped3A_15 : memref<!tpu.dma_semaphore, #tpu.memory_space<semaphore_mem>>) {add = true}
      %dma_wait3A = arith.constant 256 : i32
      %dma_wait3A_24 = arith.constant 0 : i32
      %dma_wait3A_25 = tpu.memref_slice %arg7[%dma_wait3A, %dma_wait3A_24] : memref<512x128xf32, #tpu.memory_space<vmem>> -> memref<128x128xf32, #tpu.memory_space<vmem>>
      %dma_wait3A_26 = arith.constant 0 : i32
      %dma_wait3A_27 = tpu.memref_slice %arg6[%run_scoped3A_8, %dma_wait3A_26] : memref<4x128xi32, #tpu.memory_space<vmem>> -> memref<1x128xi32, #tpu.memory_space<vmem>>
      %dma_wait3A_28 = tpu.memref_squeeze %dma_wait3A_27 : memref<1x128xi32, #tpu.memory_space<vmem>> -> memref<128xi32, #tpu.memory_space<vmem>>
      %dma_wait3A_29 = arith.constant 0 : i32
      %dma_wait3A_30 = arith.constant 0 : i32
      %dma_wait3A_31 = tpu.memref_slice %arg8[%dma_wait3A_29, %dma_wait3A_30] : memref<4096x128xf32, #tpu.memory_space<vmem_shared>> -> memref<4096x128xf32, #tpu.memory_space<vmem_shared>>
      tpu.wait_indirect_dma semaphore(%run_scoped3A_15 : memref<!tpu.dma_semaphore, #tpu.memory_space<semaphore_mem>>) src(%dma_wait3A_25 : memref<128x128xf32, #tpu.memory_space<vmem>>) dst(%dma_wait3A_31 : memref<4096x128xf32, #tpu.memory_space<vmem_shared>>)
      tpu.yield
    }) : () -> ()
    %run_scoped3A_9 = arith.constant 3 : i32
    "tpu.region"() ({
      %run_scoped3A_15 = tpu.sem_alloc : memref<!tpu.dma_semaphore, #tpu.memory_space<semaphore_mem>>
      %dma_start3A = arith.constant 384 : i32
      %dma_start3A_16 = arith.constant 0 : i32
      %dma_start3A_17 = tpu.memref_slice %arg7[%dma_start3A, %dma_start3A_16] : memref<512x128xf32, #tpu.memory_space<vmem>> -> memref<128x128xf32, #tpu.memory_space<vmem>>
      %dma_start3A_18 = arith.constant 0 : i32
      %dma_start3A_19 = tpu.memref_slice %arg6[%run_scoped3A_9, %dma_start3A_18] : memref<4x128xi32, #tpu.memory_space<vmem>> -> memref<1x128xi32, #tpu.memory_space<vmem>>
      %dma_start3A_20 = tpu.memref_squeeze %dma_start3A_19 : memref<1x128xi32, #tpu.memory_space<vmem>> -> memref<128xi32, #tpu.memory_space<vmem>>
      %dma_start3A_21 = arith.constant 0 : i32
      %dma_start3A_22 = arith.constant 0 : i32
      %dma_start3A_23 = tpu.memref_slice %arg8[%dma_start3A_21, %dma_start3A_22] : memref<4096x128xf32, #tpu.memory_space<vmem_shared>> -> memref<4096x128xf32, #tpu.memory_space<vmem_shared>>
      tpu.enqueue_indirect_dma source(%dma_start3A_17 : memref<128x128xf32, #tpu.memory_space<vmem>>) target(%dma_start3A_23 : memref<4096x128xf32, #tpu.memory_space<vmem_shared>>) offsets(%dma_start3A_20 : memref<128xi32, #tpu.memory_space<vmem>>) semaphore(%run_scoped3A_15 : memref<!tpu.dma_semaphore, #tpu.memory_space<semaphore_mem>>) {add = true}
      %dma_wait3A = arith.constant 384 : i32
      %dma_wait3A_24 = arith.constant 0 : i32
      %dma_wait3A_25 = tpu.memref_slice %arg7[%dma_wait3A, %dma_wait3A_24] : memref<512x128xf32, #tpu.memory_space<vmem>> -> memref<128x128xf32, #tpu.memory_space<vmem>>
      %dma_wait3A_26 = arith.constant 0 : i32
      %dma_wait3A_27 = tpu.memref_slice %arg6[%run_scoped3A_9, %dma_wait3A_26] : memref<4x128xi32, #tpu.memory_space<vmem>> -> memref<1x128xi32, #tpu.memory_space<vmem>>
      %dma_wait3A_28 = tpu.memref_squeeze %dma_wait3A_27 : memref<1x128xi32, #tpu.memory_space<vmem>> -> memref<128xi32, #tpu.memory_space<vmem>>
      %dma_wait3A_29 = arith.constant 0 : i32
      %dma_wait3A_30 = arith.constant 0 : i32
      %dma_wait3A_31 = tpu.memref_slice %arg8[%dma_wait3A_29, %dma_wait3A_30] : memref<4096x128xf32, #tpu.memory_space<vmem_shared>> -> memref<4096x128xf32, #tpu.memory_space<vmem_shared>>
      tpu.wait_indirect_dma semaphore(%run_scoped3A_15 : memref<!tpu.dma_semaphore, #tpu.memory_space<semaphore_mem>>) src(%dma_wait3A_25 : memref<128x128xf32, #tpu.memory_space<vmem>>) dst(%dma_wait3A_31 : memref<4096x128xf32, #tpu.memory_space<vmem_shared>>)
      tpu.yield
    }) : () -> ()
    %barrier3A_10 = arith.constant 0 : index
    tpu.barrier barrier_id(%barrier3A_10)
    %mul3A_11 = arith.constant 256 : i32
    %mul3A_12 = arith.muli %arg1, %mul3A_11 : i32
    %mul3A_13 = arith.constant 256 : i32
    %mul3A_14 = arith.muli %arg1, %mul3A_13 : i32
    "tpu.region"() ({
      %run_scoped3A_15 = tpu.sem_alloc : memref<!tpu.dma_semaphore, #tpu.memory_space<semaphore_mem>>
      %dma_start3A = arith.constant 0 : i32
      %dma_start3A_16 = tpu.memref_slice %arg5[%arg0, %mul3A_14, %dma_start3A] : memref<2x4096x128xf32, #tpu.memory_space<hbm>> -> memref<1x256x128xf32, #tpu.memory_space<hbm>>
      %dma_start3A_17 = tpu.memref_squeeze %dma_start3A_16 : memref<1x256x128xf32, #tpu.memory_space<hbm>> -> memref<256x128xf32, #tpu.memory_space<hbm>>
      %dma_start3A_18 = arith.constant 0 : i32
      %dma_start3A_19 = tpu.memref_slice %arg8[%mul3A_12, %dma_start3A_18] : memref<4096x128xf32, #tpu.memory_space<vmem_shared>> -> memref<256x128xf32, #tpu.memory_space<vmem_shared>>
      tpu.enqueue_dma source(%dma_start3A_19 : memref<256x128xf32, #tpu.memory_space<vmem_shared>>) target(%dma_start3A_17 : memref<256x128xf32, #tpu.memory_space<hbm>>) target_semaphore(%run_scoped3A_15 : memref<!tpu.dma_semaphore, #tpu.memory_space<semaphore_mem>>)
      %dma_wait3A = arith.constant 0 : i32
      %dma_wait3A_20 = tpu.memref_slice %arg5[%arg0, %mul3A_14, %dma_wait3A] : memref<2x4096x128xf32, #tpu.memory_space<hbm>> -> memref<1x256x128xf32, #tpu.memory_space<hbm>>
      %dma_wait3A_21 = tpu.memref_squeeze %dma_wait3A_20 : memref<1x256x128xf32, #tpu.memory_space<hbm>> -> memref<256x128xf32, #tpu.memory_space<hbm>>
      %dma_wait3A_22 = arith.constant 0 : i32
      %dma_wait3A_23 = tpu.memref_slice %arg8[%mul3A_12, %dma_wait3A_22] : memref<4096x128xf32, #tpu.memory_space<vmem_shared>> -> memref<256x128xf32, #tpu.memory_space<vmem_shared>>
      tpu.wait_dma2 semaphore(%run_scoped3A_15 : memref<!tpu.dma_semaphore, #tpu.memory_space<semaphore_mem>>) src(%dma_wait3A_23 : memref<256x128xf32, #tpu.memory_space<vmem_shared>>) dst(%dma_wait3A_21 : memref<256x128xf32, #tpu.memory_space<hbm>>)
      tpu.yield
    }) : () -> ()
    return
  }
}

#map = affine_map<(d0, d1) -> (0, 0)>
#map1 = affine_map<(d0, d1) -> (0, 0, 0)>
module attributes {stable_mosaic.version = 14 : i64} {
  func.func @sc_scatter(%arg0: i32, %arg1: i32, %arg2: memref<16384x128xf32, #tpu.memory_space<hbm>>, %arg3: memref<32x4x128xi32, #tpu.memory_space<hbm>>, %arg4: memref<4096x128xf32, #tpu.memory_space<hbm>>, %arg5: memref<2x4096x128xf32, #tpu.memory_space<hbm>>, %arg6: memref<4x128xi32, #tpu.memory_space<vmem>>, %arg7: memref<512x128xf32, #tpu.memory_space<vmem>>, %arg8: memref<4096x128xf32, #tpu.memory_space<vmem_shared>>, %arg9: memref<!tpu.dma_semaphore, #tpu.memory_space<semaphore_mem>>) attributes {dimension_semantics = [#tpu.dimension_semantics<core_parallel>, #tpu.dimension_semantics<subcore_parallel>], iteration_bounds = array<i64: 2, 16>, scalar_prefetch = 0 : i64, scratch_operands = 4 : i64, tpu.core_type = #tpu.core_type<sc_vector_subcore>, window_params = [{transform_indices = #map}, {transform_indices = #map1}, {transform_indices = #map}, {transform_indices = #map1}]} {
    %mul3A = arith.constant 2 : i32
    %mul3A_0 = arith.muli %arg1, %mul3A : i32
    %add3A = arith.addi %mul3A_0, %arg0 : i32
    %mul3A_1 = arith.constant 512 : i32
    %mul3A_2 = arith.muli %add3A, %mul3A_1 : i32
    %mul3A_3 = arith.constant 256 : i32
    %mul3A_4 = arith.muli %arg1, %mul3A_3 : i32
    %mul3A_5 = arith.constant 256 : i32
    %mul3A_6 = arith.muli %arg1, %mul3A_5 : i32
    "tpu.region"() ({
      %run_scoped3A_15 = tpu.sem_alloc : memref<!tpu.dma_semaphore, #tpu.memory_space<semaphore_mem>>
      %dma_start3A = arith.constant 0 : i32
      %dma_start3A_16 = tpu.memref_slice %arg8[%mul3A_6, %dma_start3A] : memref<4096x128xf32, #tpu.memory_space<vmem_shared>> -> memref<256x128xf32, #tpu.memory_space<vmem_shared>>
      %dma_start3A_17 = arith.constant 0 : i32
      %dma_start3A_18 = tpu.memref_slice %arg4[%mul3A_4, %dma_start3A_17] : memref<4096x128xf32, #tpu.memory_space<hbm>> -> memref<256x128xf32, #tpu.memory_space<hbm>>
      tpu.enqueue_dma source(%dma_start3A_18 : memref<256x128xf32, #tpu.memory_space<hbm>>) target(%dma_start3A_16 : memref<256x128xf32, #tpu.memory_space<vmem_shared>>) target_semaphore(%run_scoped3A_15 : memref<!tpu.dma_semaphore, #tpu.memory_space<semaphore_mem>>)
      %dma_wait3A = arith.constant 0 : i32
      %dma_wait3A_19 = tpu.memref_slice %arg8[%mul3A_6, %dma_wait3A] : memref<4096x128xf32, #tpu.memory_space<vmem_shared>> -> memref<256x128xf32, #tpu.memory_space<vmem_shared>>
      %dma_wait3A_20 = arith.constant 0 : i32
      %dma_wait3A_21 = tpu.memref_slice %arg4[%mul3A_4, %dma_wait3A_20] : memref<4096x128xf32, #tpu.memory_space<hbm>> -> memref<256x128xf32, #tpu.memory_space<hbm>>
      tpu.wait_dma2 semaphore(%run_scoped3A_15 : memref<!tpu.dma_semaphore, #tpu.memory_space<semaphore_mem>>) src(%dma_wait3A_21 : memref<256x128xf32, #tpu.memory_space<hbm>>) dst(%dma_wait3A_19 : memref<256x128xf32, #tpu.memory_space<vmem_shared>>)
      tpu.yield
    }) : () -> ()
    "tpu.region"() ({
      %run_scoped3A_15 = tpu.sem_alloc : memref<!tpu.dma_semaphore, #tpu.memory_space<semaphore_mem>>
      %dma_start3A = arith.constant 0 : i32
      %dma_start3A_16 = arith.constant 0 : i32
      %dma_start3A_17 = tpu.memref_slice %arg3[%add3A, %dma_start3A, %dma_start3A_16] : memref<32x4x128xi32, #tpu.memory_space<hbm>> -> memref<1x4x128xi32, #tpu.memory_space<hbm>>
      %dma_start3A_18 = tpu.memref_squeeze %dma_start3A_17 : memref<1x4x128xi32, #tpu.memory_space<hbm>> -> memref<4x128xi32, #tpu.memory_space<hbm>>
      %dma_start3A_19 = arith.constant 0 : i32
      %dma_start3A_20 = arith.constant 0 : i32
      %dma_start3A_21 = tpu.memref_slice %arg3[%add3A, %dma_start3A_19, %dma_start3A_20] : memref<32x4x128xi32, #tpu.memory_space<hbm>> -> memref<1x4x128xi32, #tpu.memory_space<hbm>>
      %dma_start3A_22 = tpu.memref_squeeze %dma_start3A_21 : memref<1x4x128xi32, #tpu.memory_space<hbm>> -> memref<4x128xi32, #tpu.memory_space<hbm>>
      tpu.enqueue_dma source(%dma_start3A_22 : memref<4x128xi32, #tpu.memory_space<hbm>>) target(%arg6 : memref<4x128xi32, #tpu.memory_space<vmem>>) target_semaphore(%run_scoped3A_15 : memref<!tpu.dma_semaphore, #tpu.memory_space<semaphore_mem>>)
      %dma_wait3A = arith.constant 0 : i32
      %dma_wait3A_23 = arith.constant 0 : i32
      %dma_wait3A_24 = tpu.memref_slice %arg3[%add3A, %dma_wait3A, %dma_wait3A_23] : memref<32x4x128xi32, #tpu.memory_space<hbm>> -> memref<1x4x128xi32, #tpu.memory_space<hbm>>
      %dma_wait3A_25 = tpu.memref_squeeze %dma_wait3A_24 : memref<1x4x128xi32, #tpu.memory_space<hbm>> -> memref<4x128xi32, #tpu.memory_space<hbm>>
      %dma_wait3A_26 = arith.constant 0 : i32
      %dma_wait3A_27 = arith.constant 0 : i32
      %dma_wait3A_28 = tpu.memref_slice %arg3[%add3A, %dma_wait3A_26, %dma_wait3A_27] : memref<32x4x128xi32, #tpu.memory_space<hbm>> -> memref<1x4x128xi32, #tpu.memory_space<hbm>>
      %dma_wait3A_29 = tpu.memref_squeeze %dma_wait3A_28 : memref<1x4x128xi32, #tpu.memory_space<hbm>> -> memref<4x128xi32, #tpu.memory_space<hbm>>
      tpu.wait_dma2 semaphore(%run_scoped3A_15 : memref<!tpu.dma_semaphore, #tpu.memory_space<semaphore_mem>>) src(%dma_wait3A_29 : memref<4x128xi32, #tpu.memory_space<hbm>>) dst(%arg6 : memref<4x128xi32, #tpu.memory_space<vmem>>)
      tpu.yield
    }) : () -> ()
    "tpu.region"() ({
      %run_scoped3A_15 = tpu.sem_alloc : memref<!tpu.dma_semaphore, #tpu.memory_space<semaphore_mem>>
      %dma_start3A = arith.constant 0 : i32
      %dma_start3A_16 = tpu.memref_slice %arg2[%mul3A_2, %dma_start3A] : memref<16384x128xf32, #tpu.memory_space<hbm>> -> memref<512x128xf32, #tpu.memory_space<hbm>>
      %dma_start3A_17 = arith.constant 0 : i32
      %dma_start3A_18 = tpu.memref_slice %arg2[%mul3A_2, %dma_start3A_17] : memref<16384x128xf32, #tpu.memory_space<hbm>> -> memref<512x128xf32, #tpu.memory_space<hbm>>
      tpu.enqueue_dma source(%dma_start3A_18 : memref<512x128xf32, #tpu.memory_space<hbm>>) target(%arg7 : memref<512x128xf32, #tpu.memory_space<vmem>>) target_semaphore(%run_scoped3A_15 : memref<!tpu.dma_semaphore, #tpu.memory_space<semaphore_mem>>)
      %dma_wait3A = arith.constant 0 : i32
      %dma_wait3A_19 = tpu.memref_slice %arg2[%mul3A_2, %dma_wait3A] : memref<16384x128xf32, #tpu.memory_space<hbm>> -> memref<512x128xf32, #tpu.memory_space<hbm>>
      %dma_wait3A_20 = arith.constant 0 : i32
      %dma_wait3A_21 = tpu.memref_slice %arg2[%mul3A_2, %dma_wait3A_20] : memref<16384x128xf32, #tpu.memory_space<hbm>> -> memref<512x128xf32, #tpu.memory_space<hbm>>
      tpu.wait_dma2 semaphore(%run_scoped3A_15 : memref<!tpu.dma_semaphore, #tpu.memory_space<semaphore_mem>>) src(%dma_wait3A_21 : memref<512x128xf32, #tpu.memory_space<hbm>>) dst(%arg7 : memref<512x128xf32, #tpu.memory_space<vmem>>)
      tpu.yield
    }) : () -> ()
    %barrier3A = arith.constant 0 : index
    tpu.barrier barrier_id(%barrier3A)
    %run_scoped3A = arith.constant 0 : i32
    "tpu.region"() ({
      %run_scoped3A_15 = tpu.sem_alloc : memref<!tpu.dma_semaphore, #tpu.memory_space<semaphore_mem>>
      %dma_start3A = arith.constant 0 : i32
      %dma_start3A_16 = arith.constant 0 : i32
      %dma_start3A_17 = tpu.memref_slice %arg7[%dma_start3A, %dma_start3A_16] : memref<512x128xf32, #tpu.memory_space<vmem>> -> memref<128x128xf32, #tpu.memory_space<vmem>>
      %dma_start3A_18 = arith.constant 0 : i32
      %dma_start3A_19 = tpu.memref_slice %arg6[%run_scoped3A, %dma_start3A_18] : memref<4x128xi32, #tpu.memory_space<vmem>> -> memref<1x128xi32, #tpu.memory_space<vmem>>
      %dma_start3A_20 = tpu.memref_squeeze %dma_start3A_19 : memref<1x128xi32, #tpu.memory_space<vmem>> -> memref<128xi32, #tpu.memory_space<vmem>>
      %dma_start3A_21 = arith.constant 0 : i32
      %dma_start3A_22 = arith.constant 0 : i32
      %dma_start3A_23 = tpu.memref_slice %arg8[%dma_start3A_21, %dma_start3A_22] : memref<4096x128xf32, #tpu.memory_space<vmem_shared>> -> memref<4096x128xf32, #tpu.memory_space<vmem_shared>>
      tpu.enqueue_indirect_dma source(%dma_start3A_17 : memref<128x128xf32, #tpu.memory_space<vmem>>) target(%dma_start3A_23 : memref<4096x128xf32, #tpu.memory_space<vmem_shared>>) offsets(%dma_start3A_20 : memref<128xi32, #tpu.memory_space<vmem>>) semaphore(%run_scoped3A_15 : memref<!tpu.dma_semaphore, #tpu.memory_space<semaphore_mem>>) {add = true}
      %dma_wait3A = arith.constant 0 : i32
      %dma_wait3A_24 = arith.constant 0 : i32
      %dma_wait3A_25 = tpu.memref_slice %arg7[%dma_wait3A, %dma_wait3A_24] : memref<512x128xf32, #tpu.memory_space<vmem>> -> memref<128x128xf32, #tpu.memory_space<vmem>>
      %dma_wait3A_26 = arith.constant 0 : i32
      %dma_wait3A_27 = tpu.memref_slice %arg6[%run_scoped3A, %dma_wait3A_26] : memref<4x128xi32, #tpu.memory_space<vmem>> -> memref<1x128xi32, #tpu.memory_space<vmem>>
      %dma_wait3A_28 = tpu.memref_squeeze %dma_wait3A_27 : memref<1x128xi32, #tpu.memory_space<vmem>> -> memref<128xi32, #tpu.memory_space<vmem>>
      %dma_wait3A_29 = arith.constant 0 : i32
      %dma_wait3A_30 = arith.constant 0 : i32
      %dma_wait3A_31 = tpu.memref_slice %arg8[%dma_wait3A_29, %dma_wait3A_30] : memref<4096x128xf32, #tpu.memory_space<vmem_shared>> -> memref<4096x128xf32, #tpu.memory_space<vmem_shared>>
      tpu.wait_indirect_dma semaphore(%run_scoped3A_15 : memref<!tpu.dma_semaphore, #tpu.memory_space<semaphore_mem>>) src(%dma_wait3A_25 : memref<128x128xf32, #tpu.memory_space<vmem>>) dst(%dma_wait3A_31 : memref<4096x128xf32, #tpu.memory_space<vmem_shared>>)
      tpu.yield
    }) : () -> ()
    %run_scoped3A_7 = arith.constant 1 : i32
    "tpu.region"() ({
      %run_scoped3A_15 = tpu.sem_alloc : memref<!tpu.dma_semaphore, #tpu.memory_space<semaphore_mem>>
      %dma_start3A = arith.constant 128 : i32
      %dma_start3A_16 = arith.constant 0 : i32
      %dma_start3A_17 = tpu.memref_slice %arg7[%dma_start3A, %dma_start3A_16] : memref<512x128xf32, #tpu.memory_space<vmem>> -> memref<128x128xf32, #tpu.memory_space<vmem>>
      %dma_start3A_18 = arith.constant 0 : i32
      %dma_start3A_19 = tpu.memref_slice %arg6[%run_scoped3A_7, %dma_start3A_18] : memref<4x128xi32, #tpu.memory_space<vmem>> -> memref<1x128xi32, #tpu.memory_space<vmem>>
      %dma_start3A_20 = tpu.memref_squeeze %dma_start3A_19 : memref<1x128xi32, #tpu.memory_space<vmem>> -> memref<128xi32, #tpu.memory_space<vmem>>
      %dma_start3A_21 = arith.constant 0 : i32
      %dma_start3A_22 = arith.constant 0 : i32
      %dma_start3A_23 = tpu.memref_slice %arg8[%dma_start3A_21, %dma_start3A_22] : memref<4096x128xf32, #tpu.memory_space<vmem_shared>> -> memref<4096x128xf32, #tpu.memory_space<vmem_shared>>
      tpu.enqueue_indirect_dma source(%dma_start3A_17 : memref<128x128xf32, #tpu.memory_space<vmem>>) target(%dma_start3A_23 : memref<4096x128xf32, #tpu.memory_space<vmem_shared>>) offsets(%dma_start3A_20 : memref<128xi32, #tpu.memory_space<vmem>>) semaphore(%run_scoped3A_15 : memref<!tpu.dma_semaphore, #tpu.memory_space<semaphore_mem>>) {add = true}
      %dma_wait3A = arith.constant 128 : i32
      %dma_wait3A_24 = arith.constant 0 : i32
      %dma_wait3A_25 = tpu.memref_slice %arg7[%dma_wait3A, %dma_wait3A_24] : memref<512x128xf32, #tpu.memory_space<vmem>> -> memref<128x128xf32, #tpu.memory_space<vmem>>
      %dma_wait3A_26 = arith.constant 0 : i32
      %dma_wait3A_27 = tpu.memref_slice %arg6[%run_scoped3A_7, %dma_wait3A_26] : memref<4x128xi32, #tpu.memory_space<vmem>> -> memref<1x128xi32, #tpu.memory_space<vmem>>
      %dma_wait3A_28 = tpu.memref_squeeze %dma_wait3A_27 : memref<1x128xi32, #tpu.memory_space<vmem>> -> memref<128xi32, #tpu.memory_space<vmem>>
      %dma_wait3A_29 = arith.constant 0 : i32
      %dma_wait3A_30 = arith.constant 0 : i32
      %dma_wait3A_31 = tpu.memref_slice %arg8[%dma_wait3A_29, %dma_wait3A_30] : memref<4096x128xf32, #tpu.memory_space<vmem_shared>> -> memref<4096x128xf32, #tpu.memory_space<vmem_shared>>
      tpu.wait_indirect_dma semaphore(%run_scoped3A_15 : memref<!tpu.dma_semaphore, #tpu.memory_space<semaphore_mem>>) src(%dma_wait3A_25 : memref<128x128xf32, #tpu.memory_space<vmem>>) dst(%dma_wait3A_31 : memref<4096x128xf32, #tpu.memory_space<vmem_shared>>)
      tpu.yield
    }) : () -> ()
    %run_scoped3A_8 = arith.constant 2 : i32
    "tpu.region"() ({
      %run_scoped3A_15 = tpu.sem_alloc : memref<!tpu.dma_semaphore, #tpu.memory_space<semaphore_mem>>
      %dma_start3A = arith.constant 256 : i32
      %dma_start3A_16 = arith.constant 0 : i32
      %dma_start3A_17 = tpu.memref_slice %arg7[%dma_start3A, %dma_start3A_16] : memref<512x128xf32, #tpu.memory_space<vmem>> -> memref<128x128xf32, #tpu.memory_space<vmem>>
      %dma_start3A_18 = arith.constant 0 : i32
      %dma_start3A_19 = tpu.memref_slice %arg6[%run_scoped3A_8, %dma_start3A_18] : memref<4x128xi32, #tpu.memory_space<vmem>> -> memref<1x128xi32, #tpu.memory_space<vmem>>
      %dma_start3A_20 = tpu.memref_squeeze %dma_start3A_19 : memref<1x128xi32, #tpu.memory_space<vmem>> -> memref<128xi32, #tpu.memory_space<vmem>>
      %dma_start3A_21 = arith.constant 0 : i32
      %dma_start3A_22 = arith.constant 0 : i32
      %dma_start3A_23 = tpu.memref_slice %arg8[%dma_start3A_21, %dma_start3A_22] : memref<4096x128xf32, #tpu.memory_space<vmem_shared>> -> memref<4096x128xf32, #tpu.memory_space<vmem_shared>>
      tpu.enqueue_indirect_dma source(%dma_start3A_17 : memref<128x128xf32, #tpu.memory_space<vmem>>) target(%dma_start3A_23 : memref<4096x128xf32, #tpu.memory_space<vmem_shared>>) offsets(%dma_start3A_20 : memref<128xi32, #tpu.memory_space<vmem>>) semaphore(%run_scoped3A_15 : memref<!tpu.dma_semaphore, #tpu.memory_space<semaphore_mem>>) {add = true}
      %dma_wait3A = arith.constant 256 : i32
      %dma_wait3A_24 = arith.constant 0 : i32
      %dma_wait3A_25 = tpu.memref_slice %arg7[%dma_wait3A, %dma_wait3A_24] : memref<512x128xf32, #tpu.memory_space<vmem>> -> memref<128x128xf32, #tpu.memory_space<vmem>>
      %dma_wait3A_26 = arith.constant 0 : i32
      %dma_wait3A_27 = tpu.memref_slice %arg6[%run_scoped3A_8, %dma_wait3A_26] : memref<4x128xi32, #tpu.memory_space<vmem>> -> memref<1x128xi32, #tpu.memory_space<vmem>>
      %dma_wait3A_28 = tpu.memref_squeeze %dma_wait3A_27 : memref<1x128xi32, #tpu.memory_space<vmem>> -> memref<128xi32, #tpu.memory_space<vmem>>
      %dma_wait3A_29 = arith.constant 0 : i32
      %dma_wait3A_30 = arith.constant 0 : i32
      %dma_wait3A_31 = tpu.memref_slice %arg8[%dma_wait3A_29, %dma_wait3A_30] : memref<4096x128xf32, #tpu.memory_space<vmem_shared>> -> memref<4096x128xf32, #tpu.memory_space<vmem_shared>>
      tpu.wait_indirect_dma semaphore(%run_scoped3A_15 : memref<!tpu.dma_semaphore, #tpu.memory_space<semaphore_mem>>) src(%dma_wait3A_25 : memref<128x128xf32, #tpu.memory_space<vmem>>) dst(%dma_wait3A_31 : memref<4096x128xf32, #tpu.memory_space<vmem_shared>>)
      tpu.yield
    }) : () -> ()
    %run_scoped3A_9 = arith.constant 3 : i32
    "tpu.region"() ({
      %run_scoped3A_15 = tpu.sem_alloc : memref<!tpu.dma_semaphore, #tpu.memory_space<semaphore_mem>>
      %dma_start3A = arith.constant 384 : i32
      %dma_start3A_16 = arith.constant 0 : i32
      %dma_start3A_17 = tpu.memref_slice %arg7[%dma_start3A, %dma_start3A_16] : memref<512x128xf32, #tpu.memory_space<vmem>> -> memref<128x128xf32, #tpu.memory_space<vmem>>
      %dma_start3A_18 = arith.constant 0 : i32
      %dma_start3A_19 = tpu.memref_slice %arg6[%run_scoped3A_9, %dma_start3A_18] : memref<4x128xi32, #tpu.memory_space<vmem>> -> memref<1x128xi32, #tpu.memory_space<vmem>>
      %dma_start3A_20 = tpu.memref_squeeze %dma_start3A_19 : memref<1x128xi32, #tpu.memory_space<vmem>> -> memref<128xi32, #tpu.memory_space<vmem>>
      %dma_start3A_21 = arith.constant 0 : i32
      %dma_start3A_22 = arith.constant 0 : i32
      %dma_start3A_23 = tpu.memref_slice %arg8[%dma_start3A_21, %dma_start3A_22] : memref<4096x128xf32, #tpu.memory_space<vmem_shared>> -> memref<4096x128xf32, #tpu.memory_space<vmem_shared>>
      tpu.enqueue_indirect_dma source(%dma_start3A_17 : memref<128x128xf32, #tpu.memory_space<vmem>>) target(%dma_start3A_23 : memref<4096x128xf32, #tpu.memory_space<vmem_shared>>) offsets(%dma_start3A_20 : memref<128xi32, #tpu.memory_space<vmem>>) semaphore(%run_scoped3A_15 : memref<!tpu.dma_semaphore, #tpu.memory_space<semaphore_mem>>) {add = true}
      %dma_wait3A = arith.constant 384 : i32
      %dma_wait3A_24 = arith.constant 0 : i32
      %dma_wait3A_25 = tpu.memref_slice %arg7[%dma_wait3A, %dma_wait3A_24] : memref<512x128xf32, #tpu.memory_space<vmem>> -> memref<128x128xf32, #tpu.memory_space<vmem>>
      %dma_wait3A_26 = arith.constant 0 : i32
      %dma_wait3A_27 = tpu.memref_slice %arg6[%run_scoped3A_9, %dma_wait3A_26] : memref<4x128xi32, #tpu.memory_space<vmem>> -> memref<1x128xi32, #tpu.memory_space<vmem>>
      %dma_wait3A_28 = tpu.memref_squeeze %dma_wait3A_27 : memref<1x128xi32, #tpu.memory_space<vmem>> -> memref<128xi32, #tpu.memory_space<vmem>>
      %dma_wait3A_29 = arith.constant 0 : i32
      %dma_wait3A_30 = arith.constant 0 : i32
      %dma_wait3A_31 = tpu.memref_slice %arg8[%dma_wait3A_29, %dma_wait3A_30] : memref<4096x128xf32, #tpu.memory_space<vmem_shared>> -> memref<4096x128xf32, #tpu.memory_space<vmem_shared>>
      tpu.wait_indirect_dma semaphore(%run_scoped3A_15 : memref<!tpu.dma_semaphore, #tpu.memory_space<semaphore_mem>>) src(%dma_wait3A_25 : memref<128x128xf32, #tpu.memory_space<vmem>>) dst(%dma_wait3A_31 : memref<4096x128xf32, #tpu.memory_space<vmem_shared>>)
      tpu.yield
    }) : () -> ()
    %barrier3A_10 = arith.constant 0 : index
    tpu.barrier barrier_id(%barrier3A_10)
    %mul3A_11 = arith.constant 256 : i32
    %mul3A_12 = arith.muli %arg1, %mul3A_11 : i32
    %mul3A_13 = arith.constant 256 : i32
    %mul3A_14 = arith.muli %arg1, %mul3A_13 : i32
    "tpu.region"() ({
      %run_scoped3A_15 = tpu.sem_alloc : memref<!tpu.dma_semaphore, #tpu.memory_space<semaphore_mem>>
      %dma_start3A = arith.constant 0 : i32
      %dma_start3A_16 = tpu.memref_slice %arg5[%arg0, %mul3A_14, %dma_start3A] : memref<2x4096x128xf32, #tpu.memory_space<hbm>> -> memref<1x256x128xf32, #tpu.memory_space<hbm>>
      %dma_start3A_17 = tpu.memref_squeeze %dma_start3A_16 : memref<1x256x128xf32, #tpu.memory_space<hbm>> -> memref<256x128xf32, #tpu.memory_space<hbm>>
      %dma_start3A_18 = arith.constant 0 : i32
      %dma_start3A_19 = tpu.memref_slice %arg8[%mul3A_12, %dma_start3A_18] : memref<4096x128xf32, #tpu.memory_space<vmem_shared>> -> memref<256x128xf32, #tpu.memory_space<vmem_shared>>
      tpu.enqueue_dma source(%dma_start3A_19 : memref<256x128xf32, #tpu.memory_space<vmem_shared>>) target(%dma_start3A_17 : memref<256x128xf32, #tpu.memory_space<hbm>>) target_semaphore(%run_scoped3A_15 : memref<!tpu.dma_semaphore, #tpu.memory_space<semaphore_mem>>)
      %dma_wait3A = arith.constant 0 : i32
      %dma_wait3A_20 = tpu.memref_slice %arg5[%arg0, %mul3A_14, %dma_wait3A] : memref<2x4096x128xf32, #tpu.memory_space<hbm>> -> memref<1x256x128xf32, #tpu.memory_space<hbm>>
      %dma_wait3A_21 = tpu.memref_squeeze %dma_wait3A_20 : memref<1x256x128xf32, #tpu.memory_space<hbm>> -> memref<256x128xf32, #tpu.memory_space<hbm>>
      %dma_wait3A_22 = arith.constant 0 : i32
      %dma_wait3A_23 = tpu.memref_slice %arg8[%mul3A_12, %dma_wait3A_22] : memref<4096x128xf32, #tpu.memory_space<vmem_shared>> -> memref<256x128xf32, #tpu.memory_space<vmem_shared>>
      tpu.wait_dma2 semaphore(%run_scoped3A_15 : memref<!tpu.dma_semaphore, #tpu.memory_space<semaphore_mem>>) src(%dma_wait3A_23 : memref<256x128xf32, #tpu.memory_space<vmem_shared>>) dst(%dma_wait3A_21 : memref<256x128xf32, #tpu.memory_space<hbm>>)
      tpu.yield
    }) : () -> ()
    return
  }
}

#map = affine_map<(d0, d1) -> (0, 0)>
#map1 = affine_map<(d0, d1) -> (0, 0, 0)>
module attributes {stable_mosaic.version = 14 : i64} {
  func.func @sc_gather(%arg0: i32, %arg1: i32, %arg2: memref<4096x128xf32, #tpu.memory_space<hbm>>, %arg3: memref<32x4x128xi32, #tpu.memory_space<hbm>>, %arg4: memref<16384x128xf32, #tpu.memory_space<hbm>>, %arg5: memref<4x128xi32, #tpu.memory_space<vmem>>, %arg6: memref<512x128xf32, #tpu.memory_space<vmem>>, %arg7: memref<!tpu.dma_semaphore, #tpu.memory_space<semaphore_mem>>) attributes {dimension_semantics = [#tpu.dimension_semantics<core_parallel>, #tpu.dimension_semantics<subcore_parallel>], iteration_bounds = array<i64: 2, 16>, scalar_prefetch = 0 : i64, scratch_operands = 3 : i64, tpu.core_type = #tpu.core_type<sc_vector_subcore>, window_params = [{transform_indices = #map}, {transform_indices = #map1}, {transform_indices = #map}]} {
    %mul3A = arith.constant 2 : i32
    %mul3A_0 = arith.muli %arg1, %mul3A : i32
    %add3A = arith.addi %mul3A_0, %arg0 : i32
    %mul3A_1 = arith.constant 512 : i32
    %mul3A_2 = arith.muli %add3A, %mul3A_1 : i32
    "tpu.region"() ({
      %run_scoped3A = tpu.sem_alloc : memref<!tpu.dma_semaphore, #tpu.memory_space<semaphore_mem>>
      %dma_start3A_81 = arith.constant 0 : i32
      %dma_start3A_82 = arith.constant 0 : i32
      %dma_start3A_83 = tpu.memref_slice %arg3[%add3A, %dma_start3A_81, %dma_start3A_82] : memref<32x4x128xi32, #tpu.memory_space<hbm>> -> memref<1x4x128xi32, #tpu.memory_space<hbm>>
      %dma_start3A_84 = tpu.memref_squeeze %dma_start3A_83 : memref<1x4x128xi32, #tpu.memory_space<hbm>> -> memref<4x128xi32, #tpu.memory_space<hbm>>
      %dma_start3A_85 = arith.constant 0 : i32
      %dma_start3A_86 = arith.constant 0 : i32
      %dma_start3A_87 = tpu.memref_slice %arg3[%add3A, %dma_start3A_85, %dma_start3A_86] : memref<32x4x128xi32, #tpu.memory_space<hbm>> -> memref<1x4x128xi32, #tpu.memory_space<hbm>>
      %dma_start3A_88 = tpu.memref_squeeze %dma_start3A_87 : memref<1x4x128xi32, #tpu.memory_space<hbm>> -> memref<4x128xi32, #tpu.memory_space<hbm>>
      tpu.enqueue_dma source(%dma_start3A_88 : memref<4x128xi32, #tpu.memory_space<hbm>>) target(%arg5 : memref<4x128xi32, #tpu.memory_space<vmem>>) target_semaphore(%run_scoped3A : memref<!tpu.dma_semaphore, #tpu.memory_space<semaphore_mem>>)
      %dma_wait3A_89 = arith.constant 0 : i32
      %dma_wait3A_90 = arith.constant 0 : i32
      %dma_wait3A_91 = tpu.memref_slice %arg3[%add3A, %dma_wait3A_89, %dma_wait3A_90] : memref<32x4x128xi32, #tpu.memory_space<hbm>> -> memref<1x4x128xi32, #tpu.memory_space<hbm>>
      %dma_wait3A_92 = tpu.memref_squeeze %dma_wait3A_91 : memref<1x4x128xi32, #tpu.memory_space<hbm>> -> memref<4x128xi32, #tpu.memory_space<hbm>>
      %dma_wait3A_93 = arith.constant 0 : i32
      %dma_wait3A_94 = arith.constant 0 : i32
      %dma_wait3A_95 = tpu.memref_slice %arg3[%add3A, %dma_wait3A_93, %dma_wait3A_94] : memref<32x4x128xi32, #tpu.memory_space<hbm>> -> memref<1x4x128xi32, #tpu.memory_space<hbm>>
      %dma_wait3A_96 = tpu.memref_squeeze %dma_wait3A_95 : memref<1x4x128xi32, #tpu.memory_space<hbm>> -> memref<4x128xi32, #tpu.memory_space<hbm>>
      tpu.wait_dma2 semaphore(%run_scoped3A : memref<!tpu.dma_semaphore, #tpu.memory_space<semaphore_mem>>) src(%dma_wait3A_96 : memref<4x128xi32, #tpu.memory_space<hbm>>) dst(%arg5 : memref<4x128xi32, #tpu.memory_space<vmem>>)
      tpu.yield
    }) : () -> ()
    %dma_start3A = arith.constant 0 : i32
    %dma_start3A_3 = arith.constant 0 : i32
    %dma_start3A_4 = arith.constant 0 : i32
    %dma_start3A_5 = tpu.memref_slice %arg6[%dma_start3A_3, %dma_start3A_4] : memref<512x128xf32, #tpu.memory_space<vmem>> -> memref<128x128xf32, #tpu.memory_space<vmem>>
    %dma_start3A_6 = arith.constant 0 : i32
    %dma_start3A_7 = tpu.memref_slice %arg5[%dma_start3A, %dma_start3A_6] : memref<4x128xi32, #tpu.memory_space<vmem>> -> memref<1x128xi32, #tpu.memory_space<vmem>>
    %dma_start3A_8 = tpu.memref_squeeze %dma_start3A_7 : memref<1x128xi32, #tpu.memory_space<vmem>> -> memref<128xi32, #tpu.memory_space<vmem>>
    %dma_start3A_9 = arith.constant 0 : i32
    %dma_start3A_10 = arith.constant 0 : i32
    %dma_start3A_11 = tpu.memref_slice %arg2[%dma_start3A_9, %dma_start3A_10] : memref<4096x128xf32, #tpu.memory_space<hbm>> -> memref<4096x128xf32, #tpu.memory_space<hbm>>
    tpu.enqueue_indirect_dma source(%dma_start3A_11 : memref<4096x128xf32, #tpu.memory_space<hbm>>) target(%dma_start3A_5 : memref<128x128xf32, #tpu.memory_space<vmem>>) offsets(%dma_start3A_8 : memref<128xi32, #tpu.memory_space<vmem>>) semaphore(%arg7 : memref<!tpu.dma_semaphore, #tpu.memory_space<semaphore_mem>>)
    %dma_start3A_12 = arith.constant 1 : i32
    %dma_start3A_13 = arith.constant 128 : i32
    %dma_start3A_14 = arith.constant 0 : i32
    %dma_start3A_15 = tpu.memref_slice %arg6[%dma_start3A_13, %dma_start3A_14] : memref<512x128xf32, #tpu.memory_space<vmem>> -> memref<128x128xf32, #tpu.memory_space<vmem>>
    %dma_start3A_16 = arith.constant 0 : i32
    %dma_start3A_17 = tpu.memref_slice %arg5[%dma_start3A_12, %dma_start3A_16] : memref<4x128xi32, #tpu.memory_space<vmem>> -> memref<1x128xi32, #tpu.memory_space<vmem>>
    %dma_start3A_18 = tpu.memref_squeeze %dma_start3A_17 : memref<1x128xi32, #tpu.memory_space<vmem>> -> memref<128xi32, #tpu.memory_space<vmem>>
    %dma_start3A_19 = arith.constant 0 : i32
    %dma_start3A_20 = arith.constant 0 : i32
    %dma_start3A_21 = tpu.memref_slice %arg2[%dma_start3A_19, %dma_start3A_20] : memref<4096x128xf32, #tpu.memory_space<hbm>> -> memref<4096x128xf32, #tpu.memory_space<hbm>>
    tpu.enqueue_indirect_dma source(%dma_start3A_21 : memref<4096x128xf32, #tpu.memory_space<hbm>>) target(%dma_start3A_15 : memref<128x128xf32, #tpu.memory_space<vmem>>) offsets(%dma_start3A_18 : memref<128xi32, #tpu.memory_space<vmem>>) semaphore(%arg7 : memref<!tpu.dma_semaphore, #tpu.memory_space<semaphore_mem>>)
    %dma_start3A_22 = arith.constant 2 : i32
    %dma_start3A_23 = arith.constant 256 : i32
    %dma_start3A_24 = arith.constant 0 : i32
    %dma_start3A_25 = tpu.memref_slice %arg6[%dma_start3A_23, %dma_start3A_24] : memref<512x128xf32, #tpu.memory_space<vmem>> -> memref<128x128xf32, #tpu.memory_space<vmem>>
    %dma_start3A_26 = arith.constant 0 : i32
    %dma_start3A_27 = tpu.memref_slice %arg5[%dma_start3A_22, %dma_start3A_26] : memref<4x128xi32, #tpu.memory_space<vmem>> -> memref<1x128xi32, #tpu.memory_space<vmem>>
    %dma_start3A_28 = tpu.memref_squeeze %dma_start3A_27 : memref<1x128xi32, #tpu.memory_space<vmem>> -> memref<128xi32, #tpu.memory_space<vmem>>
    %dma_start3A_29 = arith.constant 0 : i32
    %dma_start3A_30 = arith.constant 0 : i32
    %dma_start3A_31 = tpu.memref_slice %arg2[%dma_start3A_29, %dma_start3A_30] : memref<4096x128xf32, #tpu.memory_space<hbm>> -> memref<4096x128xf32, #tpu.memory_space<hbm>>
    tpu.enqueue_indirect_dma source(%dma_start3A_31 : memref<4096x128xf32, #tpu.memory_space<hbm>>) target(%dma_start3A_25 : memref<128x128xf32, #tpu.memory_space<vmem>>) offsets(%dma_start3A_28 : memref<128xi32, #tpu.memory_space<vmem>>) semaphore(%arg7 : memref<!tpu.dma_semaphore, #tpu.memory_space<semaphore_mem>>)
    %dma_start3A_32 = arith.constant 3 : i32
    %dma_start3A_33 = arith.constant 384 : i32
    %dma_start3A_34 = arith.constant 0 : i32
    %dma_start3A_35 = tpu.memref_slice %arg6[%dma_start3A_33, %dma_start3A_34] : memref<512x128xf32, #tpu.memory_space<vmem>> -> memref<128x128xf32, #tpu.memory_space<vmem>>
    %dma_start3A_36 = arith.constant 0 : i32
    %dma_start3A_37 = tpu.memref_slice %arg5[%dma_start3A_32, %dma_start3A_36] : memref<4x128xi32, #tpu.memory_space<vmem>> -> memref<1x128xi32, #tpu.memory_space<vmem>>
    %dma_start3A_38 = tpu.memref_squeeze %dma_start3A_37 : memref<1x128xi32, #tpu.memory_space<vmem>> -> memref<128xi32, #tpu.memory_space<vmem>>
    %dma_start3A_39 = arith.constant 0 : i32
    %dma_start3A_40 = arith.constant 0 : i32
    %dma_start3A_41 = tpu.memref_slice %arg2[%dma_start3A_39, %dma_start3A_40] : memref<4096x128xf32, #tpu.memory_space<hbm>> -> memref<4096x128xf32, #tpu.memory_space<hbm>>
    tpu.enqueue_indirect_dma source(%dma_start3A_41 : memref<4096x128xf32, #tpu.memory_space<hbm>>) target(%dma_start3A_35 : memref<128x128xf32, #tpu.memory_space<vmem>>) offsets(%dma_start3A_38 : memref<128xi32, #tpu.memory_space<vmem>>) semaphore(%arg7 : memref<!tpu.dma_semaphore, #tpu.memory_space<semaphore_mem>>)
    %dma_wait3A = arith.constant 0 : i32
    %dma_wait3A_42 = arith.constant 0 : i32
    %dma_wait3A_43 = arith.constant 0 : i32
    %dma_wait3A_44 = tpu.memref_slice %arg6[%dma_wait3A_42, %dma_wait3A_43] : memref<512x128xf32, #tpu.memory_space<vmem>> -> memref<128x128xf32, #tpu.memory_space<vmem>>
    %dma_wait3A_45 = arith.constant 0 : i32
    %dma_wait3A_46 = tpu.memref_slice %arg5[%dma_wait3A, %dma_wait3A_45] : memref<4x128xi32, #tpu.memory_space<vmem>> -> memref<1x128xi32, #tpu.memory_space<vmem>>
    %dma_wait3A_47 = tpu.memref_squeeze %dma_wait3A_46 : memref<1x128xi32, #tpu.memory_space<vmem>> -> memref<128xi32, #tpu.memory_space<vmem>>
    %dma_wait3A_48 = arith.constant 0 : i32
    %dma_wait3A_49 = arith.constant 0 : i32
    %dma_wait3A_50 = tpu.memref_slice %arg2[%dma_wait3A_48, %dma_wait3A_49] : memref<4096x128xf32, #tpu.memory_space<hbm>> -> memref<4096x128xf32, #tpu.memory_space<hbm>>
    tpu.wait_indirect_dma semaphore(%arg7 : memref<!tpu.dma_semaphore, #tpu.memory_space<semaphore_mem>>) src(%dma_wait3A_50 : memref<4096x128xf32, #tpu.memory_space<hbm>>) dst(%dma_wait3A_44 : memref<128x128xf32, #tpu.memory_space<vmem>>)
    %dma_wait3A_51 = arith.constant 1 : i32
    %dma_wait3A_52 = arith.constant 128 : i32
    %dma_wait3A_53 = arith.constant 0 : i32
    %dma_wait3A_54 = tpu.memref_slice %arg6[%dma_wait3A_52, %dma_wait3A_53] : memref<512x128xf32, #tpu.memory_space<vmem>> -> memref<128x128xf32, #tpu.memory_space<vmem>>
    %dma_wait3A_55 = arith.constant 0 : i32
    %dma_wait3A_56 = tpu.memref_slice %arg5[%dma_wait3A_51, %dma_wait3A_55] : memref<4x128xi32, #tpu.memory_space<vmem>> -> memref<1x128xi32, #tpu.memory_space<vmem>>
    %dma_wait3A_57 = tpu.memref_squeeze %dma_wait3A_56 : memref<1x128xi32, #tpu.memory_space<vmem>> -> memref<128xi32, #tpu.memory_space<vmem>>
    %dma_wait3A_58 = arith.constant 0 : i32
    %dma_wait3A_59 = arith.constant 0 : i32
    %dma_wait3A_60 = tpu.memref_slice %arg2[%dma_wait3A_58, %dma_wait3A_59] : memref<4096x128xf32, #tpu.memory_space<hbm>> -> memref<4096x128xf32, #tpu.memory_space<hbm>>
    tpu.wait_indirect_dma semaphore(%arg7 : memref<!tpu.dma_semaphore, #tpu.memory_space<semaphore_mem>>) src(%dma_wait3A_60 : memref<4096x128xf32, #tpu.memory_space<hbm>>) dst(%dma_wait3A_54 : memref<128x128xf32, #tpu.memory_space<vmem>>)
    %dma_wait3A_61 = arith.constant 2 : i32
    %dma_wait3A_62 = arith.constant 256 : i32
    %dma_wait3A_63 = arith.constant 0 : i32
    %dma_wait3A_64 = tpu.memref_slice %arg6[%dma_wait3A_62, %dma_wait3A_63] : memref<512x128xf32, #tpu.memory_space<vmem>> -> memref<128x128xf32, #tpu.memory_space<vmem>>
    %dma_wait3A_65 = arith.constant 0 : i32
    %dma_wait3A_66 = tpu.memref_slice %arg5[%dma_wait3A_61, %dma_wait3A_65] : memref<4x128xi32, #tpu.memory_space<vmem>> -> memref<1x128xi32, #tpu.memory_space<vmem>>
    %dma_wait3A_67 = tpu.memref_squeeze %dma_wait3A_66 : memref<1x128xi32, #tpu.memory_space<vmem>> -> memref<128xi32, #tpu.memory_space<vmem>>
    %dma_wait3A_68 = arith.constant 0 : i32
    %dma_wait3A_69 = arith.constant 0 : i32
    %dma_wait3A_70 = tpu.memref_slice %arg2[%dma_wait3A_68, %dma_wait3A_69] : memref<4096x128xf32, #tpu.memory_space<hbm>> -> memref<4096x128xf32, #tpu.memory_space<hbm>>
    tpu.wait_indirect_dma semaphore(%arg7 : memref<!tpu.dma_semaphore, #tpu.memory_space<semaphore_mem>>) src(%dma_wait3A_70 : memref<4096x128xf32, #tpu.memory_space<hbm>>) dst(%dma_wait3A_64 : memref<128x128xf32, #tpu.memory_space<vmem>>)
    %dma_wait3A_71 = arith.constant 3 : i32
    %dma_wait3A_72 = arith.constant 384 : i32
    %dma_wait3A_73 = arith.constant 0 : i32
    %dma_wait3A_74 = tpu.memref_slice %arg6[%dma_wait3A_72, %dma_wait3A_73] : memref<512x128xf32, #tpu.memory_space<vmem>> -> memref<128x128xf32, #tpu.memory_space<vmem>>
    %dma_wait3A_75 = arith.constant 0 : i32
    %dma_wait3A_76 = tpu.memref_slice %arg5[%dma_wait3A_71, %dma_wait3A_75] : memref<4x128xi32, #tpu.memory_space<vmem>> -> memref<1x128xi32, #tpu.memory_space<vmem>>
    %dma_wait3A_77 = tpu.memref_squeeze %dma_wait3A_76 : memref<1x128xi32, #tpu.memory_space<vmem>> -> memref<128xi32, #tpu.memory_space<vmem>>
    %dma_wait3A_78 = arith.constant 0 : i32
    %dma_wait3A_79 = arith.constant 0 : i32
    %dma_wait3A_80 = tpu.memref_slice %arg2[%dma_wait3A_78, %dma_wait3A_79] : memref<4096x128xf32, #tpu.memory_space<hbm>> -> memref<4096x128xf32, #tpu.memory_space<hbm>>
    tpu.wait_indirect_dma semaphore(%arg7 : memref<!tpu.dma_semaphore, #tpu.memory_space<semaphore_mem>>) src(%dma_wait3A_80 : memref<4096x128xf32, #tpu.memory_space<hbm>>) dst(%dma_wait3A_74 : memref<128x128xf32, #tpu.memory_space<vmem>>)
    "tpu.region"() ({
      %run_scoped3A = tpu.sem_alloc : memref<!tpu.dma_semaphore, #tpu.memory_space<semaphore_mem>>
      %dma_start3A_81 = arith.constant 0 : i32
      %dma_start3A_82 = tpu.memref_slice %arg4[%mul3A_2, %dma_start3A_81] : memref<16384x128xf32, #tpu.memory_space<hbm>> -> memref<512x128xf32, #tpu.memory_space<hbm>>
      %dma_start3A_83 = arith.constant 0 : i32
      %dma_start3A_84 = tpu.memref_slice %arg4[%mul3A_2, %dma_start3A_83] : memref<16384x128xf32, #tpu.memory_space<hbm>> -> memref<512x128xf32, #tpu.memory_space<hbm>>
      tpu.enqueue_dma source(%arg6 : memref<512x128xf32, #tpu.memory_space<vmem>>) target(%dma_start3A_84 : memref<512x128xf32, #tpu.memory_space<hbm>>) target_semaphore(%run_scoped3A : memref<!tpu.dma_semaphore, #tpu.memory_space<semaphore_mem>>)
      %dma_wait3A_85 = arith.constant 0 : i32
      %dma_wait3A_86 = tpu.memref_slice %arg4[%mul3A_2, %dma_wait3A_85] : memref<16384x128xf32, #tpu.memory_space<hbm>> -> memref<512x128xf32, #tpu.memory_space<hbm>>
      %dma_wait3A_87 = arith.constant 0 : i32
      %dma_wait3A_88 = tpu.memref_slice %arg4[%mul3A_2, %dma_wait3A_87] : memref<16384x128xf32, #tpu.memory_space<hbm>> -> memref<512x128xf32, #tpu.memory_space<hbm>>
      tpu.wait_dma2 semaphore(%run_scoped3A : memref<!tpu.dma_semaphore, #tpu.memory_space<semaphore_mem>>) src(%arg6 : memref<512x128xf32, #tpu.memory_space<vmem>>) dst(%dma_wait3A_88 : memref<512x128xf32, #tpu.memory_space<hbm>>)
      tpu.yield
    }) : () -> ()
    return
  }
}

#map = affine_map<(d0, d1) -> (0, 0)>
#map1 = affine_map<(d0, d1) -> (0, 0, 0)>
module attributes {stable_mosaic.version = 14 : i64} {
  func.func @sc_scatter(%arg0: i32, %arg1: i32, %arg2: memref<16384x128xf32, #tpu.memory_space<hbm>>, %arg3: memref<32x4x128xi32, #tpu.memory_space<hbm>>, %arg4: memref<4096x128xf32, #tpu.memory_space<hbm>>, %arg5: memref<2x4096x128xf32, #tpu.memory_space<hbm>>, %arg6: memref<4x128xi32, #tpu.memory_space<vmem>>, %arg7: memref<512x128xf32, #tpu.memory_space<vmem>>, %arg8: memref<4096x128xf32, #tpu.memory_space<vmem_shared>>, %arg9: memref<!tpu.dma_semaphore, #tpu.memory_space<semaphore_mem>>) attributes {dimension_semantics = [#tpu.dimension_semantics<core_parallel>, #tpu.dimension_semantics<subcore_parallel>], iteration_bounds = array<i64: 2, 16>, scalar_prefetch = 0 : i64, scratch_operands = 4 : i64, tpu.core_type = #tpu.core_type<sc_vector_subcore>, window_params = [{transform_indices = #map}, {transform_indices = #map1}, {transform_indices = #map}, {transform_indices = #map1}]} {
    %mul3A = arith.constant 2 : i32
    %mul3A_0 = arith.muli %arg1, %mul3A : i32
    %add3A = arith.addi %mul3A_0, %arg0 : i32
    %mul3A_1 = arith.constant 512 : i32
    %mul3A_2 = arith.muli %add3A, %mul3A_1 : i32
    %mul3A_3 = arith.constant 256 : i32
    %mul3A_4 = arith.muli %arg1, %mul3A_3 : i32
    %mul3A_5 = arith.constant 256 : i32
    %mul3A_6 = arith.muli %arg1, %mul3A_5 : i32
    "tpu.region"() ({
      %run_scoped3A_15 = tpu.sem_alloc : memref<!tpu.dma_semaphore, #tpu.memory_space<semaphore_mem>>
      %dma_start3A = arith.constant 0 : i32
      %dma_start3A_16 = tpu.memref_slice %arg8[%mul3A_6, %dma_start3A] : memref<4096x128xf32, #tpu.memory_space<vmem_shared>> -> memref<256x128xf32, #tpu.memory_space<vmem_shared>>
      %dma_start3A_17 = arith.constant 0 : i32
      %dma_start3A_18 = tpu.memref_slice %arg4[%mul3A_4, %dma_start3A_17] : memref<4096x128xf32, #tpu.memory_space<hbm>> -> memref<256x128xf32, #tpu.memory_space<hbm>>
      tpu.enqueue_dma source(%dma_start3A_18 : memref<256x128xf32, #tpu.memory_space<hbm>>) target(%dma_start3A_16 : memref<256x128xf32, #tpu.memory_space<vmem_shared>>) target_semaphore(%run_scoped3A_15 : memref<!tpu.dma_semaphore, #tpu.memory_space<semaphore_mem>>)
      %dma_wait3A = arith.constant 0 : i32
      %dma_wait3A_19 = tpu.memref_slice %arg8[%mul3A_6, %dma_wait3A] : memref<4096x128xf32, #tpu.memory_space<vmem_shared>> -> memref<256x128xf32, #tpu.memory_space<vmem_shared>>
      %dma_wait3A_20 = arith.constant 0 : i32
      %dma_wait3A_21 = tpu.memref_slice %arg4[%mul3A_4, %dma_wait3A_20] : memref<4096x128xf32, #tpu.memory_space<hbm>> -> memref<256x128xf32, #tpu.memory_space<hbm>>
      tpu.wait_dma2 semaphore(%run_scoped3A_15 : memref<!tpu.dma_semaphore, #tpu.memory_space<semaphore_mem>>) src(%dma_wait3A_21 : memref<256x128xf32, #tpu.memory_space<hbm>>) dst(%dma_wait3A_19 : memref<256x128xf32, #tpu.memory_space<vmem_shared>>)
      tpu.yield
    }) : () -> ()
    "tpu.region"() ({
      %run_scoped3A_15 = tpu.sem_alloc : memref<!tpu.dma_semaphore, #tpu.memory_space<semaphore_mem>>
      %dma_start3A = arith.constant 0 : i32
      %dma_start3A_16 = arith.constant 0 : i32
      %dma_start3A_17 = tpu.memref_slice %arg3[%add3A, %dma_start3A, %dma_start3A_16] : memref<32x4x128xi32, #tpu.memory_space<hbm>> -> memref<1x4x128xi32, #tpu.memory_space<hbm>>
      %dma_start3A_18 = tpu.memref_squeeze %dma_start3A_17 : memref<1x4x128xi32, #tpu.memory_space<hbm>> -> memref<4x128xi32, #tpu.memory_space<hbm>>
      %dma_start3A_19 = arith.constant 0 : i32
      %dma_start3A_20 = arith.constant 0 : i32
      %dma_start3A_21 = tpu.memref_slice %arg3[%add3A, %dma_start3A_19, %dma_start3A_20] : memref<32x4x128xi32, #tpu.memory_space<hbm>> -> memref<1x4x128xi32, #tpu.memory_space<hbm>>
      %dma_start3A_22 = tpu.memref_squeeze %dma_start3A_21 : memref<1x4x128xi32, #tpu.memory_space<hbm>> -> memref<4x128xi32, #tpu.memory_space<hbm>>
      tpu.enqueue_dma source(%dma_start3A_22 : memref<4x128xi32, #tpu.memory_space<hbm>>) target(%arg6 : memref<4x128xi32, #tpu.memory_space<vmem>>) target_semaphore(%run_scoped3A_15 : memref<!tpu.dma_semaphore, #tpu.memory_space<semaphore_mem>>)
      %dma_wait3A = arith.constant 0 : i32
      %dma_wait3A_23 = arith.constant 0 : i32
      %dma_wait3A_24 = tpu.memref_slice %arg3[%add3A, %dma_wait3A, %dma_wait3A_23] : memref<32x4x128xi32, #tpu.memory_space<hbm>> -> memref<1x4x128xi32, #tpu.memory_space<hbm>>
      %dma_wait3A_25 = tpu.memref_squeeze %dma_wait3A_24 : memref<1x4x128xi32, #tpu.memory_space<hbm>> -> memref<4x128xi32, #tpu.memory_space<hbm>>
      %dma_wait3A_26 = arith.constant 0 : i32
      %dma_wait3A_27 = arith.constant 0 : i32
      %dma_wait3A_28 = tpu.memref_slice %arg3[%add3A, %dma_wait3A_26, %dma_wait3A_27] : memref<32x4x128xi32, #tpu.memory_space<hbm>> -> memref<1x4x128xi32, #tpu.memory_space<hbm>>
      %dma_wait3A_29 = tpu.memref_squeeze %dma_wait3A_28 : memref<1x4x128xi32, #tpu.memory_space<hbm>> -> memref<4x128xi32, #tpu.memory_space<hbm>>
      tpu.wait_dma2 semaphore(%run_scoped3A_15 : memref<!tpu.dma_semaphore, #tpu.memory_space<semaphore_mem>>) src(%dma_wait3A_29 : memref<4x128xi32, #tpu.memory_space<hbm>>) dst(%arg6 : memref<4x128xi32, #tpu.memory_space<vmem>>)
      tpu.yield
    }) : () -> ()
    "tpu.region"() ({
      %run_scoped3A_15 = tpu.sem_alloc : memref<!tpu.dma_semaphore, #tpu.memory_space<semaphore_mem>>
      %dma_start3A = arith.constant 0 : i32
      %dma_start3A_16 = tpu.memref_slice %arg2[%mul3A_2, %dma_start3A] : memref<16384x128xf32, #tpu.memory_space<hbm>> -> memref<512x128xf32, #tpu.memory_space<hbm>>
      %dma_start3A_17 = arith.constant 0 : i32
      %dma_start3A_18 = tpu.memref_slice %arg2[%mul3A_2, %dma_start3A_17] : memref<16384x128xf32, #tpu.memory_space<hbm>> -> memref<512x128xf32, #tpu.memory_space<hbm>>
      tpu.enqueue_dma source(%dma_start3A_18 : memref<512x128xf32, #tpu.memory_space<hbm>>) target(%arg7 : memref<512x128xf32, #tpu.memory_space<vmem>>) target_semaphore(%run_scoped3A_15 : memref<!tpu.dma_semaphore, #tpu.memory_space<semaphore_mem>>)
      %dma_wait3A = arith.constant 0 : i32
      %dma_wait3A_19 = tpu.memref_slice %arg2[%mul3A_2, %dma_wait3A] : memref<16384x128xf32, #tpu.memory_space<hbm>> -> memref<512x128xf32, #tpu.memory_space<hbm>>
      %dma_wait3A_20 = arith.constant 0 : i32
      %dma_wait3A_21 = tpu.memref_slice %arg2[%mul3A_2, %dma_wait3A_20] : memref<16384x128xf32, #tpu.memory_space<hbm>> -> memref<512x128xf32, #tpu.memory_space<hbm>>
      tpu.wait_dma2 semaphore(%run_scoped3A_15 : memref<!tpu.dma_semaphore, #tpu.memory_space<semaphore_mem>>) src(%dma_wait3A_21 : memref<512x128xf32, #tpu.memory_space<hbm>>) dst(%arg7 : memref<512x128xf32, #tpu.memory_space<vmem>>)
      tpu.yield
    }) : () -> ()
    %barrier3A = arith.constant 0 : index
    tpu.barrier barrier_id(%barrier3A)
    %run_scoped3A = arith.constant 0 : i32
    "tpu.region"() ({
      %run_scoped3A_15 = tpu.sem_alloc : memref<!tpu.dma_semaphore, #tpu.memory_space<semaphore_mem>>
      %dma_start3A = arith.constant 0 : i32
      %dma_start3A_16 = arith.constant 0 : i32
      %dma_start3A_17 = tpu.memref_slice %arg7[%dma_start3A, %dma_start3A_16] : memref<512x128xf32, #tpu.memory_space<vmem>> -> memref<128x128xf32, #tpu.memory_space<vmem>>
      %dma_start3A_18 = arith.constant 0 : i32
      %dma_start3A_19 = tpu.memref_slice %arg6[%run_scoped3A, %dma_start3A_18] : memref<4x128xi32, #tpu.memory_space<vmem>> -> memref<1x128xi32, #tpu.memory_space<vmem>>
      %dma_start3A_20 = tpu.memref_squeeze %dma_start3A_19 : memref<1x128xi32, #tpu.memory_space<vmem>> -> memref<128xi32, #tpu.memory_space<vmem>>
      %dma_start3A_21 = arith.constant 0 : i32
      %dma_start3A_22 = arith.constant 0 : i32
      %dma_start3A_23 = tpu.memref_slice %arg8[%dma_start3A_21, %dma_start3A_22] : memref<4096x128xf32, #tpu.memory_space<vmem_shared>> -> memref<4096x128xf32, #tpu.memory_space<vmem_shared>>
      tpu.enqueue_indirect_dma source(%dma_start3A_17 : memref<128x128xf32, #tpu.memory_space<vmem>>) target(%dma_start3A_23 : memref<4096x128xf32, #tpu.memory_space<vmem_shared>>) offsets(%dma_start3A_20 : memref<128xi32, #tpu.memory_space<vmem>>) semaphore(%run_scoped3A_15 : memref<!tpu.dma_semaphore, #tpu.memory_space<semaphore_mem>>) {add = true}
      %dma_wait3A = arith.constant 0 : i32
      %dma_wait3A_24 = arith.constant 0 : i32
      %dma_wait3A_25 = tpu.memref_slice %arg7[%dma_wait3A, %dma_wait3A_24] : memref<512x128xf32, #tpu.memory_space<vmem>> -> memref<128x128xf32, #tpu.memory_space<vmem>>
      %dma_wait3A_26 = arith.constant 0 : i32
      %dma_wait3A_27 = tpu.memref_slice %arg6[%run_scoped3A, %dma_wait3A_26] : memref<4x128xi32, #tpu.memory_space<vmem>> -> memref<1x128xi32, #tpu.memory_space<vmem>>
      %dma_wait3A_28 = tpu.memref_squeeze %dma_wait3A_27 : memref<1x128xi32, #tpu.memory_space<vmem>> -> memref<128xi32, #tpu.memory_space<vmem>>
      %dma_wait3A_29 = arith.constant 0 : i32
      %dma_wait3A_30 = arith.constant 0 : i32
      %dma_wait3A_31 = tpu.memref_slice %arg8[%dma_wait3A_29, %dma_wait3A_30] : memref<4096x128xf32, #tpu.memory_space<vmem_shared>> -> memref<4096x128xf32, #tpu.memory_space<vmem_shared>>
      tpu.wait_indirect_dma semaphore(%run_scoped3A_15 : memref<!tpu.dma_semaphore, #tpu.memory_space<semaphore_mem>>) src(%dma_wait3A_25 : memref<128x128xf32, #tpu.memory_space<vmem>>) dst(%dma_wait3A_31 : memref<4096x128xf32, #tpu.memory_space<vmem_shared>>)
      tpu.yield
    }) : () -> ()
    %run_scoped3A_7 = arith.constant 1 : i32
    "tpu.region"() ({
      %run_scoped3A_15 = tpu.sem_alloc : memref<!tpu.dma_semaphore, #tpu.memory_space<semaphore_mem>>
      %dma_start3A = arith.constant 128 : i32
      %dma_start3A_16 = arith.constant 0 : i32
      %dma_start3A_17 = tpu.memref_slice %arg7[%dma_start3A, %dma_start3A_16] : memref<512x128xf32, #tpu.memory_space<vmem>> -> memref<128x128xf32, #tpu.memory_space<vmem>>
      %dma_start3A_18 = arith.constant 0 : i32
      %dma_start3A_19 = tpu.memref_slice %arg6[%run_scoped3A_7, %dma_start3A_18] : memref<4x128xi32, #tpu.memory_space<vmem>> -> memref<1x128xi32, #tpu.memory_space<vmem>>
      %dma_start3A_20 = tpu.memref_squeeze %dma_start3A_19 : memref<1x128xi32, #tpu.memory_space<vmem>> -> memref<128xi32, #tpu.memory_space<vmem>>
      %dma_start3A_21 = arith.constant 0 : i32
      %dma_start3A_22 = arith.constant 0 : i32
      %dma_start3A_23 = tpu.memref_slice %arg8[%dma_start3A_21, %dma_start3A_22] : memref<4096x128xf32, #tpu.memory_space<vmem_shared>> -> memref<4096x128xf32, #tpu.memory_space<vmem_shared>>
      tpu.enqueue_indirect_dma source(%dma_start3A_17 : memref<128x128xf32, #tpu.memory_space<vmem>>) target(%dma_start3A_23 : memref<4096x128xf32, #tpu.memory_space<vmem_shared>>) offsets(%dma_start3A_20 : memref<128xi32, #tpu.memory_space<vmem>>) semaphore(%run_scoped3A_15 : memref<!tpu.dma_semaphore, #tpu.memory_space<semaphore_mem>>) {add = true}
      %dma_wait3A = arith.constant 128 : i32
      %dma_wait3A_24 = arith.constant 0 : i32
      %dma_wait3A_25 = tpu.memref_slice %arg7[%dma_wait3A, %dma_wait3A_24] : memref<512x128xf32, #tpu.memory_space<vmem>> -> memref<128x128xf32, #tpu.memory_space<vmem>>
      %dma_wait3A_26 = arith.constant 0 : i32
      %dma_wait3A_27 = tpu.memref_slice %arg6[%run_scoped3A_7, %dma_wait3A_26] : memref<4x128xi32, #tpu.memory_space<vmem>> -> memref<1x128xi32, #tpu.memory_space<vmem>>
      %dma_wait3A_28 = tpu.memref_squeeze %dma_wait3A_27 : memref<1x128xi32, #tpu.memory_space<vmem>> -> memref<128xi32, #tpu.memory_space<vmem>>
      %dma_wait3A_29 = arith.constant 0 : i32
      %dma_wait3A_30 = arith.constant 0 : i32
      %dma_wait3A_31 = tpu.memref_slice %arg8[%dma_wait3A_29, %dma_wait3A_30] : memref<4096x128xf32, #tpu.memory_space<vmem_shared>> -> memref<4096x128xf32, #tpu.memory_space<vmem_shared>>
      tpu.wait_indirect_dma semaphore(%run_scoped3A_15 : memref<!tpu.dma_semaphore, #tpu.memory_space<semaphore_mem>>) src(%dma_wait3A_25 : memref<128x128xf32, #tpu.memory_space<vmem>>) dst(%dma_wait3A_31 : memref<4096x128xf32, #tpu.memory_space<vmem_shared>>)
      tpu.yield
    }) : () -> ()
    %run_scoped3A_8 = arith.constant 2 : i32
    "tpu.region"() ({
      %run_scoped3A_15 = tpu.sem_alloc : memref<!tpu.dma_semaphore, #tpu.memory_space<semaphore_mem>>
      %dma_start3A = arith.constant 256 : i32
      %dma_start3A_16 = arith.constant 0 : i32
      %dma_start3A_17 = tpu.memref_slice %arg7[%dma_start3A, %dma_start3A_16] : memref<512x128xf32, #tpu.memory_space<vmem>> -> memref<128x128xf32, #tpu.memory_space<vmem>>
      %dma_start3A_18 = arith.constant 0 : i32
      %dma_start3A_19 = tpu.memref_slice %arg6[%run_scoped3A_8, %dma_start3A_18] : memref<4x128xi32, #tpu.memory_space<vmem>> -> memref<1x128xi32, #tpu.memory_space<vmem>>
      %dma_start3A_20 = tpu.memref_squeeze %dma_start3A_19 : memref<1x128xi32, #tpu.memory_space<vmem>> -> memref<128xi32, #tpu.memory_space<vmem>>
      %dma_start3A_21 = arith.constant 0 : i32
      %dma_start3A_22 = arith.constant 0 : i32
      %dma_start3A_23 = tpu.memref_slice %arg8[%dma_start3A_21, %dma_start3A_22] : memref<4096x128xf32, #tpu.memory_space<vmem_shared>> -> memref<4096x128xf32, #tpu.memory_space<vmem_shared>>
      tpu.enqueue_indirect_dma source(%dma_start3A_17 : memref<128x128xf32, #tpu.memory_space<vmem>>) target(%dma_start3A_23 : memref<4096x128xf32, #tpu.memory_space<vmem_shared>>) offsets(%dma_start3A_20 : memref<128xi32, #tpu.memory_space<vmem>>) semaphore(%run_scoped3A_15 : memref<!tpu.dma_semaphore, #tpu.memory_space<semaphore_mem>>) {add = true}
      %dma_wait3A = arith.constant 256 : i32
      %dma_wait3A_24 = arith.constant 0 : i32
      %dma_wait3A_25 = tpu.memref_slice %arg7[%dma_wait3A, %dma_wait3A_24] : memref<512x128xf32, #tpu.memory_space<vmem>> -> memref<128x128xf32, #tpu.memory_space<vmem>>
      %dma_wait3A_26 = arith.constant 0 : i32
      %dma_wait3A_27 = tpu.memref_slice %arg6[%run_scoped3A_8, %dma_wait3A_26] : memref<4x128xi32, #tpu.memory_space<vmem>> -> memref<1x128xi32, #tpu.memory_space<vmem>>
      %dma_wait3A_28 = tpu.memref_squeeze %dma_wait3A_27 : memref<1x128xi32, #tpu.memory_space<vmem>> -> memref<128xi32, #tpu.memory_space<vmem>>
      %dma_wait3A_29 = arith.constant 0 : i32
      %dma_wait3A_30 = arith.constant 0 : i32
      %dma_wait3A_31 = tpu.memref_slice %arg8[%dma_wait3A_29, %dma_wait3A_30] : memref<4096x128xf32, #tpu.memory_space<vmem_shared>> -> memref<4096x128xf32, #tpu.memory_space<vmem_shared>>
      tpu.wait_indirect_dma semaphore(%run_scoped3A_15 : memref<!tpu.dma_semaphore, #tpu.memory_space<semaphore_mem>>) src(%dma_wait3A_25 : memref<128x128xf32, #tpu.memory_space<vmem>>) dst(%dma_wait3A_31 : memref<4096x128xf32, #tpu.memory_space<vmem_shared>>)
      tpu.yield
    }) : () -> ()
    %run_scoped3A_9 = arith.constant 3 : i32
    "tpu.region"() ({
      %run_scoped3A_15 = tpu.sem_alloc : memref<!tpu.dma_semaphore, #tpu.memory_space<semaphore_mem>>
      %dma_start3A = arith.constant 384 : i32
      %dma_start3A_16 = arith.constant 0 : i32
      %dma_start3A_17 = tpu.memref_slice %arg7[%dma_start3A, %dma_start3A_16] : memref<512x128xf32, #tpu.memory_space<vmem>> -> memref<128x128xf32, #tpu.memory_space<vmem>>
      %dma_start3A_18 = arith.constant 0 : i32
      %dma_start3A_19 = tpu.memref_slice %arg6[%run_scoped3A_9, %dma_start3A_18] : memref<4x128xi32, #tpu.memory_space<vmem>> -> memref<1x128xi32, #tpu.memory_space<vmem>>
      %dma_start3A_20 = tpu.memref_squeeze %dma_start3A_19 : memref<1x128xi32, #tpu.memory_space<vmem>> -> memref<128xi32, #tpu.memory_space<vmem>>
      %dma_start3A_21 = arith.constant 0 : i32
      %dma_start3A_22 = arith.constant 0 : i32
      %dma_start3A_23 = tpu.memref_slice %arg8[%dma_start3A_21, %dma_start3A_22] : memref<4096x128xf32, #tpu.memory_space<vmem_shared>> -> memref<4096x128xf32, #tpu.memory_space<vmem_shared>>
      tpu.enqueue_indirect_dma source(%dma_start3A_17 : memref<128x128xf32, #tpu.memory_space<vmem>>) target(%dma_start3A_23 : memref<4096x128xf32, #tpu.memory_space<vmem_shared>>) offsets(%dma_start3A_20 : memref<128xi32, #tpu.memory_space<vmem>>) semaphore(%run_scoped3A_15 : memref<!tpu.dma_semaphore, #tpu.memory_space<semaphore_mem>>) {add = true}
      %dma_wait3A = arith.constant 384 : i32
      %dma_wait3A_24 = arith.constant 0 : i32
      %dma_wait3A_25 = tpu.memref_slice %arg7[%dma_wait3A, %dma_wait3A_24] : memref<512x128xf32, #tpu.memory_space<vmem>> -> memref<128x128xf32, #tpu.memory_space<vmem>>
      %dma_wait3A_26 = arith.constant 0 : i32
      %dma_wait3A_27 = tpu.memref_slice %arg6[%run_scoped3A_9, %dma_wait3A_26] : memref<4x128xi32, #tpu.memory_space<vmem>> -> memref<1x128xi32, #tpu.memory_space<vmem>>
      %dma_wait3A_28 = tpu.memref_squeeze %dma_wait3A_27 : memref<1x128xi32, #tpu.memory_space<vmem>> -> memref<128xi32, #tpu.memory_space<vmem>>
      %dma_wait3A_29 = arith.constant 0 : i32
      %dma_wait3A_30 = arith.constant 0 : i32
      %dma_wait3A_31 = tpu.memref_slice %arg8[%dma_wait3A_29, %dma_wait3A_30] : memref<4096x128xf32, #tpu.memory_space<vmem_shared>> -> memref<4096x128xf32, #tpu.memory_space<vmem_shared>>
      tpu.wait_indirect_dma semaphore(%run_scoped3A_15 : memref<!tpu.dma_semaphore, #tpu.memory_space<semaphore_mem>>) src(%dma_wait3A_25 : memref<128x128xf32, #tpu.memory_space<vmem>>) dst(%dma_wait3A_31 : memref<4096x128xf32, #tpu.memory_space<vmem_shared>>)
      tpu.yield
    }) : () -> ()
    %barrier3A_10 = arith.constant 0 : index
    tpu.barrier barrier_id(%barrier3A_10)
    %mul3A_11 = arith.constant 256 : i32
    %mul3A_12 = arith.muli %arg1, %mul3A_11 : i32
    %mul3A_13 = arith.constant 256 : i32
    %mul3A_14 = arith.muli %arg1, %mul3A_13 : i32
    "tpu.region"() ({
      %run_scoped3A_15 = tpu.sem_alloc : memref<!tpu.dma_semaphore, #tpu.memory_space<semaphore_mem>>
      %dma_start3A = arith.constant 0 : i32
      %dma_start3A_16 = tpu.memref_slice %arg5[%arg0, %mul3A_14, %dma_start3A] : memref<2x4096x128xf32, #tpu.memory_space<hbm>> -> memref<1x256x128xf32, #tpu.memory_space<hbm>>
      %dma_start3A_17 = tpu.memref_squeeze %dma_start3A_16 : memref<1x256x128xf32, #tpu.memory_space<hbm>> -> memref<256x128xf32, #tpu.memory_space<hbm>>
      %dma_start3A_18 = arith.constant 0 : i32
      %dma_start3A_19 = tpu.memref_slice %arg8[%mul3A_12, %dma_start3A_18] : memref<4096x128xf32, #tpu.memory_space<vmem_shared>> -> memref<256x128xf32, #tpu.memory_space<vmem_shared>>
      tpu.enqueue_dma source(%dma_start3A_19 : memref<256x128xf32, #tpu.memory_space<vmem_shared>>) target(%dma_start3A_17 : memref<256x128xf32, #tpu.memory_space<hbm>>) target_semaphore(%run_scoped3A_15 : memref<!tpu.dma_semaphore, #tpu.memory_space<semaphore_mem>>)
      %dma_wait3A = arith.constant 0 : i32
      %dma_wait3A_20 = tpu.memref_slice %arg5[%arg0, %mul3A_14, %dma_wait3A] : memref<2x4096x128xf32, #tpu.memory_space<hbm>> -> memref<1x256x128xf32, #tpu.memory_space<hbm>>
      %dma_wait3A_21 = tpu.memref_squeeze %dma_wait3A_20 : memref<1x256x128xf32, #tpu.memory_space<hbm>> -> memref<256x128xf32, #tpu.memory_space<hbm>>
      %dma_wait3A_22 = arith.constant 0 : i32
      %dma_wait3A_23 = tpu.memref_slice %arg8[%mul3A_12, %dma_wait3A_22] : memref<4096x128xf32, #tpu.memory_space<vmem_shared>> -> memref<256x128xf32, #tpu.memory_space<vmem_shared>>
      tpu.wait_dma2 semaphore(%run_scoped3A_15 : memref<!tpu.dma_semaphore, #tpu.memory_space<semaphore_mem>>) src(%dma_wait3A_23 : memref<256x128xf32, #tpu.memory_space<vmem_shared>>) dst(%dma_wait3A_21 : memref<256x128xf32, #tpu.memory_space<hbm>>)
      tpu.yield
    }) : () -> ()
    return
  }
}

module attributes {stable_mosaic.version = 14 : i64} {
  func.func @_prologue_body(%arg0: memref<4096x11xf32, #tpu.memory_space<vmem>>, %arg1: memref<6x16384xf32, #tpu.memory_space<vmem>>, %arg2: memref<11x64xf32, #tpu.memory_space<vmem>>, %arg3: memref<1x64xf32, #tpu.memory_space<vmem>>, %arg4: memref<128x6xf32, #tpu.memory_space<vmem>>, %arg5: memref<128x1xf32, #tpu.memory_space<vmem>>, %arg6: memref<4096x128xf32, #tpu.memory_space<vmem>>, %arg7: memref<128x16384xbf16, #tpu.memory_space<vmem>>) attributes {dimension_semantics = [], scalar_prefetch = 0 : i64, scratch_operands = 0 : i64, tpu.core_type = #tpu.core_type<tc>} {
    %get3A = arith.constant 0 : index
    %get3A_0 = arith.constant 0 : index
    %get3A_1 = vector.load %arg0[%get3A, %get3A_0] : memref<4096x11xf32, #tpu.memory_space<vmem>>, vector<4096x11xf32>
    %get3A_2 = arith.constant 0 : index
    %get3A_3 = arith.constant 0 : index
    %get3A_4 = vector.load %arg2[%get3A_2, %get3A_3] : memref<11x64xf32, #tpu.memory_space<vmem>>, vector<11x64xf32>
    %dot_general3A = arith.constant dense<0.000000e+00> : vector<4096x64xf32>
    %dot_general3A_5 = tpu.matmul %get3A_1, %get3A_4, %dot_general3A {dimension_numbers = #tpu.dot_dimension_numbers<[1], [0], [0], [1], [0, 0, 1, 1], [], []>, transpose_lhs_hint = false} : vector<4096x11xf32>, vector<11x64xf32>, vector<4096x64xf32> -> vector<4096x64xf32>
    %get3A_6 = arith.constant 0 : index
    %get3A_7 = arith.constant 0 : index
    %get3A_8 = vector.load %arg3[%get3A_6, %get3A_7] : memref<1x64xf32, #tpu.memory_space<vmem>>, vector<1x64xf32>
    %add3A = vector.broadcast %get3A_8 : vector<1x64xf32> to vector<4096x64xf32>
    %add3A_9 = arith.addf %dot_general3A_5, %add3A : vector<4096x64xf32>
    %max3A = arith.constant 0.000000e+00 : f32
    %max3A_10 = vector.broadcast %max3A : f32 to vector<4096x64xf32>
    %max3A_11 = arith.maximumf %add3A_9, %max3A_10 : vector<4096x64xf32>
    %swap3A = arith.constant 0 : index
    %swap3A_12 = arith.constant 0 : index
    %swap3A_13 = vector.load %arg6[%swap3A, %swap3A_12] : memref<4096x128xf32, #tpu.memory_space<vmem>>, vector<4096x64xf32>
    tpu.vector_store %arg6[%swap3A, %swap3A_12], %max3A_11 {strides = array<i32>} : memref<4096x128xf32, #tpu.memory_space<vmem>>, vector<4096x64xf32>,
    %broadcast_in_dim3A = arith.constant 0.000000e+00 : f32
    %broadcast_in_dim3A_14 = vector.broadcast %broadcast_in_dim3A : f32 to vector<4096x64xf32>
    %swap3A_15 = arith.constant 0 : index
    %swap3A_16 = arith.constant 64 : index
    %swap3A_17 = vector.load %arg6[%swap3A_15, %swap3A_16] : memref<4096x128xf32, #tpu.memory_space<vmem>>, vector<4096x64xf32>
    tpu.vector_store %arg6[%swap3A_15, %swap3A_16], %broadcast_in_dim3A_14 {strides = array<i32>} : memref<4096x128xf32, #tpu.memory_space<vmem>>, vector<4096x64xf32>,
    %get3A_18 = arith.constant 0 : index
    %get3A_19 = arith.constant 0 : index
    %get3A_20 = vector.load %arg4[%get3A_18, %get3A_19] : memref<128x6xf32, #tpu.memory_space<vmem>>, vector<128x6xf32>
    %get3A_21 = arith.constant 0 : index
    %get3A_22 = arith.constant 0 : index
    %get3A_23 = vector.load %arg1[%get3A_21, %get3A_22] : memref<6x16384xf32, #tpu.memory_space<vmem>>, vector<6x16384xf32>
    %dot_general3A_24 = arith.constant dense<0.000000e+00> : vector<128x16384xf32>
    %dot_general3A_25 = tpu.matmul %get3A_20, %get3A_23, %dot_general3A_24 {dimension_numbers = #tpu.dot_dimension_numbers<[1], [0], [0], [1], [0, 0, 1, 1], [], []>, transpose_lhs_hint = false} : vector<128x6xf32>, vector<6x16384xf32>, vector<128x16384xf32> -> vector<128x16384xf32>
    %get3A_26 = arith.constant 0 : index
    %get3A_27 = arith.constant 0 : index
    %get3A_28 = vector.load %arg5[%get3A_26, %get3A_27] : memref<128x1xf32, #tpu.memory_space<vmem>>, vector<128x1xf32>
    %add3A_29 = vector.broadcast %get3A_28 : vector<128x1xf32> to vector<128x16384xf32>
    %add3A_30 = arith.addf %dot_general3A_25, %add3A_29 : vector<128x16384xf32>
    %max3A_31 = arith.constant 0.000000e+00 : f32
    %max3A_32 = vector.broadcast %max3A_31 : f32 to vector<128x16384xf32>
    %max3A_33 = arith.maximumf %add3A_30, %max3A_32 : vector<128x16384xf32>
    %convert_element_type3A = arith.truncf %max3A_33 : vector<128x16384xf32> to vector<128x16384xbf16>
    %swap3A_34 = arith.constant 0 : index
    %swap3A_35 = arith.constant 0 : index
    %swap3A_36 = vector.load %arg7[%swap3A_34, %swap3A_35] : memref<128x16384xbf16, #tpu.memory_space<vmem>>, vector<128x16384xbf16>
    tpu.vector_store %arg7[%swap3A_34, %swap3A_35], %convert_element_type3A {strides = array<i32>} : memref<128x16384xbf16, #tpu.memory_space<vmem>>, vector<128x16384xbf16>,
    return
  }
}

module attributes {stable_mosaic.version = 14 : i64} {
  func.func @_msg_body(%arg0: i32, %arg1: memref<128x1024xbf16, #tpu.memory_space<vmem>>, %arg2: memref<1024x128xf32, #tpu.memory_space<vmem>>, %arg3: memref<64x8192xbf16, #tpu.memory_space<vmem>>, %arg4: memref<64x64xf32, #tpu.memory_space<vmem>>, %arg5: memref<1024x128xf32, #tpu.memory_space<vmem>>, %arg6: memref<1024x1024xbf16, #tpu.memory_space<vmem>>, %arg7: memref<1024x1024xbf16, #tpu.memory_space<vmem>>, %arg8: memref<1024x1024xbf16, #tpu.memory_space<vmem>>, %arg9: memref<1024x1024xbf16, #tpu.memory_space<vmem>>, %arg10: memref<1024x1024xbf16, #tpu.memory_space<vmem>>, %arg11: memref<1024x1024xbf16, #tpu.memory_space<vmem>>, %arg12: memref<1024x1024xbf16, #tpu.memory_space<vmem>>, %arg13: memref<1024x1024xbf16, #tpu.memory_space<vmem>>) attributes {dimension_semantics = [#tpu.dimension_semantics<arbitrary>], iteration_bounds = array<i64: 16>, scalar_prefetch = 0 : i64, scratch_operands = 8 : i64, tpu.core_type = #tpu.core_type<tc>, window_params = [{transform_indices = @transform_0, window_bounds = array<i64: 128, 1024>}, {transform_indices = @transform_1, window_bounds = array<i64: 1024, 128>}, {pipeline_mode = #tpu.pipeline_mode<synchronous>, transform_indices = @transform_2, window_bounds = array<i64: 64, 8192>}, {pipeline_mode = #tpu.pipeline_mode<synchronous>, transform_indices = @transform_3, window_bounds = array<i64: 64, 64>}, {transform_indices = @transform_4, window_bounds = array<i64: 1024, 128>}]} {
    %get3A = arith.constant 0 : index
    %get3A_0 = arith.constant 0 : index
    %get3A_1 = vector.load %arg2[%get3A, %get3A_0] : memref<1024x128xf32, #tpu.memory_space<vmem>>, vector<1024x64xf32>
    %transpose3A = tpu.transpose %get3A_1, [1, 0] : vector<1024x64xf32> -> vector<64x1024xf32>
    %convert_element_type3A = arith.truncf %transpose3A : vector<64x1024xf32> to vector<64x1024xbf16>
    %get3A_2 = arith.constant 0 : index
    %get3A_3 = arith.constant 0 : index
    %get3A_4 = vector.load %arg1[%get3A_2, %get3A_3] : memref<128x1024xbf16, #tpu.memory_space<vmem>>, vector<128x1024xbf16>
    %broadcast_in_dim3A = arith.constant 0.000000e+00 : f32
    %broadcast_in_dim3A_5 = vector.broadcast %broadcast_in_dim3A : f32 to vector<64x1024xf32>
    %slice3A = vector.extract_strided_slice %convert_element_type3A {offsets = [0, 0], sizes = [1, 1024], strides = [1, 1]} : vector<64x1024xbf16> to vector<1x1024xbf16>
    %mul3A = vector.broadcast %slice3A : vector<1x1024xbf16> to vector<128x1024xbf16>
    %mul3A_6 = arith.mulf %get3A_4, %mul3A : vector<128x1024xbf16>
    %swap3A = arith.constant 0 : index
    %swap3A_7 = arith.constant 0 : index
    %swap3A_8 = vector.load %arg6[%swap3A, %swap3A_7] : memref<1024x1024xbf16, #tpu.memory_space<vmem>>, vector<128x1024xbf16>
    tpu.vector_store %arg6[%swap3A, %swap3A_7], %mul3A_6 {strides = array<i32>} : memref<1024x1024xbf16, #tpu.memory_space<vmem>>, vector<128x1024xbf16>,
    %slice3A_9 = vector.extract_strided_slice %convert_element_type3A {offsets = [1, 0], sizes = [1, 1024], strides = [1, 1]} : vector<64x1024xbf16> to vector<1x1024xbf16>
    %mul3A_10 = vector.broadcast %slice3A_9 : vector<1x1024xbf16> to vector<128x1024xbf16>
    %mul3A_11 = arith.mulf %get3A_4, %mul3A_10 : vector<128x1024xbf16>
    %swap3A_12 = arith.constant 128 : index
    %swap3A_13 = arith.constant 0 : index
    %swap3A_14 = vector.load %arg6[%swap3A_12, %swap3A_13] : memref<1024x1024xbf16, #tpu.memory_space<vmem>>, vector<128x1024xbf16>
    tpu.vector_store %arg6[%swap3A_12, %swap3A_13], %mul3A_11 {strides = array<i32>} : memref<1024x1024xbf16, #tpu.memory_space<vmem>>, vector<128x1024xbf16>,
    %slice3A_15 = vector.extract_strided_slice %convert_element_type3A {offsets = [2, 0], sizes = [1, 1024], strides = [1, 1]} : vector<64x1024xbf16> to vector<1x1024xbf16>
    %mul3A_16 = vector.broadcast %slice3A_15 : vector<1x1024xbf16> to vector<128x1024xbf16>
    %mul3A_17 = arith.mulf %get3A_4, %mul3A_16 : vector<128x1024xbf16>
    %swap3A_18 = arith.constant 256 : index
    %swap3A_19 = arith.constant 0 : index
    %swap3A_20 = vector.load %arg6[%swap3A_18, %swap3A_19] : memref<1024x1024xbf16, #tpu.memory_space<vmem>>, vector<128x1024xbf16>
    tpu.vector_store %arg6[%swap3A_18, %swap3A_19], %mul3A_17 {strides = array<i32>} : memref<1024x1024xbf16, #tpu.memory_space<vmem>>, vector<128x1024xbf16>,
    %slice3A_21 = vector.extract_strided_slice %convert_element_type3A {offsets = [3, 0], sizes = [1, 1024], strides = [1, 1]} : vector<64x1024xbf16> to vector<1x1024xbf16>
    %mul3A_22 = vector.broadcast %slice3A_21 : vector<1x1024xbf16> to vector<128x1024xbf16>
    %mul3A_23 = arith.mulf %get3A_4, %mul3A_22 : vector<128x1024xbf16>
    %swap3A_24 = arith.constant 384 : index
    %swap3A_25 = arith.constant 0 : index
    %swap3A_26 = vector.load %arg6[%swap3A_24, %swap3A_25] : memref<1024x1024xbf16, #tpu.memory_space<vmem>>, vector<128x1024xbf16>
    tpu.vector_store %arg6[%swap3A_24, %swap3A_25], %mul3A_23 {strides = array<i32>} : memref<1024x1024xbf16, #tpu.memory_space<vmem>>, vector<128x1024xbf16>,
    %slice3A_27 = vector.extract_strided_slice %convert_element_type3A {offsets = [4, 0], sizes = [1, 1024], strides = [1, 1]} : vector<64x1024xbf16> to vector<1x1024xbf16>
    %mul3A_28 = vector.broadcast %slice3A_27 : vector<1x1024xbf16> to vector<128x1024xbf16>
    %mul3A_29 = arith.mulf %get3A_4, %mul3A_28 : vector<128x1024xbf16>
    %swap3A_30 = arith.constant 512 : index
    %swap3A_31 = arith.constant 0 : index
    %swap3A_32 = vector.load %arg6[%swap3A_30, %swap3A_31] : memref<1024x1024xbf16, #tpu.memory_space<vmem>>, vector<128x1024xbf16>
    tpu.vector_store %arg6[%swap3A_30, %swap3A_31], %mul3A_29 {strides = array<i32>} : memref<1024x1024xbf16, #tpu.memory_space<vmem>>, vector<128x1024xbf16>,
    %slice3A_33 = vector.extract_strided_slice %convert_element_type3A {offsets = [5, 0], sizes = [1, 1024], strides = [1, 1]} : vector<64x1024xbf16> to vector<1x1024xbf16>
    %mul3A_34 = vector.broadcast %slice3A_33 : vector<1x1024xbf16> to vector<128x1024xbf16>
    %mul3A_35 = arith.mulf %get3A_4, %mul3A_34 : vector<128x1024xbf16>
    %swap3A_36 = arith.constant 640 : index
    %swap3A_37 = arith.constant 0 : index
    %swap3A_38 = vector.load %arg6[%swap3A_36, %swap3A_37] : memref<1024x1024xbf16, #tpu.memory_space<vmem>>, vector<128x1024xbf16>
    tpu.vector_store %arg6[%swap3A_36, %swap3A_37], %mul3A_35 {strides = array<i32>} : memref<1024x1024xbf16, #tpu.memory_space<vmem>>, vector<128x1024xbf16>,
    %slice3A_39 = vector.extract_strided_slice %convert_element_type3A {offsets = [6, 0], sizes = [1, 1024], strides = [1, 1]} : vector<64x1024xbf16> to vector<1x1024xbf16>
    %mul3A_40 = vector.broadcast %slice3A_39 : vector<1x1024xbf16> to vector<128x1024xbf16>
    %mul3A_41 = arith.mulf %get3A_4, %mul3A_40 : vector<128x1024xbf16>
    %swap3A_42 = arith.constant 768 : index
    %swap3A_43 = arith.constant 0 : index
    %swap3A_44 = vector.load %arg6[%swap3A_42, %swap3A_43] : memref<1024x1024xbf16, #tpu.memory_space<vmem>>, vector<128x1024xbf16>
    tpu.vector_store %arg6[%swap3A_42, %swap3A_43], %mul3A_41 {strides = array<i32>} : memref<1024x1024xbf16, #tpu.memory_space<vmem>>, vector<128x1024xbf16>,
    %slice3A_45 = vector.extract_strided_slice %convert_element_type3A {offsets = [7, 0], sizes = [1, 1024], strides = [1, 1]} : vector<64x1024xbf16> to vector<1x1024xbf16>
    %mul3A_46 = vector.broadcast %slice3A_45 : vector<1x1024xbf16> to vector<128x1024xbf16>
    %mul3A_47 = arith.mulf %get3A_4, %mul3A_46 : vector<128x1024xbf16>
    %swap3A_48 = arith.constant 896 : index
    %swap3A_49 = arith.constant 0 : index
    %swap3A_50 = vector.load %arg6[%swap3A_48, %swap3A_49] : memref<1024x1024xbf16, #tpu.memory_space<vmem>>, vector<128x1024xbf16>
    tpu.vector_store %arg6[%swap3A_48, %swap3A_49], %mul3A_47 {strides = array<i32>} : memref<1024x1024xbf16, #tpu.memory_space<vmem>>, vector<128x1024xbf16>,
    %get3A_51 = arith.constant 0 : index
    %get3A_52 = arith.constant 0 : index
    %get3A_53 = vector.load %arg3[%get3A_51, %get3A_52] : memref<64x8192xbf16, #tpu.memory_space<vmem>>, vector<64x1024xbf16>
    %get3A_54 = arith.constant 0 : index
    %get3A_55 = arith.constant 0 : index
    %get3A_56 = vector.load %arg6[%get3A_54, %get3A_55] : memref<1024x1024xbf16, #tpu.memory_space<vmem>>, vector<1024x1024xbf16>
    %dot_general3A = arith.constant dense<0.000000e+00> : vector<64x1024xf32>
    %dot_general3A_57 = tpu.matmul %get3A_53, %get3A_56, %dot_general3A {dimension_numbers = #tpu.dot_dimension_numbers<[1], [0], [0], [1], [0, 0, 1, 1], [], []>, transpose_lhs_hint = false} : vector<64x1024xbf16>, vector<1024x1024xbf16>, vector<64x1024xf32> -> vector<64x1024xf32>
    %add3A = arith.addf %broadcast_in_dim3A_5, %dot_general3A_57 : vector<64x1024xf32>
    %slice3A_58 = vector.extract_strided_slice %convert_element_type3A {offsets = [8, 0], sizes = [1, 1024], strides = [1, 1]} : vector<64x1024xbf16> to vector<1x1024xbf16>
    %mul3A_59 = vector.broadcast %slice3A_58 : vector<1x1024xbf16> to vector<128x1024xbf16>
    %mul3A_60 = arith.mulf %get3A_4, %mul3A_59 : vector<128x1024xbf16>
    %swap3A_61 = arith.constant 0 : index
    %swap3A_62 = arith.constant 0 : index
    %swap3A_63 = vector.load %arg7[%swap3A_61, %swap3A_62] : memref<1024x1024xbf16, #tpu.memory_space<vmem>>, vector<128x1024xbf16>
    tpu.vector_store %arg7[%swap3A_61, %swap3A_62], %mul3A_60 {strides = array<i32>} : memref<1024x1024xbf16, #tpu.memory_space<vmem>>, vector<128x1024xbf16>,
    %slice3A_64 = vector.extract_strided_slice %convert_element_type3A {offsets = [9, 0], sizes = [1, 1024], strides = [1, 1]} : vector<64x1024xbf16> to vector<1x1024xbf16>
    %mul3A_65 = vector.broadcast %slice3A_64 : vector<1x1024xbf16> to vector<128x1024xbf16>
    %mul3A_66 = arith.mulf %get3A_4, %mul3A_65 : vector<128x1024xbf16>
    %swap3A_67 = arith.constant 128 : index
    %swap3A_68 = arith.constant 0 : index
    %swap3A_69 = vector.load %arg7[%swap3A_67, %swap3A_68] : memref<1024x1024xbf16, #tpu.memory_space<vmem>>, vector<128x1024xbf16>
    tpu.vector_store %arg7[%swap3A_67, %swap3A_68], %mul3A_66 {strides = array<i32>} : memref<1024x1024xbf16, #tpu.memory_space<vmem>>, vector<128x1024xbf16>,
    %slice3A_70 = vector.extract_strided_slice %convert_element_type3A {offsets = [10, 0], sizes = [1, 1024], strides = [1, 1]} : vector<64x1024xbf16> to vector<1x1024xbf16>
    %mul3A_71 = vector.broadcast %slice3A_70 : vector<1x1024xbf16> to vector<128x1024xbf16>
    %mul3A_72 = arith.mulf %get3A_4, %mul3A_71 : vector<128x1024xbf16>
    %swap3A_73 = arith.constant 256 : index
    %swap3A_74 = arith.constant 0 : index
    %swap3A_75 = vector.load %arg7[%swap3A_73, %swap3A_74] : memref<1024x1024xbf16, #tpu.memory_space<vmem>>, vector<128x1024xbf16>
    tpu.vector_store %arg7[%swap3A_73, %swap3A_74], %mul3A_72 {strides = array<i32>} : memref<1024x1024xbf16, #tpu.memory_space<vmem>>, vector<128x1024xbf16>,
    %slice3A_76 = vector.extract_strided_slice %convert_element_type3A {offsets = [11, 0], sizes = [1, 1024], strides = [1, 1]} : vector<64x1024xbf16> to vector<1x1024xbf16>
    %mul3A_77 = vector.broadcast %slice3A_76 : vector<1x1024xbf16> to vector<128x1024xbf16>
    %mul3A_78 = arith.mulf %get3A_4, %mul3A_77 : vector<128x1024xbf16>
    %swap3A_79 = arith.constant 384 : index
    %swap3A_80 = arith.constant 0 : index
    %swap3A_81 = vector.load %arg7[%swap3A_79, %swap3A_80] : memref<1024x1024xbf16, #tpu.memory_space<vmem>>, vector<128x1024xbf16>
    tpu.vector_store %arg7[%swap3A_79, %swap3A_80], %mul3A_78 {strides = array<i32>} : memref<1024x1024xbf16, #tpu.memory_space<vmem>>, vector<128x1024xbf16>,
    %slice3A_82 = vector.extract_strided_slice %convert_element_type3A {offsets = [12, 0], sizes = [1, 1024], strides = [1, 1]} : vector<64x1024xbf16> to vector<1x1024xbf16>
    %mul3A_83 = vector.broadcast %slice3A_82 : vector<1x1024xbf16> to vector<128x1024xbf16>
    %mul3A_84 = arith.mulf %get3A_4, %mul3A_83 : vector<128x1024xbf16>
    %swap3A_85 = arith.constant 512 : index
    %swap3A_86 = arith.constant 0 : index
    %swap3A_87 = vector.load %arg7[%swap3A_85, %swap3A_86] : memref<1024x1024xbf16, #tpu.memory_space<vmem>>, vector<128x1024xbf16>
    tpu.vector_store %arg7[%swap3A_85, %swap3A_86], %mul3A_84 {strides = array<i32>} : memref<1024x1024xbf16, #tpu.memory_space<vmem>>, vector<128x1024xbf16>,
    %slice3A_88 = vector.extract_strided_slice %convert_element_type3A {offsets = [13, 0], sizes = [1, 1024], strides = [1, 1]} : vector<64x1024xbf16> to vector<1x1024xbf16>
    %mul3A_89 = vector.broadcast %slice3A_88 : vector<1x1024xbf16> to vector<128x1024xbf16>
    %mul3A_90 = arith.mulf %get3A_4, %mul3A_89 : vector<128x1024xbf16>
    %swap3A_91 = arith.constant 640 : index
    %swap3A_92 = arith.constant 0 : index
    %swap3A_93 = vector.load %arg7[%swap3A_91, %swap3A_92] : memref<1024x1024xbf16, #tpu.memory_space<vmem>>, vector<128x1024xbf16>
    tpu.vector_store %arg7[%swap3A_91, %swap3A_92], %mul3A_90 {strides = array<i32>} : memref<1024x1024xbf16, #tpu.memory_space<vmem>>, vector<128x1024xbf16>,
    %slice3A_94 = vector.extract_strided_slice %convert_element_type3A {offsets = [14, 0], sizes = [1, 1024], strides = [1, 1]} : vector<64x1024xbf16> to vector<1x1024xbf16>
    %mul3A_95 = vector.broadcast %slice3A_94 : vector<1x1024xbf16> to vector<128x1024xbf16>
    %mul3A_96 = arith.mulf %get3A_4, %mul3A_95 : vector<128x1024xbf16>
    %swap3A_97 = arith.constant 768 : index
    %swap3A_98 = arith.constant 0 : index
    %swap3A_99 = vector.load %arg7[%swap3A_97, %swap3A_98] : memref<1024x1024xbf16, #tpu.memory_space<vmem>>, vector<128x1024xbf16>
    tpu.vector_store %arg7[%swap3A_97, %swap3A_98], %mul3A_96 {strides = array<i32>} : memref<1024x1024xbf16, #tpu.memory_space<vmem>>, vector<128x1024xbf16>,
    %slice3A_100 = vector.extract_strided_slice %convert_element_type3A {offsets = [15, 0], sizes = [1, 1024], strides = [1, 1]} : vector<64x1024xbf16> to vector<1x1024xbf16>
    %mul3A_101 = vector.broadcast %slice3A_100 : vector<1x1024xbf16> to vector<128x1024xbf16>
    %mul3A_102 = arith.mulf %get3A_4, %mul3A_101 : vector<128x1024xbf16>
    %swap3A_103 = arith.constant 896 : index
    %swap3A_104 = arith.constant 0 : index
    %swap3A_105 = vector.load %arg7[%swap3A_103, %swap3A_104] : memref<1024x1024xbf16, #tpu.memory_space<vmem>>, vector<128x1024xbf16>
    tpu.vector_store %arg7[%swap3A_103, %swap3A_104], %mul3A_102 {strides = array<i32>} : memref<1024x1024xbf16, #tpu.memory_space<vmem>>, vector<128x1024xbf16>,
    %get3A_106 = arith.constant 0 : index
    %get3A_107 = arith.constant 1024 : index
    %get3A_108 = vector.load %arg3[%get3A_106, %get3A_107] : memref<64x8192xbf16, #tpu.memory_space<vmem>>, vector<64x1024xbf16>
    %get3A_109 = arith.constant 0 : index
    %get3A_110 = arith.constant 0 : index
    %get3A_111 = vector.load %arg7[%get3A_109, %get3A_110] : memref<1024x1024xbf16, #tpu.memory_space<vmem>>, vector<1024x1024xbf16>
    %dot_general3A_112 = arith.constant dense<0.000000e+00> : vector<64x1024xf32>
    %dot_general3A_113 = tpu.matmul %get3A_108, %get3A_111, %dot_general3A_112 {dimension_numbers = #tpu.dot_dimension_numbers<[1], [0], [0], [1], [0, 0, 1, 1], [], []>, transpose_lhs_hint = false} : vector<64x1024xbf16>, vector<1024x1024xbf16>, vector<64x1024xf32> -> vector<64x1024xf32>
    %add3A_114 = arith.addf %add3A, %dot_general3A_113 : vector<64x1024xf32>
    %slice3A_115 = vector.extract_strided_slice %convert_element_type3A {offsets = [16, 0], sizes = [1, 1024], strides = [1, 1]} : vector<64x1024xbf16> to vector<1x1024xbf16>
    %mul3A_116 = vector.broadcast %slice3A_115 : vector<1x1024xbf16> to vector<128x1024xbf16>
    %mul3A_117 = arith.mulf %get3A_4, %mul3A_116 : vector<128x1024xbf16>
    %swap3A_118 = arith.constant 0 : index
    %swap3A_119 = arith.constant 0 : index
    %swap3A_120 = vector.load %arg8[%swap3A_118, %swap3A_119] : memref<1024x1024xbf16, #tpu.memory_space<vmem>>, vector<128x1024xbf16>
    tpu.vector_store %arg8[%swap3A_118, %swap3A_119], %mul3A_117 {strides = array<i32>} : memref<1024x1024xbf16, #tpu.memory_space<vmem>>, vector<128x1024xbf16>,
    %slice3A_121 = vector.extract_strided_slice %convert_element_type3A {offsets = [17, 0], sizes = [1, 1024], strides = [1, 1]} : vector<64x1024xbf16> to vector<1x1024xbf16>
    %mul3A_122 = vector.broadcast %slice3A_121 : vector<1x1024xbf16> to vector<128x1024xbf16>
    %mul3A_123 = arith.mulf %get3A_4, %mul3A_122 : vector<128x1024xbf16>
    %swap3A_124 = arith.constant 128 : index
    %swap3A_125 = arith.constant 0 : index
    %swap3A_126 = vector.load %arg8[%swap3A_124, %swap3A_125] : memref<1024x1024xbf16, #tpu.memory_space<vmem>>, vector<128x1024xbf16>
    tpu.vector_store %arg8[%swap3A_124, %swap3A_125], %mul3A_123 {strides = array<i32>} : memref<1024x1024xbf16, #tpu.memory_space<vmem>>, vector<128x1024xbf16>,
    %slice3A_127 = vector.extract_strided_slice %convert_element_type3A {offsets = [18, 0], sizes = [1, 1024], strides = [1, 1]} : vector<64x1024xbf16> to vector<1x1024xbf16>
    %mul3A_128 = vector.broadcast %slice3A_127 : vector<1x1024xbf16> to vector<128x1024xbf16>
    %mul3A_129 = arith.mulf %get3A_4, %mul3A_128 : vector<128x1024xbf16>
    %swap3A_130 = arith.constant 256 : index
    %swap3A_131 = arith.constant 0 : index
    %swap3A_132 = vector.load %arg8[%swap3A_130, %swap3A_131] : memref<1024x1024xbf16, #tpu.memory_space<vmem>>, vector<128x1024xbf16>
    tpu.vector_store %arg8[%swap3A_130, %swap3A_131], %mul3A_129 {strides = array<i32>} : memref<1024x1024xbf16, #tpu.memory_space<vmem>>, vector<128x1024xbf16>,
    %slice3A_133 = vector.extract_strided_slice %convert_element_type3A {offsets = [19, 0], sizes = [1, 1024], strides = [1, 1]} : vector<64x1024xbf16> to vector<1x1024xbf16>
    %mul3A_134 = vector.broadcast %slice3A_133 : vector<1x1024xbf16> to vector<128x1024xbf16>
    %mul3A_135 = arith.mulf %get3A_4, %mul3A_134 : vector<128x1024xbf16>
    %swap3A_136 = arith.constant 384 : index
    %swap3A_137 = arith.constant 0 : index
    %swap3A_138 = vector.load %arg8[%swap3A_136, %swap3A_137] : memref<1024x1024xbf16, #tpu.memory_space<vmem>>, vector<128x1024xbf16>
    tpu.vector_store %arg8[%swap3A_136, %swap3A_137], %mul3A_135 {strides = array<i32>} : memref<1024x1024xbf16, #tpu.memory_space<vmem>>, vector<128x1024xbf16>,
    %slice3A_139 = vector.extract_strided_slice %convert_element_type3A {offsets = [20, 0], sizes = [1, 1024], strides = [1, 1]} : vector<64x1024xbf16> to vector<1x1024xbf16>
    %mul3A_140 = vector.broadcast %slice3A_139 : vector<1x1024xbf16> to vector<128x1024xbf16>
    %mul3A_141 = arith.mulf %get3A_4, %mul3A_140 : vector<128x1024xbf16>
    %swap3A_142 = arith.constant 512 : index
    %swap3A_143 = arith.constant 0 : index
    %swap3A_144 = vector.load %arg8[%swap3A_142, %swap3A_143] : memref<1024x1024xbf16, #tpu.memory_space<vmem>>, vector<128x1024xbf16>
    tpu.vector_store %arg8[%swap3A_142, %swap3A_143], %mul3A_141 {strides = array<i32>} : memref<1024x1024xbf16, #tpu.memory_space<vmem>>, vector<128x1024xbf16>,
    %slice3A_145 = vector.extract_strided_slice %convert_element_type3A {offsets = [21, 0], sizes = [1, 1024], strides = [1, 1]} : vector<64x1024xbf16> to vector<1x1024xbf16>
    %mul3A_146 = vector.broadcast %slice3A_145 : vector<1x1024xbf16> to vector<128x1024xbf16>
    %mul3A_147 = arith.mulf %get3A_4, %mul3A_146 : vector<128x1024xbf16>
    %swap3A_148 = arith.constant 640 : index
    %swap3A_149 = arith.constant 0 : index
    %swap3A_150 = vector.load %arg8[%swap3A_148, %swap3A_149] : memref<1024x1024xbf16, #tpu.memory_space<vmem>>, vector<128x1024xbf16>
    tpu.vector_store %arg8[%swap3A_148, %swap3A_149], %mul3A_147 {strides = array<i32>} : memref<1024x1024xbf16, #tpu.memory_space<vmem>>, vector<128x1024xbf16>,
    %slice3A_151 = vector.extract_strided_slice %convert_element_type3A {offsets = [22, 0], sizes = [1, 1024], strides = [1, 1]} : vector<64x1024xbf16> to vector<1x1024xbf16>
    %mul3A_152 = vector.broadcast %slice3A_151 : vector<1x1024xbf16> to vector<128x1024xbf16>
    %mul3A_153 = arith.mulf %get3A_4, %mul3A_152 : vector<128x1024xbf16>
    %swap3A_154 = arith.constant 768 : index
    %swap3A_155 = arith.constant 0 : index
    %swap3A_156 = vector.load %arg8[%swap3A_154, %swap3A_155] : memref<1024x1024xbf16, #tpu.memory_space<vmem>>, vector<128x1024xbf16>
    tpu.vector_store %arg8[%swap3A_154, %swap3A_155], %mul3A_153 {strides = array<i32>} : memref<1024x1024xbf16, #tpu.memory_space<vmem>>, vector<128x1024xbf16>,
    %slice3A_157 = vector.extract_strided_slice %convert_element_type3A {offsets = [23, 0], sizes = [1, 1024], strides = [1, 1]} : vector<64x1024xbf16> to vector<1x1024xbf16>
    %mul3A_158 = vector.broadcast %slice3A_157 : vector<1x1024xbf16> to vector<128x1024xbf16>
    %mul3A_159 = arith.mulf %get3A_4, %mul3A_158 : vector<128x1024xbf16>
    %swap3A_160 = arith.constant 896 : index
    %swap3A_161 = arith.constant 0 : index
    %swap3A_162 = vector.load %arg8[%swap3A_160, %swap3A_161] : memref<1024x1024xbf16, #tpu.memory_space<vmem>>, vector<128x1024xbf16>
    tpu.vector_store %arg8[%swap3A_160, %swap3A_161], %mul3A_159 {strides = array<i32>} : memref<1024x1024xbf16, #tpu.memory_space<vmem>>, vector<128x1024xbf16>,
    %get3A_163 = arith.constant 0 : index
    %get3A_164 = arith.constant 2048 : index
    %get3A_165 = vector.load %arg3[%get3A_163, %get3A_164] : memref<64x8192xbf16, #tpu.memory_space<vmem>>, vector<64x1024xbf16>
    %get3A_166 = arith.constant 0 : index
    %get3A_167 = arith.constant 0 : index
    %get3A_168 = vector.load %arg8[%get3A_166, %get3A_167] : memref<1024x1024xbf16, #tpu.memory_space<vmem>>, vector<1024x1024xbf16>
    %dot_general3A_169 = arith.constant dense<0.000000e+00> : vector<64x1024xf32>
    %dot_general3A_170 = tpu.matmul %get3A_165, %get3A_168, %dot_general3A_169 {dimension_numbers = #tpu.dot_dimension_numbers<[1], [0], [0], [1], [0, 0, 1, 1], [], []>, transpose_lhs_hint = false} : vector<64x1024xbf16>, vector<1024x1024xbf16>, vector<64x1024xf32> -> vector<64x1024xf32>
    %add3A_171 = arith.addf %add3A_114, %dot_general3A_170 : vector<64x1024xf32>
    %slice3A_172 = vector.extract_strided_slice %convert_element_type3A {offsets = [24, 0], sizes = [1, 1024], strides = [1, 1]} : vector<64x1024xbf16> to vector<1x1024xbf16>
    %mul3A_173 = vector.broadcast %slice3A_172 : vector<1x1024xbf16> to vector<128x1024xbf16>
    %mul3A_174 = arith.mulf %get3A_4, %mul3A_173 : vector<128x1024xbf16>
    %swap3A_175 = arith.constant 0 : index
    %swap3A_176 = arith.constant 0 : index
    %swap3A_177 = vector.load %arg9[%swap3A_175, %swap3A_176] : memref<1024x1024xbf16, #tpu.memory_space<vmem>>, vector<128x1024xbf16>
    tpu.vector_store %arg9[%swap3A_175, %swap3A_176], %mul3A_174 {strides = array<i32>} : memref<1024x1024xbf16, #tpu.memory_space<vmem>>, vector<128x1024xbf16>,
    %slice3A_178 = vector.extract_strided_slice %convert_element_type3A {offsets = [25, 0], sizes = [1, 1024], strides = [1, 1]} : vector<64x1024xbf16> to vector<1x1024xbf16>
    %mul3A_179 = vector.broadcast %slice3A_178 : vector<1x1024xbf16> to vector<128x1024xbf16>
    %mul3A_180 = arith.mulf %get3A_4, %mul3A_179 : vector<128x1024xbf16>
    %swap3A_181 = arith.constant 128 : index
    %swap3A_182 = arith.constant 0 : index
    %swap3A_183 = vector.load %arg9[%swap3A_181, %swap3A_182] : memref<1024x1024xbf16, #tpu.memory_space<vmem>>, vector<128x1024xbf16>
    tpu.vector_store %arg9[%swap3A_181, %swap3A_182], %mul3A_180 {strides = array<i32>} : memref<1024x1024xbf16, #tpu.memory_space<vmem>>, vector<128x1024xbf16>,
    %slice3A_184 = vector.extract_strided_slice %convert_element_type3A {offsets = [26, 0], sizes = [1, 1024], strides = [1, 1]} : vector<64x1024xbf16> to vector<1x1024xbf16>
    %mul3A_185 = vector.broadcast %slice3A_184 : vector<1x1024xbf16> to vector<128x1024xbf16>
    %mul3A_186 = arith.mulf %get3A_4, %mul3A_185 : vector<128x1024xbf16>
    %swap3A_187 = arith.constant 256 : index
    %swap3A_188 = arith.constant 0 : index
    %swap3A_189 = vector.load %arg9[%swap3A_187, %swap3A_188] : memref<1024x1024xbf16, #tpu.memory_space<vmem>>, vector<128x1024xbf16>
    tpu.vector_store %arg9[%swap3A_187, %swap3A_188], %mul3A_186 {strides = array<i32>} : memref<1024x1024xbf16, #tpu.memory_space<vmem>>, vector<128x1024xbf16>,
    %slice3A_190 = vector.extract_strided_slice %convert_element_type3A {offsets = [27, 0], sizes = [1, 1024], strides = [1, 1]} : vector<64x1024xbf16> to vector<1x1024xbf16>
    %mul3A_191 = vector.broadcast %slice3A_190 : vector<1x1024xbf16> to vector<128x1024xbf16>
    %mul3A_192 = arith.mulf %get3A_4, %mul3A_191 : vector<128x1024xbf16>
    %swap3A_193 = arith.constant 384 : index
    %swap3A_194 = arith.constant 0 : index
    %swap3A_195 = vector.load %arg9[%swap3A_193, %swap3A_194] : memref<1024x1024xbf16, #tpu.memory_space<vmem>>, vector<128x1024xbf16>
    tpu.vector_store %arg9[%swap3A_193, %swap3A_194], %mul3A_192 {strides = array<i32>} : memref<1024x1024xbf16, #tpu.memory_space<vmem>>, vector<128x1024xbf16>,
    %slice3A_196 = vector.extract_strided_slice %convert_element_type3A {offsets = [28, 0], sizes = [1, 1024], strides = [1, 1]} : vector<64x1024xbf16> to vector<1x1024xbf16>
    %mul3A_197 = vector.broadcast %slice3A_196 : vector<1x1024xbf16> to vector<128x1024xbf16>
    %mul3A_198 = arith.mulf %get3A_4, %mul3A_197 : vector<128x1024xbf16>
    %swap3A_199 = arith.constant 512 : index
    %swap3A_200 = arith.constant 0 : index
    %swap3A_201 = vector.load %arg9[%swap3A_199, %swap3A_200] : memref<1024x1024xbf16, #tpu.memory_space<vmem>>, vector<128x1024xbf16>
    tpu.vector_store %arg9[%swap3A_199, %swap3A_200], %mul3A_198 {strides = array<i32>} : memref<1024x1024xbf16, #tpu.memory_space<vmem>>, vector<128x1024xbf16>,
    %slice3A_202 = vector.extract_strided_slice %convert_element_type3A {offsets = [29, 0], sizes = [1, 1024], strides = [1, 1]} : vector<64x1024xbf16> to vector<1x1024xbf16>
    %mul3A_203 = vector.broadcast %slice3A_202 : vector<1x1024xbf16> to vector<128x1024xbf16>
    %mul3A_204 = arith.mulf %get3A_4, %mul3A_203 : vector<128x1024xbf16>
    %swap3A_205 = arith.constant 640 : index
    %swap3A_206 = arith.constant 0 : index
    %swap3A_207 = vector.load %arg9[%swap3A_205, %swap3A_206] : memref<1024x1024xbf16, #tpu.memory_space<vmem>>, vector<128x1024xbf16>
    tpu.vector_store %arg9[%swap3A_205, %swap3A_206], %mul3A_204 {strides = array<i32>} : memref<1024x1024xbf16, #tpu.memory_space<vmem>>, vector<128x1024xbf16>,
    %slice3A_208 = vector.extract_strided_slice %convert_element_type3A {offsets = [30, 0], sizes = [1, 1024], strides = [1, 1]} : vector<64x1024xbf16> to vector<1x1024xbf16>
    %mul3A_209 = vector.broadcast %slice3A_208 : vector<1x1024xbf16> to vector<128x1024xbf16>
    %mul3A_210 = arith.mulf %get3A_4, %mul3A_209 : vector<128x1024xbf16>
    %swap3A_211 = arith.constant 768 : index
    %swap3A_212 = arith.constant 0 : index
    %swap3A_213 = vector.load %arg9[%swap3A_211, %swap3A_212] : memref<1024x1024xbf16, #tpu.memory_space<vmem>>, vector<128x1024xbf16>
    tpu.vector_store %arg9[%swap3A_211, %swap3A_212], %mul3A_210 {strides = array<i32>} : memref<1024x1024xbf16, #tpu.memory_space<vmem>>, vector<128x1024xbf16>,
    %slice3A_214 = vector.extract_strided_slice %convert_element_type3A {offsets = [31, 0], sizes = [1, 1024], strides = [1, 1]} : vector<64x1024xbf16> to vector<1x1024xbf16>
    %mul3A_215 = vector.broadcast %slice3A_214 : vector<1x1024xbf16> to vector<128x1024xbf16>
    %mul3A_216 = arith.mulf %get3A_4, %mul3A_215 : vector<128x1024xbf16>
    %swap3A_217 = arith.constant 896 : index
    %swap3A_218 = arith.constant 0 : index
    %swap3A_219 = vector.load %arg9[%swap3A_217, %swap3A_218] : memref<1024x1024xbf16, #tpu.memory_space<vmem>>, vector<128x1024xbf16>
    tpu.vector_store %arg9[%swap3A_217, %swap3A_218], %mul3A_216 {strides = array<i32>} : memref<1024x1024xbf16, #tpu.memory_space<vmem>>, vector<128x1024xbf16>,
    %get3A_220 = arith.constant 0 : index
    %get3A_221 = arith.constant 3072 : index
    %get3A_222 = vector.load %arg3[%get3A_220, %get3A_221] : memref<64x8192xbf16, #tpu.memory_space<vmem>>, vector<64x1024xbf16>
    %get3A_223 = arith.constant 0 : index
    %get3A_224 = arith.constant 0 : index
    %get3A_225 = vector.load %arg9[%get3A_223, %get3A_224] : memref<1024x1024xbf16, #tpu.memory_space<vmem>>, vector<1024x1024xbf16>
    %dot_general3A_226 = arith.constant dense<0.000000e+00> : vector<64x1024xf32>
    %dot_general3A_227 = tpu.matmul %get3A_222, %get3A_225, %dot_general3A_226 {dimension_numbers = #tpu.dot_dimension_numbers<[1], [0], [0], [1], [0, 0, 1, 1], [], []>, transpose_lhs_hint = false} : vector<64x1024xbf16>, vector<1024x1024xbf16>, vector<64x1024xf32> -> vector<64x1024xf32>
    %add3A_228 = arith.addf %add3A_171, %dot_general3A_227 : vector<64x1024xf32>
    %slice3A_229 = vector.extract_strided_slice %convert_element_type3A {offsets = [32, 0], sizes = [1, 1024], strides = [1, 1]} : vector<64x1024xbf16> to vector<1x1024xbf16>
    %mul3A_230 = vector.broadcast %slice3A_229 : vector<1x1024xbf16> to vector<128x1024xbf16>
    %mul3A_231 = arith.mulf %get3A_4, %mul3A_230 : vector<128x1024xbf16>
    %swap3A_232 = arith.constant 0 : index
    %swap3A_233 = arith.constant 0 : index
    %swap3A_234 = vector.load %arg10[%swap3A_232, %swap3A_233] : memref<1024x1024xbf16, #tpu.memory_space<vmem>>, vector<128x1024xbf16>
    tpu.vector_store %arg10[%swap3A_232, %swap3A_233], %mul3A_231 {strides = array<i32>} : memref<1024x1024xbf16, #tpu.memory_space<vmem>>, vector<128x1024xbf16>,
    %slice3A_235 = vector.extract_strided_slice %convert_element_type3A {offsets = [33, 0], sizes = [1, 1024], strides = [1, 1]} : vector<64x1024xbf16> to vector<1x1024xbf16>
    %mul3A_236 = vector.broadcast %slice3A_235 : vector<1x1024xbf16> to vector<128x1024xbf16>
    %mul3A_237 = arith.mulf %get3A_4, %mul3A_236 : vector<128x1024xbf16>
    %swap3A_238 = arith.constant 128 : index
    %swap3A_239 = arith.constant 0 : index
    %swap3A_240 = vector.load %arg10[%swap3A_238, %swap3A_239] : memref<1024x1024xbf16, #tpu.memory_space<vmem>>, vector<128x1024xbf16>
    tpu.vector_store %arg10[%swap3A_238, %swap3A_239], %mul3A_237 {strides = array<i32>} : memref<1024x1024xbf16, #tpu.memory_space<vmem>>, vector<128x1024xbf16>,
    %slice3A_241 = vector.extract_strided_slice %convert_element_type3A {offsets = [34, 0], sizes = [1, 1024], strides = [1, 1]} : vector<64x1024xbf16> to vector<1x1024xbf16>
    %mul3A_242 = vector.broadcast %slice3A_241 : vector<1x1024xbf16> to vector<128x1024xbf16>
    %mul3A_243 = arith.mulf %get3A_4, %mul3A_242 : vector<128x1024xbf16>
    %swap3A_244 = arith.constant 256 : index
    %swap3A_245 = arith.constant 0 : index
    %swap3A_246 = vector.load %arg10[%swap3A_244, %swap3A_245] : memref<1024x1024xbf16, #tpu.memory_space<vmem>>, vector<128x1024xbf16>
    tpu.vector_store %arg10[%swap3A_244, %swap3A_245], %mul3A_243 {strides = array<i32>} : memref<1024x1024xbf16, #tpu.memory_space<vmem>>, vector<128x1024xbf16>,
    %slice3A_247 = vector.extract_strided_slice %convert_element_type3A {offsets = [35, 0], sizes = [1, 1024], strides = [1, 1]} : vector<64x1024xbf16> to vector<1x1024xbf16>
    %mul3A_248 = vector.broadcast %slice3A_247 : vector<1x1024xbf16> to vector<128x1024xbf16>
    %mul3A_249 = arith.mulf %get3A_4, %mul3A_248 : vector<128x1024xbf16>
    %swap3A_250 = arith.constant 384 : index
    %swap3A_251 = arith.constant 0 : index
    %swap3A_252 = vector.load %arg10[%swap3A_250, %swap3A_251] : memref<1024x1024xbf16, #tpu.memory_space<vmem>>, vector<128x1024xbf16>
    tpu.vector_store %arg10[%swap3A_250, %swap3A_251], %mul3A_249 {strides = array<i32>} : memref<1024x1024xbf16, #tpu.memory_space<vmem>>, vector<128x1024xbf16>,
    %slice3A_253 = vector.extract_strided_slice %convert_element_type3A {offsets = [36, 0], sizes = [1, 1024], strides = [1, 1]} : vector<64x1024xbf16> to vector<1x1024xbf16>
    %mul3A_254 = vector.broadcast %slice3A_253 : vector<1x1024xbf16> to vector<128x1024xbf16>
    %mul3A_255 = arith.mulf %get3A_4, %mul3A_254 : vector<128x1024xbf16>
    %swap3A_256 = arith.constant 512 : index
    %swap3A_257 = arith.constant 0 : index
    %swap3A_258 = vector.load %arg10[%swap3A_256, %swap3A_257] : memref<1024x1024xbf16, #tpu.memory_space<vmem>>, vector<128x1024xbf16>
    tpu.vector_store %arg10[%swap3A_256, %swap3A_257], %mul3A_255 {strides = array<i32>} : memref<1024x1024xbf16, #tpu.memory_space<vmem>>, vector<128x1024xbf16>,
    %slice3A_259 = vector.extract_strided_slice %convert_element_type3A {offsets = [37, 0], sizes = [1, 1024], strides = [1, 1]} : vector<64x1024xbf16> to vector<1x1024xbf16>
    %mul3A_260 = vector.broadcast %slice3A_259 : vector<1x1024xbf16> to vector<128x1024xbf16>
    %mul3A_261 = arith.mulf %get3A_4, %mul3A_260 : vector<128x1024xbf16>
    %swap3A_262 = arith.constant 640 : index
    %swap3A_263 = arith.constant 0 : index
    %swap3A_264 = vector.load %arg10[%swap3A_262, %swap3A_263] : memref<1024x1024xbf16, #tpu.memory_space<vmem>>, vector<128x1024xbf16>
    tpu.vector_store %arg10[%swap3A_262, %swap3A_263], %mul3A_261 {strides = array<i32>} : memref<1024x1024xbf16, #tpu.memory_space<vmem>>, vector<128x1024xbf16>,
    %slice3A_265 = vector.extract_strided_slice %convert_element_type3A {offsets = [38, 0], sizes = [1, 1024], strides = [1, 1]} : vector<64x1024xbf16> to vector<1x1024xbf16>
    %mul3A_266 = vector.broadcast %slice3A_265 : vector<1x1024xbf16> to vector<128x1024xbf16>
    %mul3A_267 = arith.mulf %get3A_4, %mul3A_266 : vector<128x1024xbf16>
    %swap3A_268 = arith.constant 768 : index
    %swap3A_269 = arith.constant 0 : index
    %swap3A_270 = vector.load %arg10[%swap3A_268, %swap3A_269] : memref<1024x1024xbf16, #tpu.memory_space<vmem>>, vector<128x1024xbf16>
    tpu.vector_store %arg10[%swap3A_268, %swap3A_269], %mul3A_267 {strides = array<i32>} : memref<1024x1024xbf16, #tpu.memory_space<vmem>>, vector<128x1024xbf16>,
    %slice3A_271 = vector.extract_strided_slice %convert_element_type3A {offsets = [39, 0], sizes = [1, 1024], strides = [1, 1]} : vector<64x1024xbf16> to vector<1x1024xbf16>
    %mul3A_272 = vector.broadcast %slice3A_271 : vector<1x1024xbf16> to vector<128x1024xbf16>
    %mul3A_273 = arith.mulf %get3A_4, %mul3A_272 : vector<128x1024xbf16>
    %swap3A_274 = arith.constant 896 : index
    %swap3A_275 = arith.constant 0 : index
    %swap3A_276 = vector.load %arg10[%swap3A_274, %swap3A_275] : memref<1024x1024xbf16, #tpu.memory_space<vmem>>, vector<128x1024xbf16>
    tpu.vector_store %arg10[%swap3A_274, %swap3A_275], %mul3A_273 {strides = array<i32>} : memref<1024x1024xbf16, #tpu.memory_space<vmem>>, vector<128x1024xbf16>,
    %get3A_277 = arith.constant 0 : index
    %get3A_278 = arith.constant 4096 : index
    %get3A_279 = vector.load %arg3[%get3A_277, %get3A_278] : memref<64x8192xbf16, #tpu.memory_space<vmem>>, vector<64x1024xbf16>
    %get3A_280 = arith.constant 0 : index
    %get3A_281 = arith.constant 0 : index
    %get3A_282 = vector.load %arg10[%get3A_280, %get3A_281] : memref<1024x1024xbf16, #tpu.memory_space<vmem>>, vector<1024x1024xbf16>
    %dot_general3A_283 = arith.constant dense<0.000000e+00> : vector<64x1024xf32>
    %dot_general3A_284 = tpu.matmul %get3A_279, %get3A_282, %dot_general3A_283 {dimension_numbers = #tpu.dot_dimension_numbers<[1], [0], [0], [1], [0, 0, 1, 1], [], []>, transpose_lhs_hint = false} : vector<64x1024xbf16>, vector<1024x1024xbf16>, vector<64x1024xf32> -> vector<64x1024xf32>
    %add3A_285 = arith.addf %add3A_228, %dot_general3A_284 : vector<64x1024xf32>
    %slice3A_286 = vector.extract_strided_slice %convert_element_type3A {offsets = [40, 0], sizes = [1, 1024], strides = [1, 1]} : vector<64x1024xbf16> to vector<1x1024xbf16>
    %mul3A_287 = vector.broadcast %slice3A_286 : vector<1x1024xbf16> to vector<128x1024xbf16>
    %mul3A_288 = arith.mulf %get3A_4, %mul3A_287 : vector<128x1024xbf16>
    %swap3A_289 = arith.constant 0 : index
    %swap3A_290 = arith.constant 0 : index
    %swap3A_291 = vector.load %arg11[%swap3A_289, %swap3A_290] : memref<1024x1024xbf16, #tpu.memory_space<vmem>>, vector<128x1024xbf16>
    tpu.vector_store %arg11[%swap3A_289, %swap3A_290], %mul3A_288 {strides = array<i32>} : memref<1024x1024xbf16, #tpu.memory_space<vmem>>, vector<128x1024xbf16>,
    %slice3A_292 = vector.extract_strided_slice %convert_element_type3A {offsets = [41, 0], sizes = [1, 1024], strides = [1, 1]} : vector<64x1024xbf16> to vector<1x1024xbf16>
    %mul3A_293 = vector.broadcast %slice3A_292 : vector<1x1024xbf16> to vector<128x1024xbf16>
    %mul3A_294 = arith.mulf %get3A_4, %mul3A_293 : vector<128x1024xbf16>
    %swap3A_295 = arith.constant 128 : index
    %swap3A_296 = arith.constant 0 : index
    %swap3A_297 = vector.load %arg11[%swap3A_295, %swap3A_296] : memref<1024x1024xbf16, #tpu.memory_space<vmem>>, vector<128x1024xbf16>
    tpu.vector_store %arg11[%swap3A_295, %swap3A_296], %mul3A_294 {strides = array<i32>} : memref<1024x1024xbf16, #tpu.memory_space<vmem>>, vector<128x1024xbf16>,
    %slice3A_298 = vector.extract_strided_slice %convert_element_type3A {offsets = [42, 0], sizes = [1, 1024], strides = [1, 1]} : vector<64x1024xbf16> to vector<1x1024xbf16>
    %mul3A_299 = vector.broadcast %slice3A_298 : vector<1x1024xbf16> to vector<128x1024xbf16>
    %mul3A_300 = arith.mulf %get3A_4, %mul3A_299 : vector<128x1024xbf16>
    %swap3A_301 = arith.constant 256 : index
    %swap3A_302 = arith.constant 0 : index
    %swap3A_303 = vector.load %arg11[%swap3A_301, %swap3A_302] : memref<1024x1024xbf16, #tpu.memory_space<vmem>>, vector<128x1024xbf16>
    tpu.vector_store %arg11[%swap3A_301, %swap3A_302], %mul3A_300 {strides = array<i32>} : memref<1024x1024xbf16, #tpu.memory_space<vmem>>, vector<128x1024xbf16>,
    %slice3A_304 = vector.extract_strided_slice %convert_element_type3A {offsets = [43, 0], sizes = [1, 1024], strides = [1, 1]} : vector<64x1024xbf16> to vector<1x1024xbf16>
    %mul3A_305 = vector.broadcast %slice3A_304 : vector<1x1024xbf16> to vector<128x1024xbf16>
    %mul3A_306 = arith.mulf %get3A_4, %mul3A_305 : vector<128x1024xbf16>
    %swap3A_307 = arith.constant 384 : index
    %swap3A_308 = arith.constant 0 : index
    %swap3A_309 = vector.load %arg11[%swap3A_307, %swap3A_308] : memref<1024x1024xbf16, #tpu.memory_space<vmem>>, vector<128x1024xbf16>
    tpu.vector_store %arg11[%swap3A_307, %swap3A_308], %mul3A_306 {strides = array<i32>} : memref<1024x1024xbf16, #tpu.memory_space<vmem>>, vector<128x1024xbf16>,
    %slice3A_310 = vector.extract_strided_slice %convert_element_type3A {offsets = [44, 0], sizes = [1, 1024], strides = [1, 1]} : vector<64x1024xbf16> to vector<1x1024xbf16>
    %mul3A_311 = vector.broadcast %slice3A_310 : vector<1x1024xbf16> to vector<128x1024xbf16>
    %mul3A_312 = arith.mulf %get3A_4, %mul3A_311 : vector<128x1024xbf16>
    %swap3A_313 = arith.constant 512 : index
    %swap3A_314 = arith.constant 0 : index
    %swap3A_315 = vector.load %arg11[%swap3A_313, %swap3A_314] : memref<1024x1024xbf16, #tpu.memory_space<vmem>>, vector<128x1024xbf16>
    tpu.vector_store %arg11[%swap3A_313, %swap3A_314], %mul3A_312 {strides = array<i32>} : memref<1024x1024xbf16, #tpu.memory_space<vmem>>, vector<128x1024xbf16>,
    %slice3A_316 = vector.extract_strided_slice %convert_element_type3A {offsets = [45, 0], sizes = [1, 1024], strides = [1, 1]} : vector<64x1024xbf16> to vector<1x1024xbf16>
    %mul3A_317 = vector.broadcast %slice3A_316 : vector<1x1024xbf16> to vector<128x1024xbf16>
    %mul3A_318 = arith.mulf %get3A_4, %mul3A_317 : vector<128x1024xbf16>
    %swap3A_319 = arith.constant 640 : index
    %swap3A_320 = arith.constant 0 : index
    %swap3A_321 = vector.load %arg11[%swap3A_319, %swap3A_320] : memref<1024x1024xbf16, #tpu.memory_space<vmem>>, vector<128x1024xbf16>
    tpu.vector_store %arg11[%swap3A_319, %swap3A_320], %mul3A_318 {strides = array<i32>} : memref<1024x1024xbf16, #tpu.memory_space<vmem>>, vector<128x1024xbf16>,
    %slice3A_322 = vector.extract_strided_slice %convert_element_type3A {offsets = [46, 0], sizes = [1, 1024], strides = [1, 1]} : vector<64x1024xbf16> to vector<1x1024xbf16>
    %mul3A_323 = vector.broadcast %slice3A_322 : vector<1x1024xbf16> to vector<128x1024xbf16>
    %mul3A_324 = arith.mulf %get3A_4, %mul3A_323 : vector<128x1024xbf16>
    %swap3A_325 = arith.constant 768 : index
    %swap3A_326 = arith.constant 0 : index
    %swap3A_327 = vector.load %arg11[%swap3A_325, %swap3A_326] : memref<1024x1024xbf16, #tpu.memory_space<vmem>>, vector<128x1024xbf16>
    tpu.vector_store %arg11[%swap3A_325, %swap3A_326], %mul3A_324 {strides = array<i32>} : memref<1024x1024xbf16, #tpu.memory_space<vmem>>, vector<128x1024xbf16>,
    %slice3A_328 = vector.extract_strided_slice %convert_element_type3A {offsets = [47, 0], sizes = [1, 1024], strides = [1, 1]} : vector<64x1024xbf16> to vector<1x1024xbf16>
    %mul3A_329 = vector.broadcast %slice3A_328 : vector<1x1024xbf16> to vector<128x1024xbf16>
    %mul3A_330 = arith.mulf %get3A_4, %mul3A_329 : vector<128x1024xbf16>
    %swap3A_331 = arith.constant 896 : index
    %swap3A_332 = arith.constant 0 : index
    %swap3A_333 = vector.load %arg11[%swap3A_331, %swap3A_332] : memref<1024x1024xbf16, #tpu.memory_space<vmem>>, vector<128x1024xbf16>
    tpu.vector_store %arg11[%swap3A_331, %swap3A_332], %mul3A_330 {strides = array<i32>} : memref<1024x1024xbf16, #tpu.memory_space<vmem>>, vector<128x1024xbf16>,
    %get3A_334 = arith.constant 0 : index
    %get3A_335 = arith.constant 5120 : index
    %get3A_336 = vector.load %arg3[%get3A_334, %get3A_335] : memref<64x8192xbf16, #tpu.memory_space<vmem>>, vector<64x1024xbf16>
    %get3A_337 = arith.constant 0 : index
    %get3A_338 = arith.constant 0 : index
    %get3A_339 = vector.load %arg11[%get3A_337, %get3A_338] : memref<1024x1024xbf16, #tpu.memory_space<vmem>>, vector<1024x1024xbf16>
    %dot_general3A_340 = arith.constant dense<0.000000e+00> : vector<64x1024xf32>
    %dot_general3A_341 = tpu.matmul %get3A_336, %get3A_339, %dot_general3A_340 {dimension_numbers = #tpu.dot_dimension_numbers<[1], [0], [0], [1], [0, 0, 1, 1], [], []>, transpose_lhs_hint = false} : vector<64x1024xbf16>, vector<1024x1024xbf16>, vector<64x1024xf32> -> vector<64x1024xf32>
    %add3A_342 = arith.addf %add3A_285, %dot_general3A_341 : vector<64x1024xf32>
    %slice3A_343 = vector.extract_strided_slice %convert_element_type3A {offsets = [48, 0], sizes = [1, 1024], strides = [1, 1]} : vector<64x1024xbf16> to vector<1x1024xbf16>
    %mul3A_344 = vector.broadcast %slice3A_343 : vector<1x1024xbf16> to vector<128x1024xbf16>
    %mul3A_345 = arith.mulf %get3A_4, %mul3A_344 : vector<128x1024xbf16>
    %swap3A_346 = arith.constant 0 : index
    %swap3A_347 = arith.constant 0 : index
    %swap3A_348 = vector.load %arg12[%swap3A_346, %swap3A_347] : memref<1024x1024xbf16, #tpu.memory_space<vmem>>, vector<128x1024xbf16>
    tpu.vector_store %arg12[%swap3A_346, %swap3A_347], %mul3A_345 {strides = array<i32>} : memref<1024x1024xbf16, #tpu.memory_space<vmem>>, vector<128x1024xbf16>,
    %slice3A_349 = vector.extract_strided_slice %convert_element_type3A {offsets = [49, 0], sizes = [1, 1024], strides = [1, 1]} : vector<64x1024xbf16> to vector<1x1024xbf16>
    %mul3A_350 = vector.broadcast %slice3A_349 : vector<1x1024xbf16> to vector<128x1024xbf16>
    %mul3A_351 = arith.mulf %get3A_4, %mul3A_350 : vector<128x1024xbf16>
    %swap3A_352 = arith.constant 128 : index
    %swap3A_353 = arith.constant 0 : index
    %swap3A_354 = vector.load %arg12[%swap3A_352, %swap3A_353] : memref<1024x1024xbf16, #tpu.memory_space<vmem>>, vector<128x1024xbf16>
    tpu.vector_store %arg12[%swap3A_352, %swap3A_353], %mul3A_351 {strides = array<i32>} : memref<1024x1024xbf16, #tpu.memory_space<vmem>>, vector<128x1024xbf16>,
    %slice3A_355 = vector.extract_strided_slice %convert_element_type3A {offsets = [50, 0], sizes = [1, 1024], strides = [1, 1]} : vector<64x1024xbf16> to vector<1x1024xbf16>
    %mul3A_356 = vector.broadcast %slice3A_355 : vector<1x1024xbf16> to vector<128x1024xbf16>
    %mul3A_357 = arith.mulf %get3A_4, %mul3A_356 : vector<128x1024xbf16>
    %swap3A_358 = arith.constant 256 : index
    %swap3A_359 = arith.constant 0 : index
    %swap3A_360 = vector.load %arg12[%swap3A_358, %swap3A_359] : memref<1024x1024xbf16, #tpu.memory_space<vmem>>, vector<128x1024xbf16>
    tpu.vector_store %arg12[%swap3A_358, %swap3A_359], %mul3A_357 {strides = array<i32>} : memref<1024x1024xbf16, #tpu.memory_space<vmem>>, vector<128x1024xbf16>,
    %slice3A_361 = vector.extract_strided_slice %convert_element_type3A {offsets = [51, 0], sizes = [1, 1024], strides = [1, 1]} : vector<64x1024xbf16> to vector<1x1024xbf16>
    %mul3A_362 = vector.broadcast %slice3A_361 : vector<1x1024xbf16> to vector<128x1024xbf16>
    %mul3A_363 = arith.mulf %get3A_4, %mul3A_362 : vector<128x1024xbf16>
    %swap3A_364 = arith.constant 384 : index
    %swap3A_365 = arith.constant 0 : index
    %swap3A_366 = vector.load %arg12[%swap3A_364, %swap3A_365] : memref<1024x1024xbf16, #tpu.memory_space<vmem>>, vector<128x1024xbf16>
    tpu.vector_store %arg12[%swap3A_364, %swap3A_365], %mul3A_363 {strides = array<i32>} : memref<1024x1024xbf16, #tpu.memory_space<vmem>>, vector<128x1024xbf16>,
    %slice3A_367 = vector.extract_strided_slice %convert_element_type3A {offsets = [52, 0], sizes = [1, 1024], strides = [1, 1]} : vector<64x1024xbf16> to vector<1x1024xbf16>
    %mul3A_368 = vector.broadcast %slice3A_367 : vector<1x1024xbf16> to vector<128x1024xbf16>
    %mul3A_369 = arith.mulf %get3A_4, %mul3A_368 : vector<128x1024xbf16>
    %swap3A_370 = arith.constant 512 : index
    %swap3A_371 = arith.constant 0 : index
    %swap3A_372 = vector.load %arg12[%swap3A_370, %swap3A_371] : memref<1024x1024xbf16, #tpu.memory_space<vmem>>, vector<128x1024xbf16>
    tpu.vector_store %arg12[%swap3A_370, %swap3A_371], %mul3A_369 {strides = array<i32>} : memref<1024x1024xbf16, #tpu.memory_space<vmem>>, vector<128x1024xbf16>,
    %slice3A_373 = vector.extract_strided_slice %convert_element_type3A {offsets = [53, 0], sizes = [1, 1024], strides = [1, 1]} : vector<64x1024xbf16> to vector<1x1024xbf16>
    %mul3A_374 = vector.broadcast %slice3A_373 : vector<1x1024xbf16> to vector<128x1024xbf16>
    %mul3A_375 = arith.mulf %get3A_4, %mul3A_374 : vector<128x1024xbf16>
    %swap3A_376 = arith.constant 640 : index
    %swap3A_377 = arith.constant 0 : index
    %swap3A_378 = vector.load %arg12[%swap3A_376, %swap3A_377] : memref<1024x1024xbf16, #tpu.memory_space<vmem>>, vector<128x1024xbf16>
    tpu.vector_store %arg12[%swap3A_376, %swap3A_377], %mul3A_375 {strides = array<i32>} : memref<1024x1024xbf16, #tpu.memory_space<vmem>>, vector<128x1024xbf16>,
    %slice3A_379 = vector.extract_strided_slice %convert_element_type3A {offsets = [54, 0], sizes = [1, 1024], strides = [1, 1]} : vector<64x1024xbf16> to vector<1x1024xbf16>
    %mul3A_380 = vector.broadcast %slice3A_379 : vector<1x1024xbf16> to vector<128x1024xbf16>
    %mul3A_381 = arith.mulf %get3A_4, %mul3A_380 : vector<128x1024xbf16>
    %swap3A_382 = arith.constant 768 : index
    %swap3A_383 = arith.constant 0 : index
    %swap3A_384 = vector.load %arg12[%swap3A_382, %swap3A_383] : memref<1024x1024xbf16, #tpu.memory_space<vmem>>, vector<128x1024xbf16>
    tpu.vector_store %arg12[%swap3A_382, %swap3A_383], %mul3A_381 {strides = array<i32>} : memref<1024x1024xbf16, #tpu.memory_space<vmem>>, vector<128x1024xbf16>,
    %slice3A_385 = vector.extract_strided_slice %convert_element_type3A {offsets = [55, 0], sizes = [1, 1024], strides = [1, 1]} : vector<64x1024xbf16> to vector<1x1024xbf16>
    %mul3A_386 = vector.broadcast %slice3A_385 : vector<1x1024xbf16> to vector<128x1024xbf16>
    %mul3A_387 = arith.mulf %get3A_4, %mul3A_386 : vector<128x1024xbf16>
    %swap3A_388 = arith.constant 896 : index
    %swap3A_389 = arith.constant 0 : index
    %swap3A_390 = vector.load %arg12[%swap3A_388, %swap3A_389] : memref<1024x1024xbf16, #tpu.memory_space<vmem>>, vector<128x1024xbf16>
    tpu.vector_store %arg12[%swap3A_388, %swap3A_389], %mul3A_387 {strides = array<i32>} : memref<1024x1024xbf16, #tpu.memory_space<vmem>>, vector<128x1024xbf16>,
    %get3A_391 = arith.constant 0 : index
    %get3A_392 = arith.constant 6144 : index
    %get3A_393 = vector.load %arg3[%get3A_391, %get3A_392] : memref<64x8192xbf16, #tpu.memory_space<vmem>>, vector<64x1024xbf16>
    %get3A_394 = arith.constant 0 : index
    %get3A_395 = arith.constant 0 : index
    %get3A_396 = vector.load %arg12[%get3A_394, %get3A_395] : memref<1024x1024xbf16, #tpu.memory_space<vmem>>, vector<1024x1024xbf16>
    %dot_general3A_397 = arith.constant dense<0.000000e+00> : vector<64x1024xf32>
    %dot_general3A_398 = tpu.matmul %get3A_393, %get3A_396, %dot_general3A_397 {dimension_numbers = #tpu.dot_dimension_numbers<[1], [0], [0], [1], [0, 0, 1, 1], [], []>, transpose_lhs_hint = false} : vector<64x1024xbf16>, vector<1024x1024xbf16>, vector<64x1024xf32> -> vector<64x1024xf32>
    %add3A_399 = arith.addf %add3A_342, %dot_general3A_398 : vector<64x1024xf32>
    %slice3A_400 = vector.extract_strided_slice %convert_element_type3A {offsets = [56, 0], sizes = [1, 1024], strides = [1, 1]} : vector<64x1024xbf16> to vector<1x1024xbf16>
    %mul3A_401 = vector.broadcast %slice3A_400 : vector<1x1024xbf16> to vector<128x1024xbf16>
    %mul3A_402 = arith.mulf %get3A_4, %mul3A_401 : vector<128x1024xbf16>
    %swap3A_403 = arith.constant 0 : index
    %swap3A_404 = arith.constant 0 : index
    %swap3A_405 = vector.load %arg13[%swap3A_403, %swap3A_404] : memref<1024x1024xbf16, #tpu.memory_space<vmem>>, vector<128x1024xbf16>
    tpu.vector_store %arg13[%swap3A_403, %swap3A_404], %mul3A_402 {strides = array<i32>} : memref<1024x1024xbf16, #tpu.memory_space<vmem>>, vector<128x1024xbf16>,
    %slice3A_406 = vector.extract_strided_slice %convert_element_type3A {offsets = [57, 0], sizes = [1, 1024], strides = [1, 1]} : vector<64x1024xbf16> to vector<1x1024xbf16>
    %mul3A_407 = vector.broadcast %slice3A_406 : vector<1x1024xbf16> to vector<128x1024xbf16>
    %mul3A_408 = arith.mulf %get3A_4, %mul3A_407 : vector<128x1024xbf16>
    %swap3A_409 = arith.constant 128 : index
    %swap3A_410 = arith.constant 0 : index
    %swap3A_411 = vector.load %arg13[%swap3A_409, %swap3A_410] : memref<1024x1024xbf16, #tpu.memory_space<vmem>>, vector<128x1024xbf16>
    tpu.vector_store %arg13[%swap3A_409, %swap3A_410], %mul3A_408 {strides = array<i32>} : memref<1024x1024xbf16, #tpu.memory_space<vmem>>, vector<128x1024xbf16>,
    %slice3A_412 = vector.extract_strided_slice %convert_element_type3A {offsets = [58, 0], sizes = [1, 1024], strides = [1, 1]} : vector<64x1024xbf16> to vector<1x1024xbf16>
    %mul3A_413 = vector.broadcast %slice3A_412 : vector<1x1024xbf16> to vector<128x1024xbf16>
    %mul3A_414 = arith.mulf %get3A_4, %mul3A_413 : vector<128x1024xbf16>
    %swap3A_415 = arith.constant 256 : index
    %swap3A_416 = arith.constant 0 : index
    %swap3A_417 = vector.load %arg13[%swap3A_415, %swap3A_416] : memref<1024x1024xbf16, #tpu.memory_space<vmem>>, vector<128x1024xbf16>
    tpu.vector_store %arg13[%swap3A_415, %swap3A_416], %mul3A_414 {strides = array<i32>} : memref<1024x1024xbf16, #tpu.memory_space<vmem>>, vector<128x1024xbf16>,
    %slice3A_418 = vector.extract_strided_slice %convert_element_type3A {offsets = [59, 0], sizes = [1, 1024], strides = [1, 1]} : vector<64x1024xbf16> to vector<1x1024xbf16>
    %mul3A_419 = vector.broadcast %slice3A_418 : vector<1x1024xbf16> to vector<128x1024xbf16>
    %mul3A_420 = arith.mulf %get3A_4, %mul3A_419 : vector<128x1024xbf16>
    %swap3A_421 = arith.constant 384 : index
    %swap3A_422 = arith.constant 0 : index
    %swap3A_423 = vector.load %arg13[%swap3A_421, %swap3A_422] : memref<1024x1024xbf16, #tpu.memory_space<vmem>>, vector<128x1024xbf16>
    tpu.vector_store %arg13[%swap3A_421, %swap3A_422], %mul3A_420 {strides = array<i32>} : memref<1024x1024xbf16, #tpu.memory_space<vmem>>, vector<128x1024xbf16>,
    %slice3A_424 = vector.extract_strided_slice %convert_element_type3A {offsets = [60, 0], sizes = [1, 1024], strides = [1, 1]} : vector<64x1024xbf16> to vector<1x1024xbf16>
    %mul3A_425 = vector.broadcast %slice3A_424 : vector<1x1024xbf16> to vector<128x1024xbf16>
    %mul3A_426 = arith.mulf %get3A_4, %mul3A_425 : vector<128x1024xbf16>
    %swap3A_427 = arith.constant 512 : index
    %swap3A_428 = arith.constant 0 : index
    %swap3A_429 = vector.load %arg13[%swap3A_427, %swap3A_428] : memref<1024x1024xbf16, #tpu.memory_space<vmem>>, vector<128x1024xbf16>
    tpu.vector_store %arg13[%swap3A_427, %swap3A_428], %mul3A_426 {strides = array<i32>} : memref<1024x1024xbf16, #tpu.memory_space<vmem>>, vector<128x1024xbf16>,
    %slice3A_430 = vector.extract_strided_slice %convert_element_type3A {offsets = [61, 0], sizes = [1, 1024], strides = [1, 1]} : vector<64x1024xbf16> to vector<1x1024xbf16>
    %mul3A_431 = vector.broadcast %slice3A_430 : vector<1x1024xbf16> to vector<128x1024xbf16>
    %mul3A_432 = arith.mulf %get3A_4, %mul3A_431 : vector<128x1024xbf16>
    %swap3A_433 = arith.constant 640 : index
    %swap3A_434 = arith.constant 0 : index
    %swap3A_435 = vector.load %arg13[%swap3A_433, %swap3A_434] : memref<1024x1024xbf16, #tpu.memory_space<vmem>>, vector<128x1024xbf16>
    tpu.vector_store %arg13[%swap3A_433, %swap3A_434], %mul3A_432 {strides = array<i32>} : memref<1024x1024xbf16, #tpu.memory_space<vmem>>, vector<128x1024xbf16>,
    %slice3A_436 = vector.extract_strided_slice %convert_element_type3A {offsets = [62, 0], sizes = [1, 1024], strides = [1, 1]} : vector<64x1024xbf16> to vector<1x1024xbf16>
    %mul3A_437 = vector.broadcast %slice3A_436 : vector<1x1024xbf16> to vector<128x1024xbf16>
    %mul3A_438 = arith.mulf %get3A_4, %mul3A_437 : vector<128x1024xbf16>
    %swap3A_439 = arith.constant 768 : index
    %swap3A_440 = arith.constant 0 : index
    %swap3A_441 = vector.load %arg13[%swap3A_439, %swap3A_440] : memref<1024x1024xbf16, #tpu.memory_space<vmem>>, vector<128x1024xbf16>
    tpu.vector_store %arg13[%swap3A_439, %swap3A_440], %mul3A_438 {strides = array<i32>} : memref<1024x1024xbf16, #tpu.memory_space<vmem>>, vector<128x1024xbf16>,
    %slice3A_442 = vector.extract_strided_slice %convert_element_type3A {offsets = [63, 0], sizes = [1, 1024], strides = [1, 1]} : vector<64x1024xbf16> to vector<1x1024xbf16>
    %mul3A_443 = vector.broadcast %slice3A_442 : vector<1x1024xbf16> to vector<128x1024xbf16>
    %mul3A_444 = arith.mulf %get3A_4, %mul3A_443 : vector<128x1024xbf16>
    %swap3A_445 = arith.constant 896 : index
    %swap3A_446 = arith.constant 0 : index
    %swap3A_447 = vector.load %arg13[%swap3A_445, %swap3A_446] : memref<1024x1024xbf16, #tpu.memory_space<vmem>>, vector<128x1024xbf16>
    tpu.vector_store %arg13[%swap3A_445, %swap3A_446], %mul3A_444 {strides = array<i32>} : memref<1024x1024xbf16, #tpu.memory_space<vmem>>, vector<128x1024xbf16>,
    %get3A_448 = arith.constant 0 : index
    %get3A_449 = arith.constant 7168 : index
    %get3A_450 = vector.load %arg3[%get3A_448, %get3A_449] : memref<64x8192xbf16, #tpu.memory_space<vmem>>, vector<64x1024xbf16>
    %get3A_451 = arith.constant 0 : index
    %get3A_452 = arith.constant 0 : index
    %get3A_453 = vector.load %arg13[%get3A_451, %get3A_452] : memref<1024x1024xbf16, #tpu.memory_space<vmem>>, vector<1024x1024xbf16>
    %dot_general3A_454 = arith.constant dense<0.000000e+00> : vector<64x1024xf32>
    %dot_general3A_455 = tpu.matmul %get3A_450, %get3A_453, %dot_general3A_454 {dimension_numbers = #tpu.dot_dimension_numbers<[1], [0], [0], [1], [0, 0, 1, 1], [], []>, transpose_lhs_hint = false} : vector<64x1024xbf16>, vector<1024x1024xbf16>, vector<64x1024xf32> -> vector<64x1024xf32>
    %add3A_456 = arith.addf %add3A_399, %dot_general3A_455 : vector<64x1024xf32>
    %transpose3A_457 = tpu.transpose %add3A_456, [1, 0] : vector<64x1024xf32> -> vector<1024x64xf32>
    %get3A_458 = arith.constant 0 : index
    %get3A_459 = arith.constant 0 : index
    %get3A_460 = vector.load %arg4[%get3A_458, %get3A_459] : memref<64x64xf32, #tpu.memory_space<vmem>>, vector<64x64xf32>
    %dot_general3A_461 = arith.constant dense<0.000000e+00> : vector<1024x64xf32>
    %dot_general3A_462 = tpu.matmul %get3A_1, %get3A_460, %dot_general3A_461 {dimension_numbers = #tpu.dot_dimension_numbers<[1], [0], [0], [1], [0, 0, 1, 1], [], []>, transpose_lhs_hint = false} : vector<1024x64xf32>, vector<64x64xf32>, vector<1024x64xf32> -> vector<1024x64xf32>
    %add3A_463 = arith.addf %transpose3A_457, %dot_general3A_462 : vector<1024x64xf32>
    %swap3A_464 = arith.constant 0 : index
    %swap3A_465 = arith.constant 0 : index
    %swap3A_466 = vector.load %arg5[%swap3A_464, %swap3A_465] : memref<1024x128xf32, #tpu.memory_space<vmem>>, vector<1024x64xf32>
    tpu.vector_store %arg5[%swap3A_464, %swap3A_465], %add3A_463 {strides = array<i32>} : memref<1024x128xf32, #tpu.memory_space<vmem>>, vector<1024x64xf32>,
    %broadcast_in_dim3A_467 = arith.constant 1.000000e+00 : f32
    %broadcast_in_dim3A_468 = vector.broadcast %broadcast_in_dim3A_467 : f32 to vector<1024x64xf32>
    %swap3A_469 = arith.constant 0 : index
    %swap3A_470 = arith.constant 64 : index
    %swap3A_471 = vector.load %arg5[%swap3A_469, %swap3A_470] : memref<1024x128xf32, #tpu.memory_space<vmem>>, vector<1024x64xf32>
    tpu.vector_store %arg5[%swap3A_469, %swap3A_470], %broadcast_in_dim3A_468 {strides = array<i32>} : memref<1024x128xf32, #tpu.memory_space<vmem>>, vector<1024x64xf32>,
    return
  }
  func.func @transform_0(%arg0: i32) -> (i32, i32) {
    %add3A = arith.constant 0 : i32
    %add3A_0 = arith.addi %arg0, %add3A : i32
    %c0_i32 = arith.constant 0 : i32
    %c0_i32_1 = arith.constant 0 : i32
    return %c0_i32, %add3A_0 : i32, i32
  }
  func.func @transform_1(%arg0: i32) -> (i32, i32) {
    %c0_i32 = arith.constant 0 : i32
    %c0_i32_0 = arith.constant 0 : i32
    return %arg0, %c0_i32 : i32, i32
  }
  func.func @transform_2(%arg0: i32) -> (i32, i32) {
    %c0_i32 = arith.constant 0 : i32
    %c0_i32_0 = arith.constant 0 : i32
    %c0_i32_1 = arith.constant 0 : i32
    return %c0_i32, %c0_i32_0 : i32, i32
  }
  func.func @transform_3(%arg0: i32) -> (i32, i32) {
    %c0_i32 = arith.constant 0 : i32
    %c0_i32_0 = arith.constant 0 : i32
    %c0_i32_1 = arith.constant 0 : i32
    return %c0_i32, %c0_i32_0 : i32, i32
  }
  func.func @transform_4(%arg0: i32) -> (i32, i32) {
    %c0_i32 = arith.constant 0 : i32
    %c0_i32_0 = arith.constant 0 : i32
    return %arg0, %c0_i32 : i32, i32
  }
}

module attributes {stable_mosaic.version = 14 : i64} {
  func.func @_gru_body(%arg0: memref<4096x128xf32, #tpu.memory_space<vmem>>, %arg1: memref<2x4096x128xf32, #tpu.memory_space<vmem>>, %arg2: memref<64x64xf32, #tpu.memory_space<vmem>>, %arg3: memref<1x64xf32, #tpu.memory_space<vmem>>, %arg4: memref<64x192xf32, #tpu.memory_space<vmem>>, %arg5: memref<64x192xf32, #tpu.memory_space<vmem>>, %arg6: memref<1x192xf32, #tpu.memory_space<vmem>>, %arg7: memref<1x192xf32, #tpu.memory_space<vmem>>, %arg8: memref<4096x128xf32, #tpu.memory_space<vmem>>) attributes {dimension_semantics = [], scalar_prefetch = 0 : i64, scratch_operands = 0 : i64, tpu.core_type = #tpu.core_type<tc>} {
    %get3A = arith.constant 0 : index
    %get3A_0 = arith.constant 0 : index
    %get3A_1 = vector.load %arg0[%get3A, %get3A_0] : memref<4096x128xf32, #tpu.memory_space<vmem>>, vector<4096x64xf32>
    %get3A_2 = arith.constant 0 : index
    %get3A_3 = arith.constant 0 : index
    %get3A_4 = arith.constant 0 : index
    %get3A_5 = vector.load %arg1[%get3A_2, %get3A_3, %get3A_4] : memref<2x4096x128xf32, #tpu.memory_space<vmem>>, vector<1x4096x128xf32>
    %get3A_6 = vector.shape_cast %get3A_5 : vector<1x4096x128xf32> to vector<4096x128xf32>
    %get3A_7 = arith.constant 1 : index
    %get3A_8 = arith.constant 0 : index
    %get3A_9 = arith.constant 0 : index
    %get3A_10 = vector.load %arg1[%get3A_7, %get3A_8, %get3A_9] : memref<2x4096x128xf32, #tpu.memory_space<vmem>>, vector<1x4096x128xf32>
    %get3A_11 = vector.shape_cast %get3A_10 : vector<1x4096x128xf32> to vector<4096x128xf32>
    %add3A = arith.addf %get3A_6, %get3A_11 : vector<4096x128xf32>
    %slice3A = vector.extract_strided_slice %add3A {offsets = [0, 64], sizes = [4096, 1], strides = [1, 1]} : vector<4096x128xf32> to vector<4096x1xf32>
    %max3A = arith.constant 1.000000e+00 : f32
    %max3A_12 = vector.broadcast %max3A : f32 to vector<4096x1xf32>
    %max3A_13 = arith.maximumf %slice3A, %max3A_12 : vector<4096x1xf32>
    %slice3A_14 = vector.extract_strided_slice %add3A {offsets = [0, 0], sizes = [4096, 64], strides = [1, 1]} : vector<4096x128xf32> to vector<4096x64xf32>
    %div3A = vector.broadcast %max3A_13 : vector<4096x1xf32> to vector<4096x64xf32>
    %div3A_15 = arith.divf %slice3A_14, %div3A : vector<4096x64xf32>
    %get3A_16 = arith.constant 0 : index
    %get3A_17 = arith.constant 0 : index
    %get3A_18 = vector.load %arg2[%get3A_16, %get3A_17] : memref<64x64xf32, #tpu.memory_space<vmem>>, vector<64x64xf32>
    %dot_general3A = arith.constant dense<0.000000e+00> : vector<4096x64xf32>
    %dot_general3A_19 = tpu.matmul %get3A_1, %get3A_18, %dot_general3A {dimension_numbers = #tpu.dot_dimension_numbers<[1], [0], [0], [1], [0, 0, 1, 1], [], []>, transpose_lhs_hint = false} : vector<4096x64xf32>, vector<64x64xf32>, vector<4096x64xf32> -> vector<4096x64xf32>
    %add3A_20 = arith.addf %dot_general3A_19, %div3A_15 : vector<4096x64xf32>
    %get3A_21 = arith.constant 0 : index
    %get3A_22 = arith.constant 0 : index
    %get3A_23 = vector.load %arg3[%get3A_21, %get3A_22] : memref<1x64xf32, #tpu.memory_space<vmem>>, vector<1x64xf32>
    %add3A_24 = vector.broadcast %get3A_23 : vector<1x64xf32> to vector<4096x64xf32>
    %add3A_25 = arith.addf %add3A_20, %add3A_24 : vector<4096x64xf32>
    %max3A_26 = arith.constant 0.000000e+00 : f32
    %max3A_27 = vector.broadcast %max3A_26 : f32 to vector<4096x64xf32>
    %max3A_28 = arith.maximumf %add3A_25, %max3A_27 : vector<4096x64xf32>
    %get3A_29 = arith.constant 0 : index
    %get3A_30 = arith.constant 0 : index
    %get3A_31 = vector.load %arg4[%get3A_29, %get3A_30] : memref<64x192xf32, #tpu.memory_space<vmem>>, vector<64x192xf32>
    %dot_general3A_32 = arith.constant dense<0.000000e+00> : vector<4096x192xf32>
    %dot_general3A_33 = tpu.matmul %max3A_28, %get3A_31, %dot_general3A_32 {dimension_numbers = #tpu.dot_dimension_numbers<[1], [0], [0], [1], [0, 0, 1, 1], [], []>, transpose_lhs_hint = false} : vector<4096x64xf32>, vector<64x192xf32>, vector<4096x192xf32> -> vector<4096x192xf32>
    %get3A_34 = arith.constant 0 : index
    %get3A_35 = arith.constant 0 : index
    %get3A_36 = vector.load %arg6[%get3A_34, %get3A_35] : memref<1x192xf32, #tpu.memory_space<vmem>>, vector<1x192xf32>
    %add3A_37 = vector.broadcast %get3A_36 : vector<1x192xf32> to vector<4096x192xf32>
    %add3A_38 = arith.addf %dot_general3A_33, %add3A_37 : vector<4096x192xf32>
    %get3A_39 = arith.constant 0 : index
    %get3A_40 = arith.constant 0 : index
    %get3A_41 = vector.load %arg5[%get3A_39, %get3A_40] : memref<64x192xf32, #tpu.memory_space<vmem>>, vector<64x192xf32>
    %dot_general3A_42 = arith.constant dense<0.000000e+00> : vector<4096x192xf32>
    %dot_general3A_43 = tpu.matmul %get3A_1, %get3A_41, %dot_general3A_42 {dimension_numbers = #tpu.dot_dimension_numbers<[1], [0], [0], [1], [0, 0, 1, 1], [], []>, transpose_lhs_hint = false} : vector<4096x64xf32>, vector<64x192xf32>, vector<4096x192xf32> -> vector<4096x192xf32>
    %get3A_44 = arith.constant 0 : index
    %get3A_45 = arith.constant 0 : index
    %get3A_46 = vector.load %arg7[%get3A_44, %get3A_45] : memref<1x192xf32, #tpu.memory_space<vmem>>, vector<1x192xf32>
    %add3A_47 = vector.broadcast %get3A_46 : vector<1x192xf32> to vector<4096x192xf32>
    %add3A_48 = arith.addf %dot_general3A_43, %add3A_47 : vector<4096x192xf32>
    %slice3A_49 = vector.extract_strided_slice %add3A_38 {offsets = [0, 0], sizes = [4096, 64], strides = [1, 1]} : vector<4096x192xf32> to vector<4096x64xf32>
    %slice3A_50 = vector.extract_strided_slice %add3A_48 {offsets = [0, 0], sizes = [4096, 64], strides = [1, 1]} : vector<4096x192xf32> to vector<4096x64xf32>
    %add3A_51 = arith.addf %slice3A_49, %slice3A_50 : vector<4096x64xf32>
    %neg3A = arith.constant 0.000000e+00 : f32
    %neg3A_52 = vector.broadcast %neg3A : f32 to vector<4096x64xf32>
    %neg3A_53 = arith.subf %neg3A_52, %add3A_51 : vector<4096x64xf32>
    %exp3A = math.exp %neg3A_53 : vector<4096x64xf32>
    %add3A_54 = arith.constant 1.000000e+00 : f32
    %add3A_55 = vector.broadcast %add3A_54 : f32 to vector<4096x64xf32>
    %add3A_56 = arith.addf %add3A_55, %exp3A : vector<4096x64xf32>
    %div3A_57 = arith.constant 1.000000e+00 : f32
    %div3A_58 = vector.broadcast %div3A_57 : f32 to vector<4096x64xf32>
    %div3A_59 = arith.divf %div3A_58, %add3A_56 : vector<4096x64xf32>
    %slice3A_60 = vector.extract_strided_slice %add3A_38 {offsets = [0, 64], sizes = [4096, 64], strides = [1, 1]} : vector<4096x192xf32> to vector<4096x64xf32>
    %slice3A_61 = vector.extract_strided_slice %add3A_48 {offsets = [0, 64], sizes = [4096, 64], strides = [1, 1]} : vector<4096x192xf32> to vector<4096x64xf32>
    %add3A_62 = arith.addf %slice3A_60, %slice3A_61 : vector<4096x64xf32>
    %neg3A_63 = arith.constant 0.000000e+00 : f32
    %neg3A_64 = vector.broadcast %neg3A_63 : f32 to vector<4096x64xf32>
    %neg3A_65 = arith.subf %neg3A_64, %add3A_62 : vector<4096x64xf32>
    %exp3A_66 = math.exp %neg3A_65 : vector<4096x64xf32>
    %add3A_67 = arith.constant 1.000000e+00 : f32
    %add3A_68 = vector.broadcast %add3A_67 : f32 to vector<4096x64xf32>
    %add3A_69 = arith.addf %add3A_68, %exp3A_66 : vector<4096x64xf32>
    %div3A_70 = arith.constant 1.000000e+00 : f32
    %div3A_71 = vector.broadcast %div3A_70 : f32 to vector<4096x64xf32>
    %div3A_72 = arith.divf %div3A_71, %add3A_69 : vector<4096x64xf32>
    %slice3A_73 = vector.extract_strided_slice %add3A_38 {offsets = [0, 128], sizes = [4096, 64], strides = [1, 1]} : vector<4096x192xf32> to vector<4096x64xf32>
    %slice3A_74 = vector.extract_strided_slice %add3A_48 {offsets = [0, 128], sizes = [4096, 64], strides = [1, 1]} : vector<4096x192xf32> to vector<4096x64xf32>
    %mul3A = arith.mulf %div3A_59, %slice3A_74 : vector<4096x64xf32>
    %add3A_75 = arith.addf %slice3A_73, %mul3A : vector<4096x64xf32>
    %tanh3A = math.tanh %add3A_75 : vector<4096x64xf32>
    %sub3A = arith.constant 1.000000e+00 : f32
    %sub3A_76 = vector.broadcast %sub3A : f32 to vector<4096x64xf32>
    %sub3A_77 = arith.subf %sub3A_76, %div3A_72 : vector<4096x64xf32>
    %mul3A_78 = arith.mulf %sub3A_77, %tanh3A : vector<4096x64xf32>
    %mul3A_79 = arith.mulf %div3A_72, %get3A_1 : vector<4096x64xf32>
    %add3A_80 = arith.addf %mul3A_78, %mul3A_79 : vector<4096x64xf32>
    %swap3A = arith.constant 0 : index
    %swap3A_81 = arith.constant 0 : index
    %swap3A_82 = vector.load %arg8[%swap3A, %swap3A_81] : memref<4096x128xf32, #tpu.memory_space<vmem>>, vector<4096x64xf32>
    tpu.vector_store %arg8[%swap3A, %swap3A_81], %add3A_80 {strides = array<i32>} : memref<4096x128xf32, #tpu.memory_space<vmem>>, vector<4096x64xf32>,
    %broadcast_in_dim3A = arith.constant 0.000000e+00 : f32
    %broadcast_in_dim3A_83 = vector.broadcast %broadcast_in_dim3A : f32 to vector<4096x64xf32>
    %swap3A_84 = arith.constant 0 : index
    %swap3A_85 = arith.constant 64 : index
    %swap3A_86 = vector.load %arg8[%swap3A_84, %swap3A_85] : memref<4096x128xf32, #tpu.memory_space<vmem>>, vector<4096x64xf32>
    tpu.vector_store %arg8[%swap3A_84, %swap3A_85], %broadcast_in_dim3A_83 {strides = array<i32>} : memref<4096x128xf32, #tpu.memory_space<vmem>>, vector<4096x64xf32>,
    return
  }
}

module attributes {stable_mosaic.version = 14 : i64} {
  func.func @_s2s_body(%arg0: memref<4096x128xf32, #tpu.memory_space<vmem>>, %arg1: memref<4096x1xi32, #tpu.memory_space<vmem>>, %arg2: memref<8x4096xi32, #tpu.memory_space<vmem>>, %arg3: memref<128x256xf32, #tpu.memory_space<vmem>>, %arg4: memref<64x256xf32, #tpu.memory_space<vmem>>, %arg5: memref<1x256xf32, #tpu.memory_space<vmem>>, %arg6: memref<1x256xf32, #tpu.memory_space<vmem>>, %arg7: memref<128x64xf32, #tpu.memory_space<vmem>>, %arg8: memref<1x64xf32, #tpu.memory_space<vmem>>, %arg9: memref<64x12xf32, #tpu.memory_space<vmem>>, %arg10: memref<1x12xf32, #tpu.memory_space<vmem>>, %arg11: memref<256x12xf32, #tpu.memory_space<vmem>>) attributes {dimension_semantics = [], scalar_prefetch = 0 : i64, scratch_operands = 0 : i64, tpu.core_type = #tpu.core_type<tc>} {
    %get3A = arith.constant 0 : index
    %get3A_0 = arith.constant 0 : index
    %get3A_1 = vector.load %arg0[%get3A, %get3A_0] : memref<4096x128xf32, #tpu.memory_space<vmem>>, vector<4096x64xf32>
    %get3A_2 = arith.constant 0 : index
    %get3A_3 = arith.constant 0 : index
    %get3A_4 = vector.load %arg1[%get3A_2, %get3A_3] : memref<4096x1xi32, #tpu.memory_space<vmem>>, vector<4096x1xi32>
    %iota3A = tpu.iota {dimensions = array<i32: 1>} : vector<4096x256xi32>
    %eq3A = vector.broadcast %get3A_4 : vector<4096x1xi32> to vector<4096x256xi32>
    %eq3A_5 = arith.cmpi eq, %iota3A, %eq3A : vector<4096x256xi32>
    %convert_element_type3A = arith.extui %eq3A_5 : vector<4096x256xi1> to vector<4096x256xi32>
    %convert_element_type3A_6 = arith.sitofp %convert_element_type3A : vector<4096x256xi32> to vector<4096x256xf32>
    %iota3A_7 = tpu.iota {dimensions = array<i32: 0>} : vector<256x4096xi32>
    %get3A_8 = arith.constant 0 : index
    %get3A_9 = arith.constant 0 : index
    %get3A_10 = vector.load %arg2[%get3A_8, %get3A_9] : memref<8x4096xi32, #tpu.memory_space<vmem>>, vector<1x4096xi32>
    %eq3A_11 = vector.broadcast %get3A_10 : vector<1x4096xi32> to vector<256x4096xi32>
    %eq3A_12 = arith.cmpi eq, %iota3A_7, %eq3A_11 : vector<256x4096xi32>
    %convert_element_type3A_13 = arith.extui %eq3A_12 : vector<256x4096xi1> to vector<256x4096xi32>
    %convert_element_type3A_14 = arith.sitofp %convert_element_type3A_13 : vector<256x4096xi32> to vector<256x4096xf32>
    %broadcast_in_dim3A = arith.constant 0.000000e+00 : f32
    %broadcast_in_dim3A_15 = vector.broadcast %broadcast_in_dim3A : f32 to vector<256x128xf32>
    %broadcast_in_dim3A_16 = arith.constant 0.000000e+00 : f32
    %broadcast_in_dim3A_17 = vector.broadcast %broadcast_in_dim3A_16 : f32 to vector<256x64xf32>
    %broadcast_in_dim3A_18 = arith.constant 0.000000e+00 : f32
    %broadcast_in_dim3A_19 = vector.broadcast %broadcast_in_dim3A_18 : f32 to vector<256x64xf32>
    %get3A_20 = arith.constant 0 : index
    %get3A_21 = arith.constant 0 : index
    %get3A_22 = vector.load %arg3[%get3A_20, %get3A_21] : memref<128x256xf32, #tpu.memory_space<vmem>>, vector<128x256xf32>
    %dot_general3A = arith.constant dense<0.000000e+00> : vector<256x256xf32>
    %dot_general3A_23 = tpu.matmul %broadcast_in_dim3A_15, %get3A_22, %dot_general3A {dimension_numbers = #tpu.dot_dimension_numbers<[1], [0], [0], [1], [0, 0, 1, 1], [], []>, transpose_lhs_hint = false} : vector<256x128xf32>, vector<128x256xf32>, vector<256x256xf32> -> vector<256x256xf32>
    %get3A_24 = arith.constant 0 : index
    %get3A_25 = arith.constant 0 : index
    %get3A_26 = vector.load %arg5[%get3A_24, %get3A_25] : memref<1x256xf32, #tpu.memory_space<vmem>>, vector<1x256xf32>
    %add3A = vector.broadcast %get3A_26 : vector<1x256xf32> to vector<256x256xf32>
    %add3A_27 = arith.addf %dot_general3A_23, %add3A : vector<256x256xf32>
    %get3A_28 = arith.constant 0 : index
    %get3A_29 = arith.constant 0 : index
    %get3A_30 = vector.load %arg4[%get3A_28, %get3A_29] : memref<64x256xf32, #tpu.memory_space<vmem>>, vector<64x256xf32>
    %dot_general3A_31 = arith.constant dense<0.000000e+00> : vector<256x256xf32>
    %dot_general3A_32 = tpu.matmul %broadcast_in_dim3A_17, %get3A_30, %dot_general3A_31 {dimension_numbers = #tpu.dot_dimension_numbers<[1], [0], [0], [1], [0, 0, 1, 1], [], []>, transpose_lhs_hint = false} : vector<256x64xf32>, vector<64x256xf32>, vector<256x256xf32> -> vector<256x256xf32>
    %add3A_33 = arith.addf %add3A_27, %dot_general3A_32 : vector<256x256xf32>
    %get3A_34 = arith.constant 0 : index
    %get3A_35 = arith.constant 0 : index
    %get3A_36 = vector.load %arg6[%get3A_34, %get3A_35] : memref<1x256xf32, #tpu.memory_space<vmem>>, vector<1x256xf32>
    %add3A_37 = vector.broadcast %get3A_36 : vector<1x256xf32> to vector<256x256xf32>
    %add3A_38 = arith.addf %add3A_33, %add3A_37 : vector<256x256xf32>
    %slice3A = vector.extract_strided_slice %add3A_38 {offsets = [0, 0], sizes = [256, 64], strides = [1, 1]} : vector<256x256xf32> to vector<256x64xf32>
    %neg3A = arith.constant 0.000000e+00 : f32
    %neg3A_39 = vector.broadcast %neg3A : f32 to vector<256x64xf32>
    %neg3A_40 = arith.subf %neg3A_39, %slice3A : vector<256x64xf32>
    %exp3A = math.exp %neg3A_40 : vector<256x64xf32>
    %add3A_41 = arith.constant 1.000000e+00 : f32
    %add3A_42 = vector.broadcast %add3A_41 : f32 to vector<256x64xf32>
    %add3A_43 = arith.addf %add3A_42, %exp3A : vector<256x64xf32>
    %div3A = arith.constant 1.000000e+00 : f32
    %div3A_44 = vector.broadcast %div3A : f32 to vector<256x64xf32>
    %div3A_45 = arith.divf %div3A_44, %add3A_43 : vector<256x64xf32>
    %slice3A_46 = vector.extract_strided_slice %add3A_38 {offsets = [0, 64], sizes = [256, 64], strides = [1, 1]} : vector<256x256xf32> to vector<256x64xf32>
    %neg3A_47 = arith.constant 0.000000e+00 : f32
    %neg3A_48 = vector.broadcast %neg3A_47 : f32 to vector<256x64xf32>
    %neg3A_49 = arith.subf %neg3A_48, %slice3A_46 : vector<256x64xf32>
    %exp3A_50 = math.exp %neg3A_49 : vector<256x64xf32>
    %add3A_51 = arith.constant 1.000000e+00 : f32
    %add3A_52 = vector.broadcast %add3A_51 : f32 to vector<256x64xf32>
    %add3A_53 = arith.addf %add3A_52, %exp3A_50 : vector<256x64xf32>
    %div3A_54 = arith.constant 1.000000e+00 : f32
    %div3A_55 = vector.broadcast %div3A_54 : f32 to vector<256x64xf32>
    %div3A_56 = arith.divf %div3A_55, %add3A_53 : vector<256x64xf32>
    %slice3A_57 = vector.extract_strided_slice %add3A_38 {offsets = [0, 128], sizes = [256, 64], strides = [1, 1]} : vector<256x256xf32> to vector<256x64xf32>
    %tanh3A = math.tanh %slice3A_57 : vector<256x64xf32>
    %slice3A_58 = vector.extract_strided_slice %add3A_38 {offsets = [0, 192], sizes = [256, 64], strides = [1, 1]} : vector<256x256xf32> to vector<256x64xf32>
    %neg3A_59 = arith.constant 0.000000e+00 : f32
    %neg3A_60 = vector.broadcast %neg3A_59 : f32 to vector<256x64xf32>
    %neg3A_61 = arith.subf %neg3A_60, %slice3A_58 : vector<256x64xf32>
    %exp3A_62 = math.exp %neg3A_61 : vector<256x64xf32>
    %add3A_63 = arith.constant 1.000000e+00 : f32
    %add3A_64 = vector.broadcast %add3A_63 : f32 to vector<256x64xf32>
    %add3A_65 = arith.addf %add3A_64, %exp3A_62 : vector<256x64xf32>
    %div3A_66 = arith.constant 1.000000e+00 : f32
    %div3A_67 = vector.broadcast %div3A_66 : f32 to vector<256x64xf32>
    %div3A_68 = arith.divf %div3A_67, %add3A_65 : vector<256x64xf32>
    %mul3A = arith.mulf %div3A_56, %broadcast_in_dim3A_19 : vector<256x64xf32>
    %mul3A_69 = arith.mulf %div3A_45, %tanh3A : vector<256x64xf32>
    %add3A_70 = arith.addf %mul3A, %mul3A_69 : vector<256x64xf32>
    %tanh3A_71 = math.tanh %add3A_70 : vector<256x64xf32>
    %mul3A_72 = arith.mulf %div3A_68, %tanh3A_71 : vector<256x64xf32>
    %dot_general3A_73 = arith.constant dense<0.000000e+00> : vector<4096x64xf32>
    %dot_general3A_74 = tpu.matmul %convert_element_type3A_6, %mul3A_72, %dot_general3A_73 {dimension_numbers = #tpu.dot_dimension_numbers<[1], [0], [0], [1], [0, 0, 1, 1], [], []>, transpose_lhs_hint = false} : vector<4096x256xf32>, vector<256x64xf32>, vector<4096x64xf32> -> vector<4096x64xf32>
    %mul3A_75 = arith.mulf %get3A_1, %dot_general3A_74 : vector<4096x64xf32>
    %reduce_sum3A = arith.constant dense<0.000000e+00> : vector<4096xf32>
    %reduce_sum3A_76 = vector.multi_reduction <add>, %mul3A_75, %reduce_sum3A [1] : vector<4096x64xf32> to vector<4096xf32>
    %broadcast_in_dim3A_77 = vector.shape_cast %reduce_sum3A_76 : vector<4096xf32> to vector<4096x1xf32>
    %gt3A = arith.constant 5.000000e-01 : f32
    %gt3A_78 = vector.broadcast %gt3A : f32 to vector<4096x256xf32>
    %gt3A_79 = arith.cmpf ogt, %convert_element_type3A_6, %gt3A_78 : vector<4096x256xf32>
    %jit3A = arith.constant -9.99999968E+37 : f32
    %broadcast_in_dim3A_80 = vector.shape_cast %broadcast_in_dim3A_77 : vector<4096x1xf32> to vector<4096x1xf32>
    %broadcast_in_dim3A_81 = vector.broadcast %broadcast_in_dim3A_80 : vector<4096x1xf32> to vector<4096x256xf32>
    %broadcast_in_dim3A_82 = vector.broadcast %jit3A : f32 to vector<4096x256xf32>
    %select_n3A = arith.select %gt3A_79, %broadcast_in_dim3A_81, %broadcast_in_dim3A_82 : vector<4096x256xi1>, vector<4096x256xf32>
    %reduce_max3A = arith.constant dense<0xFF800000> : vector<256xf32>
    %reduce_max3A_83 = vector.multi_reduction <maximumf>, %select_n3A, %reduce_max3A [0] : vector<4096x256xf32> to vector<256xf32>
    %broadcast_in_dim3A_84 = vector.shape_cast %reduce_max3A_83 : vector<256xf32> to vector<1x256xf32>
    %lt3A = arith.constant -1.000000e+30 : f32
    %lt3A_85 = vector.broadcast %lt3A : f32 to vector<1x256xf32>
    %lt3A_86 = arith.cmpf olt, %broadcast_in_dim3A_84, %lt3A_85 : vector<1x256xf32>
    %jit3A_87 = arith.constant 0.000000e+00 : f32
    %broadcast_in_dim3A_88 = vector.broadcast %jit3A_87 : f32 to vector<1x256xf32>
    %select_n3A_89 = arith.select %lt3A_86, %broadcast_in_dim3A_88, %broadcast_in_dim3A_84 : vector<1x256xi1>, vector<1x256xf32>
    %mul3A_90 = vector.broadcast %select_n3A_89 : vector<1x256xf32> to vector<4096x256xf32>
    %mul3A_91 = arith.mulf %convert_element_type3A_6, %mul3A_90 : vector<4096x256xf32>
    %reduce_sum3A_92 = arith.constant dense<0.000000e+00> : vector<4096xf32>
    %reduce_sum3A_93 = vector.multi_reduction <add>, %mul3A_91, %reduce_sum3A_92 [1] : vector<4096x256xf32> to vector<4096xf32>
    %broadcast_in_dim3A_94 = vector.shape_cast %reduce_sum3A_93 : vector<4096xf32> to vector<4096x1xf32>
    %sub3A = arith.subf %broadcast_in_dim3A_77, %broadcast_in_dim3A_94 : vector<4096x1xf32>
    %exp3A_95 = math.exp %sub3A : vector<4096x1xf32>
    %mul3A_96 = vector.broadcast %exp3A_95 : vector<4096x1xf32> to vector<4096x256xf32>
    %mul3A_97 = arith.mulf %convert_element_type3A_6, %mul3A_96 : vector<4096x256xf32>
    %reduce_sum3A_98 = arith.constant dense<0.000000e+00> : vector<256xf32>
    %reduce_sum3A_99 = vector.multi_reduction <add>, %mul3A_97, %reduce_sum3A_98 [0] : vector<4096x256xf32> to vector<256xf32>
    %broadcast_in_dim3A_100 = vector.shape_cast %reduce_sum3A_99 : vector<256xf32> to vector<1x256xf32>
    %mul3A_101 = vector.broadcast %broadcast_in_dim3A_100 : vector<1x256xf32> to vector<4096x256xf32>
    %mul3A_102 = arith.mulf %convert_element_type3A_6, %mul3A_101 : vector<4096x256xf32>
    %reduce_sum3A_103 = arith.constant dense<0.000000e+00> : vector<4096xf32>
    %reduce_sum3A_104 = vector.multi_reduction <add>, %mul3A_102, %reduce_sum3A_103 [1] : vector<4096x256xf32> to vector<4096xf32>
    %broadcast_in_dim3A_105 = vector.shape_cast %reduce_sum3A_104 : vector<4096xf32> to vector<4096x1xf32>
    %div3A_106 = arith.divf %exp3A_95, %broadcast_in_dim3A_105 : vector<4096x1xf32>
    %mul3A_107 = vector.broadcast %div3A_106 : vector<4096x1xf32> to vector<4096x64xf32>
    %mul3A_108 = arith.mulf %mul3A_107, %get3A_1 : vector<4096x64xf32>
    %dot_general3A_109 = arith.constant dense<0.000000e+00> : vector<256x64xf32>
    %dot_general3A_110 = tpu.matmul %convert_element_type3A_14, %mul3A_108, %dot_general3A_109 {dimension_numbers = #tpu.dot_dimension_numbers<[1], [0], [0], [1], [0, 0, 1, 1], [], []>, transpose_lhs_hint = false} : vector<256x4096xf32>, vector<4096x64xf32>, vector<256x64xf32> -> vector<256x64xf32>
    %concatenate3A = tpu.concatenate %mul3A_72, %dot_general3A_110 in 1 : vector<256x64xf32>, vector<256x64xf32> -> vector<256x128xf32>
    %get3A_111 = arith.constant 0 : index
    %get3A_112 = arith.constant 0 : index
    %get3A_113 = vector.load %arg3[%get3A_111, %get3A_112] : memref<128x256xf32, #tpu.memory_space<vmem>>, vector<128x256xf32>
    %dot_general3A_114 = arith.constant dense<0.000000e+00> : vector<256x256xf32>
    %dot_general3A_115 = tpu.matmul %concatenate3A, %get3A_113, %dot_general3A_114 {dimension_numbers = #tpu.dot_dimension_numbers<[1], [0], [0], [1], [0, 0, 1, 1], [], []>, transpose_lhs_hint = false} : vector<256x128xf32>, vector<128x256xf32>, vector<256x256xf32> -> vector<256x256xf32>
    %get3A_116 = arith.constant 0 : index
    %get3A_117 = arith.constant 0 : index
    %get3A_118 = vector.load %arg5[%get3A_116, %get3A_117] : memref<1x256xf32, #tpu.memory_space<vmem>>, vector<1x256xf32>
    %add3A_119 = vector.broadcast %get3A_118 : vector<1x256xf32> to vector<256x256xf32>
    %add3A_120 = arith.addf %dot_general3A_115, %add3A_119 : vector<256x256xf32>
    %get3A_121 = arith.constant 0 : index
    %get3A_122 = arith.constant 0 : index
    %get3A_123 = vector.load %arg4[%get3A_121, %get3A_122] : memref<64x256xf32, #tpu.memory_space<vmem>>, vector<64x256xf32>
    %dot_general3A_124 = arith.constant dense<0.000000e+00> : vector<256x256xf32>
    %dot_general3A_125 = tpu.matmul %mul3A_72, %get3A_123, %dot_general3A_124 {dimension_numbers = #tpu.dot_dimension_numbers<[1], [0], [0], [1], [0, 0, 1, 1], [], []>, transpose_lhs_hint = false} : vector<256x64xf32>, vector<64x256xf32>, vector<256x256xf32> -> vector<256x256xf32>
    %add3A_126 = arith.addf %add3A_120, %dot_general3A_125 : vector<256x256xf32>
    %get3A_127 = arith.constant 0 : index
    %get3A_128 = arith.constant 0 : index
    %get3A_129 = vector.load %arg6[%get3A_127, %get3A_128] : memref<1x256xf32, #tpu.memory_space<vmem>>, vector<1x256xf32>
    %add3A_130 = vector.broadcast %get3A_129 : vector<1x256xf32> to vector<256x256xf32>
    %add3A_131 = arith.addf %add3A_126, %add3A_130 : vector<256x256xf32>
    %slice3A_132 = vector.extract_strided_slice %add3A_131 {offsets = [0, 0], sizes = [256, 64], strides = [1, 1]} : vector<256x256xf32> to vector<256x64xf32>
    %neg3A_133 = arith.constant 0.000000e+00 : f32
    %neg3A_134 = vector.broadcast %neg3A_133 : f32 to vector<256x64xf32>
    %neg3A_135 = arith.subf %neg3A_134, %slice3A_132 : vector<256x64xf32>
    %exp3A_136 = math.exp %neg3A_135 : vector<256x64xf32>
    %add3A_137 = arith.constant 1.000000e+00 : f32
    %add3A_138 = vector.broadcast %add3A_137 : f32 to vector<256x64xf32>
    %add3A_139 = arith.addf %add3A_138, %exp3A_136 : vector<256x64xf32>
    %div3A_140 = arith.constant 1.000000e+00 : f32
    %div3A_141 = vector.broadcast %div3A_140 : f32 to vector<256x64xf32>
    %div3A_142 = arith.divf %div3A_141, %add3A_139 : vector<256x64xf32>
    %slice3A_143 = vector.extract_strided_slice %add3A_131 {offsets = [0, 64], sizes = [256, 64], strides = [1, 1]} : vector<256x256xf32> to vector<256x64xf32>
    %neg3A_144 = arith.constant 0.000000e+00 : f32
    %neg3A_145 = vector.broadcast %neg3A_144 : f32 to vector<256x64xf32>
    %neg3A_146 = arith.subf %neg3A_145, %slice3A_143 : vector<256x64xf32>
    %exp3A_147 = math.exp %neg3A_146 : vector<256x64xf32>
    %add3A_148 = arith.constant 1.000000e+00 : f32
    %add3A_149 = vector.broadcast %add3A_148 : f32 to vector<256x64xf32>
    %add3A_150 = arith.addf %add3A_149, %exp3A_147 : vector<256x64xf32>
    %div3A_151 = arith.constant 1.000000e+00 : f32
    %div3A_152 = vector.broadcast %div3A_151 : f32 to vector<256x64xf32>
    %div3A_153 = arith.divf %div3A_152, %add3A_150 : vector<256x64xf32>
    %slice3A_154 = vector.extract_strided_slice %add3A_131 {offsets = [0, 128], sizes = [256, 64], strides = [1, 1]} : vector<256x256xf32> to vector<256x64xf32>
    %tanh3A_155 = math.tanh %slice3A_154 : vector<256x64xf32>
    %slice3A_156 = vector.extract_strided_slice %add3A_131 {offsets = [0, 192], sizes = [256, 64], strides = [1, 1]} : vector<256x256xf32> to vector<256x64xf32>
    %neg3A_157 = arith.constant 0.000000e+00 : f32
    %neg3A_158 = vector.broadcast %neg3A_157 : f32 to vector<256x64xf32>
    %neg3A_159 = arith.subf %neg3A_158, %slice3A_156 : vector<256x64xf32>
    %exp3A_160 = math.exp %neg3A_159 : vector<256x64xf32>
    %add3A_161 = arith.constant 1.000000e+00 : f32
    %add3A_162 = vector.broadcast %add3A_161 : f32 to vector<256x64xf32>
    %add3A_163 = arith.addf %add3A_162, %exp3A_160 : vector<256x64xf32>
    %div3A_164 = arith.constant 1.000000e+00 : f32
    %div3A_165 = vector.broadcast %div3A_164 : f32 to vector<256x64xf32>
    %div3A_166 = arith.divf %div3A_165, %add3A_163 : vector<256x64xf32>
    %mul3A_167 = arith.mulf %div3A_153, %add3A_70 : vector<256x64xf32>
    %mul3A_168 = arith.mulf %div3A_142, %tanh3A_155 : vector<256x64xf32>
    %add3A_169 = arith.addf %mul3A_167, %mul3A_168 : vector<256x64xf32>
    %tanh3A_170 = math.tanh %add3A_169 : vector<256x64xf32>
    %mul3A_171 = arith.mulf %div3A_166, %tanh3A_170 : vector<256x64xf32>
    %dot_general3A_172 = arith.constant dense<0.000000e+00> : vector<4096x64xf32>
    %dot_general3A_173 = tpu.matmul %convert_element_type3A_6, %mul3A_171, %dot_general3A_172 {dimension_numbers = #tpu.dot_dimension_numbers<[1], [0], [0], [1], [0, 0, 1, 1], [], []>, transpose_lhs_hint = false} : vector<4096x256xf32>, vector<256x64xf32>, vector<4096x64xf32> -> vector<4096x64xf32>
    %mul3A_174 = arith.mulf %get3A_1, %dot_general3A_173 : vector<4096x64xf32>
    %reduce_sum3A_175 = arith.constant dense<0.000000e+00> : vector<4096xf32>
    %reduce_sum3A_176 = vector.multi_reduction <add>, %mul3A_174, %reduce_sum3A_175 [1] : vector<4096x64xf32> to vector<4096xf32>
    %broadcast_in_dim3A_177 = vector.shape_cast %reduce_sum3A_176 : vector<4096xf32> to vector<4096x1xf32>
    %gt3A_178 = arith.constant 5.000000e-01 : f32
    %gt3A_179 = vector.broadcast %gt3A_178 : f32 to vector<4096x256xf32>
    %gt3A_180 = arith.cmpf ogt, %convert_element_type3A_6, %gt3A_179 : vector<4096x256xf32>
    %jit3A_181 = arith.constant -9.99999968E+37 : f32
    %broadcast_in_dim3A_182 = vector.shape_cast %broadcast_in_dim3A_177 : vector<4096x1xf32> to vector<4096x1xf32>
    %broadcast_in_dim3A_183 = vector.broadcast %broadcast_in_dim3A_182 : vector<4096x1xf32> to vector<4096x256xf32>
    %broadcast_in_dim3A_184 = vector.broadcast %jit3A_181 : f32 to vector<4096x256xf32>
    %select_n3A_185 = arith.select %gt3A_180, %broadcast_in_dim3A_183, %broadcast_in_dim3A_184 : vector<4096x256xi1>, vector<4096x256xf32>
    %reduce_max3A_186 = arith.constant dense<0xFF800000> : vector<256xf32>
    %reduce_max3A_187 = vector.multi_reduction <maximumf>, %select_n3A_185, %reduce_max3A_186 [0] : vector<4096x256xf32> to vector<256xf32>
    %broadcast_in_dim3A_188 = vector.shape_cast %reduce_max3A_187 : vector<256xf32> to vector<1x256xf32>
    %lt3A_189 = arith.constant -1.000000e+30 : f32
    %lt3A_190 = vector.broadcast %lt3A_189 : f32 to vector<1x256xf32>
    %lt3A_191 = arith.cmpf olt, %broadcast_in_dim3A_188, %lt3A_190 : vector<1x256xf32>
    %jit3A_192 = arith.constant 0.000000e+00 : f32
    %broadcast_in_dim3A_193 = vector.broadcast %jit3A_192 : f32 to vector<1x256xf32>
    %select_n3A_194 = arith.select %lt3A_191, %broadcast_in_dim3A_193, %broadcast_in_dim3A_188 : vector<1x256xi1>, vector<1x256xf32>
    %mul3A_195 = vector.broadcast %select_n3A_194 : vector<1x256xf32> to vector<4096x256xf32>
    %mul3A_196 = arith.mulf %convert_element_type3A_6, %mul3A_195 : vector<4096x256xf32>
    %reduce_sum3A_197 = arith.constant dense<0.000000e+00> : vector<4096xf32>
    %reduce_sum3A_198 = vector.multi_reduction <add>, %mul3A_196, %reduce_sum3A_197 [1] : vector<4096x256xf32> to vector<4096xf32>
    %broadcast_in_dim3A_199 = vector.shape_cast %reduce_sum3A_198 : vector<4096xf32> to vector<4096x1xf32>
    %sub3A_200 = arith.subf %broadcast_in_dim3A_177, %broadcast_in_dim3A_199 : vector<4096x1xf32>
    %exp3A_201 = math.exp %sub3A_200 : vector<4096x1xf32>
    %mul3A_202 = vector.broadcast %exp3A_201 : vector<4096x1xf32> to vector<4096x256xf32>
    %mul3A_203 = arith.mulf %convert_element_type3A_6, %mul3A_202 : vector<4096x256xf32>
    %reduce_sum3A_204 = arith.constant dense<0.000000e+00> : vector<256xf32>
    %reduce_sum3A_205 = vector.multi_reduction <add>, %mul3A_203, %reduce_sum3A_204 [0] : vector<4096x256xf32> to vector<256xf32>
    %broadcast_in_dim3A_206 = vector.shape_cast %reduce_sum3A_205 : vector<256xf32> to vector<1x256xf32>
    %mul3A_207 = vector.broadcast %broadcast_in_dim3A_206 : vector<1x256xf32> to vector<4096x256xf32>
    %mul3A_208 = arith.mulf %convert_element_type3A_6, %mul3A_207 : vector<4096x256xf32>
    %reduce_sum3A_209 = arith.constant dense<0.000000e+00> : vector<4096xf32>
    %reduce_sum3A_210 = vector.multi_reduction <add>, %mul3A_208, %reduce_sum3A_209 [1] : vector<4096x256xf32> to vector<4096xf32>
    %broadcast_in_dim3A_211 = vector.shape_cast %reduce_sum3A_210 : vector<4096xf32> to vector<4096x1xf32>
    %div3A_212 = arith.divf %exp3A_201, %broadcast_in_dim3A_211 : vector<4096x1xf32>
    %mul3A_213 = vector.broadcast %div3A_212 : vector<4096x1xf32> to vector<4096x64xf32>
    %mul3A_214 = arith.mulf %mul3A_213, %get3A_1 : vector<4096x64xf32>
    %dot_general3A_215 = arith.constant dense<0.000000e+00> : vector<256x64xf32>
    %dot_general3A_216 = tpu.matmul %convert_element_type3A_14, %mul3A_214, %dot_general3A_215 {dimension_numbers = #tpu.dot_dimension_numbers<[1], [0], [0], [1], [0, 0, 1, 1], [], []>, transpose_lhs_hint = false} : vector<256x4096xf32>, vector<4096x64xf32>, vector<256x64xf32> -> vector<256x64xf32>
    %concatenate3A_217 = tpu.concatenate %mul3A_171, %dot_general3A_216 in 1 : vector<256x64xf32>, vector<256x64xf32> -> vector<256x128xf32>
    %get3A_218 = arith.constant 0 : index
    %get3A_219 = arith.constant 0 : index
    %get3A_220 = vector.load %arg3[%get3A_218, %get3A_219] : memref<128x256xf32, #tpu.memory_space<vmem>>, vector<128x256xf32>
    %dot_general3A_221 = arith.constant dense<0.000000e+00> : vector<256x256xf32>
    %dot_general3A_222 = tpu.matmul %concatenate3A_217, %get3A_220, %dot_general3A_221 {dimension_numbers = #tpu.dot_dimension_numbers<[1], [0], [0], [1], [0, 0, 1, 1], [], []>, transpose_lhs_hint = false} : vector<256x128xf32>, vector<128x256xf32>, vector<256x256xf32> -> vector<256x256xf32>
    %get3A_223 = arith.constant 0 : index
    %get3A_224 = arith.constant 0 : index
    %get3A_225 = vector.load %arg5[%get3A_223, %get3A_224] : memref<1x256xf32, #tpu.memory_space<vmem>>, vector<1x256xf32>
    %add3A_226 = vector.broadcast %get3A_225 : vector<1x256xf32> to vector<256x256xf32>
    %add3A_227 = arith.addf %dot_general3A_222, %add3A_226 : vector<256x256xf32>
    %get3A_228 = arith.constant 0 : index
    %get3A_229 = arith.constant 0 : index
    %get3A_230 = vector.load %arg4[%get3A_228, %get3A_229] : memref<64x256xf32, #tpu.memory_space<vmem>>, vector<64x256xf32>
    %dot_general3A_231 = arith.constant dense<0.000000e+00> : vector<256x256xf32>
    %dot_general3A_232 = tpu.matmul %mul3A_171, %get3A_230, %dot_general3A_231 {dimension_numbers = #tpu.dot_dimension_numbers<[1], [0], [0], [1], [0, 0, 1, 1], [], []>, transpose_lhs_hint = false} : vector<256x64xf32>, vector<64x256xf32>, vector<256x256xf32> -> vector<256x256xf32>
    %add3A_233 = arith.addf %add3A_227, %dot_general3A_232 : vector<256x256xf32>
    %get3A_234 = arith.constant 0 : index
    %get3A_235 = arith.constant 0 : index
    %get3A_236 = vector.load %arg6[%get3A_234, %get3A_235] : memref<1x256xf32, #tpu.memory_space<vmem>>, vector<1x256xf32>
    %add3A_237 = vector.broadcast %get3A_236 : vector<1x256xf32> to vector<256x256xf32>
    %add3A_238 = arith.addf %add3A_233, %add3A_237 : vector<256x256xf32>
    %slice3A_239 = vector.extract_strided_slice %add3A_238 {offsets = [0, 0], sizes = [256, 64], strides = [1, 1]} : vector<256x256xf32> to vector<256x64xf32>
    %neg3A_240 = arith.constant 0.000000e+00 : f32
    %neg3A_241 = vector.broadcast %neg3A_240 : f32 to vector<256x64xf32>
    %neg3A_242 = arith.subf %neg3A_241, %slice3A_239 : vector<256x64xf32>
    %exp3A_243 = math.exp %neg3A_242 : vector<256x64xf32>
    %add3A_244 = arith.constant 1.000000e+00 : f32
    %add3A_245 = vector.broadcast %add3A_244 : f32 to vector<256x64xf32>
    %add3A_246 = arith.addf %add3A_245, %exp3A_243 : vector<256x64xf32>
    %div3A_247 = arith.constant 1.000000e+00 : f32
    %div3A_248 = vector.broadcast %div3A_247 : f32 to vector<256x64xf32>
    %div3A_249 = arith.divf %div3A_248, %add3A_246 : vector<256x64xf32>
    %slice3A_250 = vector.extract_strided_slice %add3A_238 {offsets = [0, 64], sizes = [256, 64], strides = [1, 1]} : vector<256x256xf32> to vector<256x64xf32>
    %neg3A_251 = arith.constant 0.000000e+00 : f32
    %neg3A_252 = vector.broadcast %neg3A_251 : f32 to vector<256x64xf32>
    %neg3A_253 = arith.subf %neg3A_252, %slice3A_250 : vector<256x64xf32>
    %exp3A_254 = math.exp %neg3A_253 : vector<256x64xf32>
    %add3A_255 = arith.constant 1.000000e+00 : f32
    %add3A_256 = vector.broadcast %add3A_255 : f32 to vector<256x64xf32>
    %add3A_257 = arith.addf %add3A_256, %exp3A_254 : vector<256x64xf32>
    %div3A_258 = arith.constant 1.000000e+00 : f32
    %div3A_259 = vector.broadcast %div3A_258 : f32 to vector<256x64xf32>
    %div3A_260 = arith.divf %div3A_259, %add3A_257 : vector<256x64xf32>
    %slice3A_261 = vector.extract_strided_slice %add3A_238 {offsets = [0, 128], sizes = [256, 64], strides = [1, 1]} : vector<256x256xf32> to vector<256x64xf32>
    %tanh3A_262 = math.tanh %slice3A_261 : vector<256x64xf32>
    %slice3A_263 = vector.extract_strided_slice %add3A_238 {offsets = [0, 192], sizes = [256, 64], strides = [1, 1]} : vector<256x256xf32> to vector<256x64xf32>
    %neg3A_264 = arith.constant 0.000000e+00 : f32
    %neg3A_265 = vector.broadcast %neg3A_264 : f32 to vector<256x64xf32>
    %neg3A_266 = arith.subf %neg3A_265, %slice3A_263 : vector<256x64xf32>
    %exp3A_267 = math.exp %neg3A_266 : vector<256x64xf32>
    %add3A_268 = arith.constant 1.000000e+00 : f32
    %add3A_269 = vector.broadcast %add3A_268 : f32 to vector<256x64xf32>
    %add3A_270 = arith.addf %add3A_269, %exp3A_267 : vector<256x64xf32>
    %div3A_271 = arith.constant 1.000000e+00 : f32
    %div3A_272 = vector.broadcast %div3A_271 : f32 to vector<256x64xf32>
    %div3A_273 = arith.divf %div3A_272, %add3A_270 : vector<256x64xf32>
    %mul3A_274 = arith.mulf %div3A_260, %add3A_169 : vector<256x64xf32>
    %mul3A_275 = arith.mulf %div3A_249, %tanh3A_262 : vector<256x64xf32>
    %add3A_276 = arith.addf %mul3A_274, %mul3A_275 : vector<256x64xf32>
    %tanh3A_277 = math.tanh %add3A_276 : vector<256x64xf32>
    %mul3A_278 = arith.mulf %div3A_273, %tanh3A_277 : vector<256x64xf32>
    %dot_general3A_279 = arith.constant dense<0.000000e+00> : vector<4096x64xf32>
    %dot_general3A_280 = tpu.matmul %convert_element_type3A_6, %mul3A_278, %dot_general3A_279 {dimension_numbers = #tpu.dot_dimension_numbers<[1], [0], [0], [1], [0, 0, 1, 1], [], []>, transpose_lhs_hint = false} : vector<4096x256xf32>, vector<256x64xf32>, vector<4096x64xf32> -> vector<4096x64xf32>
    %mul3A_281 = arith.mulf %get3A_1, %dot_general3A_280 : vector<4096x64xf32>
    %reduce_sum3A_282 = arith.constant dense<0.000000e+00> : vector<4096xf32>
    %reduce_sum3A_283 = vector.multi_reduction <add>, %mul3A_281, %reduce_sum3A_282 [1] : vector<4096x64xf32> to vector<4096xf32>
    %broadcast_in_dim3A_284 = vector.shape_cast %reduce_sum3A_283 : vector<4096xf32> to vector<4096x1xf32>
    %gt3A_285 = arith.constant 5.000000e-01 : f32
    %gt3A_286 = vector.broadcast %gt3A_285 : f32 to vector<4096x256xf32>
    %gt3A_287 = arith.cmpf ogt, %convert_element_type3A_6, %gt3A_286 : vector<4096x256xf32>
    %jit3A_288 = arith.constant -9.99999968E+37 : f32
    %broadcast_in_dim3A_289 = vector.shape_cast %broadcast_in_dim3A_284 : vector<4096x1xf32> to vector<4096x1xf32>
    %broadcast_in_dim3A_290 = vector.broadcast %broadcast_in_dim3A_289 : vector<4096x1xf32> to vector<4096x256xf32>
    %broadcast_in_dim3A_291 = vector.broadcast %jit3A_288 : f32 to vector<4096x256xf32>
    %select_n3A_292 = arith.select %gt3A_287, %broadcast_in_dim3A_290, %broadcast_in_dim3A_291 : vector<4096x256xi1>, vector<4096x256xf32>
    %reduce_max3A_293 = arith.constant dense<0xFF800000> : vector<256xf32>
    %reduce_max3A_294 = vector.multi_reduction <maximumf>, %select_n3A_292, %reduce_max3A_293 [0] : vector<4096x256xf32> to vector<256xf32>
    %broadcast_in_dim3A_295 = vector.shape_cast %reduce_max3A_294 : vector<256xf32> to vector<1x256xf32>
    %lt3A_296 = arith.constant -1.000000e+30 : f32
    %lt3A_297 = vector.broadcast %lt3A_296 : f32 to vector<1x256xf32>
    %lt3A_298 = arith.cmpf olt, %broadcast_in_dim3A_295, %lt3A_297 : vector<1x256xf32>
    %jit3A_299 = arith.constant 0.000000e+00 : f32
    %broadcast_in_dim3A_300 = vector.broadcast %jit3A_299 : f32 to vector<1x256xf32>
    %select_n3A_301 = arith.select %lt3A_298, %broadcast_in_dim3A_300, %broadcast_in_dim3A_295 : vector<1x256xi1>, vector<1x256xf32>
    %mul3A_302 = vector.broadcast %select_n3A_301 : vector<1x256xf32> to vector<4096x256xf32>
    %mul3A_303 = arith.mulf %convert_element_type3A_6, %mul3A_302 : vector<4096x256xf32>
    %reduce_sum3A_304 = arith.constant dense<0.000000e+00> : vector<4096xf32>
    %reduce_sum3A_305 = vector.multi_reduction <add>, %mul3A_303, %reduce_sum3A_304 [1] : vector<4096x256xf32> to vector<4096xf32>
    %broadcast_in_dim3A_306 = vector.shape_cast %reduce_sum3A_305 : vector<4096xf32> to vector<4096x1xf32>
    %sub3A_307 = arith.subf %broadcast_in_dim3A_284, %broadcast_in_dim3A_306 : vector<4096x1xf32>
    %exp3A_308 = math.exp %sub3A_307 : vector<4096x1xf32>
    %mul3A_309 = vector.broadcast %exp3A_308 : vector<4096x1xf32> to vector<4096x256xf32>
    %mul3A_310 = arith.mulf %convert_element_type3A_6, %mul3A_309 : vector<4096x256xf32>
    %reduce_sum3A_311 = arith.constant dense<0.000000e+00> : vector<256xf32>
    %reduce_sum3A_312 = vector.multi_reduction <add>, %mul3A_310, %reduce_sum3A_311 [0] : vector<4096x256xf32> to vector<256xf32>
    %broadcast_in_dim3A_313 = vector.shape_cast %reduce_sum3A_312 : vector<256xf32> to vector<1x256xf32>
    %mul3A_314 = vector.broadcast %broadcast_in_dim3A_313 : vector<1x256xf32> to vector<4096x256xf32>
    %mul3A_315 = arith.mulf %convert_element_type3A_6, %mul3A_314 : vector<4096x256xf32>
    %reduce_sum3A_316 = arith.constant dense<0.000000e+00> : vector<4096xf32>
    %reduce_sum3A_317 = vector.multi_reduction <add>, %mul3A_315, %reduce_sum3A_316 [1] : vector<4096x256xf32> to vector<4096xf32>
    %broadcast_in_dim3A_318 = vector.shape_cast %reduce_sum3A_317 : vector<4096xf32> to vector<4096x1xf32>
    %div3A_319 = arith.divf %exp3A_308, %broadcast_in_dim3A_318 : vector<4096x1xf32>
    %mul3A_320 = vector.broadcast %div3A_319 : vector<4096x1xf32> to vector<4096x64xf32>
    %mul3A_321 = arith.mulf %mul3A_320, %get3A_1 : vector<4096x64xf32>
    %dot_general3A_322 = arith.constant dense<0.000000e+00> : vector<256x64xf32>
    %dot_general3A_323 = tpu.matmul %convert_element_type3A_14, %mul3A_321, %dot_general3A_322 {dimension_numbers = #tpu.dot_dimension_numbers<[1], [0], [0], [1], [0, 0, 1, 1], [], []>, transpose_lhs_hint = false} : vector<256x4096xf32>, vector<4096x64xf32>, vector<256x64xf32> -> vector<256x64xf32>
    %concatenate3A_324 = tpu.concatenate %mul3A_278, %dot_general3A_323 in 1 : vector<256x64xf32>, vector<256x64xf32> -> vector<256x128xf32>
    %get3A_325 = arith.constant 0 : index
    %get3A_326 = arith.constant 0 : index
    %get3A_327 = vector.load %arg7[%get3A_325, %get3A_326] : memref<128x64xf32, #tpu.memory_space<vmem>>, vector<128x64xf32>
    %dot_general3A_328 = arith.constant dense<0.000000e+00> : vector<256x64xf32>
    %dot_general3A_329 = tpu.matmul %concatenate3A_324, %get3A_327, %dot_general3A_328 {dimension_numbers = #tpu.dot_dimension_numbers<[1], [0], [0], [1], [0, 0, 1, 1], [], []>, transpose_lhs_hint = false} : vector<256x128xf32>, vector<128x64xf32>, vector<256x64xf32> -> vector<256x64xf32>
    %get3A_330 = arith.constant 0 : index
    %get3A_331 = arith.constant 0 : index
    %get3A_332 = vector.load %arg8[%get3A_330, %get3A_331] : memref<1x64xf32, #tpu.memory_space<vmem>>, vector<1x64xf32>
    %add3A_333 = vector.broadcast %get3A_332 : vector<1x64xf32> to vector<256x64xf32>
    %add3A_334 = arith.addf %dot_general3A_329, %add3A_333 : vector<256x64xf32>
    %max3A = arith.constant 0.000000e+00 : f32
    %max3A_335 = vector.broadcast %max3A : f32 to vector<256x64xf32>
    %max3A_336 = arith.maximumf %add3A_334, %max3A_335 : vector<256x64xf32>
    %get3A_337 = arith.constant 0 : index
    %get3A_338 = arith.constant 0 : index
    %get3A_339 = vector.load %arg9[%get3A_337, %get3A_338] : memref<64x12xf32, #tpu.memory_space<vmem>>, vector<64x12xf32>
    %dot_general3A_340 = arith.constant dense<0.000000e+00> : vector<256x12xf32>
    %dot_general3A_341 = tpu.matmul %max3A_336, %get3A_339, %dot_general3A_340 {dimension_numbers = #tpu.dot_dimension_numbers<[1], [0], [0], [1], [0, 0, 1, 1], [], []>, transpose_lhs_hint = false} : vector<256x64xf32>, vector<64x12xf32>, vector<256x12xf32> -> vector<256x12xf32>
    %get3A_342 = arith.constant 0 : index
    %get3A_343 = arith.constant 0 : index
    %get3A_344 = vector.load %arg10[%get3A_342, %get3A_343] : memref<1x12xf32, #tpu.memory_space<vmem>>, vector<1x12xf32>
    %add3A_345 = vector.broadcast %get3A_344 : vector<1x12xf32> to vector<256x12xf32>
    %add3A_346 = arith.addf %dot_general3A_341, %add3A_345 : vector<256x12xf32>
    %swap3A = arith.constant 0 : index
    %swap3A_347 = arith.constant 0 : index
    %swap3A_348 = vector.load %arg11[%swap3A, %swap3A_347] : memref<256x12xf32, #tpu.memory_space<vmem>>, vector<256x12xf32>
    tpu.vector_store %arg11[%swap3A, %swap3A_347], %add3A_346 {strides = array<i32>} : memref<256x12xf32, #tpu.memory_space<vmem>>, vector<256x12xf32>,
    return
  }
}

</mosaic_0001>

<sc_bundles>
// kernel: kernel.16.cloned.1.call-start
scs
__scs_entry_jumppad:
0x0: {  	(pc) =	sbr.rel $0x88, $3  }
0x1: {  	(tag) =	ssettag $0x0;
	lr =	simm.s32 $0x1  }
0x2: {  	[smem:$0x3F89] =	sst lr;
	_ =	strace $0xD0000000  }
0x3: {  	_ = 	snop  }
0x4: {  	_ = 	snop  }
0x5: {  	_ = 	snop  }
0x6: {  	_ = 	snop  }
0x7: {  	_ = 	snop  }
__scs_overlays_trampoline_lowered:
0x8: {  	[smem:$0x3F98] =	sst s0  }
0x9: {  	[smem:$0x3F99] =	sst s1  }
0xa: {  	[smem:$0x3F9A] =	sst s2  }
0xb: {  	[smem:$0x3F9B] =	sst s3  }
0xc: {  	[smem:$0x3F9C] =	sst s4  }
0xd: {  	[smem:$0x3F9D] =	sst s5  }
0xe: {  	[smem:$0x3F9E] =	sst s6  }
0xf: {  	[smem:$0x3F9F] =	sst s7  }
0x10: {  	[smem:$0x3FA0] =	sst s8  }
0x11: {  	[smem:$0x3FA1] =	sst s9;
	s0 =	simm.s32 @!p0 $0x0  }
0x12: {  	s1 =	sld [smem:$0x3F87];
	s0 =	simm.s32 @p0 $0x1  }
0x13: {  	[smem:$0x3FA2] =	sst s0;
	s0 =	simm.s32 @!p1 $0x0  }
0x14: {  	s2 =	sld [smem:$0x3F86];
	s0 =	simm.s32 @p1 $0x1  }
0x15: {  	[smem:$0x3FA3] =	sst s0;
	s0 =	simm.s32 @!p2 $0x0  }
0x16: {  	s3 =	sld [smem:$0x3FDB];
	s0 =	simm.s32 @p2 $0x1  }
0x17: {  	s4 =	simm.s32 $0x1BF5;
	[smem:$0x3FA5] =	sst s0  }
0x18: {  	s0 =	sld [smem:$0x3F88];
	_ =	swait.ge [sflag:s4], $0x0  }
0x19: {  	s7 =	sld [smem:$0x3F89]  }
0x1a: {  	s8 =	sadd.s32 $0xFFFFE003, lr  }
0x1b: {  	s9 =	sadd.s32 $0xFFFFFEF7, lr;
	s5 =	simm.s32 $0xFFFFFFFF;
	p2 =	slt.u32 s8, $0xFFFFF086  }
0x1c: {  	p1 =	slt.u32 s9, $0xF7A;
	s5 =	simm.s32 @!p2 $0x0  }
0x1d: {  	s5 =	simm.s32 @p1 $0x1;
	p0 =	seq.s32 s7, s2  }
0x1e: {  	s7 =	smul.u32 @!p0 $0xF7A, s2;
	p2 =	seq.s32 @!p0 s5, $0x0  }
0x1f: {  	s9 =	smul.u32 $0xF7A, s1;
	s8 =	simm.s32 @!p0 $0x1BF5;
	p2 =	por !p2, p0  }
0x20: {  	[sflag:s8] =	ssyncset.s32 @!p0 $0xFFFFF086;
	s6 =	sadd.s32 @!p0 s3, s7;
	s7 =	simm.s32 @!p0 $0x108  }
0x21: {  	s3 =	sadd.s32 s3, s9;
	s6 =	sadd.s32 @!p0 $0x88, s6;
	s7 =	simm.s32 @p2 $0x1082  }
0x22: {  	[simem:s7], [sflag:s8] =	dma.local @!p0 [hbm:s6], $0xF7A  }
0x23: {  	s9 =	sor.u32 $0xD0000000, s2;
	s6 =	simm.s32 $0x108;
	_ =	swait.ge @!p0 [sflag:s8], $0x0  }
0x24: {  	s3 =	sadd.s32 $0x88, s3;
	s6 =	simm.s32 @!p1 $0x1082;
	[sflag:s4] =	ssyncset.s32 $0xFFFFF086  }
0x25: {  	[simem:s6], [sflag:s4] =	dma.local [hbm:s3], $0xF7A  }
0x26: {  	[smem:$0x3F89] =	sst s1;
	(tag) =	ssettag s2;
	_ =	strace s9  }
0x27: {  	s1 =	sld [smem:$0x3F99]  }
0x28: {  	s2 =	sld [smem:$0x3F9A]  }
0x29: {  	s4 =	sld [smem:$0x3F9C]  }
0x2a: {  	p0 =	seq.s32 s5, $0x0;
	s5 =	sld [smem:$0x3F9D]  }
0x2b: {  	s6 =	sld [smem:$0x3F9E]  }
0x2c: {  	s7 =	sld [smem:$0x3F9F]  }
0x2d: {  	s3 =	simm.s32 $0x108;
	s8 =	sld [smem:$0x3FA0]  }
0x2e: {  	s3 =	simm.s32 @!p0 $0x1082;
	s9 =	sld [smem:$0x3FA1]  }
0x2f: {  	lr =	sadd.s32 s0, s3;
	s0 =	sld [smem:$0x3F98]  }
0x30: {  	s3 =	sld [smem:$0x3F9B]  }
0x31: {  	[smem:$0x3FA4] =	sst s10  }
0x32: {  	s10 =	sld [smem:$0x3FA2];
	_ =	sdelay $0x3  }
0x33: {  	p0 =	seq.s32 s10, $0x1;
	s10 =	sld [smem:$0x3FA4];
	_ =	sdelay $0x3  }
0x34: {  	[smem:$0x3FA4] =	sst s10  }
0x35: {  	s10 =	sld [smem:$0x3FA3];
	_ =	sdelay $0x3  }
0x36: {  	p1 =	seq.s32 s10, $0x1;
	s10 =	sld [smem:$0x3FA4];
	_ =	sdelay $0x3  }
0x37: {  	[smem:$0x3FA4] =	sst s10  }
0x38: {  	s10 =	sld [smem:$0x3FA5]  }
0x39: {  	_ = 	snop;
	(pc) =	sbr.ind lr, $3  }
0x3a: {  	_ = 	snop  }
0x3b: {  	_ = 	snop  }
0x3c: {  	p2 =	seq.s32 s10, $0x1;
	s10 =	sld [smem:$0x3FA4]  }
0x3d: {  	_ =	shalt  }
0x3e: {  	_ =	shalt  }
0x3f: {  	_ =	shalt  }
0x40: {  	_ =	shalt  }
0x41: {  	_ =	shalt  }
0x42: {  	_ =	shalt  }
0x43: {  	_ =	shalt  }
0x44: {  	_ =	shalt  }
0x45: {  	_ =	shalt  }
0x46: {  	_ =	shalt  }
0x47: {  	_ =	shalt  }
0x48: {  	_ =	shalt  }
0x49: {  	_ =	shalt  }
0x4a: {  	_ =	shalt  }
0x4b: {  	_ =	shalt  }
0x4c: {  	_ =	shalt  }
0x4d: {  	_ =	shalt  }
0x4e: {  	_ =	shalt  }
0x4f: {  	_ =	shalt  }
0x50: {  	_ =	shalt  }
0x51: {  	_ =	shalt  }
0x52: {  	_ =	shalt  }
0x53: {  	_ =	shalt  }
0x54: {  	_ =	shalt  }
0x55: {  	_ =	shalt  }
0x56: {  	_ =	shalt  }
0x57: {  	_ =	shalt  }
0x58: {  	_ =	shalt  }
0x59: {  	_ =	shalt  }
0x5a: {  	_ =	shalt  }
0x5b: {  	_ =	shalt  }
0x5c: {  	_ =	shalt  }
0x5d: {  	_ =	shalt  }
0x5e: {  	_ =	shalt  }
0x5f: {  	_ =	shalt  }
0x60: {  	_ =	shalt  }
0x61: {  	_ =	shalt  }
0x62: {  	_ =	shalt  }
0x63: {  	_ =	shalt  }
0x64: {  	_ =	shalt  }
0x65: {  	_ =	shalt  }
0x66: {  	_ =	shalt  }
0x67: {  	_ =	shalt  }
0x68: {  	_ =	shalt  }
0x69: {  	_ =	shalt  }
0x6a: {  	_ =	shalt  }
0x6b: {  	_ =	shalt  }
0x6c: {  	_ =	shalt  }
0x6d: {  	_ =	shalt  }
0x6e: {  	_ =	shalt  }
0x6f: {  	_ =	shalt  }
0x70: {  	_ =	shalt  }
0x71: {  	_ =	shalt  }
0x72: {  	_ =	shalt  }
0x73: {  	_ =	shalt  }
0x74: {  	_ =	shalt  }
0x75: {  	_ =	shalt  }
0x76: {  	_ =	shalt  }
0x77: {  	_ =	shalt  }
0x78: {  	_ =	shalt  }
0x79: {  	_ =	shalt  }
0x7a: {  	_ =	shalt  }
0x7b: {  	_ =	shalt  }
0x7c: {  	_ =	shalt  }
0x7d: {  	_ =	shalt  }
0x7e: {  	_ =	shalt  }
0x7f: {  	_ =	shalt  }
0x80: {  	_ =	shalt  }
0x81: {  	_ =	shalt  }
0x82: {  	_ =	shalt  }
0x83: {  	_ =	shalt  }
0x84: {  	_ =	shalt  }
0x85: {  	_ =	shalt  }
0x86: {  	_ =	shalt  }
0x87: {  	_ =	shalt  }
.Lfunc_end0:
.L_simem_size_0:
called_computation_lowered:
.L_overlay_start_0:
0x88: {  	s2 =	sld [smem:$0x3FD9]  }
0x89: {  	s3 =	sld [smem:$0x3FFE];
	_ =	sdelay $0x1  }
0x8a: {  	s1 =	srdreg.scid  }
0x8b: {  	s0 =	sand.u32 $0x1, s1  }
0x8c: {  	s16 =	sshll.u32 s0, $0xA;
	s2 =	sadd.s32 s3, s2  }
0x8d: {  	s2 =	sadd.s32 s2, s16  }
0x8e: {  	[smem:$0x3FB0] =	sst s2  }
0x8f: {  	_ = 	snop  }
0x90: {  	(tm) =	ssettm $0x1  }
0x91: {  	s17 =	sld [smem:$0x3FFB];
	_ =	sdelay $0x3  }
0x92: {  	_ =	strace s17  }
0x93: {  	s2 =	sld [smem:$0x3FFC];
	_ =	sdelay $0x3  }
0x94: {  	_ =	strace s2  }
0x95: {  	s2 =	sld [smem:$0x3FFD];
	_ =	sdelay $0x3  }
0x96: {  	_ =	strace s2  }
0x97: {  	_ =	strace $0x8FFFFFFF  }
0x98: {  	s18 =	sld [smem:$0x3FDB];
	_ =	sdelay $0x1  }
0x99: {  	s19 =	simm.s32 $_scs_section_size  }
0x9a: {  	s4 =	simm.s32 $_size__tile_overlayer_lowered;
	s5 =	simm.s32 $_tile_overlayer_lowered  }
0x9b: {  	s22 =	simm.s32 $0x1BFF;
	s21 =	sshll.u32 s5, $0x1;
	s2 =	sadd.s32 s19, s18  }
0x9c: {  	s6 =	simm.s32 $0x0;
	s20 =	sshll.u32 s4, $0x1;
	s4 =	sadd.s32 s21, s2  }
0x9d: {  	[timem:s6], [sflag:s22] =	dma.local [hbm:s4], s20  }
0x9e: {  	_ =	swait.ge [sflag:s22], s20  }
0x9f: {  	s3 =	ssub.s32 $0x0, s20;
	[sflag:s22] =	ssyncset.done $0x0  }
0xa0: {  	[sflag:s22] =	ssyncadd.s32 s3;
	_ =	sdelay $0x1  }
0xa1: {  	s23 =	simm.s32 $0x1B8B  }
0xa2: {  	_ =	swait.ge [sflag:s23], $0x1  }
0xa3: {  	[sflag:s23] =	ssyncset.done $0x0  }
0xa4: {  	s25 =	simm.s32 $0x1B8E;
	s24 =	sld [smem:$0x3FFE];
	[sflag:s23] =	ssyncadd.s32 $0xFFFFFFFF  }
0xa5: {  	s26 =	simm.s32 $execute0_lowered;
	[smem:$0x3FD2] =	sst s25  }
0xa6: {  	s4 =	sshll.u32 s26, $0x1;
	_ =	strace $0x80000046;
	[dreg:$0x1] =	wrdreg $0xFFFFFFFF  }
0xa7: {  	s28 =	simm.s32 $_size_execute0_lowered;
	s2 =	sadd.s32 s2, s4;
	[dreg:$0x0] =	wrdreg $0x0  }
0xa8: {  	s4 =	sshll.u32 s28, $0x1;
	[dreg:$0x2] =	wrdreg s2  }
0xa9: {  	[dreg:$0x3] =	wrdreg s4  }
0xaa: {  	[dreg:$0x4] =	wrdreg $0xC0  }
0xab: {  	_ =	task [dreg:s6], $0x5FFFF  }
0xac: {  	[dreg:$0x1] =	wrdreg $0xFFFFFFFF  }
0xad: {  	[dreg:$0x0] =	wrdreg $0x60  }
0xae: {  	[dreg:$0x2] =	wrdreg s24  }
0xaf: {  	[dreg:$0x3] =	wrdreg $0x9  }
0xb0: {  	_ =	task.clear_ibuf [dreg:s6], $0x4FFFF;
	_ =	strace $0x90000046  }
0xb1: {  	s29 =	simm.s32 $0x9;
	_ =	strace $0x80000048  }
0xb2: {  	_ =	swait.ge [sflag:s29], $0x1  }
0xb3: {  	[sflag:s29] =	ssyncadd.s32 $0xFFFFFFFF  }
0xb4: {  	_ =	strace $0x90000048  }
0xb5: {  	_ =	sfence  }
0xb6: {  	s30 =	sld [smem:$0x0];
	_ =	sdelay $0x2  }
0xb7: {  	s31 =	sshll.u32 s1, $0xD;
	s1 =	sshrl.u32 s1, $0x2  }
0xb8: {  	s3 =	sand.u32 $0x4000, s31;
	s1 =	sadd.s32 s1, s30  }
0xb9: {  	s0 =	sor.u32 s3, s0;
	s1 =	sshll.u32 s1, $0x11  }
0xba: {  	s0 =	sor.u32 s1, s0  }
0xbb: {  	s0 =	sadd.s32 $0x8F2B, s0  }
0xbc: {  	[sflag:s0] =	ssyncadd.remote.s32 $0x1  }
0xbd: {  	_ =	sfence.sel $0xFFFF  }
0xbe: {  	[dreg:$0x0] =	wrdreg $0xFFFFFFFF;
	(pc) =	sbr.abs _section_cstart, $3  }
0xbf: {  	[dreg:$0x1] =	wrdreg $0xFFFFFFFF  }
0xc0: {  	_ =	task.clear_ibuf [dreg:s6], $0x2FFFF;
	_ =	strace $0x9FFFFFFF  }
0xc1: {  	(tm) =	ssettm $0x7FFFFFFF  }
tec
execute0_lowered:
.L_overlay_start_1:
0x0: {  	(tag) =	ssettag $0x1  }
0x1: {  	s1 =	srdreg.scid  }
0x2: {  	s0 =	stileid.u32;
	s14 =	sand.u32 $0x1, s1  }
0x3: {  	s29 =	sshll.u32 s0, $0xA;
	s2 =	sshll.u32 s14, $0x9  }
0x4: {  	s15 =	rddreg [dreg:$0x0];
	s16 =	sor.u32 s2, s29  }
0x5: {  	s1 =	rddreg [dreg:$0x1];
	s2 =	simm.s32 $0x0;
	s3 =	sshrl.u32 s16, $0x3  }
0x6: {  	[smem:$0x7FF] =	sst s2;
	s3 =	sadd.s32 s3, s15  }
0x7: {  	_ =	strace $0x80000047;
	s4 =	sadd.s32 $0x6200, s3;
	s3 =	simm.s32 $0x2  }
0x8: {  	[tilespmem:s2], [sflag:$0x2] =	stream.linear.gather [hbm4b:s4+s2], $0x200, $0x38;
	[tilespmem:$0x10200] =	vst v63  }
0x9: {  	_ =	swait.ge [sflag:s3], $0x200  }
0xa: {  	s6 =	simm.s32 $0x80;
	[sflag:s3] =	ssyncset.done $0x0  }
0xb: {  	s7 =	simm.s32 $0x200;
	s5 =	sadd.s32 $0x7200, s15;
	[sflag:s3] =	ssyncadd.s32 $0xFFFFFE00  }
0xc: {  	[tilespmem:s7], [sflag:$0x1] =	stream.indirect.gather [hbm4b:s5+s6], $0x80, s2, s6, $0xb8;
	[tilespmem:$0x10200] =	vst v63  }
0xd: {  	s8 =	simm.s32 $0x4200  }
0xe: {  	[tilespmem:s8], [sflag:$0x1] =	stream.indirect.gather [hbm4b:s5+s6], $0x80, s6, s6, $0xb8;
	[tilespmem:$0x10200] =	vst v63  }
0xf: {  	s9 =	simm.s32 $0x100;
	s10 =	simm.s32 $0x8200  }
0x10: {  	[tilespmem:s10], [sflag:$0x1] =	stream.indirect.gather [hbm4b:s5+s6], $0x80, s9, s6, $0xb8;
	[tilespmem:$0x10200] =	vst v63  }
0x11: {  	s11 =	simm.s32 $0x180;
	s12 =	simm.s32 $0xC200;
	s13 =	simm.s32 $0x1  }
0x12: {  	[tilespmem:s12], [sflag:$0x1] =	stream.indirect.gather [hbm4b:s5+s6], $0x80, s11, s6, $0xb8;
	[tilespmem:$0x10200] =	vst v63  }
0x13: {  	_ =	swait.ge [sflag:s13], $0x4000  }
0x14: {  	[sflag:s13] =	ssyncset.done $0x0  }
0x15: {  	[sflag:s13] =	ssyncadd.s32 $0xFFFFC000  }
0x16: {  	_ =	swait.ge [sflag:s13], $0x4000  }
0x17: {  	[sflag:s13] =	ssyncset.done $0x0  }
0x18: {  	s14 =	ssub.s32 $0x2, s14;
	[sflag:s13] =	ssyncadd.s32 $0xFFFFC000  }
0x19: {  	s17 =	sshrl.u32 s14, $0x1;
	_ =	swait.ge [sflag:s13], $0x4000  }
0x1a: {  	s30 =	ssub.s32 s14, s17;
	[sflag:s13] =	ssyncset.done $0x0  }
0x1b: {  	s31 =	smax.u32 s30, $0x1;
	[sflag:s13] =	ssyncadd.s32 $0xFFFFC000  }
0x1c: {  	s16 =	sshll.u32 s16, $0x4;
	p0 =	sne.s32 s31, $0x1;
	_ =	swait.ge [sflag:s13], $0x4000  }
.Ltmp0:
0x1d: {  	s15 =	sadd.s32 s16, s15;
	[sflag:s13] =	ssyncset.done $0x0;
	(pc) =	sbr.rel @!p0 .LBB2_2-.Ltmp0, $4  }
0x1e: {  	s14 =	sadd.s32 $0x17200, s15;
	[sflag:s13] =	ssyncadd.s32 $0xFFFFC000  }
0x1f: {  	[hbm4b:s14+s2] =	stream.linear.scatter [tilespmem:s7], [sflag:$0x2], $0x10000, $0x38;
	[tilespmem:$0x10200] =	vst v63  }
0x20: {  	_ =	swait.ge [sflag:s3], $0x10000  }
0x21: {  	s15 =	sadd.s32 $0xFFFFFFFF, s31;
	[sflag:s3] =	ssyncset.done $0x0  }
.LBB2_1:
0x22: {  	p0 =	sne.s32 s15, $0x1;
	s15 =	sadd.s32 $0xFFFFFFFF, s15;
	[sflag:s3] =	ssyncadd.s32 $0xFFFF0000  }
0x23: {  	[tilespmem:s2], [sflag:$0x2] =	stream.linear.gather [hbm4b:s4+s2], $0x200, $0x38;
	[tilespmem:$0x10200] =	vst v63  }
0x24: {  	_ =	swait.ge [sflag:s3], $0x200  }
0x25: {  	[sflag:s3] =	ssyncset.done $0x0  }
0x26: {  	[sflag:s3] =	ssyncadd.s32 $0xFFFFFE00  }
0x27: {  	[tilespmem:s7], [sflag:$0x1] =	stream.indirect.gather [hbm4b:s5+s6], $0x80, s2, s6, $0xb8;
	[tilespmem:$0x10200] =	vst v63  }
0x28: {  	_ = 	snop  }
0x29: {  	[tilespmem:s8], [sflag:$0x1] =	stream.indirect.gather [hbm4b:s5+s6], $0x80, s6, s6, $0xb8;
	[tilespmem:$0x10200] =	vst v63  }
0x2a: {  	_ = 	snop  }
0x2b: {  	[tilespmem:s10], [sflag:$0x1] =	stream.indirect.gather [hbm4b:s5+s6], $0x80, s9, s6, $0xb8;
	[tilespmem:$0x10200] =	vst v63  }
0x2c: {  	_ = 	snop  }
0x2d: {  	[tilespmem:s12], [sflag:$0x1] =	stream.indirect.gather [hbm4b:s5+s6], $0x80, s11, s6, $0xb8;
	[tilespmem:$0x10200] =	vst v63  }
0x2e: {  	_ =	swait.ge [sflag:s13], $0x4000  }
0x2f: {  	[sflag:s13] =	ssyncset.done $0x0  }
0x30: {  	[sflag:s13] =	ssyncadd.s32 $0xFFFFC000  }
0x31: {  	_ =	swait.ge [sflag:s13], $0x4000  }
0x32: {  	[sflag:s13] =	ssyncset.done $0x0  }
0x33: {  	[sflag:s13] =	ssyncadd.s32 $0xFFFFC000  }
0x34: {  	_ =	swait.ge [sflag:s13], $0x4000  }
0x35: {  	[sflag:s13] =	ssyncset.done $0x0  }
0x36: {  	[sflag:s13] =	ssyncadd.s32 $0xFFFFC000  }
0x37: {  	_ =	swait.ge [sflag:s13], $0x4000  }
.Ltmp1:
0x38: {  	[sflag:s13] =	ssyncset.done $0x0;
	(pc) =	sbr.rel @p0 .LBB2_1-.Ltmp1, $4  }
0x39: {  	[sflag:s13] =	ssyncadd.s32 $0xFFFFC000  }
0x3a: {  	[hbm4b:s14+s2] =	stream.linear.scatter [tilespmem:s7], [sflag:$0x2], $0x10000, $0x38;
	[tilespmem:$0x10200] =	vst v63  }
0x3b: {  	_ =	swait.ge [sflag:s3], $0x10000  }
0x3c: {  	[sflag:s3] =	ssyncset.done $0x0  }
.LBB2_2:
0x3d: {  	[sflag:s3] =	ssyncadd.s32 $0xFFFF0000  }
0x3e: {  	_ =	sfence.sel $0x180000  }
0x3f: {  	[bflag:$0x0] =	sbarrier.arrive $0xFFFF  }
0x40: {  	p0 =	sne.s32 s0, $0x0;
	_ =	strace $0x90000047  }
0x41: {  	s0 =	sadd.s32 @!p0 $0x100000, s1;
	[bflag:$0x2] =	sbarrier.arrive $0xFFFF  }
0x42: {  	[sflag:s0] =	ssyncadd.tile.s32 @!p0 $0x1;
	_ =	shalt  }
.Lfunc_end2:
_tile_overlayer_lowered:
.L_overlay_start_2:
0x43: {  	(tag) =	ssettag $0x2  }
0x44: {  	s0 =	rddreg [dreg:$0x0];
	s2 =	stileid.u32  }
0x45: {  	s1 =	rddreg [dreg:$0x1];
	p0 =	sne.s32 s2, $0x0  }
0x46: {  	s3 =	rddreg [dreg:$0x2];
	[bflag:$0x3] =	sbarrier.arrive $0xFFFF;
	s2 =	simm.s32 @!p0 $0x1C02  }
0x47: {  	[timem:s3], [sflag:s2] =	dma.local @!p0 [hbm:s0], s1  }
0x48: {  	s0 =	simm.s32 @!p0 $0x2  }
0x49: {  	_ =	swait.ge @!p0 [sflag:s0], s1  }
0x4a: {  	s1 =	ssub.s32 @!p0 $0x0, s1;
	[sflag:s0] =	ssyncset.done @!p0 $0x0  }
0x4b: {  	[sflag:s0] =	ssyncadd.s32 @!p0 s1  }
0x4c: {  	[bflag:$0x3] =	sbarrier.arrive $0xFFFF  }
0x4d: {  	_ =	shalt  }

// kernel: kernel.19.cloned.1.call-start
scs
__scs_entry_jumppad:
0x0: {  	(pc) =	sbr.rel $0x88, $3  }
0x1: {  	(tag) =	ssettag $0x0;
	lr =	simm.s32 $0x1  }
0x2: {  	[smem:$0x3F89] =	sst lr;
	_ =	strace $0xD0000000  }
0x3: {  	_ = 	snop  }
0x4: {  	_ = 	snop  }
0x5: {  	_ = 	snop  }
0x6: {  	_ = 	snop  }
0x7: {  	_ = 	snop  }
__scs_overlays_trampoline_lowered:
0x8: {  	[smem:$0x3F98] =	sst s0  }
0x9: {  	[smem:$0x3F99] =	sst s1  }
0xa: {  	[smem:$0x3F9A] =	sst s2  }
0xb: {  	[smem:$0x3F9B] =	sst s3  }
0xc: {  	[smem:$0x3F9C] =	sst s4  }
0xd: {  	[smem:$0x3F9D] =	sst s5  }
0xe: {  	[smem:$0x3F9E] =	sst s6  }
0xf: {  	[smem:$0x3F9F] =	sst s7  }
0x10: {  	[smem:$0x3FA0] =	sst s8  }
0x11: {  	[smem:$0x3FA1] =	sst s9;
	s0 =	simm.s32 @!p0 $0x0  }
0x12: {  	s1 =	sld [smem:$0x3F87];
	s0 =	simm.s32 @p0 $0x1  }
0x13: {  	[smem:$0x3FA2] =	sst s0;
	s0 =	simm.s32 @!p1 $0x0  }
0x14: {  	s2 =	sld [smem:$0x3F86];
	s0 =	simm.s32 @p1 $0x1  }
0x15: {  	[smem:$0x3FA3] =	sst s0;
	s0 =	simm.s32 @!p2 $0x0  }
0x16: {  	s3 =	sld [smem:$0x3FDB];
	s0 =	simm.s32 @p2 $0x1  }
0x17: {  	s4 =	simm.s32 $0x1BF5;
	[smem:$0x3FA5] =	sst s0  }
0x18: {  	s0 =	sld [smem:$0x3F88];
	_ =	swait.ge [sflag:s4], $0x0  }
0x19: {  	s7 =	sld [smem:$0x3F89]  }
0x1a: {  	s8 =	sadd.s32 $0xFFFFE003, lr  }
0x1b: {  	s9 =	sadd.s32 $0xFFFFFEF7, lr;
	s5 =	simm.s32 $0xFFFFFFFF;
	p2 =	slt.u32 s8, $0xFFFFF086  }
0x1c: {  	p1 =	slt.u32 s9, $0xF7A;
	s5 =	simm.s32 @!p2 $0x0  }
0x1d: {  	s5 =	simm.s32 @p1 $0x1;
	p0 =	seq.s32 s7, s2  }
0x1e: {  	s7 =	smul.u32 @!p0 $0xF7A, s2;
	p2 =	seq.s32 @!p0 s5, $0x0  }
0x1f: {  	s9 =	smul.u32 $0xF7A, s1;
	s8 =	simm.s32 @!p0 $0x1BF5;
	p2 =	por !p2, p0  }
0x20: {  	[sflag:s8] =	ssyncset.s32 @!p0 $0xFFFFF086;
	s6 =	sadd.s32 @!p0 s3, s7;
	s7 =	simm.s32 @!p0 $0x108  }
0x21: {  	s3 =	sadd.s32 s3, s9;
	s6 =	sadd.s32 @!p0 $0x88, s6;
	s7 =	simm.s32 @p2 $0x1082  }
0x22: {  	[simem:s7], [sflag:s8] =	dma.local @!p0 [hbm:s6], $0xF7A  }
0x23: {  	s9 =	sor.u32 $0xD0000000, s2;
	s6 =	simm.s32 $0x108;
	_ =	swait.ge @!p0 [sflag:s8], $0x0  }
0x24: {  	s3 =	sadd.s32 $0x88, s3;
	s6 =	simm.s32 @!p1 $0x1082;
	[sflag:s4] =	ssyncset.s32 $0xFFFFF086  }
0x25: {  	[simem:s6], [sflag:s4] =	dma.local [hbm:s3], $0xF7A  }
0x26: {  	[smem:$0x3F89] =	sst s1;
	(tag) =	ssettag s2;
	_ =	strace s9  }
0x27: {  	s1 =	sld [smem:$0x3F99]  }
0x28: {  	s2 =	sld [smem:$0x3F9A]  }
0x29: {  	s4 =	sld [smem:$0x3F9C]  }
0x2a: {  	p0 =	seq.s32 s5, $0x0;
	s5 =	sld [smem:$0x3F9D]  }
0x2b: {  	s6 =	sld [smem:$0x3F9E]  }
0x2c: {  	s7 =	sld [smem:$0x3F9F]  }
0x2d: {  	s3 =	simm.s32 $0x108;
	s8 =	sld [smem:$0x3FA0]  }
0x2e: {  	s3 =	simm.s32 @!p0 $0x1082;
	s9 =	sld [smem:$0x3FA1]  }
0x2f: {  	lr =	sadd.s32 s0, s3;
	s0 =	sld [smem:$0x3F98]  }
0x30: {  	s3 =	sld [smem:$0x3F9B]  }
0x31: {  	[smem:$0x3FA4] =	sst s10  }
0x32: {  	s10 =	sld [smem:$0x3FA2];
	_ =	sdelay $0x3  }
0x33: {  	p0 =	seq.s32 s10, $0x1;
	s10 =	sld [smem:$0x3FA4];
	_ =	sdelay $0x3  }
0x34: {  	[smem:$0x3FA4] =	sst s10  }
0x35: {  	s10 =	sld [smem:$0x3FA3];
	_ =	sdelay $0x3  }
0x36: {  	p1 =	seq.s32 s10, $0x1;
	s10 =	sld [smem:$0x3FA4];
	_ =	sdelay $0x3  }
0x37: {  	[smem:$0x3FA4] =	sst s10  }
0x38: {  	s10 =	sld [smem:$0x3FA5]  }
0x39: {  	_ = 	snop;
	(pc) =	sbr.ind lr, $3  }
0x3a: {  	_ = 	snop  }
0x3b: {  	_ = 	snop  }
0x3c: {  	p2 =	seq.s32 s10, $0x1;
	s10 =	sld [smem:$0x3FA4]  }
0x3d: {  	_ =	shalt  }
0x3e: {  	_ =	shalt  }
0x3f: {  	_ =	shalt  }
0x40: {  	_ =	shalt  }
0x41: {  	_ =	shalt  }
0x42: {  	_ =	shalt  }
0x43: {  	_ =	shalt  }
0x44: {  	_ =	shalt  }
0x45: {  	_ =	shalt  }
0x46: {  	_ =	shalt  }
0x47: {  	_ =	shalt  }
0x48: {  	_ =	shalt  }
0x49: {  	_ =	shalt  }
0x4a: {  	_ =	shalt  }
0x4b: {  	_ =	shalt  }
0x4c: {  	_ =	shalt  }
0x4d: {  	_ =	shalt  }
0x4e: {  	_ =	shalt  }
0x4f: {  	_ =	shalt  }
0x50: {  	_ =	shalt  }
0x51: {  	_ =	shalt  }
0x52: {  	_ =	shalt  }
0x53: {  	_ =	shalt  }
0x54: {  	_ =	shalt  }
0x55: {  	_ =	shalt  }
0x56: {  	_ =	shalt  }
0x57: {  	_ =	shalt  }
0x58: {  	_ =	shalt  }
0x59: {  	_ =	shalt  }
0x5a: {  	_ =	shalt  }
0x5b: {  	_ =	shalt  }
0x5c: {  	_ =	shalt  }
0x5d: {  	_ =	shalt  }
0x5e: {  	_ =	shalt  }
0x5f: {  	_ =	shalt  }
0x60: {  	_ =	shalt  }
0x61: {  	_ =	shalt  }
0x62: {  	_ =	shalt  }
0x63: {  	_ =	shalt  }
0x64: {  	_ =	shalt  }
0x65: {  	_ =	shalt  }
0x66: {  	_ =	shalt  }
0x67: {  	_ =	shalt  }
0x68: {  	_ =	shalt  }
0x69: {  	_ =	shalt  }
0x6a: {  	_ =	shalt  }
0x6b: {  	_ =	shalt  }
0x6c: {  	_ =	shalt  }
0x6d: {  	_ =	shalt  }
0x6e: {  	_ =	shalt  }
0x6f: {  	_ =	shalt  }
0x70: {  	_ =	shalt  }
0x71: {  	_ =	shalt  }
0x72: {  	_ =	shalt  }
0x73: {  	_ =	shalt  }
0x74: {  	_ =	shalt  }
0x75: {  	_ =	shalt  }
0x76: {  	_ =	shalt  }
0x77: {  	_ =	shalt  }
0x78: {  	_ =	shalt  }
0x79: {  	_ =	shalt  }
0x7a: {  	_ =	shalt  }
0x7b: {  	_ =	shalt  }
0x7c: {  	_ =	shalt  }
0x7d: {  	_ =	shalt  }
0x7e: {  	_ =	shalt  }
0x7f: {  	_ =	shalt  }
0x80: {  	_ =	shalt  }
0x81: {  	_ =	shalt  }
0x82: {  	_ =	shalt  }
0x83: {  	_ =	shalt  }
0x84: {  	_ =	shalt  }
0x85: {  	_ =	shalt  }
0x86: {  	_ =	shalt  }
0x87: {  	_ =	shalt  }
.Lfunc_end0:
.L_simem_size_0:
called_computation.1_lowered:
.L_overlay_start_0:
0x88: {  	s2 =	sld [smem:$0x3FD9]  }
0x89: {  	s3 =	sld [smem:$0x3FFE];
	_ =	sdelay $0x1  }
0x8a: {  	s1 =	srdreg.scid  }
0x8b: {  	s0 =	sand.u32 $0x1, s1  }
0x8c: {  	s16 =	sshll.u32 s0, $0xA;
	s2 =	sadd.s32 s3, s2  }
0x8d: {  	s2 =	sadd.s32 s2, s16  }
0x8e: {  	[smem:$0x3FB0] =	sst s2  }
0x8f: {  	_ = 	snop  }
0x90: {  	(tm) =	ssettm $0x1  }
0x91: {  	s17 =	sld [smem:$0x3FFB];
	_ =	sdelay $0x3  }
0x92: {  	_ =	strace s17  }
0x93: {  	s2 =	sld [smem:$0x3FFC];
	_ =	sdelay $0x3  }
0x94: {  	_ =	strace s2  }
0x95: {  	s2 =	sld [smem:$0x3FFD];
	_ =	sdelay $0x3  }
0x96: {  	_ =	strace s2  }
0x97: {  	_ =	strace $0x8FFFFFFF  }
0x98: {  	s18 =	sld [smem:$0x3FDB];
	_ =	sdelay $0x1  }
0x99: {  	s19 =	simm.s32 $_scs_section_size  }
0x9a: {  	s4 =	simm.s32 $_size__tile_overlayer_lowered;
	s5 =	simm.s32 $_tile_overlayer_lowered  }
0x9b: {  	s22 =	simm.s32 $0x1BFF;
	s21 =	sshll.u32 s5, $0x1;
	s2 =	sadd.s32 s19, s18  }
0x9c: {  	s6 =	simm.s32 $0x0;
	s20 =	sshll.u32 s4, $0x1;
	s4 =	sadd.s32 s21, s2  }
0x9d: {  	[timem:s6], [sflag:s22] =	dma.local [hbm:s4], s20  }
0x9e: {  	_ =	swait.ge [sflag:s22], s20  }
0x9f: {  	s3 =	ssub.s32 $0x0, s20;
	[sflag:s22] =	ssyncset.done $0x0  }
0xa0: {  	[sflag:s22] =	ssyncadd.s32 s3;
	_ =	sdelay $0x1  }
0xa1: {  	s23 =	simm.s32 $0x1B8B  }
0xa2: {  	_ =	swait.ge [sflag:s23], $0x1  }
0xa3: {  	[sflag:s23] =	ssyncset.done $0x0  }
0xa4: {  	s25 =	simm.s32 $0x1B8E;
	s24 =	sld [smem:$0x3FFE];
	[sflag:s23] =	ssyncadd.s32 $0xFFFFFFFF  }
0xa5: {  	s26 =	simm.s32 $execute0_lowered;
	[smem:$0x3FD2] =	sst s25  }
0xa6: {  	s4 =	sshll.u32 s26, $0x1;
	_ =	strace $0x80000049;
	[dreg:$0x1] =	wrdreg $0xFFFFFFFF  }
0xa7: {  	s28 =	simm.s32 $_size_execute0_lowered;
	s2 =	sadd.s32 s2, s4;
	[dreg:$0x0] =	wrdreg $0x0  }
0xa8: {  	s4 =	sshll.u32 s28, $0x1;
	[dreg:$0x2] =	wrdreg s2  }
0xa9: {  	[dreg:$0x3] =	wrdreg s4  }
0xaa: {  	[dreg:$0x4] =	wrdreg $0xC0  }
0xab: {  	_ =	task [dreg:s6], $0x5FFFF  }
0xac: {  	[dreg:$0x1] =	wrdreg $0xFFFFFFFF  }
0xad: {  	[dreg:$0x0] =	wrdreg $0x60  }
0xae: {  	[dreg:$0x2] =	wrdreg s24  }
0xaf: {  	[dreg:$0x3] =	wrdreg $0x102000  }
0xb0: {  	[dreg:$0x4] =	wrdreg $0x9  }
0xb1: {  	_ =	task.clear_ibuf [dreg:s6], $0x5FFFF;
	_ =	strace $0x90000049  }
0xb2: {  	s29 =	simm.s32 $0x9;
	_ =	strace $0x8000004B  }
0xb3: {  	_ =	swait.ge [sflag:s29], $0x1  }
0xb4: {  	[sflag:s29] =	ssyncadd.s32 $0xFFFFFFFF  }
0xb5: {  	_ =	strace $0x9000004B  }
0xb6: {  	_ =	sfence  }
0xb7: {  	s30 =	sld [smem:$0x0];
	_ =	sdelay $0x2  }
0xb8: {  	s31 =	sshll.u32 s1, $0xD;
	s1 =	sshrl.u32 s1, $0x2  }
0xb9: {  	s3 =	sand.u32 $0x4000, s31;
	s1 =	sadd.s32 s1, s30  }
0xba: {  	s0 =	sor.u32 s3, s0;
	s1 =	sshll.u32 s1, $0x11  }
0xbb: {  	s0 =	sor.u32 s1, s0  }
0xbc: {  	s0 =	sadd.s32 $0x8F2B, s0  }
0xbd: {  	[sflag:s0] =	ssyncadd.remote.s32 $0x1  }
0xbe: {  	_ =	sfence.sel $0xFFFF  }
0xbf: {  	[dreg:$0x0] =	wrdreg $0xFFFFFFFF;
	(pc) =	sbr.abs _section_cstart, $3  }
0xc0: {  	[dreg:$0x1] =	wrdreg $0xFFFFFFFF  }
0xc1: {  	_ =	task.clear_ibuf [dreg:s6], $0x2FFFF;
	_ =	strace $0x9FFFFFFF  }
0xc2: {  	(tm) =	ssettm $0x7FFFFFFF  }
0xc3: {  	_ =	shalt  }
tec
execute0_lowered:
.L_overlay_start_1:
0x0: {  	(tag) =	ssettag $0x1  }
0x1: {  	s9 =	rddreg [dreg:$0x0]  }
0x2: {  	s1 =	rddreg [dreg:$0x1]  }
0x3: {  	s0 =	rddreg [dreg:$0x2]  }
0x4: {  	s3 =	simm.s32 $0x0;
	s4 =	srdreg.scid;
	s2 =	stileid.u32  }
0x5: {  	[smem:$0x7FF] =	sst s3;
	s17 =	sand.u32 $0x1, s4;
	s26 =	sshll.u32 s2, $0xA  }
0x6: {  	s6 =	sshll.u32 s2, $0xC;
	s28 =	sshll.u32 s2, $0xF;
	s30 =	sshll.u32 s2, $0x6  }
0x7: {  	_ =	strace $0x8000004A;
	s5 =	sshll.u32 s17, $0x9;
	s18 =	sadd.s32 s6, s9  }
0x8: {  	s29 =	sadd.s32 s28, s1;
	s6 =	simm.s32 $0x1;
	s10 =	sor.u32 s5, s26  }
0x9: {  	s4 =	sadd.s32 $0x57200, s18;
	s5 =	sor.u32 $0x1C01, s30;
	s7 =	sshrl.u32 s29, $0x3  }
0xa: {  	[spmem:s7], [sflag:s5] =	dma.local [hbm:s4], $0x1000  }
0xb: {  	s8 =	sshrl.u32 s10, $0x3;
	_ =	swait.ge [sflag:s6], $0x1000  }
0xc: {  	s8 =	sadd.s32 s8, s9;
	[sflag:s6] =	ssyncset.done $0x0  }
0xd: {  	s8 =	sadd.s32 $0x6A00, s8;
	[sflag:s6] =	ssyncadd.s32 $0xFFFFF000  }
0xe: {  	[tilespmem:s3], [sflag:$0x1] =	stream.linear.gather [hbm4b:s8+s3], $0x200, $0x38;
	[tilespmem:$0x18200] =	vst v63  }
0xf: {  	s10 =	sshll.u32 s10, $0x4;
	_ =	swait.ge [sflag:s6], $0x200  }
0x10: {  	s9 =	sadd.s32 s10, s9;
	[sflag:s6] =	ssyncset.done $0x0  }
0x11: {  	s10 =	simm.s32 $0x200;
	s9 =	sadd.s32 $0x17200, s9;
	[sflag:s6] =	ssyncadd.s32 $0xFFFFFE00  }
0x12: {  	[tilespmem:s10], [sflag:$0x1] =	stream.linear.gather [hbm4b:s9+s3], $0x10000, $0x38;
	[tilespmem:$0x18200] =	vst v63  }
0x13: {  	_ =	swait.ge [sflag:s6], $0x10000  }
0x14: {  	[sflag:s6] =	ssyncset.done $0x0  }
0x15: {  	[sflag:s6] =	ssyncadd.s32 $0xFFFF0000  }
0x16: {  	s11 =	simm.s32 $0x80;
	[bflag:$0x0] =	sbarrier.arrive $0xFFFF  }
0x17: {  	[spmem:s1] =	stream.indirect.scatter.add.f32 [tilespmem:s10], [sflag:$0x1], $0x80, s3, s11, $0xb8;
	[tilespmem:$0x18200] =	vst v63  }
0x18: {  	_ =	swait.ge [sflag:s6], $0x4000  }
0x19: {  	[sflag:s6] =	ssyncset.done $0x0  }
0x1a: {  	s12 =	simm.s32 $0x4200;
	[sflag:s6] =	ssyncadd.s32 $0xFFFFC000  }
0x1b: {  	[spmem:s1] =	stream.indirect.scatter.add.f32 [tilespmem:s12], [sflag:$0x1], $0x80, s11, s11, $0xb8;
	[tilespmem:$0x18200] =	vst v63  }
0x1c: {  	_ =	swait.ge [sflag:s6], $0x4000  }
0x1d: {  	[sflag:s6] =	ssyncset.done $0x0  }
0x1e: {  	s13 =	simm.s32 $0x100;
	s14 =	simm.s32 $0x8200;
	[sflag:s6] =	ssyncadd.s32 $0xFFFFC000  }
0x1f: {  	[spmem:s1] =	stream.indirect.scatter.add.f32 [tilespmem:s14], [sflag:$0x1], $0x80, s13, s11, $0xb8;
	[tilespmem:$0x18200] =	vst v63  }
0x20: {  	s19 =	ssub.s32 $0x2, s17;
	_ =	swait.ge [sflag:s6], $0x4000  }
0x21: {  	s15 =	simm.s32 $0x180;
	s20 =	sshrl.u32 s19, $0x1;
	[sflag:s6] =	ssyncset.done $0x0  }
0x22: {  	s16 =	simm.s32 $0xC200;
	s19 =	ssub.s32 s19, s20;
	[sflag:s6] =	ssyncadd.s32 $0xFFFFC000  }
0x23: {  	[spmem:s1] =	stream.indirect.scatter.add.f32 [tilespmem:s16], [sflag:$0x1], $0x80, s15, s11, $0xb8;
	[tilespmem:$0x18200] =	vst v63  }
0x24: {  	s31 =	smax.u32 s19, $0x1;
	_ =	swait.ge [sflag:s6], $0x4000  }
0x25: {  	s17 =	sshll.u32 s17, $0x10;
	p0 =	sne.s32 s31, $0x1;
	[sflag:s6] =	ssyncset.done $0x0  }
.Ltmp0:
0x26: {  	s17 =	sadd.s32 s17, s18;
	[sflag:s6] =	ssyncadd.s32 $0xFFFFC000;
	(pc) =	sbr.rel @!p0 .LBB2_2-.Ltmp0, $4  }
0x27: {  	s17 =	sadd.s32 $0x67200, s17;
	[bflag:$0x0] =	sbarrier.arrive $0xFFFF  }
0x28: {  	[hbm:s17], [sflag:s5] =	dma.local [spmem:s7], $0x1000  }
0x29: {  	_ =	swait.ge [sflag:s6], $0x1000  }
0x2a: {  	s18 =	sadd.s32 $0xFFFFFFFF, s31;
	[sflag:s6] =	ssyncset.done $0x0  }
.LBB2_1:
0x2b: {  	p0 =	sne.s32 s18, $0x1;
	s18 =	sadd.s32 $0xFFFFFFFF, s18;
	[sflag:s6] =	ssyncadd.s32 $0xFFFFF000  }
0x2c: {  	[spmem:s7], [sflag:s5] =	dma.local [hbm:s4], $0x1000  }
0x2d: {  	_ =	swait.ge [sflag:s6], $0x1000  }
0x2e: {  	[sflag:s6] =	ssyncset.done $0x0  }
0x2f: {  	[sflag:s6] =	ssyncadd.s32 $0xFFFFF000  }
0x30: {  	[tilespmem:s3], [sflag:$0x1] =	stream.linear.gather [hbm4b:s8+s3], $0x200, $0x38;
	[tilespmem:$0x18200] =	vst v63  }
0x31: {  	_ =	swait.ge [sflag:s6], $0x200  }
0x32: {  	[sflag:s6] =	ssyncset.done $0x0  }
0x33: {  	[sflag:s6] =	ssyncadd.s32 $0xFFFFFE00  }
0x34: {  	[tilespmem:s10], [sflag:$0x1] =	stream.linear.gather [hbm4b:s9+s3], $0x10000, $0x38;
	[tilespmem:$0x18200] =	vst v63  }
0x35: {  	_ =	swait.ge [sflag:s6], $0x10000  }
0x36: {  	[sflag:s6] =	ssyncset.done $0x0  }
0x37: {  	[sflag:s6] =	ssyncadd.s32 $0xFFFF0000  }
0x38: {  	[bflag:$0x0] =	sbarrier.arrive $0xFFFF  }
0x39: {  	[spmem:s1] =	stream.indirect.scatter.add.f32 [tilespmem:s10], [sflag:$0x1], $0x80, s3, s11, $0xb8;
	[tilespmem:$0x18200] =	vst v63  }
0x3a: {  	_ =	swait.ge [sflag:s6], $0x4000  }
0x3b: {  	[sflag:s6] =	ssyncset.done $0x0  }
0x3c: {  	[sflag:s6] =	ssyncadd.s32 $0xFFFFC000  }
0x3d: {  	[spmem:s1] =	stream.indirect.scatter.add.f32 [tilespmem:s12], [sflag:$0x1], $0x80, s11, s11, $0xb8;
	[tilespmem:$0x18200] =	vst v63  }
0x3e: {  	_ =	swait.ge [sflag:s6], $0x4000  }
0x3f: {  	[sflag:s6] =	ssyncset.done $0x0  }
0x40: {  	[sflag:s6] =	ssyncadd.s32 $0xFFFFC000  }
0x41: {  	[spmem:s1] =	stream.indirect.scatter.add.f32 [tilespmem:s14], [sflag:$0x1], $0x80, s13, s11, $0xb8;
	[tilespmem:$0x18200] =	vst v63  }
0x42: {  	_ =	swait.ge [sflag:s6], $0x4000  }
0x43: {  	[sflag:s6] =	ssyncset.done $0x0  }
0x44: {  	[sflag:s6] =	ssyncadd.s32 $0xFFFFC000  }
0x45: {  	[spmem:s1] =	stream.indirect.scatter.add.f32 [tilespmem:s16], [sflag:$0x1], $0x80, s15, s11, $0xb8;
	[tilespmem:$0x18200] =	vst v63  }
0x46: {  	_ =	swait.ge [sflag:s6], $0x4000  }
0x47: {  	[sflag:s6] =	ssyncset.done $0x0  }
.Ltmp1:
0x48: {  	[sflag:s6] =	ssyncadd.s32 $0xFFFFC000;
	(pc) =	sbr.rel @p0 .LBB2_1-.Ltmp1, $4  }
0x49: {  	[bflag:$0x0] =	sbarrier.arrive $0xFFFF  }
0x4a: {  	[hbm:s17], [sflag:s5] =	dma.local [spmem:s7], $0x1000  }
0x4b: {  	_ =	swait.ge [sflag:s6], $0x1000  }
0x4c: {  	[sflag:s6] =	ssyncset.done $0x0  }
.LBB2_2:
0x4d: {  	[sflag:s6] =	ssyncadd.s32 $0xFFFFF000  }
0x4e: {  	_ =	sfence.sel $0x180000  }
0x4f: {  	[bflag:$0x0] =	sbarrier.arrive $0xFFFF  }
0x50: {  	p0 =	sne.s32 s2, $0x0;
	_ =	strace $0x9000004A  }
0x51: {  	s0 =	sadd.s32 @!p0 $0x100000, s0;
	[bflag:$0x2] =	sbarrier.arrive $0xFFFF  }
0x52: {  	[sflag:s0] =	ssyncadd.tile.s32 @!p0 $0x1;
	_ =	shalt  }
.Lfunc_end2:
_tile_overlayer_lowered:
.L_overlay_start_2:
0x53: {  	(tag) =	ssettag $0x2  }
0x54: {  	s0 =	rddreg [dreg:$0x0];
	s2 =	stileid.u32  }
0x55: {  	s1 =	rddreg [dreg:$0x1];
	p0 =	sne.s32 s2, $0x0  }
0x56: {  	s3 =	rddreg [dreg:$0x2];
	[bflag:$0x3] =	sbarrier.arrive $0xFFFF;
	s2 =	simm.s32 @!p0 $0x1C01  }
0x57: {  	[timem:s3], [sflag:s2] =	dma.local @!p0 [hbm:s0], s1  }
0x58: {  	s0 =	simm.s32 @!p0 $0x1  }
0x59: {  	_ =	swait.ge @!p0 [sflag:s0], s1  }
0x5a: {  	s1 =	ssub.s32 @!p0 $0x0, s1;
	[sflag:s0] =	ssyncset.done @!p0 $0x0  }
0x5b: {  	[sflag:s0] =	ssyncadd.s32 @!p0 s1  }
0x5c: {  	[bflag:$0x3] =	sbarrier.arrive $0xFFFF  }
0x5d: {  	_ =	shalt  }

// kernel: kernel.22.cloned.1.call-start
scs
__scs_entry_jumppad:
0x0: {  	(pc) =	sbr.rel $0x88, $3  }
0x1: {  	(tag) =	ssettag $0x0;
	lr =	simm.s32 $0x1  }
0x2: {  	[smem:$0x3F89] =	sst lr;
	_ =	strace $0xD0000000  }
0x3: {  	_ = 	snop  }
0x4: {  	_ = 	snop  }
0x5: {  	_ = 	snop  }
0x6: {  	_ = 	snop  }
0x7: {  	_ = 	snop  }
__scs_overlays_trampoline_lowered:
0x8: {  	[smem:$0x3F98] =	sst s0  }
0x9: {  	[smem:$0x3F99] =	sst s1  }
0xa: {  	[smem:$0x3F9A] =	sst s2  }
0xb: {  	[smem:$0x3F9B] =	sst s3  }
0xc: {  	[smem:$0x3F9C] =	sst s4  }
0xd: {  	[smem:$0x3F9D] =	sst s5  }
0xe: {  	[smem:$0x3F9E] =	sst s6  }
0xf: {  	[smem:$0x3F9F] =	sst s7  }
0x10: {  	[smem:$0x3FA0] =	sst s8  }
0x11: {  	[smem:$0x3FA1] =	sst s9;
	s0 =	simm.s32 @!p0 $0x0  }
0x12: {  	s1 =	sld [smem:$0x3F87];
	s0 =	simm.s32 @p0 $0x1  }
0x13: {  	[smem:$0x3FA2] =	sst s0;
	s0 =	simm.s32 @!p1 $0x0  }
0x14: {  	s2 =	sld [smem:$0x3F86];
	s0 =	simm.s32 @p1 $0x1  }
0x15: {  	[smem:$0x3FA3] =	sst s0;
	s0 =	simm.s32 @!p2 $0x0  }
0x16: {  	s3 =	sld [smem:$0x3FDB];
	s0 =	simm.s32 @p2 $0x1  }
0x17: {  	s4 =	simm.s32 $0x1BF5;
	[smem:$0x3FA5] =	sst s0  }
0x18: {  	s0 =	sld [smem:$0x3F88];
	_ =	swait.ge [sflag:s4], $0x0  }
0x19: {  	s7 =	sld [smem:$0x3F89]  }
0x1a: {  	s8 =	sadd.s32 $0xFFFFE003, lr  }
0x1b: {  	s9 =	sadd.s32 $0xFFFFFEF7, lr;
	s5 =	simm.s32 $0xFFFFFFFF;
	p2 =	slt.u32 s8, $0xFFFFF086  }
0x1c: {  	p1 =	slt.u32 s9, $0xF7A;
	s5 =	simm.s32 @!p2 $0x0  }
0x1d: {  	s5 =	simm.s32 @p1 $0x1;
	p0 =	seq.s32 s7, s2  }
0x1e: {  	s7 =	smul.u32 @!p0 $0xF7A, s2;
	p2 =	seq.s32 @!p0 s5, $0x0  }
0x1f: {  	s9 =	smul.u32 $0xF7A, s1;
	s8 =	simm.s32 @!p0 $0x1BF5;
	p2 =	por !p2, p0  }
0x20: {  	[sflag:s8] =	ssyncset.s32 @!p0 $0xFFFFF086;
	s6 =	sadd.s32 @!p0 s3, s7;
	s7 =	simm.s32 @!p0 $0x108  }
0x21: {  	s3 =	sadd.s32 s3, s9;
	s6 =	sadd.s32 @!p0 $0x88, s6;
	s7 =	simm.s32 @p2 $0x1082  }
0x22: {  	[simem:s7], [sflag:s8] =	dma.local @!p0 [hbm:s6], $0xF7A  }
0x23: {  	s9 =	sor.u32 $0xD0000000, s2;
	s6 =	simm.s32 $0x108;
	_ =	swait.ge @!p0 [sflag:s8], $0x0  }
0x24: {  	s3 =	sadd.s32 $0x88, s3;
	s6 =	simm.s32 @!p1 $0x1082;
	[sflag:s4] =	ssyncset.s32 $0xFFFFF086  }
0x25: {  	[simem:s6], [sflag:s4] =	dma.local [hbm:s3], $0xF7A  }
0x26: {  	[smem:$0x3F89] =	sst s1;
	(tag) =	ssettag s2;
	_ =	strace s9  }
0x27: {  	s1 =	sld [smem:$0x3F99]  }
0x28: {  	s2 =	sld [smem:$0x3F9A]  }
0x29: {  	s4 =	sld [smem:$0x3F9C]  }
0x2a: {  	p0 =	seq.s32 s5, $0x0;
	s5 =	sld [smem:$0x3F9D]  }
0x2b: {  	s6 =	sld [smem:$0x3F9E]  }
0x2c: {  	s7 =	sld [smem:$0x3F9F]  }
0x2d: {  	s3 =	simm.s32 $0x108;
	s8 =	sld [smem:$0x3FA0]  }
0x2e: {  	s3 =	simm.s32 @!p0 $0x1082;
	s9 =	sld [smem:$0x3FA1]  }
0x2f: {  	lr =	sadd.s32 s0, s3;
	s0 =	sld [smem:$0x3F98]  }
0x30: {  	s3 =	sld [smem:$0x3F9B]  }
0x31: {  	[smem:$0x3FA4] =	sst s10  }
0x32: {  	s10 =	sld [smem:$0x3FA2];
	_ =	sdelay $0x3  }
0x33: {  	p0 =	seq.s32 s10, $0x1;
	s10 =	sld [smem:$0x3FA4];
	_ =	sdelay $0x3  }
0x34: {  	[smem:$0x3FA4] =	sst s10  }
0x35: {  	s10 =	sld [smem:$0x3FA3];
	_ =	sdelay $0x3  }
0x36: {  	p1 =	seq.s32 s10, $0x1;
	s10 =	sld [smem:$0x3FA4];
	_ =	sdelay $0x3  }
0x37: {  	[smem:$0x3FA4] =	sst s10  }
0x38: {  	s10 =	sld [smem:$0x3FA5]  }
0x39: {  	_ = 	snop;
	(pc) =	sbr.ind lr, $3  }
0x3a: {  	_ = 	snop  }
0x3b: {  	_ = 	snop  }
0x3c: {  	p2 =	seq.s32 s10, $0x1;
	s10 =	sld [smem:$0x3FA4]  }
0x3d: {  	_ =	shalt  }
0x3e: {  	_ =	shalt  }
0x3f: {  	_ =	shalt  }
0x40: {  	_ =	shalt  }
0x41: {  	_ =	shalt  }
0x42: {  	_ =	shalt  }
0x43: {  	_ =	shalt  }
0x44: {  	_ =	shalt  }
0x45: {  	_ =	shalt  }
0x46: {  	_ =	shalt  }
0x47: {  	_ =	shalt  }
0x48: {  	_ =	shalt  }
0x49: {  	_ =	shalt  }
0x4a: {  	_ =	shalt  }
0x4b: {  	_ =	shalt  }
0x4c: {  	_ =	shalt  }
0x4d: {  	_ =	shalt  }
0x4e: {  	_ =	shalt  }
0x4f: {  	_ =	shalt  }
0x50: {  	_ =	shalt  }
0x51: {  	_ =	shalt  }
0x52: {  	_ =	shalt  }
0x53: {  	_ =	shalt  }
0x54: {  	_ =	shalt  }
0x55: {  	_ =	shalt  }
0x56: {  	_ =	shalt  }
0x57: {  	_ =	shalt  }
0x58: {  	_ =	shalt  }
0x59: {  	_ =	shalt  }
0x5a: {  	_ =	shalt  }
0x5b: {  	_ =	shalt  }
0x5c: {  	_ =	shalt  }
0x5d: {  	_ =	shalt  }
0x5e: {  	_ =	shalt  }
0x5f: {  	_ =	shalt  }
0x60: {  	_ =	shalt  }
0x61: {  	_ =	shalt  }
0x62: {  	_ =	shalt  }
0x63: {  	_ =	shalt  }
0x64: {  	_ =	shalt  }
0x65: {  	_ =	shalt  }
0x66: {  	_ =	shalt  }
0x67: {  	_ =	shalt  }
0x68: {  	_ =	shalt  }
0x69: {  	_ =	shalt  }
0x6a: {  	_ =	shalt  }
0x6b: {  	_ =	shalt  }
0x6c: {  	_ =	shalt  }
0x6d: {  	_ =	shalt  }
0x6e: {  	_ =	shalt  }
0x6f: {  	_ =	shalt  }
0x70: {  	_ =	shalt  }
0x71: {  	_ =	shalt  }
0x72: {  	_ =	shalt  }
0x73: {  	_ =	shalt  }
0x74: {  	_ =	shalt  }
0x75: {  	_ =	shalt  }
0x76: {  	_ =	shalt  }
0x77: {  	_ =	shalt  }
0x78: {  	_ =	shalt  }
0x79: {  	_ =	shalt  }
0x7a: {  	_ =	shalt  }
0x7b: {  	_ =	shalt  }
0x7c: {  	_ =	shalt  }
0x7d: {  	_ =	shalt  }
0x7e: {  	_ =	shalt  }
0x7f: {  	_ =	shalt  }
0x80: {  	_ =	shalt  }
0x81: {  	_ =	shalt  }
0x82: {  	_ =	shalt  }
0x83: {  	_ =	shalt  }
0x84: {  	_ =	shalt  }
0x85: {  	_ =	shalt  }
0x86: {  	_ =	shalt  }
0x87: {  	_ =	shalt  }
.Lfunc_end0:
.L_simem_size_0:
called_computation.2_lowered:
.L_overlay_start_0:
0x88: {  	s2 =	sld [smem:$0x3FD9]  }
0x89: {  	s3 =	sld [smem:$0x3FFE];
	_ =	sdelay $0x1  }
0x8a: {  	s1 =	srdreg.scid  }
0x8b: {  	s0 =	sand.u32 $0x1, s1  }
0x8c: {  	s16 =	sshll.u32 s0, $0xA;
	s2 =	sadd.s32 s3, s2  }
0x8d: {  	s2 =	sadd.s32 s2, s16  }
0x8e: {  	[smem:$0x3FB0] =	sst s2  }
0x8f: {  	_ = 	snop  }
0x90: {  	(tm) =	ssettm $0x1  }
0x91: {  	s17 =	sld [smem:$0x3FFB];
	_ =	sdelay $0x3  }
0x92: {  	_ =	strace s17  }
0x93: {  	s2 =	sld [smem:$0x3FFC];
	_ =	sdelay $0x3  }
0x94: {  	_ =	strace s2  }
0x95: {  	s2 =	sld [smem:$0x3FFD];
	_ =	sdelay $0x3  }
0x96: {  	_ =	strace s2  }
0x97: {  	_ =	strace $0x8FFFFFFF  }
0x98: {  	s18 =	sld [smem:$0x3FDB];
	_ =	sdelay $0x1  }
0x99: {  	s19 =	simm.s32 $_scs_section_size  }
0x9a: {  	s4 =	simm.s32 $_size__tile_overlayer_lowered;
	s5 =	simm.s32 $_tile_overlayer_lowered  }
0x9b: {  	s22 =	simm.s32 $0x1BFF;
	s21 =	sshll.u32 s5, $0x1;
	s2 =	sadd.s32 s19, s18  }
0x9c: {  	s6 =	simm.s32 $0x0;
	s20 =	sshll.u32 s4, $0x1;
	s4 =	sadd.s32 s21, s2  }
0x9d: {  	[timem:s6], [sflag:s22] =	dma.local [hbm:s4], s20  }
0x9e: {  	_ =	swait.ge [sflag:s22], s20  }
0x9f: {  	s3 =	ssub.s32 $0x0, s20;
	[sflag:s22] =	ssyncset.done $0x0  }
0xa0: {  	[sflag:s22] =	ssyncadd.s32 s3;
	_ =	sdelay $0x1  }
0xa1: {  	s23 =	simm.s32 $0x1B8B  }
0xa2: {  	_ =	swait.ge [sflag:s23], $0x1  }
0xa3: {  	[sflag:s23] =	ssyncset.done $0x0  }
0xa4: {  	s25 =	simm.s32 $0x1B8E;
	s24 =	sld [smem:$0x3FFE];
	[sflag:s23] =	ssyncadd.s32 $0xFFFFFFFF  }
0xa5: {  	s26 =	simm.s32 $execute0_lowered;
	[smem:$0x3FD2] =	sst s25  }
0xa6: {  	s4 =	sshll.u32 s26, $0x1;
	_ =	strace $0x8000004C;
	[dreg:$0x1] =	wrdreg $0xFFFFFFFF  }
0xa7: {  	s28 =	simm.s32 $_size_execute0_lowered;
	s2 =	sadd.s32 s2, s4;
	[dreg:$0x0] =	wrdreg $0x0  }
0xa8: {  	s4 =	sshll.u32 s28, $0x1;
	[dreg:$0x2] =	wrdreg s2  }
0xa9: {  	[dreg:$0x3] =	wrdreg s4  }
0xaa: {  	[dreg:$0x4] =	wrdreg $0xC0  }
0xab: {  	_ =	task [dreg:s6], $0x5FFFF  }
0xac: {  	[dreg:$0x1] =	wrdreg $0xFFFFFFFF  }
0xad: {  	[dreg:$0x0] =	wrdreg $0x60  }
0xae: {  	[dreg:$0x2] =	wrdreg s24  }
0xaf: {  	[dreg:$0x3] =	wrdreg $0x9  }
0xb0: {  	_ =	task.clear_ibuf [dreg:s6], $0x4FFFF;
	_ =	strace $0x9000004C  }
0xb1: {  	s29 =	simm.s32 $0x9;
	_ =	strace $0x8000004E  }
0xb2: {  	_ =	swait.ge [sflag:s29], $0x1  }
0xb3: {  	[sflag:s29] =	ssyncadd.s32 $0xFFFFFFFF  }
0xb4: {  	_ =	strace $0x9000004E  }
0xb5: {  	_ =	sfence  }
0xb6: {  	s30 =	sld [smem:$0x0];
	_ =	sdelay $0x2  }
0xb7: {  	s31 =	sshll.u32 s1, $0xD;
	s1 =	sshrl.u32 s1, $0x2  }
0xb8: {  	s3 =	sand.u32 $0x4000, s31;
	s1 =	sadd.s32 s1, s30  }
0xb9: {  	s0 =	sor.u32 s3, s0;
	s1 =	sshll.u32 s1, $0x11  }
0xba: {  	s0 =	sor.u32 s1, s0  }
0xbb: {  	s0 =	sadd.s32 $0x8F2B, s0  }
0xbc: {  	[sflag:s0] =	ssyncadd.remote.s32 $0x1  }
0xbd: {  	_ =	sfence.sel $0xFFFF  }
0xbe: {  	[dreg:$0x0] =	wrdreg $0xFFFFFFFF;
	(pc) =	sbr.abs _section_cstart, $3  }
0xbf: {  	[dreg:$0x1] =	wrdreg $0xFFFFFFFF  }
0xc0: {  	_ =	task.clear_ibuf [dreg:s6], $0x2FFFF;
	_ =	strace $0x9FFFFFFF  }
0xc1: {  	(tm) =	ssettm $0x7FFFFFFF  }
tec
execute0_lowered:
.L_overlay_start_1:
0x0: {  	(tag) =	ssettag $0x1  }
0x1: {  	s1 =	srdreg.scid  }
0x2: {  	s0 =	stileid.u32;
	s14 =	sand.u32 $0x1, s1  }
0x3: {  	s29 =	sshll.u32 s0, $0xA;
	s2 =	sshll.u32 s14, $0x9  }
0x4: {  	s15 =	rddreg [dreg:$0x0];
	s16 =	sor.u32 s2, s29  }
0x5: {  	s1 =	rddreg [dreg:$0x1];
	s2 =	simm.s32 $0x0;
	s3 =	sshrl.u32 s16, $0x3  }
0x6: {  	[smem:$0x7FF] =	sst s2;
	s3 =	sadd.s32 s3, s15  }
0x7: {  	_ =	strace $0x8000004D;
	s4 =	sadd.s32 $0x6200, s3;
	s3 =	simm.s32 $0x2  }
0x8: {  	[tilespmem:s2], [sflag:$0x2] =	stream.linear.gather [hbm4b:s4+s2], $0x200, $0x38;
	[tilespmem:$0x10200] =	vst v63  }
0x9: {  	_ =	swait.ge [sflag:s3], $0x200  }
0xa: {  	s6 =	simm.s32 $0x80;
	[sflag:s3] =	ssyncset.done $0x0  }
0xb: {  	s7 =	simm.s32 $0x200;
	s5 =	sadd.s32 $0x7200, s15;
	[sflag:s3] =	ssyncadd.s32 $0xFFFFFE00  }
0xc: {  	[tilespmem:s7], [sflag:$0x1] =	stream.indirect.gather [hbm4b:s5+s6], $0x80, s2, s6, $0xb8;
	[tilespmem:$0x10200] =	vst v63  }
0xd: {  	s8 =	simm.s32 $0x4200  }
0xe: {  	[tilespmem:s8], [sflag:$0x1] =	stream.indirect.gather [hbm4b:s5+s6], $0x80, s6, s6, $0xb8;
	[tilespmem:$0x10200] =	vst v63  }
0xf: {  	s9 =	simm.s32 $0x100;
	s10 =	simm.s32 $0x8200  }
0x10: {  	[tilespmem:s10], [sflag:$0x1] =	stream.indirect.gather [hbm4b:s5+s6], $0x80, s9, s6, $0xb8;
	[tilespmem:$0x10200] =	vst v63  }
0x11: {  	s11 =	simm.s32 $0x180;
	s12 =	simm.s32 $0xC200;
	s13 =	simm.s32 $0x1  }
0x12: {  	[tilespmem:s12], [sflag:$0x1] =	stream.indirect.gather [hbm4b:s5+s6], $0x80, s11, s6, $0xb8;
	[tilespmem:$0x10200] =	vst v63  }
0x13: {  	_ =	swait.ge [sflag:s13], $0x4000  }
0x14: {  	[sflag:s13] =	ssyncset.done $0x0  }
0x15: {  	[sflag:s13] =	ssyncadd.s32 $0xFFFFC000  }
0x16: {  	_ =	swait.ge [sflag:s13], $0x4000  }
0x17: {  	[sflag:s13] =	ssyncset.done $0x0  }
0x18: {  	s14 =	ssub.s32 $0x2, s14;
	[sflag:s13] =	ssyncadd.s32 $0xFFFFC000  }
0x19: {  	s17 =	sshrl.u32 s14, $0x1;
	_ =	swait.ge [sflag:s13], $0x4000  }
0x1a: {  	s30 =	ssub.s32 s14, s17;
	[sflag:s13] =	ssyncset.done $0x0  }
0x1b: {  	s31 =	smax.u32 s30, $0x1;
	[sflag:s13] =	ssyncadd.s32 $0xFFFFC000  }
0x1c: {  	s16 =	sshll.u32 s16, $0x4;
	p0 =	sne.s32 s31, $0x1;
	_ =	swait.ge [sflag:s13], $0x4000  }
.Ltmp0:
0x1d: {  	s15 =	sadd.s32 s16, s15;
	[sflag:s13] =	ssyncset.done $0x0;
	(pc) =	sbr.rel @!p0 .LBB2_2-.Ltmp0, $4  }
0x1e: {  	s14 =	sadd.s32 $0x17200, s15;
	[sflag:s13] =	ssyncadd.s32 $0xFFFFC000  }
0x1f: {  	[hbm4b:s14+s2] =	stream.linear.scatter [tilespmem:s7], [sflag:$0x2], $0x10000, $0x38;
	[tilespmem:$0x10200] =	vst v63  }
0x20: {  	_ =	swait.ge [sflag:s3], $0x10000  }
0x21: {  	s15 =	sadd.s32 $0xFFFFFFFF, s31;
	[sflag:s3] =	ssyncset.done $0x0  }
.LBB2_1:
0x22: {  	p0 =	sne.s32 s15, $0x1;
	s15 =	sadd.s32 $0xFFFFFFFF, s15;
	[sflag:s3] =	ssyncadd.s32 $0xFFFF0000  }
0x23: {  	[tilespmem:s2], [sflag:$0x2] =	stream.linear.gather [hbm4b:s4+s2], $0x200, $0x38;
	[tilespmem:$0x10200] =	vst v63  }
0x24: {  	_ =	swait.ge [sflag:s3], $0x200  }
0x25: {  	[sflag:s3] =	ssyncset.done $0x0  }
0x26: {  	[sflag:s3] =	ssyncadd.s32 $0xFFFFFE00  }
0x27: {  	[tilespmem:s7], [sflag:$0x1] =	stream.indirect.gather [hbm4b:s5+s6], $0x80, s2, s6, $0xb8;
	[tilespmem:$0x10200] =	vst v63  }
0x28: {  	_ = 	snop  }
0x29: {  	[tilespmem:s8], [sflag:$0x1] =	stream.indirect.gather [hbm4b:s5+s6], $0x80, s6, s6, $0xb8;
	[tilespmem:$0x10200] =	vst v63  }
0x2a: {  	_ = 	snop  }
0x2b: {  	[tilespmem:s10], [sflag:$0x1] =	stream.indirect.gather [hbm4b:s5+s6], $0x80, s9, s6, $0xb8;
	[tilespmem:$0x10200] =	vst v63  }
0x2c: {  	_ = 	snop  }
0x2d: {  	[tilespmem:s12], [sflag:$0x1] =	stream.indirect.gather [hbm4b:s5+s6], $0x80, s11, s6, $0xb8;
	[tilespmem:$0x10200] =	vst v63  }
0x2e: {  	_ =	swait.ge [sflag:s13], $0x4000  }
0x2f: {  	[sflag:s13] =	ssyncset.done $0x0  }
0x30: {  	[sflag:s13] =	ssyncadd.s32 $0xFFFFC000  }
0x31: {  	_ =	swait.ge [sflag:s13], $0x4000  }
0x32: {  	[sflag:s13] =	ssyncset.done $0x0  }
0x33: {  	[sflag:s13] =	ssyncadd.s32 $0xFFFFC000  }
0x34: {  	_ =	swait.ge [sflag:s13], $0x4000  }
0x35: {  	[sflag:s13] =	ssyncset.done $0x0  }
0x36: {  	[sflag:s13] =	ssyncadd.s32 $0xFFFFC000  }
0x37: {  	_ =	swait.ge [sflag:s13], $0x4000  }
.Ltmp1:
0x38: {  	[sflag:s13] =	ssyncset.done $0x0;
	(pc) =	sbr.rel @p0 .LBB2_1-.Ltmp1, $4  }
0x39: {  	[sflag:s13] =	ssyncadd.s32 $0xFFFFC000  }
0x3a: {  	[hbm4b:s14+s2] =	stream.linear.scatter [tilespmem:s7], [sflag:$0x2], $0x10000, $0x38;
	[tilespmem:$0x10200] =	vst v63  }
0x3b: {  	_ =	swait.ge [sflag:s3], $0x10000  }
0x3c: {  	[sflag:s3] =	ssyncset.done $0x0  }
.LBB2_2:
0x3d: {  	[sflag:s3] =	ssyncadd.s32 $0xFFFF0000  }
0x3e: {  	_ =	sfence.sel $0x180000  }
0x3f: {  	[bflag:$0x0] =	sbarrier.arrive $0xFFFF  }
0x40: {  	p0 =	sne.s32 s0, $0x0;
	_ =	strace $0x9000004D  }
0x41: {  	s0 =	sadd.s32 @!p0 $0x100000, s1;
	[bflag:$0x2] =	sbarrier.arrive $0xFFFF  }
0x42: {  	[sflag:s0] =	ssyncadd.tile.s32 @!p0 $0x1;
	_ =	shalt  }
.Lfunc_end2:
_tile_overlayer_lowered:
.L_overlay_start_2:
0x43: {  	(tag) =	ssettag $0x2  }
0x44: {  	s0 =	rddreg [dreg:$0x0];
	s2 =	stileid.u32  }
0x45: {  	s1 =	rddreg [dreg:$0x1];
	p0 =	sne.s32 s2, $0x0  }
0x46: {  	s3 =	rddreg [dreg:$0x2];
	[bflag:$0x3] =	sbarrier.arrive $0xFFFF;
	s2 =	simm.s32 @!p0 $0x1C02  }
0x47: {  	[timem:s3], [sflag:s2] =	dma.local @!p0 [hbm:s0], s1  }
0x48: {  	s0 =	simm.s32 @!p0 $0x2  }
0x49: {  	_ =	swait.ge @!p0 [sflag:s0], s1  }
0x4a: {  	s1 =	ssub.s32 @!p0 $0x0, s1;
	[sflag:s0] =	ssyncset.done @!p0 $0x0  }
0x4b: {  	[sflag:s0] =	ssyncadd.s32 @!p0 s1  }
0x4c: {  	[bflag:$0x3] =	sbarrier.arrive $0xFFFF  }
0x4d: {  	_ =	shalt  }

// kernel: kernel.25.cloned.1.call-start
scs
__scs_entry_jumppad:
0x0: {  	(pc) =	sbr.rel $0x88, $3  }
0x1: {  	(tag) =	ssettag $0x0;
	lr =	simm.s32 $0x1  }
0x2: {  	[smem:$0x3F89] =	sst lr;
	_ =	strace $0xD0000000  }
0x3: {  	_ = 	snop  }
0x4: {  	_ = 	snop  }
0x5: {  	_ = 	snop  }
0x6: {  	_ = 	snop  }
0x7: {  	_ = 	snop  }
__scs_overlays_trampoline_lowered:
0x8: {  	[smem:$0x3F98] =	sst s0  }
0x9: {  	[smem:$0x3F99] =	sst s1  }
0xa: {  	[smem:$0x3F9A] =	sst s2  }
0xb: {  	[smem:$0x3F9B] =	sst s3  }
0xc: {  	[smem:$0x3F9C] =	sst s4  }
0xd: {  	[smem:$0x3F9D] =	sst s5  }
0xe: {  	[smem:$0x3F9E] =	sst s6  }
0xf: {  	[smem:$0x3F9F] =	sst s7  }
0x10: {  	[smem:$0x3FA0] =	sst s8  }
0x11: {  	[smem:$0x3FA1] =	sst s9;
	s0 =	simm.s32 @!p0 $0x0  }
0x12: {  	s1 =	sld [smem:$0x3F87];
	s0 =	simm.s32 @p0 $0x1  }
0x13: {  	[smem:$0x3FA2] =	sst s0;
	s0 =	simm.s32 @!p1 $0x0  }
0x14: {  	s2 =	sld [smem:$0x3F86];
	s0 =	simm.s32 @p1 $0x1  }
0x15: {  	[smem:$0x3FA3] =	sst s0;
	s0 =	simm.s32 @!p2 $0x0  }
0x16: {  	s3 =	sld [smem:$0x3FDB];
	s0 =	simm.s32 @p2 $0x1  }
0x17: {  	s4 =	simm.s32 $0x1BF5;
	[smem:$0x3FA5] =	sst s0  }
0x18: {  	s0 =	sld [smem:$0x3F88];
	_ =	swait.ge [sflag:s4], $0x0  }
0x19: {  	s7 =	sld [smem:$0x3F89]  }
0x1a: {  	s8 =	sadd.s32 $0xFFFFE003, lr  }
0x1b: {  	s9 =	sadd.s32 $0xFFFFFEF7, lr;
	s5 =	simm.s32 $0xFFFFFFFF;
	p2 =	slt.u32 s8, $0xFFFFF086  }
0x1c: {  	p1 =	slt.u32 s9, $0xF7A;
	s5 =	simm.s32 @!p2 $0x0  }
0x1d: {  	s5 =	simm.s32 @p1 $0x1;
	p0 =	seq.s32 s7, s2  }
0x1e: {  	s7 =	smul.u32 @!p0 $0xF7A, s2;
	p2 =	seq.s32 @!p0 s5, $0x0  }
0x1f: {  	s9 =	smul.u32 $0xF7A, s1;
	s8 =	simm.s32 @!p0 $0x1BF5;
	p2 =	por !p2, p0  }
0x20: {  	[sflag:s8] =	ssyncset.s32 @!p0 $0xFFFFF086;
	s6 =	sadd.s32 @!p0 s3, s7;
	s7 =	simm.s32 @!p0 $0x108  }
0x21: {  	s3 =	sadd.s32 s3, s9;
	s6 =	sadd.s32 @!p0 $0x88, s6;
	s7 =	simm.s32 @p2 $0x1082  }
0x22: {  	[simem:s7], [sflag:s8] =	dma.local @!p0 [hbm:s6], $0xF7A  }
0x23: {  	s9 =	sor.u32 $0xD0000000, s2;
	s6 =	simm.s32 $0x108;
	_ =	swait.ge @!p0 [sflag:s8], $0x0  }
0x24: {  	s3 =	sadd.s32 $0x88, s3;
	s6 =	simm.s32 @!p1 $0x1082;
	[sflag:s4] =	ssyncset.s32 $0xFFFFF086  }
0x25: {  	[simem:s6], [sflag:s4] =	dma.local [hbm:s3], $0xF7A  }
0x26: {  	[smem:$0x3F89] =	sst s1;
	(tag) =	ssettag s2;
	_ =	strace s9  }
0x27: {  	s1 =	sld [smem:$0x3F99]  }
0x28: {  	s2 =	sld [smem:$0x3F9A]  }
0x29: {  	s4 =	sld [smem:$0x3F9C]  }
0x2a: {  	p0 =	seq.s32 s5, $0x0;
	s5 =	sld [smem:$0x3F9D]  }
0x2b: {  	s6 =	sld [smem:$0x3F9E]  }
0x2c: {  	s7 =	sld [smem:$0x3F9F]  }
0x2d: {  	s3 =	simm.s32 $0x108;
	s8 =	sld [smem:$0x3FA0]  }
0x2e: {  	s3 =	simm.s32 @!p0 $0x1082;
	s9 =	sld [smem:$0x3FA1]  }
0x2f: {  	lr =	sadd.s32 s0, s3;
	s0 =	sld [smem:$0x3F98]  }
0x30: {  	s3 =	sld [smem:$0x3F9B]  }
0x31: {  	[smem:$0x3FA4] =	sst s10  }
0x32: {  	s10 =	sld [smem:$0x3FA2];
	_ =	sdelay $0x3  }
0x33: {  	p0 =	seq.s32 s10, $0x1;
	s10 =	sld [smem:$0x3FA4];
	_ =	sdelay $0x3  }
0x34: {  	[smem:$0x3FA4] =	sst s10  }
0x35: {  	s10 =	sld [smem:$0x3FA3];
	_ =	sdelay $0x3  }
0x36: {  	p1 =	seq.s32 s10, $0x1;
	s10 =	sld [smem:$0x3FA4];
	_ =	sdelay $0x3  }
0x37: {  	[smem:$0x3FA4] =	sst s10  }
0x38: {  	s10 =	sld [smem:$0x3FA5]  }
0x39: {  	_ = 	snop;
	(pc) =	sbr.ind lr, $3  }
0x3a: {  	_ = 	snop  }
0x3b: {  	_ = 	snop  }
0x3c: {  	p2 =	seq.s32 s10, $0x1;
	s10 =	sld [smem:$0x3FA4]  }
0x3d: {  	_ =	shalt  }
0x3e: {  	_ =	shalt  }
0x3f: {  	_ =	shalt  }
0x40: {  	_ =	shalt  }
0x41: {  	_ =	shalt  }
0x42: {  	_ =	shalt  }
0x43: {  	_ =	shalt  }
0x44: {  	_ =	shalt  }
0x45: {  	_ =	shalt  }
0x46: {  	_ =	shalt  }
0x47: {  	_ =	shalt  }
0x48: {  	_ =	shalt  }
0x49: {  	_ =	shalt  }
0x4a: {  	_ =	shalt  }
0x4b: {  	_ =	shalt  }
0x4c: {  	_ =	shalt  }
0x4d: {  	_ =	shalt  }
0x4e: {  	_ =	shalt  }
0x4f: {  	_ =	shalt  }
0x50: {  	_ =	shalt  }
0x51: {  	_ =	shalt  }
0x52: {  	_ =	shalt  }
0x53: {  	_ =	shalt  }
0x54: {  	_ =	shalt  }
0x55: {  	_ =	shalt  }
0x56: {  	_ =	shalt  }
0x57: {  	_ =	shalt  }
0x58: {  	_ =	shalt  }
0x59: {  	_ =	shalt  }
0x5a: {  	_ =	shalt  }
0x5b: {  	_ =	shalt  }
0x5c: {  	_ =	shalt  }
0x5d: {  	_ =	shalt  }
0x5e: {  	_ =	shalt  }
0x5f: {  	_ =	shalt  }
0x60: {  	_ =	shalt  }
0x61: {  	_ =	shalt  }
0x62: {  	_ =	shalt  }
0x63: {  	_ =	shalt  }
0x64: {  	_ =	shalt  }
0x65: {  	_ =	shalt  }
0x66: {  	_ =	shalt  }
0x67: {  	_ =	shalt  }
0x68: {  	_ =	shalt  }
0x69: {  	_ =	shalt  }
0x6a: {  	_ =	shalt  }
0x6b: {  	_ =	shalt  }
0x6c: {  	_ =	shalt  }
0x6d: {  	_ =	shalt  }
0x6e: {  	_ =	shalt  }
0x6f: {  	_ =	shalt  }
0x70: {  	_ =	shalt  }
0x71: {  	_ =	shalt  }
0x72: {  	_ =	shalt  }
0x73: {  	_ =	shalt  }
0x74: {  	_ =	shalt  }
0x75: {  	_ =	shalt  }
0x76: {  	_ =	shalt  }
0x77: {  	_ =	shalt  }
0x78: {  	_ =	shalt  }
0x79: {  	_ =	shalt  }
0x7a: {  	_ =	shalt  }
0x7b: {  	_ =	shalt  }
0x7c: {  	_ =	shalt  }
0x7d: {  	_ =	shalt  }
0x7e: {  	_ =	shalt  }
0x7f: {  	_ =	shalt  }
0x80: {  	_ =	shalt  }
0x81: {  	_ =	shalt  }
0x82: {  	_ =	shalt  }
0x83: {  	_ =	shalt  }
0x84: {  	_ =	shalt  }
0x85: {  	_ =	shalt  }
0x86: {  	_ =	shalt  }
0x87: {  	_ =	shalt  }
.Lfunc_end0:
.L_simem_size_0:
called_computation.3_lowered:
.L_overlay_start_0:
0x88: {  	s2 =	sld [smem:$0x3FD9]  }
0x89: {  	s3 =	sld [smem:$0x3FFE];
	_ =	sdelay $0x1  }
0x8a: {  	s1 =	srdreg.scid  }
0x8b: {  	s0 =	sand.u32 $0x1, s1  }
0x8c: {  	s16 =	sshll.u32 s0, $0xA;
	s2 =	sadd.s32 s3, s2  }
0x8d: {  	s2 =	sadd.s32 s2, s16  }
0x8e: {  	[smem:$0x3FB0] =	sst s2  }
0x8f: {  	_ = 	snop  }
0x90: {  	(tm) =	ssettm $0x1  }
0x91: {  	s17 =	sld [smem:$0x3FFB];
	_ =	sdelay $0x3  }
0x92: {  	_ =	strace s17  }
0x93: {  	s2 =	sld [smem:$0x3FFC];
	_ =	sdelay $0x3  }
0x94: {  	_ =	strace s2  }
0x95: {  	s2 =	sld [smem:$0x3FFD];
	_ =	sdelay $0x3  }
0x96: {  	_ =	strace s2  }
0x97: {  	_ =	strace $0x8FFFFFFF  }
0x98: {  	s18 =	sld [smem:$0x3FDB];
	_ =	sdelay $0x1  }
0x99: {  	s19 =	simm.s32 $_scs_section_size  }
0x9a: {  	s4 =	simm.s32 $_size__tile_overlayer_lowered;
	s5 =	simm.s32 $_tile_overlayer_lowered  }
0x9b: {  	s22 =	simm.s32 $0x1BFF;
	s21 =	sshll.u32 s5, $0x1;
	s2 =	sadd.s32 s19, s18  }
0x9c: {  	s6 =	simm.s32 $0x0;
	s20 =	sshll.u32 s4, $0x1;
	s4 =	sadd.s32 s21, s2  }
0x9d: {  	[timem:s6], [sflag:s22] =	dma.local [hbm:s4], s20  }
0x9e: {  	_ =	swait.ge [sflag:s22], s20  }
0x9f: {  	s3 =	ssub.s32 $0x0, s20;
	[sflag:s22] =	ssyncset.done $0x0  }
0xa0: {  	[sflag:s22] =	ssyncadd.s32 s3;
	_ =	sdelay $0x1  }
0xa1: {  	s23 =	simm.s32 $0x1B8B  }
0xa2: {  	_ =	swait.ge [sflag:s23], $0x1  }
0xa3: {  	[sflag:s23] =	ssyncset.done $0x0  }
0xa4: {  	s25 =	simm.s32 $0x1B8E;
	s24 =	sld [smem:$0x3FFE];
	[sflag:s23] =	ssyncadd.s32 $0xFFFFFFFF  }
0xa5: {  	s26 =	simm.s32 $execute0_lowered;
	[smem:$0x3FD2] =	sst s25  }
0xa6: {  	s4 =	sshll.u32 s26, $0x1;
	_ =	strace $0x8000004F;
	[dreg:$0x1] =	wrdreg $0xFFFFFFFF  }
0xa7: {  	s28 =	simm.s32 $_size_execute0_lowered;
	s2 =	sadd.s32 s2, s4;
	[dreg:$0x0] =	wrdreg $0x0  }
0xa8: {  	s4 =	sshll.u32 s28, $0x1;
	[dreg:$0x2] =	wrdreg s2  }
0xa9: {  	[dreg:$0x3] =	wrdreg s4  }
0xaa: {  	[dreg:$0x4] =	wrdreg $0xC0  }
0xab: {  	_ =	task [dreg:s6], $0x5FFFF  }
0xac: {  	[dreg:$0x1] =	wrdreg $0xFFFFFFFF  }
0xad: {  	[dreg:$0x0] =	wrdreg $0x60  }
0xae: {  	[dreg:$0x2] =	wrdreg s24  }
0xaf: {  	[dreg:$0x3] =	wrdreg $0x102000  }
0xb0: {  	[dreg:$0x4] =	wrdreg $0x9  }
0xb1: {  	_ =	task.clear_ibuf [dreg:s6], $0x5FFFF;
	_ =	strace $0x9000004F  }
0xb2: {  	s29 =	simm.s32 $0x9;
	_ =	strace $0x80000051  }
0xb3: {  	_ =	swait.ge [sflag:s29], $0x1  }
0xb4: {  	[sflag:s29] =	ssyncadd.s32 $0xFFFFFFFF  }
0xb5: {  	_ =	strace $0x90000051  }
0xb6: {  	_ =	sfence  }
0xb7: {  	s30 =	sld [smem:$0x0];
	_ =	sdelay $0x2  }
0xb8: {  	s31 =	sshll.u32 s1, $0xD;
	s1 =	sshrl.u32 s1, $0x2  }
0xb9: {  	s3 =	sand.u32 $0x4000, s31;
	s1 =	sadd.s32 s1, s30  }
0xba: {  	s0 =	sor.u32 s3, s0;
	s1 =	sshll.u32 s1, $0x11  }
0xbb: {  	s0 =	sor.u32 s1, s0  }
0xbc: {  	s0 =	sadd.s32 $0x8F2B, s0  }
0xbd: {  	[sflag:s0] =	ssyncadd.remote.s32 $0x1  }
0xbe: {  	_ =	sfence.sel $0xFFFF  }
0xbf: {  	[dreg:$0x0] =	wrdreg $0xFFFFFFFF;
	(pc) =	sbr.abs _section_cstart, $3  }
0xc0: {  	[dreg:$0x1] =	wrdreg $0xFFFFFFFF  }
0xc1: {  	_ =	task.clear_ibuf [dreg:s6], $0x2FFFF;
	_ =	strace $0x9FFFFFFF  }
0xc2: {  	(tm) =	ssettm $0x7FFFFFFF  }
0xc3: {  	_ =	shalt  }
tec
execute0_lowered:
.L_overlay_start_1:
0x0: {  	(tag) =	ssettag $0x1  }
0x1: {  	s9 =	rddreg [dreg:$0x0]  }
0x2: {  	s1 =	rddreg [dreg:$0x1]  }
0x3: {  	s0 =	rddreg [dreg:$0x2]  }
0x4: {  	s3 =	simm.s32 $0x0;
	s4 =	srdreg.scid;
	s2 =	stileid.u32  }
0x5: {  	[smem:$0x7FF] =	sst s3;
	s17 =	sand.u32 $0x1, s4;
	s26 =	sshll.u32 s2, $0xA  }
0x6: {  	s6 =	sshll.u32 s2, $0xC;
	s28 =	sshll.u32 s2, $0xF;
	s30 =	sshll.u32 s2, $0x6  }
0x7: {  	_ =	strace $0x80000050;
	s5 =	sshll.u32 s17, $0x9;
	s18 =	sadd.s32 s6, s9  }
0x8: {  	s29 =	sadd.s32 s28, s1;
	s6 =	simm.s32 $0x1;
	s10 =	sor.u32 s5, s26  }
0x9: {  	s4 =	sadd.s32 $0x57200, s18;
	s5 =	sor.u32 $0x1C01, s30;
	s7 =	sshrl.u32 s29, $0x3  }
0xa: {  	[spmem:s7], [sflag:s5] =	dma.local [hbm:s4], $0x1000  }
0xb: {  	s8 =	sshrl.u32 s10, $0x3;
	_ =	swait.ge [sflag:s6], $0x1000  }
0xc: {  	s8 =	sadd.s32 s8, s9;
	[sflag:s6] =	ssyncset.done $0x0  }
0xd: {  	s8 =	sadd.s32 $0x6A00, s8;
	[sflag:s6] =	ssyncadd.s32 $0xFFFFF000  }
0xe: {  	[tilespmem:s3], [sflag:$0x1] =	stream.linear.gather [hbm4b:s8+s3], $0x200, $0x38;
	[tilespmem:$0x18200] =	vst v63  }
0xf: {  	s10 =	sshll.u32 s10, $0x4;
	_ =	swait.ge [sflag:s6], $0x200  }
0x10: {  	s9 =	sadd.s32 s10, s9;
	[sflag:s6] =	ssyncset.done $0x0  }
0x11: {  	s10 =	simm.s32 $0x200;
	s9 =	sadd.s32 $0x17200, s9;
	[sflag:s6] =	ssyncadd.s32 $0xFFFFFE00  }
0x12: {  	[tilespmem:s10], [sflag:$0x1] =	stream.linear.gather [hbm4b:s9+s3], $0x10000, $0x38;
	[tilespmem:$0x18200] =	vst v63  }
0x13: {  	_ =	swait.ge [sflag:s6], $0x10000  }
0x14: {  	[sflag:s6] =	ssyncset.done $0x0  }
0x15: {  	[sflag:s6] =	ssyncadd.s32 $0xFFFF0000  }
0x16: {  	s11 =	simm.s32 $0x80;
	[bflag:$0x0] =	sbarrier.arrive $0xFFFF  }
0x17: {  	[spmem:s1] =	stream.indirect.scatter.add.f32 [tilespmem:s10], [sflag:$0x1], $0x80, s3, s11, $0xb8;
	[tilespmem:$0x18200] =	vst v63  }
0x18: {  	_ =	swait.ge [sflag:s6], $0x4000  }
0x19: {  	[sflag:s6] =	ssyncset.done $0x0  }
0x1a: {  	s12 =	simm.s32 $0x4200;
	[sflag:s6] =	ssyncadd.s32 $0xFFFFC000  }
0x1b: {  	[spmem:s1] =	stream.indirect.scatter.add.f32 [tilespmem:s12], [sflag:$0x1], $0x80, s11, s11, $0xb8;
	[tilespmem:$0x18200] =	vst v63  }
0x1c: {  	_ =	swait.ge [sflag:s6], $0x4000  }
0x1d: {  	[sflag:s6] =	ssyncset.done $0x0  }
0x1e: {  	s13 =	simm.s32 $0x100;
	s14 =	simm.s32 $0x8200;
	[sflag:s6] =	ssyncadd.s32 $0xFFFFC000  }
0x1f: {  	[spmem:s1] =	stream.indirect.scatter.add.f32 [tilespmem:s14], [sflag:$0x1], $0x80, s13, s11, $0xb8;
	[tilespmem:$0x18200] =	vst v63  }
0x20: {  	s19 =	ssub.s32 $0x2, s17;
	_ =	swait.ge [sflag:s6], $0x4000  }
0x21: {  	s15 =	simm.s32 $0x180;
	s20 =	sshrl.u32 s19, $0x1;
	[sflag:s6] =	ssyncset.done $0x0  }
0x22: {  	s16 =	simm.s32 $0xC200;
	s19 =	ssub.s32 s19, s20;
	[sflag:s6] =	ssyncadd.s32 $0xFFFFC000  }
0x23: {  	[spmem:s1] =	stream.indirect.scatter.add.f32 [tilespmem:s16], [sflag:$0x1], $0x80, s15, s11, $0xb8;
	[tilespmem:$0x18200] =	vst v63  }
0x24: {  	s31 =	smax.u32 s19, $0x1;
	_ =	swait.ge [sflag:s6], $0x4000  }
0x25: {  	s17 =	sshll.u32 s17, $0x10;
	p0 =	sne.s32 s31, $0x1;
	[sflag:s6] =	ssyncset.done $0x0  }
.Ltmp0:
0x26: {  	s17 =	sadd.s32 s17, s18;
	[sflag:s6] =	ssyncadd.s32 $0xFFFFC000;
	(pc) =	sbr.rel @!p0 .LBB2_2-.Ltmp0, $4  }
0x27: {  	s17 =	sadd.s32 $0x67200, s17;
	[bflag:$0x0] =	sbarrier.arrive $0xFFFF  }
0x28: {  	[hbm:s17], [sflag:s5] =	dma.local [spmem:s7], $0x1000  }
0x29: {  	_ =	swait.ge [sflag:s6], $0x1000  }
0x2a: {  	s18 =	sadd.s32 $0xFFFFFFFF, s31;
	[sflag:s6] =	ssyncset.done $0x0  }
.LBB2_1:
0x2b: {  	p0 =	sne.s32 s18, $0x1;
	s18 =	sadd.s32 $0xFFFFFFFF, s18;
	[sflag:s6] =	ssyncadd.s32 $0xFFFFF000  }
0x2c: {  	[spmem:s7], [sflag:s5] =	dma.local [hbm:s4], $0x1000  }
0x2d: {  	_ =	swait.ge [sflag:s6], $0x1000  }
0x2e: {  	[sflag:s6] =	ssyncset.done $0x0  }
0x2f: {  	[sflag:s6] =	ssyncadd.s32 $0xFFFFF000  }
0x30: {  	[tilespmem:s3], [sflag:$0x1] =	stream.linear.gather [hbm4b:s8+s3], $0x200, $0x38;
	[tilespmem:$0x18200] =	vst v63  }
0x31: {  	_ =	swait.ge [sflag:s6], $0x200  }
0x32: {  	[sflag:s6] =	ssyncset.done $0x0  }
0x33: {  	[sflag:s6] =	ssyncadd.s32 $0xFFFFFE00  }
0x34: {  	[tilespmem:s10], [sflag:$0x1] =	stream.linear.gather [hbm4b:s9+s3], $0x10000, $0x38;
	[tilespmem:$0x18200] =	vst v63  }
0x35: {  	_ =	swait.ge [sflag:s6], $0x10000  }
0x36: {  	[sflag:s6] =	ssyncset.done $0x0  }
0x37: {  	[sflag:s6] =	ssyncadd.s32 $0xFFFF0000  }
0x38: {  	[bflag:$0x0] =	sbarrier.arrive $0xFFFF  }
0x39: {  	[spmem:s1] =	stream.indirect.scatter.add.f32 [tilespmem:s10], [sflag:$0x1], $0x80, s3, s11, $0xb8;
	[tilespmem:$0x18200] =	vst v63  }
0x3a: {  	_ =	swait.ge [sflag:s6], $0x4000  }
0x3b: {  	[sflag:s6] =	ssyncset.done $0x0  }
0x3c: {  	[sflag:s6] =	ssyncadd.s32 $0xFFFFC000  }
0x3d: {  	[spmem:s1] =	stream.indirect.scatter.add.f32 [tilespmem:s12], [sflag:$0x1], $0x80, s11, s11, $0xb8;
	[tilespmem:$0x18200] =	vst v63  }
0x3e: {  	_ =	swait.ge [sflag:s6], $0x4000  }
0x3f: {  	[sflag:s6] =	ssyncset.done $0x0  }
0x40: {  	[sflag:s6] =	ssyncadd.s32 $0xFFFFC000  }
0x41: {  	[spmem:s1] =	stream.indirect.scatter.add.f32 [tilespmem:s14], [sflag:$0x1], $0x80, s13, s11, $0xb8;
	[tilespmem:$0x18200] =	vst v63  }
0x42: {  	_ =	swait.ge [sflag:s6], $0x4000  }
0x43: {  	[sflag:s6] =	ssyncset.done $0x0  }
0x44: {  	[sflag:s6] =	ssyncadd.s32 $0xFFFFC000  }
0x45: {  	[spmem:s1] =	stream.indirect.scatter.add.f32 [tilespmem:s16], [sflag:$0x1], $0x80, s15, s11, $0xb8;
	[tilespmem:$0x18200] =	vst v63  }
0x46: {  	_ =	swait.ge [sflag:s6], $0x4000  }
0x47: {  	[sflag:s6] =	ssyncset.done $0x0  }
.Ltmp1:
0x48: {  	[sflag:s6] =	ssyncadd.s32 $0xFFFFC000;
	(pc) =	sbr.rel @p0 .LBB2_1-.Ltmp1, $4  }
0x49: {  	[bflag:$0x0] =	sbarrier.arrive $0xFFFF  }
0x4a: {  	[hbm:s17], [sflag:s5] =	dma.local [spmem:s7], $0x1000  }
0x4b: {  	_ =	swait.ge [sflag:s6], $0x1000  }
0x4c: {  	[sflag:s6] =	ssyncset.done $0x0  }
.LBB2_2:
0x4d: {  	[sflag:s6] =	ssyncadd.s32 $0xFFFFF000  }
0x4e: {  	_ =	sfence.sel $0x180000  }
0x4f: {  	[bflag:$0x0] =	sbarrier.arrive $0xFFFF  }
0x50: {  	p0 =	sne.s32 s2, $0x0;
	_ =	strace $0x90000050  }
0x51: {  	s0 =	sadd.s32 @!p0 $0x100000, s0;
	[bflag:$0x2] =	sbarrier.arrive $0xFFFF  }
0x52: {  	[sflag:s0] =	ssyncadd.tile.s32 @!p0 $0x1;
	_ =	shalt  }
.Lfunc_end2:
_tile_overlayer_lowered:
.L_overlay_start_2:
0x53: {  	(tag) =	ssettag $0x2  }
0x54: {  	s0 =	rddreg [dreg:$0x0];
	s2 =	stileid.u32  }
0x55: {  	s1 =	rddreg [dreg:$0x1];
	p0 =	sne.s32 s2, $0x0  }
0x56: {  	s3 =	rddreg [dreg:$0x2];
	[bflag:$0x3] =	sbarrier.arrive $0xFFFF;
	s2 =	simm.s32 @!p0 $0x1C01  }
0x57: {  	[timem:s3], [sflag:s2] =	dma.local @!p0 [hbm:s0], s1  }
0x58: {  	s0 =	simm.s32 @!p0 $0x1  }
0x59: {  	_ =	swait.ge @!p0 [sflag:s0], s1  }
0x5a: {  	s1 =	ssub.s32 @!p0 $0x0, s1;
	[sflag:s0] =	ssyncset.done @!p0 $0x0  }
0x5b: {  	[sflag:s0] =	ssyncadd.s32 @!p0 s1  }
0x5c: {  	[bflag:$0x3] =	sbarrier.arrive $0xFFFF  }
0x5d: {  	_ =	shalt  }

// kernel: kernel.28.cloned.1.call-start
scs
__scs_entry_jumppad:
0x0: {  	(pc) =	sbr.rel $0x88, $3  }
0x1: {  	(tag) =	ssettag $0x0;
	lr =	simm.s32 $0x1  }
0x2: {  	[smem:$0x3F89] =	sst lr;
	_ =	strace $0xD0000000  }
0x3: {  	_ = 	snop  }
0x4: {  	_ = 	snop  }
0x5: {  	_ = 	snop  }
0x6: {  	_ = 	snop  }
0x7: {  	_ = 	snop  }
__scs_overlays_trampoline_lowered:
0x8: {  	[smem:$0x3F98] =	sst s0  }
0x9: {  	[smem:$0x3F99] =	sst s1  }
0xa: {  	[smem:$0x3F9A] =	sst s2  }
0xb: {  	[smem:$0x3F9B] =	sst s3  }
0xc: {  	[smem:$0x3F9C] =	sst s4  }
0xd: {  	[smem:$0x3F9D] =	sst s5  }
0xe: {  	[smem:$0x3F9E] =	sst s6  }
0xf: {  	[smem:$0x3F9F] =	sst s7  }
0x10: {  	[smem:$0x3FA0] =	sst s8  }
0x11: {  	[smem:$0x3FA1] =	sst s9;
	s0 =	simm.s32 @!p0 $0x0  }
0x12: {  	s1 =	sld [smem:$0x3F87];
	s0 =	simm.s32 @p0 $0x1  }
0x13: {  	[smem:$0x3FA2] =	sst s0;
	s0 =	simm.s32 @!p1 $0x0  }
0x14: {  	s2 =	sld [smem:$0x3F86];
	s0 =	simm.s32 @p1 $0x1  }
0x15: {  	[smem:$0x3FA3] =	sst s0;
	s0 =	simm.s32 @!p2 $0x0  }
0x16: {  	s3 =	sld [smem:$0x3FDB];
	s0 =	simm.s32 @p2 $0x1  }
0x17: {  	s4 =	simm.s32 $0x1BF5;
	[smem:$0x3FA5] =	sst s0  }
0x18: {  	s0 =	sld [smem:$0x3F88];
	_ =	swait.ge [sflag:s4], $0x0  }
0x19: {  	s7 =	sld [smem:$0x3F89]  }
0x1a: {  	s8 =	sadd.s32 $0xFFFFE003, lr  }
0x1b: {  	s9 =	sadd.s32 $0xFFFFFEF7, lr;
	s5 =	simm.s32 $0xFFFFFFFF;
	p2 =	slt.u32 s8, $0xFFFFF086  }
0x1c: {  	p1 =	slt.u32 s9, $0xF7A;
	s5 =	simm.s32 @!p2 $0x0  }
0x1d: {  	s5 =	simm.s32 @p1 $0x1;
	p0 =	seq.s32 s7, s2  }
0x1e: {  	s7 =	smul.u32 @!p0 $0xF7A, s2;
	p2 =	seq.s32 @!p0 s5, $0x0  }
0x1f: {  	s9 =	smul.u32 $0xF7A, s1;
	s8 =	simm.s32 @!p0 $0x1BF5;
	p2 =	por !p2, p0  }
0x20: {  	[sflag:s8] =	ssyncset.s32 @!p0 $0xFFFFF086;
	s6 =	sadd.s32 @!p0 s3, s7;
	s7 =	simm.s32 @!p0 $0x108  }
0x21: {  	s3 =	sadd.s32 s3, s9;
	s6 =	sadd.s32 @!p0 $0x88, s6;
	s7 =	simm.s32 @p2 $0x1082  }
0x22: {  	[simem:s7], [sflag:s8] =	dma.local @!p0 [hbm:s6], $0xF7A  }
0x23: {  	s9 =	sor.u32 $0xD0000000, s2;
	s6 =	simm.s32 $0x108;
	_ =	swait.ge @!p0 [sflag:s8], $0x0  }
0x24: {  	s3 =	sadd.s32 $0x88, s3;
	s6 =	simm.s32 @!p1 $0x1082;
	[sflag:s4] =	ssyncset.s32 $0xFFFFF086  }
0x25: {  	[simem:s6], [sflag:s4] =	dma.local [hbm:s3], $0xF7A  }
0x26: {  	[smem:$0x3F89] =	sst s1;
	(tag) =	ssettag s2;
	_ =	strace s9  }
0x27: {  	s1 =	sld [smem:$0x3F99]  }
0x28: {  	s2 =	sld [smem:$0x3F9A]  }
0x29: {  	s4 =	sld [smem:$0x3F9C]  }
0x2a: {  	p0 =	seq.s32 s5, $0x0;
	s5 =	sld [smem:$0x3F9D]  }
0x2b: {  	s6 =	sld [smem:$0x3F9E]  }
0x2c: {  	s7 =	sld [smem:$0x3F9F]  }
0x2d: {  	s3 =	simm.s32 $0x108;
	s8 =	sld [smem:$0x3FA0]  }
0x2e: {  	s3 =	simm.s32 @!p0 $0x1082;
	s9 =	sld [smem:$0x3FA1]  }
0x2f: {  	lr =	sadd.s32 s0, s3;
	s0 =	sld [smem:$0x3F98]  }
0x30: {  	s3 =	sld [smem:$0x3F9B]  }
0x31: {  	[smem:$0x3FA4] =	sst s10  }
0x32: {  	s10 =	sld [smem:$0x3FA2];
	_ =	sdelay $0x3  }
0x33: {  	p0 =	seq.s32 s10, $0x1;
	s10 =	sld [smem:$0x3FA4];
	_ =	sdelay $0x3  }
0x34: {  	[smem:$0x3FA4] =	sst s10  }
0x35: {  	s10 =	sld [smem:$0x3FA3];
	_ =	sdelay $0x3  }
0x36: {  	p1 =	seq.s32 s10, $0x1;
	s10 =	sld [smem:$0x3FA4];
	_ =	sdelay $0x3  }
0x37: {  	[smem:$0x3FA4] =	sst s10  }
0x38: {  	s10 =	sld [smem:$0x3FA5]  }
0x39: {  	_ = 	snop;
	(pc) =	sbr.ind lr, $3  }
0x3a: {  	_ = 	snop  }
0x3b: {  	_ = 	snop  }
0x3c: {  	p2 =	seq.s32 s10, $0x1;
	s10 =	sld [smem:$0x3FA4]  }
0x3d: {  	_ =	shalt  }
0x3e: {  	_ =	shalt  }
0x3f: {  	_ =	shalt  }
0x40: {  	_ =	shalt  }
0x41: {  	_ =	shalt  }
0x42: {  	_ =	shalt  }
0x43: {  	_ =	shalt  }
0x44: {  	_ =	shalt  }
0x45: {  	_ =	shalt  }
0x46: {  	_ =	shalt  }
0x47: {  	_ =	shalt  }
0x48: {  	_ =	shalt  }
0x49: {  	_ =	shalt  }
0x4a: {  	_ =	shalt  }
0x4b: {  	_ =	shalt  }
0x4c: {  	_ =	shalt  }
0x4d: {  	_ =	shalt  }
0x4e: {  	_ =	shalt  }
0x4f: {  	_ =	shalt  }
0x50: {  	_ =	shalt  }
0x51: {  	_ =	shalt  }
0x52: {  	_ =	shalt  }
0x53: {  	_ =	shalt  }
0x54: {  	_ =	shalt  }
0x55: {  	_ =	shalt  }
0x56: {  	_ =	shalt  }
0x57: {  	_ =	shalt  }
0x58: {  	_ =	shalt  }
0x59: {  	_ =	shalt  }
0x5a: {  	_ =	shalt  }
0x5b: {  	_ =	shalt  }
0x5c: {  	_ =	shalt  }
0x5d: {  	_ =	shalt  }
0x5e: {  	_ =	shalt  }
0x5f: {  	_ =	shalt  }
0x60: {  	_ =	shalt  }
0x61: {  	_ =	shalt  }
0x62: {  	_ =	shalt  }
0x63: {  	_ =	shalt  }
0x64: {  	_ =	shalt  }
0x65: {  	_ =	shalt  }
0x66: {  	_ =	shalt  }
0x67: {  	_ =	shalt  }
0x68: {  	_ =	shalt  }
0x69: {  	_ =	shalt  }
0x6a: {  	_ =	shalt  }
0x6b: {  	_ =	shalt  }
0x6c: {  	_ =	shalt  }
0x6d: {  	_ =	shalt  }
0x6e: {  	_ =	shalt  }
0x6f: {  	_ =	shalt  }
0x70: {  	_ =	shalt  }
0x71: {  	_ =	shalt  }
0x72: {  	_ =	shalt  }
0x73: {  	_ =	shalt  }
0x74: {  	_ =	shalt  }
0x75: {  	_ =	shalt  }
0x76: {  	_ =	shalt  }
0x77: {  	_ =	shalt  }
0x78: {  	_ =	shalt  }
0x79: {  	_ =	shalt  }
0x7a: {  	_ =	shalt  }
0x7b: {  	_ =	shalt  }
0x7c: {  	_ =	shalt  }
0x7d: {  	_ =	shalt  }
0x7e: {  	_ =	shalt  }
0x7f: {  	_ =	shalt  }
0x80: {  	_ =	shalt  }
0x81: {  	_ =	shalt  }
0x82: {  	_ =	shalt  }
0x83: {  	_ =	shalt  }
0x84: {  	_ =	shalt  }
0x85: {  	_ =	shalt  }
0x86: {  	_ =	shalt  }
0x87: {  	_ =	shalt  }
.Lfunc_end0:
.L_simem_size_0:
called_computation.4_lowered:
.L_overlay_start_0:
0x88: {  	s2 =	sld [smem:$0x3FD9]  }
0x89: {  	s3 =	sld [smem:$0x3FFE];
	_ =	sdelay $0x1  }
0x8a: {  	s1 =	srdreg.scid  }
0x8b: {  	s0 =	sand.u32 $0x1, s1  }
0x8c: {  	s16 =	sshll.u32 s0, $0xA;
	s2 =	sadd.s32 s3, s2  }
0x8d: {  	s2 =	sadd.s32 s2, s16  }
0x8e: {  	[smem:$0x3FB0] =	sst s2  }
0x8f: {  	_ = 	snop  }
0x90: {  	(tm) =	ssettm $0x1  }
0x91: {  	s17 =	sld [smem:$0x3FFB];
	_ =	sdelay $0x3  }
0x92: {  	_ =	strace s17  }
0x93: {  	s2 =	sld [smem:$0x3FFC];
	_ =	sdelay $0x3  }
0x94: {  	_ =	strace s2  }
0x95: {  	s2 =	sld [smem:$0x3FFD];
	_ =	sdelay $0x3  }
0x96: {  	_ =	strace s2  }
0x97: {  	_ =	strace $0x8FFFFFFF  }
0x98: {  	s18 =	sld [smem:$0x3FDB];
	_ =	sdelay $0x1  }
0x99: {  	s19 =	simm.s32 $_scs_section_size  }
0x9a: {  	s4 =	simm.s32 $_size__tile_overlayer_lowered;
	s5 =	simm.s32 $_tile_overlayer_lowered  }
0x9b: {  	s22 =	simm.s32 $0x1BFF;
	s21 =	sshll.u32 s5, $0x1;
	s2 =	sadd.s32 s19, s18  }
0x9c: {  	s6 =	simm.s32 $0x0;
	s20 =	sshll.u32 s4, $0x1;
	s4 =	sadd.s32 s21, s2  }
0x9d: {  	[timem:s6], [sflag:s22] =	dma.local [hbm:s4], s20  }
0x9e: {  	_ =	swait.ge [sflag:s22], s20  }
0x9f: {  	s3 =	ssub.s32 $0x0, s20;
	[sflag:s22] =	ssyncset.done $0x0  }
0xa0: {  	[sflag:s22] =	ssyncadd.s32 s3;
	_ =	sdelay $0x1  }
0xa1: {  	s23 =	simm.s32 $0x1B8B  }
0xa2: {  	_ =	swait.ge [sflag:s23], $0x1  }
0xa3: {  	[sflag:s23] =	ssyncset.done $0x0  }
0xa4: {  	s25 =	simm.s32 $0x1B8E;
	s24 =	sld [smem:$0x3FFE];
	[sflag:s23] =	ssyncadd.s32 $0xFFFFFFFF  }
0xa5: {  	s26 =	simm.s32 $execute0_lowered;
	[smem:$0x3FD2] =	sst s25  }
0xa6: {  	s4 =	sshll.u32 s26, $0x1;
	_ =	strace $0x80000052;
	[dreg:$0x1] =	wrdreg $0xFFFFFFFF  }
0xa7: {  	s28 =	simm.s32 $_size_execute0_lowered;
	s2 =	sadd.s32 s2, s4;
	[dreg:$0x0] =	wrdreg $0x0  }
0xa8: {  	s4 =	sshll.u32 s28, $0x1;
	[dreg:$0x2] =	wrdreg s2  }
0xa9: {  	[dreg:$0x3] =	wrdreg s4  }
0xaa: {  	[dreg:$0x4] =	wrdreg $0xC0  }
0xab: {  	_ =	task [dreg:s6], $0x5FFFF  }
0xac: {  	[dreg:$0x1] =	wrdreg $0xFFFFFFFF  }
0xad: {  	[dreg:$0x0] =	wrdreg $0x60  }
0xae: {  	[dreg:$0x2] =	wrdreg s24  }
0xaf: {  	[dreg:$0x3] =	wrdreg $0x9  }
0xb0: {  	_ =	task.clear_ibuf [dreg:s6], $0x4FFFF;
	_ =	strace $0x90000052  }
0xb1: {  	s29 =	simm.s32 $0x9;
	_ =	strace $0x80000054  }
0xb2: {  	_ =	swait.ge [sflag:s29], $0x1  }
0xb3: {  	[sflag:s29] =	ssyncadd.s32 $0xFFFFFFFF  }
0xb4: {  	_ =	strace $0x90000054  }
0xb5: {  	_ =	sfence  }
0xb6: {  	s30 =	sld [smem:$0x0];
	_ =	sdelay $0x2  }
0xb7: {  	s31 =	sshll.u32 s1, $0xD;
	s1 =	sshrl.u32 s1, $0x2  }
0xb8: {  	s3 =	sand.u32 $0x4000, s31;
	s1 =	sadd.s32 s1, s30  }
0xb9: {  	s0 =	sor.u32 s3, s0;
	s1 =	sshll.u32 s1, $0x11  }
0xba: {  	s0 =	sor.u32 s1, s0  }
0xbb: {  	s0 =	sadd.s32 $0x8F2B, s0  }
0xbc: {  	[sflag:s0] =	ssyncadd.remote.s32 $0x1  }
0xbd: {  	_ =	sfence.sel $0xFFFF  }
0xbe: {  	[dreg:$0x0] =	wrdreg $0xFFFFFFFF;
	(pc) =	sbr.abs _section_cstart, $3  }
0xbf: {  	[dreg:$0x1] =	wrdreg $0xFFFFFFFF  }
0xc0: {  	_ =	task.clear_ibuf [dreg:s6], $0x2FFFF;
	_ =	strace $0x9FFFFFFF  }
0xc1: {  	(tm) =	ssettm $0x7FFFFFFF  }
tec
execute0_lowered:
.L_overlay_start_1:
0x0: {  	(tag) =	ssettag $0x1  }
0x1: {  	s1 =	srdreg.scid  }
0x2: {  	s0 =	stileid.u32;
	s14 =	sand.u32 $0x1, s1  }
0x3: {  	s29 =	sshll.u32 s0, $0xA;
	s2 =	sshll.u32 s14, $0x9  }
0x4: {  	s15 =	rddreg [dreg:$0x0];
	s16 =	sor.u32 s2, s29  }
0x5: {  	s1 =	rddreg [dreg:$0x1];
	s2 =	simm.s32 $0x0;
	s3 =	sshrl.u32 s16, $0x3  }
0x6: {  	[smem:$0x7FF] =	sst s2;
	s3 =	sadd.s32 s3, s15  }
0x7: {  	_ =	strace $0x80000053;
	s4 =	sadd.s32 $0x6200, s3;
	s3 =	simm.s32 $0x2  }
0x8: {  	[tilespmem:s2], [sflag:$0x2] =	stream.linear.gather [hbm4b:s4+s2], $0x200, $0x38;
	[tilespmem:$0x10200] =	vst v63  }
0x9: {  	_ =	swait.ge [sflag:s3], $0x200  }
0xa: {  	s6 =	simm.s32 $0x80;
	[sflag:s3] =	ssyncset.done $0x0  }
0xb: {  	s7 =	simm.s32 $0x200;
	s5 =	sadd.s32 $0x7200, s15;
	[sflag:s3] =	ssyncadd.s32 $0xFFFFFE00  }
0xc: {  	[tilespmem:s7], [sflag:$0x1] =	stream.indirect.gather [hbm4b:s5+s6], $0x80, s2, s6, $0xb8;
	[tilespmem:$0x10200] =	vst v63  }
0xd: {  	s8 =	simm.s32 $0x4200  }
0xe: {  	[tilespmem:s8], [sflag:$0x1] =	stream.indirect.gather [hbm4b:s5+s6], $0x80, s6, s6, $0xb8;
	[tilespmem:$0x10200] =	vst v63  }
0xf: {  	s9 =	simm.s32 $0x100;
	s10 =	simm.s32 $0x8200  }
0x10: {  	[tilespmem:s10], [sflag:$0x1] =	stream.indirect.gather [hbm4b:s5+s6], $0x80, s9, s6, $0xb8;
	[tilespmem:$0x10200] =	vst v63  }
0x11: {  	s11 =	simm.s32 $0x180;
	s12 =	simm.s32 $0xC200;
	s13 =	simm.s32 $0x1  }
0x12: {  	[tilespmem:s12], [sflag:$0x1] =	stream.indirect.gather [hbm4b:s5+s6], $0x80, s11, s6, $0xb8;
	[tilespmem:$0x10200] =	vst v63  }
0x13: {  	_ =	swait.ge [sflag:s13], $0x4000  }
0x14: {  	[sflag:s13] =	ssyncset.done $0x0  }
0x15: {  	[sflag:s13] =	ssyncadd.s32 $0xFFFFC000  }
0x16: {  	_ =	swait.ge [sflag:s13], $0x4000  }
0x17: {  	[sflag:s13] =	ssyncset.done $0x0  }
0x18: {  	s14 =	ssub.s32 $0x2, s14;
	[sflag:s13] =	ssyncadd.s32 $0xFFFFC000  }
0x19: {  	s17 =	sshrl.u32 s14, $0x1;
	_ =	swait.ge [sflag:s13], $0x4000  }
0x1a: {  	s30 =	ssub.s32 s14, s17;
	[sflag:s13] =	ssyncset.done $0x0  }
0x1b: {  	s31 =	smax.u32 s30, $0x1;
	[sflag:s13] =	ssyncadd.s32 $0xFFFFC000  }
0x1c: {  	s16 =	sshll.u32 s16, $0x4;
	p0 =	sne.s32 s31, $0x1;
	_ =	swait.ge [sflag:s13], $0x4000  }
.Ltmp0:
0x1d: {  	s15 =	sadd.s32 s16, s15;
	[sflag:s13] =	ssyncset.done $0x0;
	(pc) =	sbr.rel @!p0 .LBB2_2-.Ltmp0, $4  }
0x1e: {  	s14 =	sadd.s32 $0x17200, s15;
	[sflag:s13] =	ssyncadd.s32 $0xFFFFC000  }
0x1f: {  	[hbm4b:s14+s2] =	stream.linear.scatter [tilespmem:s7], [sflag:$0x2], $0x10000, $0x38;
	[tilespmem:$0x10200] =	vst v63  }
0x20: {  	_ =	swait.ge [sflag:s3], $0x10000  }
0x21: {  	s15 =	sadd.s32 $0xFFFFFFFF, s31;
	[sflag:s3] =	ssyncset.done $0x0  }
.LBB2_1:
0x22: {  	p0 =	sne.s32 s15, $0x1;
	s15 =	sadd.s32 $0xFFFFFFFF, s15;
	[sflag:s3] =	ssyncadd.s32 $0xFFFF0000  }
0x23: {  	[tilespmem:s2], [sflag:$0x2] =	stream.linear.gather [hbm4b:s4+s2], $0x200, $0x38;
	[tilespmem:$0x10200] =	vst v63  }
0x24: {  	_ =	swait.ge [sflag:s3], $0x200  }
0x25: {  	[sflag:s3] =	ssyncset.done $0x0  }
0x26: {  	[sflag:s3] =	ssyncadd.s32 $0xFFFFFE00  }
0x27: {  	[tilespmem:s7], [sflag:$0x1] =	stream.indirect.gather [hbm4b:s5+s6], $0x80, s2, s6, $0xb8;
	[tilespmem:$0x10200] =	vst v63  }
0x28: {  	_ = 	snop  }
0x29: {  	[tilespmem:s8], [sflag:$0x1] =	stream.indirect.gather [hbm4b:s5+s6], $0x80, s6, s6, $0xb8;
	[tilespmem:$0x10200] =	vst v63  }
0x2a: {  	_ = 	snop  }
0x2b: {  	[tilespmem:s10], [sflag:$0x1] =	stream.indirect.gather [hbm4b:s5+s6], $0x80, s9, s6, $0xb8;
	[tilespmem:$0x10200] =	vst v63  }
0x2c: {  	_ = 	snop  }
0x2d: {  	[tilespmem:s12], [sflag:$0x1] =	stream.indirect.gather [hbm4b:s5+s6], $0x80, s11, s6, $0xb8;
	[tilespmem:$0x10200] =	vst v63  }
0x2e: {  	_ =	swait.ge [sflag:s13], $0x4000  }
0x2f: {  	[sflag:s13] =	ssyncset.done $0x0  }
0x30: {  	[sflag:s13] =	ssyncadd.s32 $0xFFFFC000  }
0x31: {  	_ =	swait.ge [sflag:s13], $0x4000  }
0x32: {  	[sflag:s13] =	ssyncset.done $0x0  }
0x33: {  	[sflag:s13] =	ssyncadd.s32 $0xFFFFC000  }
0x34: {  	_ =	swait.ge [sflag:s13], $0x4000  }
0x35: {  	[sflag:s13] =	ssyncset.done $0x0  }
0x36: {  	[sflag:s13] =	ssyncadd.s32 $0xFFFFC000  }
0x37: {  	_ =	swait.ge [sflag:s13], $0x4000  }
.Ltmp1:
0x38: {  	[sflag:s13] =	ssyncset.done $0x0;
	(pc) =	sbr.rel @p0 .LBB2_1-.Ltmp1, $4  }
0x39: {  	[sflag:s13] =	ssyncadd.s32 $0xFFFFC000  }
0x3a: {  	[hbm4b:s14+s2] =	stream.linear.scatter [tilespmem:s7], [sflag:$0x2], $0x10000, $0x38;
	[tilespmem:$0x10200] =	vst v63  }
0x3b: {  	_ =	swait.ge [sflag:s3], $0x10000  }
0x3c: {  	[sflag:s3] =	ssyncset.done $0x0  }
.LBB2_2:
0x3d: {  	[sflag:s3] =	ssyncadd.s32 $0xFFFF0000  }
0x3e: {  	_ =	sfence.sel $0x180000  }
0x3f: {  	[bflag:$0x0] =	sbarrier.arrive $0xFFFF  }
0x40: {  	p0 =	sne.s32 s0, $0x0;
	_ =	strace $0x90000053  }
0x41: {  	s0 =	sadd.s32 @!p0 $0x100000, s1;
	[bflag:$0x2] =	sbarrier.arrive $0xFFFF  }
0x42: {  	[sflag:s0] =	ssyncadd.tile.s32 @!p0 $0x1;
	_ =	shalt  }
.Lfunc_end2:
_tile_overlayer_lowered:
.L_overlay_start_2:
0x43: {  	(tag) =	ssettag $0x2  }
0x44: {  	s0 =	rddreg [dreg:$0x0];
	s2 =	stileid.u32  }
0x45: {  	s1 =	rddreg [dreg:$0x1];
	p0 =	sne.s32 s2, $0x0  }
0x46: {  	s3 =	rddreg [dreg:$0x2];
	[bflag:$0x3] =	sbarrier.arrive $0xFFFF;
	s2 =	simm.s32 @!p0 $0x1C02  }
0x47: {  	[timem:s3], [sflag:s2] =	dma.local @!p0 [hbm:s0], s1  }
0x48: {  	s0 =	simm.s32 @!p0 $0x2  }
0x49: {  	_ =	swait.ge @!p0 [sflag:s0], s1  }
0x4a: {  	s1 =	ssub.s32 @!p0 $0x0, s1;
	[sflag:s0] =	ssyncset.done @!p0 $0x0  }
0x4b: {  	[sflag:s0] =	ssyncadd.s32 @!p0 s1  }
0x4c: {  	[bflag:$0x3] =	sbarrier.arrive $0xFFFF  }
0x4d: {  	_ =	shalt  }

// kernel: kernel.31.cloned.1.call-start
scs
__scs_entry_jumppad:
0x0: {  	(pc) =	sbr.rel $0x88, $3  }
0x1: {  	(tag) =	ssettag $0x0;
	lr =	simm.s32 $0x1  }
0x2: {  	[smem:$0x3F89] =	sst lr;
	_ =	strace $0xD0000000  }
0x3: {  	_ = 	snop  }
0x4: {  	_ = 	snop  }
0x5: {  	_ = 	snop  }
0x6: {  	_ = 	snop  }
0x7: {  	_ = 	snop  }
__scs_overlays_trampoline_lowered:
0x8: {  	[smem:$0x3F98] =	sst s0  }
0x9: {  	[smem:$0x3F99] =	sst s1  }
0xa: {  	[smem:$0x3F9A] =	sst s2  }
0xb: {  	[smem:$0x3F9B] =	sst s3  }
0xc: {  	[smem:$0x3F9C] =	sst s4  }
0xd: {  	[smem:$0x3F9D] =	sst s5  }
0xe: {  	[smem:$0x3F9E] =	sst s6  }
0xf: {  	[smem:$0x3F9F] =	sst s7  }
0x10: {  	[smem:$0x3FA0] =	sst s8  }
0x11: {  	[smem:$0x3FA1] =	sst s9;
	s0 =	simm.s32 @!p0 $0x0  }
0x12: {  	s1 =	sld [smem:$0x3F87];
	s0 =	simm.s32 @p0 $0x1  }
0x13: {  	[smem:$0x3FA2] =	sst s0;
	s0 =	simm.s32 @!p1 $0x0  }
0x14: {  	s2 =	sld [smem:$0x3F86];
	s0 =	simm.s32 @p1 $0x1  }
0x15: {  	[smem:$0x3FA3] =	sst s0;
	s0 =	simm.s32 @!p2 $0x0  }
0x16: {  	s3 =	sld [smem:$0x3FDB];
	s0 =	simm.s32 @p2 $0x1  }
0x17: {  	s4 =	simm.s32 $0x1BF5;
	[smem:$0x3FA5] =	sst s0  }
0x18: {  	s0 =	sld [smem:$0x3F88];
	_ =	swait.ge [sflag:s4], $0x0  }
0x19: {  	s7 =	sld [smem:$0x3F89]  }
0x1a: {  	s8 =	sadd.s32 $0xFFFFE003, lr  }
0x1b: {  	s9 =	sadd.s32 $0xFFFFFEF7, lr;
	s5 =	simm.s32 $0xFFFFFFFF;
	p2 =	slt.u32 s8, $0xFFFFF086  }
0x1c: {  	p1 =	slt.u32 s9, $0xF7A;
	s5 =	simm.s32 @!p2 $0x0  }
0x1d: {  	s5 =	simm.s32 @p1 $0x1;
	p0 =	seq.s32 s7, s2  }
0x1e: {  	s7 =	smul.u32 @!p0 $0xF7A, s2;
	p2 =	seq.s32 @!p0 s5, $0x0  }
0x1f: {  	s9 =	smul.u32 $0xF7A, s1;
	s8 =	simm.s32 @!p0 $0x1BF5;
	p2 =	por !p2, p0  }
0x20: {  	[sflag:s8] =	ssyncset.s32 @!p0 $0xFFFFF086;
	s6 =	sadd.s32 @!p0 s3, s7;
	s7 =	simm.s32 @!p0 $0x108  }
0x21: {  	s3 =	sadd.s32 s3, s9;
	s6 =	sadd.s32 @!p0 $0x88, s6;
	s7 =	simm.s32 @p2 $0x1082  }
0x22: {  	[simem:s7], [sflag:s8] =	dma.local @!p0 [hbm:s6], $0xF7A  }
0x23: {  	s9 =	sor.u32 $0xD0000000, s2;
	s6 =	simm.s32 $0x108;
	_ =	swait.ge @!p0 [sflag:s8], $0x0  }
0x24: {  	s3 =	sadd.s32 $0x88, s3;
	s6 =	simm.s32 @!p1 $0x1082;
	[sflag:s4] =	ssyncset.s32 $0xFFFFF086  }
0x25: {  	[simem:s6], [sflag:s4] =	dma.local [hbm:s3], $0xF7A  }
0x26: {  	[smem:$0x3F89] =	sst s1;
	(tag) =	ssettag s2;
	_ =	strace s9  }
0x27: {  	s1 =	sld [smem:$0x3F99]  }
0x28: {  	s2 =	sld [smem:$0x3F9A]  }
0x29: {  	s4 =	sld [smem:$0x3F9C]  }
0x2a: {  	p0 =	seq.s32 s5, $0x0;
	s5 =	sld [smem:$0x3F9D]  }
0x2b: {  	s6 =	sld [smem:$0x3F9E]  }
0x2c: {  	s7 =	sld [smem:$0x3F9F]  }
0x2d: {  	s3 =	simm.s32 $0x108;
	s8 =	sld [smem:$0x3FA0]  }
0x2e: {  	s3 =	simm.s32 @!p0 $0x1082;
	s9 =	sld [smem:$0x3FA1]  }
0x2f: {  	lr =	sadd.s32 s0, s3;
	s0 =	sld [smem:$0x3F98]  }
0x30: {  	s3 =	sld [smem:$0x3F9B]  }
0x31: {  	[smem:$0x3FA4] =	sst s10  }
0x32: {  	s10 =	sld [smem:$0x3FA2];
	_ =	sdelay $0x3  }
0x33: {  	p0 =	seq.s32 s10, $0x1;
	s10 =	sld [smem:$0x3FA4];
	_ =	sdelay $0x3  }
0x34: {  	[smem:$0x3FA4] =	sst s10  }
0x35: {  	s10 =	sld [smem:$0x3FA3];
	_ =	sdelay $0x3  }
0x36: {  	p1 =	seq.s32 s10, $0x1;
	s10 =	sld [smem:$0x3FA4];
	_ =	sdelay $0x3  }
0x37: {  	[smem:$0x3FA4] =	sst s10  }
0x38: {  	s10 =	sld [smem:$0x3FA5]  }
0x39: {  	_ = 	snop;
	(pc) =	sbr.ind lr, $3  }
0x3a: {  	_ = 	snop  }
0x3b: {  	_ = 	snop  }
0x3c: {  	p2 =	seq.s32 s10, $0x1;
	s10 =	sld [smem:$0x3FA4]  }
0x3d: {  	_ =	shalt  }
0x3e: {  	_ =	shalt  }
0x3f: {  	_ =	shalt  }
0x40: {  	_ =	shalt  }
0x41: {  	_ =	shalt  }
0x42: {  	_ =	shalt  }
0x43: {  	_ =	shalt  }
0x44: {  	_ =	shalt  }
0x45: {  	_ =	shalt  }
0x46: {  	_ =	shalt  }
0x47: {  	_ =	shalt  }
0x48: {  	_ =	shalt  }
0x49: {  	_ =	shalt  }
0x4a: {  	_ =	shalt  }
0x4b: {  	_ =	shalt  }
0x4c: {  	_ =	shalt  }
0x4d: {  	_ =	shalt  }
0x4e: {  	_ =	shalt  }
0x4f: {  	_ =	shalt  }
0x50: {  	_ =	shalt  }
0x51: {  	_ =	shalt  }
0x52: {  	_ =	shalt  }
0x53: {  	_ =	shalt  }
0x54: {  	_ =	shalt  }
0x55: {  	_ =	shalt  }
0x56: {  	_ =	shalt  }
0x57: {  	_ =	shalt  }
0x58: {  	_ =	shalt  }
0x59: {  	_ =	shalt  }
0x5a: {  	_ =	shalt  }
0x5b: {  	_ =	shalt  }
0x5c: {  	_ =	shalt  }
0x5d: {  	_ =	shalt  }
0x5e: {  	_ =	shalt  }
0x5f: {  	_ =	shalt  }
0x60: {  	_ =	shalt  }
0x61: {  	_ =	shalt  }
0x62: {  	_ =	shalt  }
0x63: {  	_ =	shalt  }
0x64: {  	_ =	shalt  }
0x65: {  	_ =	shalt  }
0x66: {  	_ =	shalt  }
0x67: {  	_ =	shalt  }
0x68: {  	_ =	shalt  }
0x69: {  	_ =	shalt  }
0x6a: {  	_ =	shalt  }
0x6b: {  	_ =	shalt  }
0x6c: {  	_ =	shalt  }
0x6d: {  	_ =	shalt  }
0x6e: {  	_ =	shalt  }
0x6f: {  	_ =	shalt  }
0x70: {  	_ =	shalt  }
0x71: {  	_ =	shalt  }
0x72: {  	_ =	shalt  }
0x73: {  	_ =	shalt  }
0x74: {  	_ =	shalt  }
0x75: {  	_ =	shalt  }
0x76: {  	_ =	shalt  }
0x77: {  	_ =	shalt  }
0x78: {  	_ =	shalt  }
0x79: {  	_ =	shalt  }
0x7a: {  	_ =	shalt  }
0x7b: {  	_ =	shalt  }
0x7c: {  	_ =	shalt  }
0x7d: {  	_ =	shalt  }
0x7e: {  	_ =	shalt  }
0x7f: {  	_ =	shalt  }
0x80: {  	_ =	shalt  }
0x81: {  	_ =	shalt  }
0x82: {  	_ =	shalt  }
0x83: {  	_ =	shalt  }
0x84: {  	_ =	shalt  }
0x85: {  	_ =	shalt  }
0x86: {  	_ =	shalt  }
0x87: {  	_ =	shalt  }
.Lfunc_end0:
.L_simem_size_0:
called_computation.5_lowered:
.L_overlay_start_0:
0x88: {  	s2 =	sld [smem:$0x3FD9]  }
0x89: {  	s3 =	sld [smem:$0x3FFE];
	_ =	sdelay $0x1  }
0x8a: {  	s1 =	srdreg.scid  }
0x8b: {  	s0 =	sand.u32 $0x1, s1  }
0x8c: {  	s16 =	sshll.u32 s0, $0xA;
	s2 =	sadd.s32 s3, s2  }
0x8d: {  	s2 =	sadd.s32 s2, s16  }
0x8e: {  	[smem:$0x3FB0] =	sst s2  }
0x8f: {  	_ = 	snop  }
0x90: {  	(tm) =	ssettm $0x1  }
0x91: {  	s17 =	sld [smem:$0x3FFB];
	_ =	sdelay $0x3  }
0x92: {  	_ =	strace s17  }
0x93: {  	s2 =	sld [smem:$0x3FFC];
	_ =	sdelay $0x3  }
0x94: {  	_ =	strace s2  }
0x95: {  	s2 =	sld [smem:$0x3FFD];
	_ =	sdelay $0x3  }
0x96: {  	_ =	strace s2  }
0x97: {  	_ =	strace $0x8FFFFFFF  }
0x98: {  	s18 =	sld [smem:$0x3FDB];
	_ =	sdelay $0x1  }
0x99: {  	s19 =	simm.s32 $_scs_section_size  }
0x9a: {  	s4 =	simm.s32 $_size__tile_overlayer_lowered;
	s5 =	simm.s32 $_tile_overlayer_lowered  }
0x9b: {  	s22 =	simm.s32 $0x1BFF;
	s21 =	sshll.u32 s5, $0x1;
	s2 =	sadd.s32 s19, s18  }
0x9c: {  	s6 =	simm.s32 $0x0;
	s20 =	sshll.u32 s4, $0x1;
	s4 =	sadd.s32 s21, s2  }
0x9d: {  	[timem:s6], [sflag:s22] =	dma.local [hbm:s4], s20  }
0x9e: {  	_ =	swait.ge [sflag:s22], s20  }
0x9f: {  	s3 =	ssub.s32 $0x0, s20;
	[sflag:s22] =	ssyncset.done $0x0  }
0xa0: {  	[sflag:s22] =	ssyncadd.s32 s3;
	_ =	sdelay $0x1  }
0xa1: {  	s23 =	simm.s32 $0x1B8B  }
0xa2: {  	_ =	swait.ge [sflag:s23], $0x1  }
0xa3: {  	[sflag:s23] =	ssyncset.done $0x0  }
0xa4: {  	s25 =	simm.s32 $0x1B8E;
	s24 =	sld [smem:$0x3FFE];
	[sflag:s23] =	ssyncadd.s32 $0xFFFFFFFF  }
0xa5: {  	s26 =	simm.s32 $execute0_lowered;
	[smem:$0x3FD2] =	sst s25  }
0xa6: {  	s4 =	sshll.u32 s26, $0x1;
	_ =	strace $0x80000055;
	[dreg:$0x1] =	wrdreg $0xFFFFFFFF  }
0xa7: {  	s28 =	simm.s32 $_size_execute0_lowered;
	s2 =	sadd.s32 s2, s4;
	[dreg:$0x0] =	wrdreg $0x0  }
0xa8: {  	s4 =	sshll.u32 s28, $0x1;
	[dreg:$0x2] =	wrdreg s2  }
0xa9: {  	[dreg:$0x3] =	wrdreg s4  }
0xaa: {  	[dreg:$0x4] =	wrdreg $0xC0  }
0xab: {  	_ =	task [dreg:s6], $0x5FFFF  }
0xac: {  	[dreg:$0x1] =	wrdreg $0xFFFFFFFF  }
0xad: {  	[dreg:$0x0] =	wrdreg $0x60  }
0xae: {  	[dreg:$0x2] =	wrdreg s24  }
0xaf: {  	[dreg:$0x3] =	wrdreg $0x102000  }
0xb0: {  	[dreg:$0x4] =	wrdreg $0x9  }
0xb1: {  	_ =	task.clear_ibuf [dreg:s6], $0x5FFFF;
	_ =	strace $0x90000055  }
0xb2: {  	s29 =	simm.s32 $0x9;
	_ =	strace $0x80000057  }
0xb3: {  	_ =	swait.ge [sflag:s29], $0x1  }
0xb4: {  	[sflag:s29] =	ssyncadd.s32 $0xFFFFFFFF  }
0xb5: {  	_ =	strace $0x90000057  }
0xb6: {  	_ =	sfence  }
0xb7: {  	s30 =	sld [smem:$0x0];
	_ =	sdelay $0x2  }
0xb8: {  	s31 =	sshll.u32 s1, $0xD;
	s1 =	sshrl.u32 s1, $0x2  }
0xb9: {  	s3 =	sand.u32 $0x4000, s31;
	s1 =	sadd.s32 s1, s30  }
0xba: {  	s0 =	sor.u32 s3, s0;
	s1 =	sshll.u32 s1, $0x11  }
0xbb: {  	s0 =	sor.u32 s1, s0  }
0xbc: {  	s0 =	sadd.s32 $0x8F2B, s0  }
0xbd: {  	[sflag:s0] =	ssyncadd.remote.s32 $0x1  }
0xbe: {  	_ =	sfence.sel $0xFFFF  }
0xbf: {  	[dreg:$0x0] =	wrdreg $0xFFFFFFFF;
	(pc) =	sbr.abs _section_cstart, $3  }
0xc0: {  	[dreg:$0x1] =	wrdreg $0xFFFFFFFF  }
0xc1: {  	_ =	task.clear_ibuf [dreg:s6], $0x2FFFF;
	_ =	strace $0x9FFFFFFF  }
0xc2: {  	(tm) =	ssettm $0x7FFFFFFF  }
0xc3: {  	_ =	shalt  }
tec
execute0_lowered:
.L_overlay_start_1:
0x0: {  	(tag) =	ssettag $0x1  }
0x1: {  	s9 =	rddreg [dreg:$0x0]  }
0x2: {  	s1 =	rddreg [dreg:$0x1]  }
0x3: {  	s0 =	rddreg [dreg:$0x2]  }
0x4: {  	s3 =	simm.s32 $0x0;
	s4 =	srdreg.scid;
	s2 =	stileid.u32  }
0x5: {  	[smem:$0x7FF] =	sst s3;
	s17 =	sand.u32 $0x1, s4;
	s26 =	sshll.u32 s2, $0xA  }
0x6: {  	s6 =	sshll.u32 s2, $0xC;
	s28 =	sshll.u32 s2, $0xF;
	s30 =	sshll.u32 s2, $0x6  }
0x7: {  	_ =	strace $0x80000056;
	s5 =	sshll.u32 s17, $0x9;
	s18 =	sadd.s32 s6, s9  }
0x8: {  	s29 =	sadd.s32 s28, s1;
	s6 =	simm.s32 $0x1;
	s10 =	sor.u32 s5, s26  }
0x9: {  	s4 =	sadd.s32 $0x57200, s18;
	s5 =	sor.u32 $0x1C01, s30;
	s7 =	sshrl.u32 s29, $0x3  }
0xa: {  	[spmem:s7], [sflag:s5] =	dma.local [hbm:s4], $0x1000  }
0xb: {  	s8 =	sshrl.u32 s10, $0x3;
	_ =	swait.ge [sflag:s6], $0x1000  }
0xc: {  	s8 =	sadd.s32 s8, s9;
	[sflag:s6] =	ssyncset.done $0x0  }
0xd: {  	s8 =	sadd.s32 $0x6A00, s8;
	[sflag:s6] =	ssyncadd.s32 $0xFFFFF000  }
0xe: {  	[tilespmem:s3], [sflag:$0x1] =	stream.linear.gather [hbm4b:s8+s3], $0x200, $0x38;
	[tilespmem:$0x18200] =	vst v63  }
0xf: {  	s10 =	sshll.u32 s10, $0x4;
	_ =	swait.ge [sflag:s6], $0x200  }
0x10: {  	s9 =	sadd.s32 s10, s9;
	[sflag:s6] =	ssyncset.done $0x0  }
0x11: {  	s10 =	simm.s32 $0x200;
	s9 =	sadd.s32 $0x17200, s9;
	[sflag:s6] =	ssyncadd.s32 $0xFFFFFE00  }
0x12: {  	[tilespmem:s10], [sflag:$0x1] =	stream.linear.gather [hbm4b:s9+s3], $0x10000, $0x38;
	[tilespmem:$0x18200] =	vst v63  }
0x13: {  	_ =	swait.ge [sflag:s6], $0x10000  }
0x14: {  	[sflag:s6] =	ssyncset.done $0x0  }
0x15: {  	[sflag:s6] =	ssyncadd.s32 $0xFFFF0000  }
0x16: {  	s11 =	simm.s32 $0x80;
	[bflag:$0x0] =	sbarrier.arrive $0xFFFF  }
0x17: {  	[spmem:s1] =	stream.indirect.scatter.add.f32 [tilespmem:s10], [sflag:$0x1], $0x80, s3, s11, $0xb8;
	[tilespmem:$0x18200] =	vst v63  }
0x18: {  	_ =	swait.ge [sflag:s6], $0x4000  }
0x19: {  	[sflag:s6] =	ssyncset.done $0x0  }
0x1a: {  	s12 =	simm.s32 $0x4200;
	[sflag:s6] =	ssyncadd.s32 $0xFFFFC000  }
0x1b: {  	[spmem:s1] =	stream.indirect.scatter.add.f32 [tilespmem:s12], [sflag:$0x1], $0x80, s11, s11, $0xb8;
	[tilespmem:$0x18200] =	vst v63  }
0x1c: {  	_ =	swait.ge [sflag:s6], $0x4000  }
0x1d: {  	[sflag:s6] =	ssyncset.done $0x0  }
0x1e: {  	s13 =	simm.s32 $0x100;
	s14 =	simm.s32 $0x8200;
	[sflag:s6] =	ssyncadd.s32 $0xFFFFC000  }
0x1f: {  	[spmem:s1] =	stream.indirect.scatter.add.f32 [tilespmem:s14], [sflag:$0x1], $0x80, s13, s11, $0xb8;
	[tilespmem:$0x18200] =	vst v63  }
0x20: {  	s19 =	ssub.s32 $0x2, s17;
	_ =	swait.ge [sflag:s6], $0x4000  }
0x21: {  	s15 =	simm.s32 $0x180;
	s20 =	sshrl.u32 s19, $0x1;
	[sflag:s6] =	ssyncset.done $0x0  }
0x22: {  	s16 =	simm.s32 $0xC200;
	s19 =	ssub.s32 s19, s20;
	[sflag:s6] =	ssyncadd.s32 $0xFFFFC000  }
0x23: {  	[spmem:s1] =	stream.indirect.scatter.add.f32 [tilespmem:s16], [sflag:$0x1], $0x80, s15, s11, $0xb8;
	[tilespmem:$0x18200] =	vst v63  }
0x24: {  	s31 =	smax.u32 s19, $0x1;
	_ =	swait.ge [sflag:s6], $0x4000  }
0x25: {  	s17 =	sshll.u32 s17, $0x10;
	p0 =	sne.s32 s31, $0x1;
	[sflag:s6] =	ssyncset.done $0x0  }
.Ltmp0:
0x26: {  	s17 =	sadd.s32 s17, s18;
	[sflag:s6] =	ssyncadd.s32 $0xFFFFC000;
	(pc) =	sbr.rel @!p0 .LBB2_2-.Ltmp0, $4  }
0x27: {  	s17 =	sadd.s32 $0x67200, s17;
	[bflag:$0x0] =	sbarrier.arrive $0xFFFF  }
0x28: {  	[hbm:s17], [sflag:s5] =	dma.local [spmem:s7], $0x1000  }
0x29: {  	_ =	swait.ge [sflag:s6], $0x1000  }
0x2a: {  	s18 =	sadd.s32 $0xFFFFFFFF, s31;
	[sflag:s6] =	ssyncset.done $0x0  }
.LBB2_1:
0x2b: {  	p0 =	sne.s32 s18, $0x1;
	s18 =	sadd.s32 $0xFFFFFFFF, s18;
	[sflag:s6] =	ssyncadd.s32 $0xFFFFF000  }
0x2c: {  	[spmem:s7], [sflag:s5] =	dma.local [hbm:s4], $0x1000  }
0x2d: {  	_ =	swait.ge [sflag:s6], $0x1000  }
0x2e: {  	[sflag:s6] =	ssyncset.done $0x0  }
0x2f: {  	[sflag:s6] =	ssyncadd.s32 $0xFFFFF000  }
0x30: {  	[tilespmem:s3], [sflag:$0x1] =	stream.linear.gather [hbm4b:s8+s3], $0x200, $0x38;
	[tilespmem:$0x18200] =	vst v63  }
0x31: {  	_ =	swait.ge [sflag:s6], $0x200  }
0x32: {  	[sflag:s6] =	ssyncset.done $0x0  }
0x33: {  	[sflag:s6] =	ssyncadd.s32 $0xFFFFFE00  }
0x34: {  	[tilespmem:s10], [sflag:$0x1] =	stream.linear.gather [hbm4b:s9+s3], $0x10000, $0x38;
	[tilespmem:$0x18200] =	vst v63  }
0x35: {  	_ =	swait.ge [sflag:s6], $0x10000  }
0x36: {  	[sflag:s6] =	ssyncset.done $0x0  }
0x37: {  	[sflag:s6] =	ssyncadd.s32 $0xFFFF0000  }
0x38: {  	[bflag:$0x0] =	sbarrier.arrive $0xFFFF  }
0x39: {  	[spmem:s1] =	stream.indirect.scatter.add.f32 [tilespmem:s10], [sflag:$0x1], $0x80, s3, s11, $0xb8;
	[tilespmem:$0x18200] =	vst v63  }
0x3a: {  	_ =	swait.ge [sflag:s6], $0x4000  }
0x3b: {  	[sflag:s6] =	ssyncset.done $0x0  }
0x3c: {  	[sflag:s6] =	ssyncadd.s32 $0xFFFFC000  }
0x3d: {  	[spmem:s1] =	stream.indirect.scatter.add.f32 [tilespmem:s12], [sflag:$0x1], $0x80, s11, s11, $0xb8;
	[tilespmem:$0x18200] =	vst v63  }
0x3e: {  	_ =	swait.ge [sflag:s6], $0x4000  }
0x3f: {  	[sflag:s6] =	ssyncset.done $0x0  }
0x40: {  	[sflag:s6] =	ssyncadd.s32 $0xFFFFC000  }
0x41: {  	[spmem:s1] =	stream.indirect.scatter.add.f32 [tilespmem:s14], [sflag:$0x1], $0x80, s13, s11, $0xb8;
	[tilespmem:$0x18200] =	vst v63  }
0x42: {  	_ =	swait.ge [sflag:s6], $0x4000  }
0x43: {  	[sflag:s6] =	ssyncset.done $0x0  }
0x44: {  	[sflag:s6] =	ssyncadd.s32 $0xFFFFC000  }
0x45: {  	[spmem:s1] =	stream.indirect.scatter.add.f32 [tilespmem:s16], [sflag:$0x1], $0x80, s15, s11, $0xb8;
	[tilespmem:$0x18200] =	vst v63  }
0x46: {  	_ =	swait.ge [sflag:s6], $0x4000  }
0x47: {  	[sflag:s6] =	ssyncset.done $0x0  }
.Ltmp1:
0x48: {  	[sflag:s6] =	ssyncadd.s32 $0xFFFFC000;
	(pc) =	sbr.rel @p0 .LBB2_1-.Ltmp1, $4  }
0x49: {  	[bflag:$0x0] =	sbarrier.arrive $0xFFFF  }
0x4a: {  	[hbm:s17], [sflag:s5] =	dma.local [spmem:s7], $0x1000  }
0x4b: {  	_ =	swait.ge [sflag:s6], $0x1000  }
0x4c: {  	[sflag:s6] =	ssyncset.done $0x0  }
.LBB2_2:
0x4d: {  	[sflag:s6] =	ssyncadd.s32 $0xFFFFF000  }
0x4e: {  	_ =	sfence.sel $0x180000  }
0x4f: {  	[bflag:$0x0] =	sbarrier.arrive $0xFFFF  }
0x50: {  	p0 =	sne.s32 s2, $0x0;
	_ =	strace $0x90000056  }
0x51: {  	s0 =	sadd.s32 @!p0 $0x100000, s0;
	[bflag:$0x2] =	sbarrier.arrive $0xFFFF  }
0x52: {  	[sflag:s0] =	ssyncadd.tile.s32 @!p0 $0x1;
	_ =	shalt  }
.Lfunc_end2:
_tile_overlayer_lowered:
.L_overlay_start_2:
0x53: {  	(tag) =	ssettag $0x2  }
0x54: {  	s0 =	rddreg [dreg:$0x0];
	s2 =	stileid.u32  }
0x55: {  	s1 =	rddreg [dreg:$0x1];
	p0 =	sne.s32 s2, $0x0  }
0x56: {  	s3 =	rddreg [dreg:$0x2];
	[bflag:$0x3] =	sbarrier.arrive $0xFFFF;
	s2 =	simm.s32 @!p0 $0x1C01  }
0x57: {  	[timem:s3], [sflag:s2] =	dma.local @!p0 [hbm:s0], s1  }
0x58: {  	s0 =	simm.s32 @!p0 $0x1  }
0x59: {  	_ =	swait.ge @!p0 [sflag:s0], s1  }
0x5a: {  	s1 =	ssub.s32 @!p0 $0x0, s1;
	[sflag:s0] =	ssyncset.done @!p0 $0x0  }
0x5b: {  	[sflag:s0] =	ssyncadd.s32 @!p0 s1  }
0x5c: {  	[bflag:$0x3] =	sbarrier.arrive $0xFFFF  }
0x5d: {  	_ =	shalt  }

</sc_bundles>
